<compile_context>
chip_gen: v7x
topology: tpu7x:2x2x1
jax: 0.10.2.dev20260603
libtpu: 0.0.44.dev20260713+nightly
codegen_flags: <defaults>
</compile_context>

<pallas_src>
import functools

import jax
import jax.numpy as jnp
from jax import lax
from jax.experimental import pallas as pl
from jax.experimental.pallas import tpu as pltpu
from jax.experimental.pallas import tpu_sc as plsc

N = 10000
E = 160000
DIN = 256
DH = 512
DZ = 128
G = 64
NPAD = 10240
NW = 32
EW = E // NW
EC = E // 16
CH = 128
NCH_W = 40
NCH_C = 80
NBUF = 4
ROWS_PER_SUB = NPAD // 16

_mesh = plsc.VectorSubcoreMesh(core_axis_name="c", subcore_axis_name="s")


def _zero_rows(zeros_hbm, sp_ref, s):
    pltpu.sync_copy(zeros_hbm, sp_ref.at[pl.ds(s * ROWS_PER_SUB,
                                               ROWS_PER_SUB)])


@functools.partial(
    pl.kernel,
    out_type=jax.ShapeDtypeStruct((2 * NPAD, 16), jnp.float32),
    mesh=_mesh,
    scratch_types=[
        pltpu.VMEM((NCH_W, CH), jnp.int32),
        pltpu.VMEM((CH, 16), jnp.float32),
        pltpu.VMEM_SHARED((NPAD, 16), jnp.float32),
        pltpu.SemaphoreType.DMA,
    ],
    compiler_params=pltpu.CompilerParams(
        needs_layout_passes=False, use_tc_tiling_on_sc=False),
)
def _deg_kernel(dst_hbm, onehot_hbm, zeros16_hbm, out_hbm, d2, oh, deg_sp,
                sem):
    c = lax.axis_index("c")
    s = lax.axis_index("s")
    _zero_rows(zeros16_hbm, deg_sp, s)
    pltpu.sync_copy(onehot_hbm, oh)
    pltpu.sync_copy(dst_hbm.at[c * 16 + s], d2)
    plsc.subcore_barrier()

    def body(t, carry):
        for b in range(8):
            pltpu.async_copy(oh, deg_sp.at[d2.at[t * 8 + b]], sem, add=True)
        for b in range(8):
            pltpu.make_async_copy(onehot_hbm, oh, sem).wait()
        return carry

    lax.fori_loop(0, NCH_W // 8, body, 0)
    plsc.subcore_barrier()
    pltpu.sync_copy(deg_sp.at[pl.ds(s * ROWS_PER_SUB, ROWS_PER_SUB)],
                    out_hbm.at[pl.ds(c * NPAD + s * ROWS_PER_SUB,
                                     ROWS_PER_SUB)])


_HSHAPE = jax.ShapeDtypeStruct((NPAD, 128), jnp.float32)


@functools.partial(
    pl.kernel,
    out_type=(
        _HSHAPE,
        _HSHAPE,
        _HSHAPE,
    ),
    mesh=_mesh,
    scratch_types=[
        pltpu.VMEM((CH * NCH_C,), jnp.int32),
        pltpu.VMEM((NCH_C, CH), jnp.int32),
        pltpu.VMEM((CH * NCH_W,), jnp.int32),
        pltpu.VMEM((NCH_W, CH), jnp.int32),
        [pltpu.VMEM((CH, G), jnp.float32) for _ in range(NBUF)],
        pltpu.VMEM((N,), jnp.int32),
        pltpu.VMEM((N,), jnp.float32),
        pltpu.VMEM_SHARED((NPAD, G), jnp.float32),
        pltpu.SemaphoreType.DMA,
        pltpu.SemaphoreType.DMA,
    ],
    compiler_params=pltpu.CompilerParams(
        needs_layout_passes=False, use_tc_tiling_on_sc=False),
)
def _scatter_kernel(xs0, xs1, xs2, xs3, srcy, dsty, sct0, sct1,
                    dct0, dct1, batch_hbm, dinv_hbm, zeros_hbm,
                    y01_out, y23_out, ct01_out,
                    gidx1, srow2, cidx1, crow2, ring, btab, dtab,
                    acc_sp, gsem, ssem):
    ohb = ring[:2]
    c = lax.axis_index("c")
    s = lax.axis_index("s")
    iota = lax.iota(jnp.int32, 16)
    rows = pl.ds(s * ROWS_PER_SUB, ROWS_PER_SUB)

    pltpu.sync_copy(srcy.at[s], gidx1)
    pltpu.sync_copy(dsty.at[s], srow2)
    pltpu.sync_copy(batch_hbm, btab)
    pltpu.sync_copy(dinv_hbm, dtab)

    def pipe_scatter(tab_ref, idx1, row2, nch):
        half = NBUF // 2
        nstep = nch // half

        def step(t, carry):
            def run_set(base):
                bufs = [ring[base + b] for b in range(half)]

                @pl.when(t >= 2)
                def _():
                    for b in range(half):
                        pltpu.make_async_copy(zeros_hbm.at[pl.ds(0, CH)],
                                              bufs[b], ssem).wait()

                hs = []
                for b in range(half):
                    j = t * half + b
                    hs.append(pltpu.async_copy(
                        tab_ref.at[idx1.at[pl.ds(j * CH, CH)]],
                        bufs[b], gsem))
                for h in hs:
                    h.wait()
                for b in range(half):
                    j = t * half + b
                    pltpu.async_copy(bufs[b], acc_sp.at[row2.at[j]],
                                     ssem, add=True)

            @pl.when(t % 2 == 0)
            def _():
                run_set(0)

            @pl.when(t % 2 == 1)
            def _():
                run_set(half)

            return carry

        lax.fori_loop(0, nstep, step, 0)
        for b in range(NBUF):
            pltpu.make_async_copy(zeros_hbm.at[pl.ds(0, CH)],
                                  ring[b], ssem).wait()

    def acc_pass(scatter_fn, out_ref, col0):
        _zero_rows(zeros_hbm, acc_sp, s)
        plsc.subcore_barrier()
        scatter_fn()
        plsc.subcore_barrier()
        pltpu.sync_copy(acc_sp.at[rows], out_ref.at[rows, pl.ds(col0, G)])
        plsc.subcore_barrier()

    def ct_build(k, p, clear):
        for v in range(8):
            d = cidx1[pl.ds(k * CH + v * 16, 16)]
            gi = plsc.load_gather(btab, [d])
            e = v * 16 + iota
            if clear:
                plsc.store_scatter(ohb[p], [e, gi],
                                   jnp.zeros((16,), jnp.float32))
            else:
                val = plsc.load_gather(dtab, [d])
                plsc.store_scatter(ohb[p], [e, gi], val)

    def ct_scalar():
        def body(k, carry):
            def run(p):
                @pl.when(k >= 2)
                def _():
                    pltpu.make_async_copy(zeros_hbm.at[pl.ds(0, CH)],
                                          ohb[p], ssem).wait()
                    ct_build(k - 2, p, True)

                ct_build(k, p, False)
                pltpu.async_copy(ohb[p], acc_sp.at[crow2.at[k]],
                                 ssem, add=True)

            @pl.when(k % 2 == 0)
            def _():
                run(0)

            @pl.when(k % 2 == 1)
            def _():
                run(1)

            return carry

        lax.fori_loop(0, NCH_W, body, 0)
        for p in range(2):
            pltpu.make_async_copy(zeros_hbm.at[pl.ds(0, CH)],
                                  ohb[p], ssem).wait()

    def ct_pass(sct, dct, col0):
        pltpu.sync_copy(dct.at[s], cidx1)
        pltpu.sync_copy(sct.at[s], crow2)
        pltpu.sync_copy(zeros_hbm.at[pl.ds(0, CH)], ohb[0])
        pltpu.sync_copy(zeros_hbm.at[pl.ds(0, CH)], ohb[1])
        acc_pass(ct_scalar, ct01_out, col0)

    @pl.when(c == 0)
    def _():
        acc_pass(lambda: pipe_scatter(xs0, gidx1, srow2, NCH_C), y01_out, 0)
        acc_pass(lambda: pipe_scatter(xs1, gidx1, srow2, NCH_C), y01_out, G)
        ct_pass(sct0, dct0, 0)

    @pl.when(c == 1)
    def _():
        acc_pass(lambda: pipe_scatter(xs2, gidx1, srow2, NCH_C), y23_out, 0)
        acc_pass(lambda: pipe_scatter(xs3, gidx1, srow2, NCH_C), y23_out, G)
        ct_pass(sct1, dct1, G)


_BLK = 2000
_NBLK = N // _BLK


def _prep_body(ind0_ref, ind1_ref, x_ref, batch_ref, xs0_ref, xs1_ref,
               xs2_ref, xs3_ref, dinv_ref, cntinv_ref, cnt_acc):
    i = pl.program_id(0)
    deg = ind0_ref[:, 0:1] + ind1_ref[:, 0:1] + 1.0
    dinv = lax.rsqrt(deg)
    dinv_ref[...] = dinv
    xs = x_ref[...] * dinv
    xs0_ref[...] = xs[:, 0:64]
    xs1_ref[...] = xs[:, 64:128]
    xs2_ref[...] = xs[:, 128:192]
    xs3_ref[...] = xs[:, 192:256]
    onehot = (batch_ref[...] ==
              lax.broadcasted_iota(jnp.int32, (_BLK, G), 1)).astype(jnp.float32)

    @pl.when(i == 0)
    def _():
        cnt_acc[...] = jnp.zeros_like(cnt_acc)

    cnt_acc[...] += jnp.sum(onehot, axis=0, keepdims=True)

    @pl.when(i == _NBLK - 1)
    def _():
        cntinv_ref[...] = 1.0 / jnp.maximum(cnt_acc[...], 1.0)


_prep_call = pl.pallas_call(
    _prep_body,
    grid=(_NBLK,),
    in_specs=[
        pl.BlockSpec((_BLK, 16), lambda i: (i, 0)),
        pl.BlockSpec((_BLK, 16), lambda i: (i, 0)),
        pl.BlockSpec((_BLK, DIN), lambda i: (i, 0)),
        pl.BlockSpec((_BLK, 1), lambda i: (i, 0)),
    ],
    out_specs=[
        pl.BlockSpec((_BLK, G), lambda i: (i, 0)),
        pl.BlockSpec((_BLK, G), lambda i: (i, 0)),
        pl.BlockSpec((_BLK, G), lambda i: (i, 0)),
        pl.BlockSpec((_BLK, G), lambda i: (i, 0)),
        pl.BlockSpec((_BLK, 1), lambda i: (i, 0)),
        pl.BlockSpec((1, G), lambda i: (0, 0)),
    ],
    out_shape=[
        jax.ShapeDtypeStruct((N, G), jnp.float32),
        jax.ShapeDtypeStruct((N, G), jnp.float32),
        jax.ShapeDtypeStruct((N, G), jnp.float32),
        jax.ShapeDtypeStruct((N, G), jnp.float32),
        jax.ShapeDtypeStruct((N, 1), jnp.float32),
        jax.ShapeDtypeStruct((1, G), jnp.float32),
    ],
    scratch_shapes=[pltpu.VMEM((1, G), jnp.float32)],
    compiler_params=pltpu.CompilerParams(
        dimension_semantics=("arbitrary",)),
)


def _dense_body(x_ref, y01_ref, y23_ref, ct01_ref,
                dinv_ref, batch_ref,
                cntinv_ref, w1_ref, b1_ref, w3_ref, b3_ref,
                w2_ref, b2_ref, w4_ref, b4_ref,
                zm_ref, zl_ref, accm, accl):
    i = pl.program_id(0)
    dinv = dinv_ref[...]
    dinv2 = dinv * dinv
    y_acc = jnp.concatenate([y01_ref[...], y23_ref[...]], axis=1)
    y = dinv * y_acc + dinv2 * x_ref[...]
    hm = jnp.maximum(
        jnp.dot(y, w1_ref[...], preferred_element_type=jnp.float32)
        + b1_ref[...], 0.0)
    hl = jnp.maximum(
        jnp.dot(y, w3_ref[...], preferred_element_type=jnp.float32)
        + b3_ref[...], 0.0)
    onehot = (batch_ref[...] ==
              lax.broadcasted_iota(jnp.int32, (_BLK, G), 1)).astype(jnp.float32)
    ct01 = ct01_ref[...]
    ctf = dinv * (ct01[:, 0:G] + ct01[:, G:2 * G]) + dinv2 * onehot
    dn = (((0,), (0,)), ((), ()))

    @pl.when(i == 0)
    def _():
        accm[...] = jnp.zeros_like(accm)
        accl[...] = jnp.zeros_like(accl)

    accm[...] += lax.dot_general(ctf, hm, dimension_numbers=dn,
                                 preferred_element_type=jnp.float32)
    accl[...] += lax.dot_general(ctf, hl, dimension_numbers=dn,
                                 preferred_element_type=jnp.float32)

    @pl.when(i == _NBLK - 1)
    def _():
        cntinv = cntinv_ref[...]
        zm_ref[...] = jnp.dot(accm[...] * cntinv, w2_ref[...],
                              preferred_element_type=jnp.float32) + b2_ref[...]
        zl_ref[...] = jnp.dot(accl[...] * cntinv, w4_ref[...],
                              preferred_element_type=jnp.float32) + b4_ref[...]


_dense_call = pl.pallas_call(
    _dense_body,
    grid=(_NBLK,),
    in_specs=[
        pl.BlockSpec((_BLK, DIN), lambda i: (i, 0)),
        pl.BlockSpec((_BLK, 128), lambda i: (i, 0)),
        pl.BlockSpec((_BLK, 128), lambda i: (i, 0)),
        pl.BlockSpec((_BLK, 128), lambda i: (i, 0)),
        pl.BlockSpec((_BLK, 1), lambda i: (i, 0)),
        pl.BlockSpec((_BLK, 1), lambda i: (i, 0)),
        pl.BlockSpec((G, 1), lambda i: (0, 0)),
        pl.BlockSpec((DIN, DH), lambda i: (0, 0)),
        pl.BlockSpec((1, DH), lambda i: (0, 0)),
        pl.BlockSpec((DIN, DH), lambda i: (0, 0)),
        pl.BlockSpec((1, DH), lambda i: (0, 0)),
        pl.BlockSpec((DH, DZ), lambda i: (0, 0)),
        pl.BlockSpec((1, DZ), lambda i: (0, 0)),
        pl.BlockSpec((DH, DZ), lambda i: (0, 0)),
        pl.BlockSpec((1, DZ), lambda i: (0, 0)),
    ],
    out_specs=[
        pl.BlockSpec((G, DZ), lambda i: (0, 0)),
        pl.BlockSpec((G, DZ), lambda i: (0, 0)),
    ],
    out_shape=[
        jax.ShapeDtypeStruct((G, DZ), jnp.float32),
        jax.ShapeDtypeStruct((G, DZ), jnp.float32),
    ],
    scratch_shapes=[
        pltpu.VMEM((G, DH), jnp.float32),
        pltpu.VMEM((G, DH), jnp.float32),
    ],
    compiler_params=pltpu.CompilerParams(
        dimension_semantics=("arbitrary",)),
)


def _pad_ids(ids, per_worker, nworkers, pad_base, nch):
    padded = nch * CH
    npad = padded - per_worker
    padv = pad_base + (jnp.arange(npad, dtype=jnp.int32) % 16)
    padv = jnp.broadcast_to(padv, (nworkers, npad))
    return jnp.concatenate([ids.reshape(nworkers, per_worker), padv], axis=1)


def kernel(x, edge_index, batch, W1, b1, W2, b2, W3, b3, W4, b4):
    src = edge_index[0].astype(jnp.int32)
    dst = edge_index[1].astype(jnp.int32)
    batch = batch.astype(jnp.int32)

    dst_deg = _pad_ids(dst, EW, NW, N, NCH_W).reshape(NW, NCH_W, CH)
    srcy = _pad_ids(src, EC, 16, 0, NCH_C)
    dsty = _pad_ids(dst, EC, 16, N, NCH_C).reshape(16, NCH_C, CH)
    sct = _pad_ids(src, EW, NW, N, NCH_W).reshape(2, 16, NCH_W, CH)
    dct = _pad_ids(dst, EW, NW, 0, NCH_W).reshape(2, 16, NCH_W * CH)

    zeros64 = jnp.zeros((ROWS_PER_SUB, G), jnp.float32)
    zeros16 = jnp.zeros((ROWS_PER_SUB, 16), jnp.float32)
    onehot16 = jnp.zeros((CH, 16), jnp.float32).at[:, 0].set(1.0)

    deg_raw = _deg_kernel(dst_deg, onehot16, zeros16)

    xs0, xs1, xs2, xs3, dinv, cntinv = _prep_call(
        deg_raw[:NPAD], deg_raw[NPAD:], x, batch.reshape(N, 1))

    y01p, y23p, ct01p = _scatter_kernel(
        xs0, xs1, xs2, xs3, srcy, dsty, sct[0], sct[1],
        dct[0], dct[1], batch, dinv.reshape(N), zeros64)

    z_mean, z_logvar = _dense_call(
        x, y01p[:N], y23p[:N], ct01p[:N], dinv,
        batch.reshape(N, 1),
        cntinv.reshape(G, 1),
        W1, b1.reshape(1, DH), W3, b3.reshape(1, DH),
        W2, b2.reshape(1, DZ), W4, b4.reshape(1, DZ))
    return (z_mean, z_logvar)

# --- scband reference (transcript-rebuilt; emitter-appended) ---
"""Pipeline reference for scband-graph-encoder-18940805775700 (READ-ONLY COPY).

The authoritative reference and input builder live on the scoring server;
editing this copy changes nothing except your own understanding.
"""

import jax, jax.numpy as jnp
import numpy as np

N_NODES = 10000
N_EDGES = 160000
D_IN = 256
D_H = 512
D_Z = 128
N_GRAPHS = 64


def setup_inputs(seed: int = 0) -> dict:
    key = jax.random.key(seed)
    ks = jax.random.split(key, 12)
    x = jax.random.normal(ks[0], (N_NODES, D_IN), dtype=jnp.float32)
    edge_index = jax.random.randint(ks[1], (2, N_EDGES), 0, N_NODES)
    batch = jnp.sort(jax.random.randint(ks[2], (N_NODES,), 0, N_GRAPHS))
    W1 = jax.random.normal(ks[3], (D_IN, D_H), dtype=jnp.float32) * 0.05
    b1 = jnp.zeros((D_H,), dtype=jnp.float32)
    W2 = jax.random.normal(ks[4], (D_H, D_Z), dtype=jnp.float32) * 0.05
    b2 = jnp.zeros((D_Z,), dtype=jnp.float32)
    W3 = jax.random.normal(ks[5], (D_IN, D_H), dtype=jnp.float32) * 0.05
    b3 = jnp.zeros((D_H,), dtype=jnp.float32)
    W4 = jax.random.normal(ks[6], (D_H, D_Z), dtype=jnp.float32) * 0.05
    b4 = jnp.zeros((D_Z,), dtype=jnp.float32)
    return {"x": x, "edge_index": edge_index, "batch": batch,
            "W1": W1, "b1": b1, "W2": W2, "b2": b2,
            "W3": W3, "b3": b3, "W4": W4, "b4": b4}


def gcn_conv(x, edge_index, W, b):
    # PyG-style GCNConv: add self loops, symmetric degree normalization,
    # message = norm * (x[src] @ W), scatter-add to dst, plus bias.
    N = x.shape[0]
    src = edge_index[0]
    dst = edge_index[1]
    loop = jnp.arange(N, dtype=src.dtype)
    src = jnp.concatenate([src, loop])
    dst = jnp.concatenate([dst, loop])
    deg = jnp.zeros((N,), dtype=x.dtype).at[dst].add(1.0)
    dinv = jax.lax.rsqrt(jnp.maximum(deg, 1.0))
    norm = dinv[src] * dinv[dst]
    h = x @ W
    msg = jnp.take(h, src, axis=0) * norm[:, None]
    out = jnp.zeros((N, W.shape[1]), dtype=x.dtype).at[dst].add(msg)
    return out + b


def global_mean_pool(h, batch, num_graphs):
    s = jax.ops.segment_sum(h, batch, num_segments=num_graphs)
    c = jax.ops.segment_sum(jnp.ones((h.shape[0], 1), dtype=h.dtype), batch, num_segments=num_graphs)
    return s / jnp.maximum(c, 1.0)


def reference(x, edge_index, batch, W1, b1, W2, b2, W3, b3, W4, b4):
    hm = gcn_conv(x, edge_index, W1, b1)
    hm = jax.nn.relu(hm)
    hm = gcn_conv(hm, edge_index, W2, b2)
    z_mean = global_mean_pool(hm, batch, N_GRAPHS)
    hl = gcn_conv(x, edge_index, W3, b3)
    hl = jax.nn.relu(hl)
    hl = gcn_conv(hl, edge_index, W4, b4)
    z_logvar = global_mean_pool(hl, batch, N_GRAPHS)
    return (z_mean, z_logvar)

if __name__ == "__main__":
    import jax
    _d = setup_inputs()
    print(jax.jit(kernel)(*tuple(_d.values())))

</pallas_src>

<mosaic_0001>
#map = affine_map<(d0, d1) -> (0, 0)>
#map1 = affine_map<(d0, d1) -> (0, 0, 0)>
#map2 = affine_map<(d0, d1) -> (0)>
module attributes {stable_mosaic.version = 14 : i64} {
  func.func @_scatter_kernel(%arg0: i32, %arg1: i32, %arg2: memref<10000x64xf32, #tpu.memory_space<hbm>>, %arg3: memref<10000x64xf32, #tpu.memory_space<hbm>>, %arg4: memref<10000x64xf32, #tpu.memory_space<hbm>>, %arg5: memref<10000x64xf32, #tpu.memory_space<hbm>>, %arg6: memref<16x10240xi32, #tpu.memory_space<hbm>>, %arg7: memref<16x80x128xi32, #tpu.memory_space<hbm>>, %arg8: memref<16x40x128xi32, #tpu.memory_space<hbm>>, %arg9: memref<16x40x128xi32, #tpu.memory_space<hbm>>, %arg10: memref<16x5120xi32, #tpu.memory_space<hbm>>, %arg11: memref<16x5120xi32, #tpu.memory_space<hbm>>, %arg12: memref<10000xi32, #tpu.memory_space<hbm>>, %arg13: memref<10000xf32, #tpu.memory_space<hbm>>, %arg14: memref<640x64xf32, #tpu.memory_space<hbm>>, %arg15: memref<10240x128xf32, #tpu.memory_space<hbm>>, %arg16: memref<10240x128xf32, #tpu.memory_space<hbm>>, %arg17: memref<10240x128xf32, #tpu.memory_space<hbm>>, %arg18: memref<10240xi32, #tpu.memory_space<vmem>>, %arg19: memref<80x128xi32, #tpu.memory_space<vmem>>, %arg20: memref<5120xi32, #tpu.memory_space<vmem>>, %arg21: memref<40x128xi32, #tpu.memory_space<vmem>>, %arg22: memref<128x64xf32, #tpu.memory_space<vmem>>, %arg23: memref<128x64xf32, #tpu.memory_space<vmem>>, %arg24: memref<128x64xf32, #tpu.memory_space<vmem>>, %arg25: memref<128x64xf32, #tpu.memory_space<vmem>>, %arg26: memref<10000xi32, #tpu.memory_space<vmem>>, %arg27: memref<10000xf32, #tpu.memory_space<vmem>>, %arg28: memref<10240x64xf32, #tpu.memory_space<vmem_shared>>, %arg29: memref<!tpu.dma_semaphore, #tpu.memory_space<semaphore_mem>>, %arg30: memref<!tpu.dma_semaphore, #tpu.memory_space<semaphore_mem>>) attributes {dimension_semantics = [#tpu.dimension_semantics<core_parallel>, #tpu.dimension_semantics<subcore_parallel>], iteration_bounds = array<i64: 2, 16>, scalar_prefetch = 0 : i64, scratch_operands = 13 : i64, tpu.core_type = #tpu.core_type<sc_vector_subcore>, window_params = [{transform_indices = #map}, {transform_indices = #map}, {transform_indices = #map}, {transform_indices = #map}, {transform_indices = #map}, {transform_indices = #map1}, {transform_indices = #map1}, {transform_indices = #map1}, {transform_indices = #map}, {transform_indices = #map}, {transform_indices = #map2}, {transform_indices = #map2}, {transform_indices = #map}, {transform_indices = #map}, {transform_indices = #map}, {transform_indices = #map}]} {
    %iota3A = tpu.iota {dimensions = array<i32: 0>} : vector<16xi32>
    %mul3A = arith.constant 640 : i32
    %mul3A_0 = arith.muli %arg1, %mul3A : i32
    "tpu.region"() ({
      %run_scoped3A = tpu.sem_alloc : memref<!tpu.dma_semaphore, #tpu.memory_space<semaphore_mem>>
      %dma_start3A = arith.constant 0 : i32
      %dma_start3A_8 = tpu.memref_slice %arg6[%arg1, %dma_start3A] : memref<16x10240xi32, #tpu.memory_space<hbm>> -> memref<1x10240xi32, #tpu.memory_space<hbm>>
      %dma_start3A_9 = tpu.memref_squeeze %dma_start3A_8 : memref<1x10240xi32, #tpu.memory_space<hbm>> -> memref<10240xi32, #tpu.memory_space<hbm>>
      %dma_start3A_10 = arith.constant 0 : i32
      %dma_start3A_11 = tpu.memref_slice %arg6[%arg1, %dma_start3A_10] : memref<16x10240xi32, #tpu.memory_space<hbm>> -> memref<1x10240xi32, #tpu.memory_space<hbm>>
      %dma_start3A_12 = tpu.memref_squeeze %dma_start3A_11 : memref<1x10240xi32, #tpu.memory_space<hbm>> -> memref<10240xi32, #tpu.memory_space<hbm>>
      tpu.enqueue_dma source(%dma_start3A_12 : memref<10240xi32, #tpu.memory_space<hbm>>) target(%arg18 : memref<10240xi32, #tpu.memory_space<vmem>>) target_semaphore(%run_scoped3A : memref<!tpu.dma_semaphore, #tpu.memory_space<semaphore_mem>>)
      %dma_wait3A = arith.constant 0 : i32
      %dma_wait3A_13 = tpu.memref_slice %arg6[%arg1, %dma_wait3A] : memref<16x10240xi32, #tpu.memory_space<hbm>> -> memref<1x10240xi32, #tpu.memory_space<hbm>>
      %dma_wait3A_14 = tpu.memref_squeeze %dma_wait3A_13 : memref<1x10240xi32, #tpu.memory_space<hbm>> -> memref<10240xi32, #tpu.memory_space<hbm>>
      %dma_wait3A_15 = arith.constant 0 : i32
      %dma_wait3A_16 = tpu.memref_slice %arg6[%arg1, %dma_wait3A_15] : memref<16x10240xi32, #tpu.memory_space<hbm>> -> memref<1x10240xi32, #tpu.memory_space<hbm>>
      %dma_wait3A_17 = tpu.memref_squeeze %dma_wait3A_16 : memref<1x10240xi32, #tpu.memory_space<hbm>> -> memref<10240xi32, #tpu.memory_space<hbm>>
      tpu.wait_dma2 semaphore(%run_scoped3A : memref<!tpu.dma_semaphore, #tpu.memory_space<semaphore_mem>>) src(%dma_wait3A_17 : memref<10240xi32, #tpu.memory_space<hbm>>) dst(%arg18 : memref<10240xi32, #tpu.memory_space<vmem>>)
      tpu.yield
    }) : () -> ()
    "tpu.region"() ({
      %run_scoped3A = tpu.sem_alloc : memref<!tpu.dma_semaphore, #tpu.memory_space<semaphore_mem>>
      %dma_start3A = arith.constant 0 : i32
      %dma_start3A_8 = arith.constant 0 : i32
      %dma_start3A_9 = tpu.memref_slice %arg7[%arg1, %dma_start3A, %dma_start3A_8] : memref<16x80x128xi32, #tpu.memory_space<hbm>> -> memref<1x80x128xi32, #tpu.memory_space<hbm>>
      %dma_start3A_10 = tpu.memref_squeeze %dma_start3A_9 : memref<1x80x128xi32, #tpu.memory_space<hbm>> -> memref<80x128xi32, #tpu.memory_space<hbm>>
      %dma_start3A_11 = arith.constant 0 : i32
      %dma_start3A_12 = arith.constant 0 : i32
      %dma_start3A_13 = tpu.memref_slice %arg7[%arg1, %dma_start3A_11, %dma_start3A_12] : memref<16x80x128xi32, #tpu.memory_space<hbm>> -> memref<1x80x128xi32, #tpu.memory_space<hbm>>
      %dma_start3A_14 = tpu.memref_squeeze %dma_start3A_13 : memref<1x80x128xi32, #tpu.memory_space<hbm>> -> memref<80x128xi32, #tpu.memory_space<hbm>>
      tpu.enqueue_dma source(%dma_start3A_14 : memref<80x128xi32, #tpu.memory_space<hbm>>) target(%arg19 : memref<80x128xi32, #tpu.memory_space<vmem>>) target_semaphore(%run_scoped3A : memref<!tpu.dma_semaphore, #tpu.memory_space<semaphore_mem>>)
      %dma_wait3A = arith.constant 0 : i32
      %dma_wait3A_15 = arith.constant 0 : i32
      %dma_wait3A_16 = tpu.memref_slice %arg7[%arg1, %dma_wait3A, %dma_wait3A_15] : memref<16x80x128xi32, #tpu.memory_space<hbm>> -> memref<1x80x128xi32, #tpu.memory_space<hbm>>
      %dma_wait3A_17 = tpu.memref_squeeze %dma_wait3A_16 : memref<1x80x128xi32, #tpu.memory_space<hbm>> -> memref<80x128xi32, #tpu.memory_space<hbm>>
      %dma_wait3A_18 = arith.constant 0 : i32
      %dma_wait3A_19 = arith.constant 0 : i32
      %dma_wait3A_20 = tpu.memref_slice %arg7[%arg1, %dma_wait3A_18, %dma_wait3A_19] : memref<16x80x128xi32, #tpu.memory_space<hbm>> -> memref<1x80x128xi32, #tpu.memory_space<hbm>>
      %dma_wait3A_21 = tpu.memref_squeeze %dma_wait3A_20 : memref<1x80x128xi32, #tpu.memory_space<hbm>> -> memref<80x128xi32, #tpu.memory_space<hbm>>
      tpu.wait_dma2 semaphore(%run_scoped3A : memref<!tpu.dma_semaphore, #tpu.memory_space<semaphore_mem>>) src(%dma_wait3A_21 : memref<80x128xi32, #tpu.memory_space<hbm>>) dst(%arg19 : memref<80x128xi32, #tpu.memory_space<vmem>>)
      tpu.yield
    }) : () -> ()
    "tpu.region"() ({
      %run_scoped3A = tpu.sem_alloc : memref<!tpu.dma_semaphore, #tpu.memory_space<semaphore_mem>>
      tpu.enqueue_dma source(%arg12 : memref<10000xi32, #tpu.memory_space<hbm>>) target(%arg26 : memref<10000xi32, #tpu.memory_space<vmem>>) target_semaphore(%run_scoped3A : memref<!tpu.dma_semaphore, #tpu.memory_space<semaphore_mem>>)
      tpu.wait_dma2 semaphore(%run_scoped3A : memref<!tpu.dma_semaphore, #tpu.memory_space<semaphore_mem>>) src(%arg12 : memref<10000xi32, #tpu.memory_space<hbm>>) dst(%arg26 : memref<10000xi32, #tpu.memory_space<vmem>>)
      tpu.yield
    }) : () -> ()
    "tpu.region"() ({
      %run_scoped3A = tpu.sem_alloc : memref<!tpu.dma_semaphore, #tpu.memory_space<semaphore_mem>>
      tpu.enqueue_dma source(%arg13 : memref<10000xf32, #tpu.memory_space<hbm>>) target(%arg27 : memref<10000xf32, #tpu.memory_space<vmem>>) target_semaphore(%run_scoped3A : memref<!tpu.dma_semaphore, #tpu.memory_space<semaphore_mem>>)
      tpu.wait_dma2 semaphore(%run_scoped3A : memref<!tpu.dma_semaphore, #tpu.memory_space<semaphore_mem>>) src(%arg13 : memref<10000xf32, #tpu.memory_space<hbm>>) dst(%arg27 : memref<10000xf32, #tpu.memory_space<vmem>>)
      tpu.yield
    }) : () -> ()
    %eq3A = arith.constant 0 : i32
    %eq3A_1 = arith.cmpi eq, %arg0, %eq3A : i32
    %convert_element_type3A = arith.extui %eq3A_1 : i1 to i32
    %cond3A = arith.constant 0 : i32
    %cond3A_2 = arith.cmpi ne, %convert_element_type3A, %cond3A : i32
    scf.if %cond3A_2 {
      %mul3A_8 = arith.constant 640 : i32
      %mul3A_9 = arith.muli %arg1, %mul3A_8 : i32
      "tpu.region"() ({
        %run_scoped3A = tpu.sem_alloc : memref<!tpu.dma_semaphore, #tpu.memory_space<semaphore_mem>>
        %dma_start3A = arith.constant 0 : i32
        %dma_start3A_98 = tpu.memref_slice %arg28[%mul3A_9, %dma_start3A] : memref<10240x64xf32, #tpu.memory_space<vmem_shared>> -> memref<640x64xf32, #tpu.memory_space<vmem_shared>>
        tpu.enqueue_dma source(%arg14 : memref<640x64xf32, #tpu.memory_space<hbm>>) target(%dma_start3A_98 : memref<640x64xf32, #tpu.memory_space<vmem_shared>>) target_semaphore(%run_scoped3A : memref<!tpu.dma_semaphore, #tpu.memory_space<semaphore_mem>>)
        %dma_wait3A_99 = arith.constant 0 : i32
        %dma_wait3A_100 = tpu.memref_slice %arg28[%mul3A_9, %dma_wait3A_99] : memref<10240x64xf32, #tpu.memory_space<vmem_shared>> -> memref<640x64xf32, #tpu.memory_space<vmem_shared>>
        tpu.wait_dma2 semaphore(%run_scoped3A : memref<!tpu.dma_semaphore, #tpu.memory_space<semaphore_mem>>) src(%arg14 : memref<640x64xf32, #tpu.memory_space<hbm>>) dst(%dma_wait3A_100 : memref<640x64xf32, #tpu.memory_space<vmem_shared>>)
        tpu.yield
      }) : () -> ()
      %barrier3A = arith.constant 0 : index
      tpu.barrier barrier_id(%barrier3A)
      %scan3A = arith.constant 0 : i32
      %scan3A_10 = arith.constant 0 : i32
      %scan3A_11 = arith.constant 40 : i32
      %scan3A_12 = arith.addi %scan3A_10, %scan3A_11 : i32
      %scan3A_13 = arith.constant 1 : i32
      scf.for %scan3A_98 = %scan3A_10 to %scan3A_12 step %scan3A_13  : i32 {
        %jit3A = arith.constant 2 : i32
        %eq3A_99 = arith.constant 0 : i32
        %eq3A_100 = arith.cmpi eq, %jit3A, %eq3A_99 : i32
        %jit3A_101 = arith.constant 1 : i32
        %select_n3A = arith.select %eq3A_100, %jit3A_101, %jit3A : i32
        %rem3A = arith.remsi %scan3A_98, %select_n3A : i32
        %ne3A = arith.constant 0 : i32
        %ne3A_102 = arith.cmpi ne, %rem3A, %ne3A : i32
        %lt3A = arith.constant 0 : i32
        %lt3A_103 = arith.cmpi slt, %rem3A, %lt3A : i32
        %lt3A_104 = arith.constant 0 : i32
        %lt3A_105 = arith.cmpi slt, %select_n3A, %lt3A_104 : i32
        %ne3A_106 = arith.xori %lt3A_103, %lt3A_105 : i1
        %and3A = arith.andi %ne3A_106, %ne3A_102 : i1
        %add3A = arith.addi %rem3A, %select_n3A : i32
        %select_n3A_107 = arith.select %and3A, %add3A, %rem3A : i32
        %eq3A_108 = arith.constant 0 : i32
        %eq3A_109 = arith.cmpi eq, %select_n3A_107, %eq3A_108 : i32
        %convert_element_type3A_110 = arith.extui %eq3A_109 : i1 to i32
        %cond3A_111 = arith.constant 0 : i32
        %cond3A_112 = arith.cmpi ne, %convert_element_type3A_110, %cond3A_111 : i32
        scf.if %cond3A_112 {
          %ge3A = arith.constant 2 : i32
          %ge3A_134 = arith.cmpi sge, %scan3A_98, %ge3A : i32
          %convert_element_type3A_135 = arith.extui %ge3A_134 : i1 to i32
          %cond3A_136 = arith.constant 0 : i32
          %cond3A_137 = arith.cmpi ne, %convert_element_type3A_135, %cond3A_136 : i32
          scf.if %cond3A_137 {
            %dma_wait3A_185 = arith.constant 0 : i32
            %dma_wait3A_186 = arith.constant 0 : i32
            %dma_wait3A_187 = tpu.memref_slice %arg14[%dma_wait3A_185, %dma_wait3A_186] : memref<640x64xf32, #tpu.memory_space<hbm>> -> memref<128x64xf32, #tpu.memory_space<hbm>>
            %dma_wait3A_188 = arith.constant 0 : i32
            %dma_wait3A_189 = arith.constant 0 : i32
            %dma_wait3A_190 = tpu.memref_slice %arg14[%dma_wait3A_188, %dma_wait3A_189] : memref<640x64xf32, #tpu.memory_space<hbm>> -> memref<128x64xf32, #tpu.memory_space<hbm>>
            tpu.wait_dma2 semaphore(%arg30 : memref<!tpu.dma_semaphore, #tpu.memory_space<semaphore_mem>>) src(%dma_wait3A_190 : memref<128x64xf32, #tpu.memory_space<hbm>>) dst(%arg22 : memref<128x64xf32, #tpu.memory_space<vmem>>)
            %dma_wait3A_191 = arith.constant 0 : i32
            %dma_wait3A_192 = arith.constant 0 : i32
            %dma_wait3A_193 = tpu.memref_slice %arg14[%dma_wait3A_191, %dma_wait3A_192] : memref<640x64xf32, #tpu.memory_space<hbm>> -> memref<128x64xf32, #tpu.memory_space<hbm>>
            %dma_wait3A_194 = arith.constant 0 : i32
            %dma_wait3A_195 = arith.constant 0 : i32
            %dma_wait3A_196 = tpu.memref_slice %arg14[%dma_wait3A_194, %dma_wait3A_195] : memref<640x64xf32, #tpu.memory_space<hbm>> -> memref<128x64xf32, #tpu.memory_space<hbm>>
            tpu.wait_dma2 semaphore(%arg30 : memref<!tpu.dma_semaphore, #tpu.memory_space<semaphore_mem>>) src(%dma_wait3A_196 : memref<128x64xf32, #tpu.memory_space<hbm>>) dst(%arg23 : memref<128x64xf32, #tpu.memory_space<vmem>>)
          } else {
          }
          %mul3A_138 = arith.constant 2 : i32
          %mul3A_139 = arith.muli %scan3A_98, %mul3A_138 : i32
          %add3A_140 = arith.constant 0 : i32
          %add3A_141 = arith.addi %mul3A_139, %add3A_140 : i32
          %mul3A_142 = arith.constant 128 : i32
          %mul3A_143 = arith.muli %add3A_141, %mul3A_142 : i32
          %dma_start3A = tpu.memref_slice %arg18[%mul3A_143] : memref<10240xi32, #tpu.memory_space<vmem>> -> memref<128xi32, #tpu.memory_space<vmem>>
          %dma_start3A_144 = arith.constant 0 : i32
          %dma_start3A_145 = arith.constant 0 : i32
          %dma_start3A_146 = tpu.memref_slice %arg2[%dma_start3A_144, %dma_start3A_145] : memref<10000x64xf32, #tpu.memory_space<hbm>> -> memref<10000x64xf32, #tpu.memory_space<hbm>>
          tpu.enqueue_indirect_dma source(%dma_start3A_146 : memref<10000x64xf32, #tpu.memory_space<hbm>>) target(%arg22 : memref<128x64xf32, #tpu.memory_space<vmem>>) offsets(%dma_start3A : memref<128xi32, #tpu.memory_space<vmem>>) semaphore(%arg29 : memref<!tpu.dma_semaphore, #tpu.memory_space<semaphore_mem>>)
          %mul3A_147 = arith.constant 2 : i32
          %mul3A_148 = arith.muli %scan3A_98, %mul3A_147 : i32
          %add3A_149 = arith.constant 1 : i32
          %add3A_150 = arith.addi %mul3A_148, %add3A_149 : i32
          %mul3A_151 = arith.constant 128 : i32
          %mul3A_152 = arith.muli %add3A_150, %mul3A_151 : i32
          %dma_start3A_153 = tpu.memref_slice %arg18[%mul3A_152] : memref<10240xi32, #tpu.memory_space<vmem>> -> memref<128xi32, #tpu.memory_space<vmem>>
          %dma_start3A_154 = arith.constant 0 : i32
          %dma_start3A_155 = arith.constant 0 : i32
          %dma_start3A_156 = tpu.memref_slice %arg2[%dma_start3A_154, %dma_start3A_155] : memref<10000x64xf32, #tpu.memory_space<hbm>> -> memref<10000x64xf32, #tpu.memory_space<hbm>>
          tpu.enqueue_indirect_dma source(%dma_start3A_156 : memref<10000x64xf32, #tpu.memory_space<hbm>>) target(%arg23 : memref<128x64xf32, #tpu.memory_space<vmem>>) offsets(%dma_start3A_153 : memref<128xi32, #tpu.memory_space<vmem>>) semaphore(%arg29 : memref<!tpu.dma_semaphore, #tpu.memory_space<semaphore_mem>>)
          %dma_wait3A_157 = tpu.memref_slice %arg18[%mul3A_143] : memref<10240xi32, #tpu.memory_space<vmem>> -> memref<128xi32, #tpu.memory_space<vmem>>
          %dma_wait3A_158 = arith.constant 0 : i32
          %dma_wait3A_159 = arith.constant 0 : i32
          %dma_wait3A_160 = tpu.memref_slice %arg2[%dma_wait3A_158, %dma_wait3A_159] : memref<10000x64xf32, #tpu.memory_space<hbm>> -> memref<10000x64xf32, #tpu.memory_space<hbm>>
          tpu.wait_indirect_dma semaphore(%arg29 : memref<!tpu.dma_semaphore, #tpu.memory_space<semaphore_mem>>) src(%dma_wait3A_160 : memref<10000x64xf32, #tpu.memory_space<hbm>>) dst(%arg22 : memref<128x64xf32, #tpu.memory_space<vmem>>)
          %dma_wait3A_161 = tpu.memref_slice %arg18[%mul3A_152] : memref<10240xi32, #tpu.memory_space<vmem>> -> memref<128xi32, #tpu.memory_space<vmem>>
          %dma_wait3A_162 = arith.constant 0 : i32
          %dma_wait3A_163 = arith.constant 0 : i32
          %dma_wait3A_164 = tpu.memref_slice %arg2[%dma_wait3A_162, %dma_wait3A_163] : memref<10000x64xf32, #tpu.memory_space<hbm>> -> memref<10000x64xf32, #tpu.memory_space<hbm>>
          tpu.wait_indirect_dma semaphore(%arg29 : memref<!tpu.dma_semaphore, #tpu.memory_space<semaphore_mem>>) src(%dma_wait3A_164 : memref<10000x64xf32, #tpu.memory_space<hbm>>) dst(%arg23 : memref<128x64xf32, #tpu.memory_space<vmem>>)
          %mul3A_165 = arith.constant 2 : i32
          %mul3A_166 = arith.muli %scan3A_98, %mul3A_165 : i32
          %add3A_167 = arith.constant 0 : i32
          %add3A_168 = arith.addi %mul3A_166, %add3A_167 : i32
          %dma_start3A_169 = arith.constant 0 : i32
          %dma_start3A_170 = tpu.memref_slice %arg19[%add3A_168, %dma_start3A_169] : memref<80x128xi32, #tpu.memory_space<vmem>> -> memref<1x128xi32, #tpu.memory_space<vmem>>
          %dma_start3A_171 = tpu.memref_squeeze %dma_start3A_170 : memref<1x128xi32, #tpu.memory_space<vmem>> -> memref<128xi32, #tpu.memory_space<vmem>>
          %dma_start3A_172 = arith.constant 0 : i32
          %dma_start3A_173 = arith.constant 0 : i32
          %dma_start3A_174 = tpu.memref_slice %arg28[%dma_start3A_172, %dma_start3A_173] : memref<10240x64xf32, #tpu.memory_space<vmem_shared>> -> memref<10240x64xf32, #tpu.memory_space<vmem_shared>>
          tpu.enqueue_indirect_dma source(%arg22 : memref<128x64xf32, #tpu.memory_space<vmem>>) target(%dma_start3A_174 : memref<10240x64xf32, #tpu.memory_space<vmem_shared>>) offsets(%dma_start3A_171 : memref<128xi32, #tpu.memory_space<vmem>>) semaphore(%arg30 : memref<!tpu.dma_semaphore, #tpu.memory_space<semaphore_mem>>) {add = true}
          %mul3A_175 = arith.constant 2 : i32
          %mul3A_176 = arith.muli %scan3A_98, %mul3A_175 : i32
          %add3A_177 = arith.constant 1 : i32
          %add3A_178 = arith.addi %mul3A_176, %add3A_177 : i32
          %dma_start3A_179 = arith.constant 0 : i32
          %dma_start3A_180 = tpu.memref_slice %arg19[%add3A_178, %dma_start3A_179] : memref<80x128xi32, #tpu.memory_space<vmem>> -> memref<1x128xi32, #tpu.memory_space<vmem>>
          %dma_start3A_181 = tpu.memref_squeeze %dma_start3A_180 : memref<1x128xi32, #tpu.memory_space<vmem>> -> memref<128xi32, #tpu.memory_space<vmem>>
          %dma_start3A_182 = arith.constant 0 : i32
          %dma_start3A_183 = arith.constant 0 : i32
          %dma_start3A_184 = tpu.memref_slice %arg28[%dma_start3A_182, %dma_start3A_183] : memref<10240x64xf32, #tpu.memory_space<vmem_shared>> -> memref<10240x64xf32, #tpu.memory_space<vmem_shared>>
          tpu.enqueue_indirect_dma source(%arg23 : memref<128x64xf32, #tpu.memory_space<vmem>>) target(%dma_start3A_184 : memref<10240x64xf32, #tpu.memory_space<vmem_shared>>) offsets(%dma_start3A_181 : memref<128xi32, #tpu.memory_space<vmem>>) semaphore(%arg30 : memref<!tpu.dma_semaphore, #tpu.memory_space<semaphore_mem>>) {add = true}
        } else {
        }
        %jit3A_113 = arith.constant 2 : i32
        %eq3A_114 = arith.constant 0 : i32
        %eq3A_115 = arith.cmpi eq, %jit3A_113, %eq3A_114 : i32
        %jit3A_116 = arith.constant 1 : i32
        %select_n3A_117 = arith.select %eq3A_115, %jit3A_116, %jit3A_113 : i32
        %rem3A_118 = arith.remsi %scan3A_98, %select_n3A_117 : i32
        %ne3A_119 = arith.constant 0 : i32
        %ne3A_120 = arith.cmpi ne, %rem3A_118, %ne3A_119 : i32
        %lt3A_121 = arith.constant 0 : i32
        %lt3A_122 = arith.cmpi slt, %rem3A_118, %lt3A_121 : i32
        %lt3A_123 = arith.constant 0 : i32
        %lt3A_124 = arith.cmpi slt, %select_n3A_117, %lt3A_123 : i32
        %ne3A_125 = arith.xori %lt3A_122, %lt3A_124 : i1
        %and3A_126 = arith.andi %ne3A_125, %ne3A_120 : i1
        %add3A_127 = arith.addi %rem3A_118, %select_n3A_117 : i32
        %select_n3A_128 = arith.select %and3A_126, %add3A_127, %rem3A_118 : i32
        %eq3A_129 = arith.constant 1 : i32
        %eq3A_130 = arith.cmpi eq, %select_n3A_128, %eq3A_129 : i32
        %convert_element_type3A_131 = arith.extui %eq3A_130 : i1 to i32
        %cond3A_132 = arith.constant 0 : i32
        %cond3A_133 = arith.cmpi ne, %convert_element_type3A_131, %cond3A_132 : i32
        scf.if %cond3A_133 {
          %ge3A = arith.constant 2 : i32
          %ge3A_134 = arith.cmpi sge, %scan3A_98, %ge3A : i32
          %convert_element_type3A_135 = arith.extui %ge3A_134 : i1 to i32
          %cond3A_136 = arith.constant 0 : i32
          %cond3A_137 = arith.cmpi ne, %convert_element_type3A_135, %cond3A_136 : i32
          scf.if %cond3A_137 {
            %dma_wait3A_185 = arith.constant 0 : i32
            %dma_wait3A_186 = arith.constant 0 : i32
            %dma_wait3A_187 = tpu.memref_slice %arg14[%dma_wait3A_185, %dma_wait3A_186] : memref<640x64xf32, #tpu.memory_space<hbm>> -> memref<128x64xf32, #tpu.memory_space<hbm>>
            %dma_wait3A_188 = arith.constant 0 : i32
            %dma_wait3A_189 = arith.constant 0 : i32
            %dma_wait3A_190 = tpu.memref_slice %arg14[%dma_wait3A_188, %dma_wait3A_189] : memref<640x64xf32, #tpu.memory_space<hbm>> -> memref<128x64xf32, #tpu.memory_space<hbm>>
            tpu.wait_dma2 semaphore(%arg30 : memref<!tpu.dma_semaphore, #tpu.memory_space<semaphore_mem>>) src(%dma_wait3A_190 : memref<128x64xf32, #tpu.memory_space<hbm>>) dst(%arg24 : memref<128x64xf32, #tpu.memory_space<vmem>>)
            %dma_wait3A_191 = arith.constant 0 : i32
            %dma_wait3A_192 = arith.constant 0 : i32
            %dma_wait3A_193 = tpu.memref_slice %arg14[%dma_wait3A_191, %dma_wait3A_192] : memref<640x64xf32, #tpu.memory_space<hbm>> -> memref<128x64xf32, #tpu.memory_space<hbm>>
            %dma_wait3A_194 = arith.constant 0 : i32
            %dma_wait3A_195 = arith.constant 0 : i32
            %dma_wait3A_196 = tpu.memref_slice %arg14[%dma_wait3A_194, %dma_wait3A_195] : memref<640x64xf32, #tpu.memory_space<hbm>> -> memref<128x64xf32, #tpu.memory_space<hbm>>
            tpu.wait_dma2 semaphore(%arg30 : memref<!tpu.dma_semaphore, #tpu.memory_space<semaphore_mem>>) src(%dma_wait3A_196 : memref<128x64xf32, #tpu.memory_space<hbm>>) dst(%arg25 : memref<128x64xf32, #tpu.memory_space<vmem>>)
          } else {
          }
          %mul3A_138 = arith.constant 2 : i32
          %mul3A_139 = arith.muli %scan3A_98, %mul3A_138 : i32
          %add3A_140 = arith.constant 0 : i32
          %add3A_141 = arith.addi %mul3A_139, %add3A_140 : i32
          %mul3A_142 = arith.constant 128 : i32
          %mul3A_143 = arith.muli %add3A_141, %mul3A_142 : i32
          %dma_start3A = tpu.memref_slice %arg18[%mul3A_143] : memref<10240xi32, #tpu.memory_space<vmem>> -> memref<128xi32, #tpu.memory_space<vmem>>
          %dma_start3A_144 = arith.constant 0 : i32
          %dma_start3A_145 = arith.constant 0 : i32
          %dma_start3A_146 = tpu.memref_slice %arg2[%dma_start3A_144, %dma_start3A_145] : memref<10000x64xf32, #tpu.memory_space<hbm>> -> memref<10000x64xf32, #tpu.memory_space<hbm>>
          tpu.enqueue_indirect_dma source(%dma_start3A_146 : memref<10000x64xf32, #tpu.memory_space<hbm>>) target(%arg24 : memref<128x64xf32, #tpu.memory_space<vmem>>) offsets(%dma_start3A : memref<128xi32, #tpu.memory_space<vmem>>) semaphore(%arg29 : memref<!tpu.dma_semaphore, #tpu.memory_space<semaphore_mem>>)
          %mul3A_147 = arith.constant 2 : i32
          %mul3A_148 = arith.muli %scan3A_98, %mul3A_147 : i32
          %add3A_149 = arith.constant 1 : i32
          %add3A_150 = arith.addi %mul3A_148, %add3A_149 : i32
          %mul3A_151 = arith.constant 128 : i32
          %mul3A_152 = arith.muli %add3A_150, %mul3A_151 : i32
          %dma_start3A_153 = tpu.memref_slice %arg18[%mul3A_152] : memref<10240xi32, #tpu.memory_space<vmem>> -> memref<128xi32, #tpu.memory_space<vmem>>
          %dma_start3A_154 = arith.constant 0 : i32
          %dma_start3A_155 = arith.constant 0 : i32
          %dma_start3A_156 = tpu.memref_slice %arg2[%dma_start3A_154, %dma_start3A_155] : memref<10000x64xf32, #tpu.memory_space<hbm>> -> memref<10000x64xf32, #tpu.memory_space<hbm>>
          tpu.enqueue_indirect_dma source(%dma_start3A_156 : memref<10000x64xf32, #tpu.memory_space<hbm>>) target(%arg25 : memref<128x64xf32, #tpu.memory_space<vmem>>) offsets(%dma_start3A_153 : memref<128xi32, #tpu.memory_space<vmem>>) semaphore(%arg29 : memref<!tpu.dma_semaphore, #tpu.memory_space<semaphore_mem>>)
          %dma_wait3A_157 = tpu.memref_slice %arg18[%mul3A_143] : memref<10240xi32, #tpu.memory_space<vmem>> -> memref<128xi32, #tpu.memory_space<vmem>>
          %dma_wait3A_158 = arith.constant 0 : i32
          %dma_wait3A_159 = arith.constant 0 : i32
          %dma_wait3A_160 = tpu.memref_slice %arg2[%dma_wait3A_158, %dma_wait3A_159] : memref<10000x64xf32, #tpu.memory_space<hbm>> -> memref<10000x64xf32, #tpu.memory_space<hbm>>
          tpu.wait_indirect_dma semaphore(%arg29 : memref<!tpu.dma_semaphore, #tpu.memory_space<semaphore_mem>>) src(%dma_wait3A_160 : memref<10000x64xf32, #tpu.memory_space<hbm>>) dst(%arg24 : memref<128x64xf32, #tpu.memory_space<vmem>>)
          %dma_wait3A_161 = tpu.memref_slice %arg18[%mul3A_152] : memref<10240xi32, #tpu.memory_space<vmem>> -> memref<128xi32, #tpu.memory_space<vmem>>
          %dma_wait3A_162 = arith.constant 0 : i32
          %dma_wait3A_163 = arith.constant 0 : i32
          %dma_wait3A_164 = tpu.memref_slice %arg2[%dma_wait3A_162, %dma_wait3A_163] : memref<10000x64xf32, #tpu.memory_space<hbm>> -> memref<10000x64xf32, #tpu.memory_space<hbm>>
          tpu.wait_indirect_dma semaphore(%arg29 : memref<!tpu.dma_semaphore, #tpu.memory_space<semaphore_mem>>) src(%dma_wait3A_164 : memref<10000x64xf32, #tpu.memory_space<hbm>>) dst(%arg25 : memref<128x64xf32, #tpu.memory_space<vmem>>)
          %mul3A_165 = arith.constant 2 : i32
          %mul3A_166 = arith.muli %scan3A_98, %mul3A_165 : i32
          %add3A_167 = arith.constant 0 : i32
          %add3A_168 = arith.addi %mul3A_166, %add3A_167 : i32
          %dma_start3A_169 = arith.constant 0 : i32
          %dma_start3A_170 = tpu.memref_slice %arg19[%add3A_168, %dma_start3A_169] : memref<80x128xi32, #tpu.memory_space<vmem>> -> memref<1x128xi32, #tpu.memory_space<vmem>>
          %dma_start3A_171 = tpu.memref_squeeze %dma_start3A_170 : memref<1x128xi32, #tpu.memory_space<vmem>> -> memref<128xi32, #tpu.memory_space<vmem>>
          %dma_start3A_172 = arith.constant 0 : i32
          %dma_start3A_173 = arith.constant 0 : i32
          %dma_start3A_174 = tpu.memref_slice %arg28[%dma_start3A_172, %dma_start3A_173] : memref<10240x64xf32, #tpu.memory_space<vmem_shared>> -> memref<10240x64xf32, #tpu.memory_space<vmem_shared>>
          tpu.enqueue_indirect_dma source(%arg24 : memref<128x64xf32, #tpu.memory_space<vmem>>) target(%dma_start3A_174 : memref<10240x64xf32, #tpu.memory_space<vmem_shared>>) offsets(%dma_start3A_171 : memref<128xi32, #tpu.memory_space<vmem>>) semaphore(%arg30 : memref<!tpu.dma_semaphore, #tpu.memory_space<semaphore_mem>>) {add = true}
          %mul3A_175 = arith.constant 2 : i32
          %mul3A_176 = arith.muli %scan3A_98, %mul3A_175 : i32
          %add3A_177 = arith.constant 1 : i32
          %add3A_178 = arith.addi %mul3A_176, %add3A_177 : i32
          %dma_start3A_179 = arith.constant 0 : i32
          %dma_start3A_180 = tpu.memref_slice %arg19[%add3A_178, %dma_start3A_179] : memref<80x128xi32, #tpu.memory_space<vmem>> -> memref<1x128xi32, #tpu.memory_space<vmem>>
          %dma_start3A_181 = tpu.memref_squeeze %dma_start3A_180 : memref<1x128xi32, #tpu.memory_space<vmem>> -> memref<128xi32, #tpu.memory_space<vmem>>
          %dma_start3A_182 = arith.constant 0 : i32
          %dma_start3A_183 = arith.constant 0 : i32
          %dma_start3A_184 = tpu.memref_slice %arg28[%dma_start3A_182, %dma_start3A_183] : memref<10240x64xf32, #tpu.memory_space<vmem_shared>> -> memref<10240x64xf32, #tpu.memory_space<vmem_shared>>
          tpu.enqueue_indirect_dma source(%arg25 : memref<128x64xf32, #tpu.memory_space<vmem>>) target(%dma_start3A_184 : memref<10240x64xf32, #tpu.memory_space<vmem_shared>>) offsets(%dma_start3A_181 : memref<128xi32, #tpu.memory_space<vmem>>) semaphore(%arg30 : memref<!tpu.dma_semaphore, #tpu.memory_space<semaphore_mem>>) {add = true}
        } else {
        }
      }
      %scan3A_14 = arith.constant 40 : i32
      %dma_wait3A = arith.constant 0 : i32
      %dma_wait3A_15 = arith.constant 0 : i32
      %dma_wait3A_16 = tpu.memref_slice %arg14[%dma_wait3A, %dma_wait3A_15] : memref<640x64xf32, #tpu.memory_space<hbm>> -> memref<128x64xf32, #tpu.memory_space<hbm>>
      %dma_wait3A_17 = arith.constant 0 : i32
      %dma_wait3A_18 = arith.constant 0 : i32
      %dma_wait3A_19 = tpu.memref_slice %arg14[%dma_wait3A_17, %dma_wait3A_18] : memref<640x64xf32, #tpu.memory_space<hbm>> -> memref<128x64xf32, #tpu.memory_space<hbm>>
      tpu.wait_dma2 semaphore(%arg30 : memref<!tpu.dma_semaphore, #tpu.memory_space<semaphore_mem>>) src(%dma_wait3A_19 : memref<128x64xf32, #tpu.memory_space<hbm>>) dst(%arg22 : memref<128x64xf32, #tpu.memory_space<vmem>>)
      %dma_wait3A_20 = arith.constant 0 : i32
      %dma_wait3A_21 = arith.constant 0 : i32
      %dma_wait3A_22 = tpu.memref_slice %arg14[%dma_wait3A_20, %dma_wait3A_21] : memref<640x64xf32, #tpu.memory_space<hbm>> -> memref<128x64xf32, #tpu.memory_space<hbm>>
      %dma_wait3A_23 = arith.constant 0 : i32
      %dma_wait3A_24 = arith.constant 0 : i32
      %dma_wait3A_25 = tpu.memref_slice %arg14[%dma_wait3A_23, %dma_wait3A_24] : memref<640x64xf32, #tpu.memory_space<hbm>> -> memref<128x64xf32, #tpu.memory_space<hbm>>
      tpu.wait_dma2 semaphore(%arg30 : memref<!tpu.dma_semaphore, #tpu.memory_space<semaphore_mem>>) src(%dma_wait3A_25 : memref<128x64xf32, #tpu.memory_space<hbm>>) dst(%arg23 : memref<128x64xf32, #tpu.memory_space<vmem>>)
      %dma_wait3A_26 = arith.constant 0 : i32
      %dma_wait3A_27 = arith.constant 0 : i32
      %dma_wait3A_28 = tpu.memref_slice %arg14[%dma_wait3A_26, %dma_wait3A_27] : memref<640x64xf32, #tpu.memory_space<hbm>> -> memref<128x64xf32, #tpu.memory_space<hbm>>
      %dma_wait3A_29 = arith.constant 0 : i32
      %dma_wait3A_30 = arith.constant 0 : i32
      %dma_wait3A_31 = tpu.memref_slice %arg14[%dma_wait3A_29, %dma_wait3A_30] : memref<640x64xf32, #tpu.memory_space<hbm>> -> memref<128x64xf32, #tpu.memory_space<hbm>>
      tpu.wait_dma2 semaphore(%arg30 : memref<!tpu.dma_semaphore, #tpu.memory_space<semaphore_mem>>) src(%dma_wait3A_31 : memref<128x64xf32, #tpu.memory_space<hbm>>) dst(%arg24 : memref<128x64xf32, #tpu.memory_space<vmem>>)
      %dma_wait3A_32 = arith.constant 0 : i32
      %dma_wait3A_33 = arith.constant 0 : i32
      %dma_wait3A_34 = tpu.memref_slice %arg14[%dma_wait3A_32, %dma_wait3A_33] : memref<640x64xf32, #tpu.memory_space<hbm>> -> memref<128x64xf32, #tpu.memory_space<hbm>>
      %dma_wait3A_35 = arith.constant 0 : i32
      %dma_wait3A_36 = arith.constant 0 : i32
      %dma_wait3A_37 = tpu.memref_slice %arg14[%dma_wait3A_35, %dma_wait3A_36] : memref<640x64xf32, #tpu.memory_space<hbm>> -> memref<128x64xf32, #tpu.memory_space<hbm>>
      tpu.wait_dma2 semaphore(%arg30 : memref<!tpu.dma_semaphore, #tpu.memory_space<semaphore_mem>>) src(%dma_wait3A_37 : memref<128x64xf32, #tpu.memory_space<hbm>>) dst(%arg25 : memref<128x64xf32, #tpu.memory_space<vmem>>)
      %barrier3A_38 = arith.constant 0 : index
      tpu.barrier barrier_id(%barrier3A_38)
      "tpu.region"() ({
        %run_scoped3A = tpu.sem_alloc : memref<!tpu.dma_semaphore, #tpu.memory_space<semaphore_mem>>
        %dma_start3A = arith.constant 0 : i32
        %dma_start3A_98 = tpu.memref_slice %arg15[%mul3A_0, %dma_start3A] : memref<10240x128xf32, #tpu.memory_space<hbm>> -> memref<640x64xf32, #tpu.memory_space<hbm>>
        %dma_start3A_99 = arith.constant 0 : i32
        %dma_start3A_100 = tpu.memref_slice %arg28[%mul3A_0, %dma_start3A_99] : memref<10240x64xf32, #tpu.memory_space<vmem_shared>> -> memref<640x64xf32, #tpu.memory_space<vmem_shared>>
        tpu.enqueue_dma source(%dma_start3A_100 : memref<640x64xf32, #tpu.memory_space<vmem_shared>>) target(%dma_start3A_98 : memref<640x64xf32, #tpu.memory_space<hbm>>) target_semaphore(%run_scoped3A : memref<!tpu.dma_semaphore, #tpu.memory_space<semaphore_mem>>)
        %dma_wait3A_101 = arith.constant 0 : i32
        %dma_wait3A_102 = tpu.memref_slice %arg15[%mul3A_0, %dma_wait3A_101] : memref<10240x128xf32, #tpu.memory_space<hbm>> -> memref<640x64xf32, #tpu.memory_space<hbm>>
        %dma_wait3A_103 = arith.constant 0 : i32
        %dma_wait3A_104 = tpu.memref_slice %arg28[%mul3A_0, %dma_wait3A_103] : memref<10240x64xf32, #tpu.memory_space<vmem_shared>> -> memref<640x64xf32, #tpu.memory_space<vmem_shared>>
        tpu.wait_dma2 semaphore(%run_scoped3A : memref<!tpu.dma_semaphore, #tpu.memory_space<semaphore_mem>>) src(%dma_wait3A_104 : memref<640x64xf32, #tpu.memory_space<vmem_shared>>) dst(%dma_wait3A_102 : memref<640x64xf32, #tpu.memory_space<hbm>>)
        tpu.yield
      }) : () -> ()
      %barrier3A_39 = arith.constant 0 : index
      tpu.barrier barrier_id(%barrier3A_39)
      %mul3A_40 = arith.constant 640 : i32
      %mul3A_41 = arith.muli %arg1, %mul3A_40 : i32
      "tpu.region"() ({
        %run_scoped3A = tpu.sem_alloc : memref<!tpu.dma_semaphore, #tpu.memory_space<semaphore_mem>>
        %dma_start3A = arith.constant 0 : i32
        %dma_start3A_98 = tpu.memref_slice %arg28[%mul3A_41, %dma_start3A] : memref<10240x64xf32, #tpu.memory_space<vmem_shared>> -> memref<640x64xf32, #tpu.memory_space<vmem_shared>>
        tpu.enqueue_dma source(%arg14 : memref<640x64xf32, #tpu.memory_space<hbm>>) target(%dma_start3A_98 : memref<640x64xf32, #tpu.memory_space<vmem_shared>>) target_semaphore(%run_scoped3A : memref<!tpu.dma_semaphore, #tpu.memory_space<semaphore_mem>>)
        %dma_wait3A_99 = arith.constant 0 : i32
        %dma_wait3A_100 = tpu.memref_slice %arg28[%mul3A_41, %dma_wait3A_99] : memref<10240x64xf32, #tpu.memory_space<vmem_shared>> -> memref<640x64xf32, #tpu.memory_space<vmem_shared>>
        tpu.wait_dma2 semaphore(%run_scoped3A : memref<!tpu.dma_semaphore, #tpu.memory_space<semaphore_mem>>) src(%arg14 : memref<640x64xf32, #tpu.memory_space<hbm>>) dst(%dma_wait3A_100 : memref<640x64xf32, #tpu.memory_space<vmem_shared>>)
        tpu.yield
      }) : () -> ()
      %barrier3A_42 = arith.constant 0 : index
      tpu.barrier barrier_id(%barrier3A_42)
      %scan3A_43 = arith.constant 0 : i32
      %scan3A_44 = arith.constant 0 : i32
      %scan3A_45 = arith.constant 40 : i32
      %scan3A_46 = arith.addi %scan3A_44, %scan3A_45 : i32
      %scan3A_47 = arith.constant 1 : i32
      scf.for %scan3A_98 = %scan3A_44 to %scan3A_46 step %scan3A_47  : i32 {
        %jit3A = arith.constant 2 : i32
        %eq3A_99 = arith.constant 0 : i32
        %eq3A_100 = arith.cmpi eq, %jit3A, %eq3A_99 : i32
        %jit3A_101 = arith.constant 1 : i32
        %select_n3A = arith.select %eq3A_100, %jit3A_101, %jit3A : i32
        %rem3A = arith.remsi %scan3A_98, %select_n3A : i32
        %ne3A = arith.constant 0 : i32
        %ne3A_102 = arith.cmpi ne, %rem3A, %ne3A : i32
        %lt3A = arith.constant 0 : i32
        %lt3A_103 = arith.cmpi slt, %rem3A, %lt3A : i32
        %lt3A_104 = arith.constant 0 : i32
        %lt3A_105 = arith.cmpi slt, %select_n3A, %lt3A_104 : i32
        %ne3A_106 = arith.xori %lt3A_103, %lt3A_105 : i1
        %and3A = arith.andi %ne3A_106, %ne3A_102 : i1
        %add3A = arith.addi %rem3A, %select_n3A : i32
        %select_n3A_107 = arith.select %and3A, %add3A, %rem3A : i32
        %eq3A_108 = arith.constant 0 : i32
        %eq3A_109 = arith.cmpi eq, %select_n3A_107, %eq3A_108 : i32
        %convert_element_type3A_110 = arith.extui %eq3A_109 : i1 to i32
        %cond3A_111 = arith.constant 0 : i32
        %cond3A_112 = arith.cmpi ne, %convert_element_type3A_110, %cond3A_111 : i32
        scf.if %cond3A_112 {
          %ge3A = arith.constant 2 : i32
          %ge3A_134 = arith.cmpi sge, %scan3A_98, %ge3A : i32
          %convert_element_type3A_135 = arith.extui %ge3A_134 : i1 to i32
          %cond3A_136 = arith.constant 0 : i32
          %cond3A_137 = arith.cmpi ne, %convert_element_type3A_135, %cond3A_136 : i32
          scf.if %cond3A_137 {
            %dma_wait3A_185 = arith.constant 0 : i32
            %dma_wait3A_186 = arith.constant 0 : i32
            %dma_wait3A_187 = tpu.memref_slice %arg14[%dma_wait3A_185, %dma_wait3A_186] : memref<640x64xf32, #tpu.memory_space<hbm>> -> memref<128x64xf32, #tpu.memory_space<hbm>>
            %dma_wait3A_188 = arith.constant 0 : i32
            %dma_wait3A_189 = arith.constant 0 : i32
            %dma_wait3A_190 = tpu.memref_slice %arg14[%dma_wait3A_188, %dma_wait3A_189] : memref<640x64xf32, #tpu.memory_space<hbm>> -> memref<128x64xf32, #tpu.memory_space<hbm>>
            tpu.wait_dma2 semaphore(%arg30 : memref<!tpu.dma_semaphore, #tpu.memory_space<semaphore_mem>>) src(%dma_wait3A_190 : memref<128x64xf32, #tpu.memory_space<hbm>>) dst(%arg22 : memref<128x64xf32, #tpu.memory_space<vmem>>)
            %dma_wait3A_191 = arith.constant 0 : i32
            %dma_wait3A_192 = arith.constant 0 : i32
            %dma_wait3A_193 = tpu.memref_slice %arg14[%dma_wait3A_191, %dma_wait3A_192] : memref<640x64xf32, #tpu.memory_space<hbm>> -> memref<128x64xf32, #tpu.memory_space<hbm>>
            %dma_wait3A_194 = arith.constant 0 : i32
            %dma_wait3A_195 = arith.constant 0 : i32
            %dma_wait3A_196 = tpu.memref_slice %arg14[%dma_wait3A_194, %dma_wait3A_195] : memref<640x64xf32, #tpu.memory_space<hbm>> -> memref<128x64xf32, #tpu.memory_space<hbm>>
            tpu.wait_dma2 semaphore(%arg30 : memref<!tpu.dma_semaphore, #tpu.memory_space<semaphore_mem>>) src(%dma_wait3A_196 : memref<128x64xf32, #tpu.memory_space<hbm>>) dst(%arg23 : memref<128x64xf32, #tpu.memory_space<vmem>>)
          } else {
          }
          %mul3A_138 = arith.constant 2 : i32
          %mul3A_139 = arith.muli %scan3A_98, %mul3A_138 : i32
          %add3A_140 = arith.constant 0 : i32
          %add3A_141 = arith.addi %mul3A_139, %add3A_140 : i32
          %mul3A_142 = arith.constant 128 : i32
          %mul3A_143 = arith.muli %add3A_141, %mul3A_142 : i32
          %dma_start3A = tpu.memref_slice %arg18[%mul3A_143] : memref<10240xi32, #tpu.memory_space<vmem>> -> memref<128xi32, #tpu.memory_space<vmem>>
          %dma_start3A_144 = arith.constant 0 : i32
          %dma_start3A_145 = arith.constant 0 : i32
          %dma_start3A_146 = tpu.memref_slice %arg3[%dma_start3A_144, %dma_start3A_145] : memref<10000x64xf32, #tpu.memory_space<hbm>> -> memref<10000x64xf32, #tpu.memory_space<hbm>>
          tpu.enqueue_indirect_dma source(%dma_start3A_146 : memref<10000x64xf32, #tpu.memory_space<hbm>>) target(%arg22 : memref<128x64xf32, #tpu.memory_space<vmem>>) offsets(%dma_start3A : memref<128xi32, #tpu.memory_space<vmem>>) semaphore(%arg29 : memref<!tpu.dma_semaphore, #tpu.memory_space<semaphore_mem>>)
          %mul3A_147 = arith.constant 2 : i32
          %mul3A_148 = arith.muli %scan3A_98, %mul3A_147 : i32
          %add3A_149 = arith.constant 1 : i32
          %add3A_150 = arith.addi %mul3A_148, %add3A_149 : i32
          %mul3A_151 = arith.constant 128 : i32
          %mul3A_152 = arith.muli %add3A_150, %mul3A_151 : i32
          %dma_start3A_153 = tpu.memref_slice %arg18[%mul3A_152] : memref<10240xi32, #tpu.memory_space<vmem>> -> memref<128xi32, #tpu.memory_space<vmem>>
          %dma_start3A_154 = arith.constant 0 : i32
          %dma_start3A_155 = arith.constant 0 : i32
          %dma_start3A_156 = tpu.memref_slice %arg3[%dma_start3A_154, %dma_start3A_155] : memref<10000x64xf32, #tpu.memory_space<hbm>> -> memref<10000x64xf32, #tpu.memory_space<hbm>>
          tpu.enqueue_indirect_dma source(%dma_start3A_156 : memref<10000x64xf32, #tpu.memory_space<hbm>>) target(%arg23 : memref<128x64xf32, #tpu.memory_space<vmem>>) offsets(%dma_start3A_153 : memref<128xi32, #tpu.memory_space<vmem>>) semaphore(%arg29 : memref<!tpu.dma_semaphore, #tpu.memory_space<semaphore_mem>>)
          %dma_wait3A_157 = tpu.memref_slice %arg18[%mul3A_143] : memref<10240xi32, #tpu.memory_space<vmem>> -> memref<128xi32, #tpu.memory_space<vmem>>
          %dma_wait3A_158 = arith.constant 0 : i32
          %dma_wait3A_159 = arith.constant 0 : i32
          %dma_wait3A_160 = tpu.memref_slice %arg3[%dma_wait3A_158, %dma_wait3A_159] : memref<10000x64xf32, #tpu.memory_space<hbm>> -> memref<10000x64xf32, #tpu.memory_space<hbm>>
          tpu.wait_indirect_dma semaphore(%arg29 : memref<!tpu.dma_semaphore, #tpu.memory_space<semaphore_mem>>) src(%dma_wait3A_160 : memref<10000x64xf32, #tpu.memory_space<hbm>>) dst(%arg22 : memref<128x64xf32, #tpu.memory_space<vmem>>)
          %dma_wait3A_161 = tpu.memref_slice %arg18[%mul3A_152] : memref<10240xi32, #tpu.memory_space<vmem>> -> memref<128xi32, #tpu.memory_space<vmem>>
          %dma_wait3A_162 = arith.constant 0 : i32
          %dma_wait3A_163 = arith.constant 0 : i32
          %dma_wait3A_164 = tpu.memref_slice %arg3[%dma_wait3A_162, %dma_wait3A_163] : memref<10000x64xf32, #tpu.memory_space<hbm>> -> memref<10000x64xf32, #tpu.memory_space<hbm>>
          tpu.wait_indirect_dma semaphore(%arg29 : memref<!tpu.dma_semaphore, #tpu.memory_space<semaphore_mem>>) src(%dma_wait3A_164 : memref<10000x64xf32, #tpu.memory_space<hbm>>) dst(%arg23 : memref<128x64xf32, #tpu.memory_space<vmem>>)
          %mul3A_165 = arith.constant 2 : i32
          %mul3A_166 = arith.muli %scan3A_98, %mul3A_165 : i32
          %add3A_167 = arith.constant 0 : i32
          %add3A_168 = arith.addi %mul3A_166, %add3A_167 : i32
          %dma_start3A_169 = arith.constant 0 : i32
          %dma_start3A_170 = tpu.memref_slice %arg19[%add3A_168, %dma_start3A_169] : memref<80x128xi32, #tpu.memory_space<vmem>> -> memref<1x128xi32, #tpu.memory_space<vmem>>
          %dma_start3A_171 = tpu.memref_squeeze %dma_start3A_170 : memref<1x128xi32, #tpu.memory_space<vmem>> -> memref<128xi32, #tpu.memory_space<vmem>>
          %dma_start3A_172 = arith.constant 0 : i32
          %dma_start3A_173 = arith.constant 0 : i32
          %dma_start3A_174 = tpu.memref_slice %arg28[%dma_start3A_172, %dma_start3A_173] : memref<10240x64xf32, #tpu.memory_space<vmem_shared>> -> memref<10240x64xf32, #tpu.memory_space<vmem_shared>>
          tpu.enqueue_indirect_dma source(%arg22 : memref<128x64xf32, #tpu.memory_space<vmem>>) target(%dma_start3A_174 : memref<10240x64xf32, #tpu.memory_space<vmem_shared>>) offsets(%dma_start3A_171 : memref<128xi32, #tpu.memory_space<vmem>>) semaphore(%arg30 : memref<!tpu.dma_semaphore, #tpu.memory_space<semaphore_mem>>) {add = true}
          %mul3A_175 = arith.constant 2 : i32
          %mul3A_176 = arith.muli %scan3A_98, %mul3A_175 : i32
          %add3A_177 = arith.constant 1 : i32
          %add3A_178 = arith.addi %mul3A_176, %add3A_177 : i32
          %dma_start3A_179 = arith.constant 0 : i32
          %dma_start3A_180 = tpu.memref_slice %arg19[%add3A_178, %dma_start3A_179] : memref<80x128xi32, #tpu.memory_space<vmem>> -> memref<1x128xi32, #tpu.memory_space<vmem>>
          %dma_start3A_181 = tpu.memref_squeeze %dma_start3A_180 : memref<1x128xi32, #tpu.memory_space<vmem>> -> memref<128xi32, #tpu.memory_space<vmem>>
          %dma_start3A_182 = arith.constant 0 : i32
          %dma_start3A_183 = arith.constant 0 : i32
          %dma_start3A_184 = tpu.memref_slice %arg28[%dma_start3A_182, %dma_start3A_183] : memref<10240x64xf32, #tpu.memory_space<vmem_shared>> -> memref<10240x64xf32, #tpu.memory_space<vmem_shared>>
          tpu.enqueue_indirect_dma source(%arg23 : memref<128x64xf32, #tpu.memory_space<vmem>>) target(%dma_start3A_184 : memref<10240x64xf32, #tpu.memory_space<vmem_shared>>) offsets(%dma_start3A_181 : memref<128xi32, #tpu.memory_space<vmem>>) semaphore(%arg30 : memref<!tpu.dma_semaphore, #tpu.memory_space<semaphore_mem>>) {add = true}
        } else {
        }
        %jit3A_113 = arith.constant 2 : i32
        %eq3A_114 = arith.constant 0 : i32
        %eq3A_115 = arith.cmpi eq, %jit3A_113, %eq3A_114 : i32
        %jit3A_116 = arith.constant 1 : i32
        %select_n3A_117 = arith.select %eq3A_115, %jit3A_116, %jit3A_113 : i32
        %rem3A_118 = arith.remsi %scan3A_98, %select_n3A_117 : i32
        %ne3A_119 = arith.constant 0 : i32
        %ne3A_120 = arith.cmpi ne, %rem3A_118, %ne3A_119 : i32
        %lt3A_121 = arith.constant 0 : i32
        %lt3A_122 = arith.cmpi slt, %rem3A_118, %lt3A_121 : i32
        %lt3A_123 = arith.constant 0 : i32
        %lt3A_124 = arith.cmpi slt, %select_n3A_117, %lt3A_123 : i32
        %ne3A_125 = arith.xori %lt3A_122, %lt3A_124 : i1
        %and3A_126 = arith.andi %ne3A_125, %ne3A_120 : i1
        %add3A_127 = arith.addi %rem3A_118, %select_n3A_117 : i32
        %select_n3A_128 = arith.select %and3A_126, %add3A_127, %rem3A_118 : i32
        %eq3A_129 = arith.constant 1 : i32
        %eq3A_130 = arith.cmpi eq, %select_n3A_128, %eq3A_129 : i32
        %convert_element_type3A_131 = arith.extui %eq3A_130 : i1 to i32
        %cond3A_132 = arith.constant 0 : i32
        %cond3A_133 = arith.cmpi ne, %convert_element_type3A_131, %cond3A_132 : i32
        scf.if %cond3A_133 {
          %ge3A = arith.constant 2 : i32
          %ge3A_134 = arith.cmpi sge, %scan3A_98, %ge3A : i32
          %convert_element_type3A_135 = arith.extui %ge3A_134 : i1 to i32
          %cond3A_136 = arith.constant 0 : i32
          %cond3A_137 = arith.cmpi ne, %convert_element_type3A_135, %cond3A_136 : i32
          scf.if %cond3A_137 {
            %dma_wait3A_185 = arith.constant 0 : i32
            %dma_wait3A_186 = arith.constant 0 : i32
            %dma_wait3A_187 = tpu.memref_slice %arg14[%dma_wait3A_185, %dma_wait3A_186] : memref<640x64xf32, #tpu.memory_space<hbm>> -> memref<128x64xf32, #tpu.memory_space<hbm>>
            %dma_wait3A_188 = arith.constant 0 : i32
            %dma_wait3A_189 = arith.constant 0 : i32
            %dma_wait3A_190 = tpu.memref_slice %arg14[%dma_wait3A_188, %dma_wait3A_189] : memref<640x64xf32, #tpu.memory_space<hbm>> -> memref<128x64xf32, #tpu.memory_space<hbm>>
            tpu.wait_dma2 semaphore(%arg30 : memref<!tpu.dma_semaphore, #tpu.memory_space<semaphore_mem>>) src(%dma_wait3A_190 : memref<128x64xf32, #tpu.memory_space<hbm>>) dst(%arg24 : memref<128x64xf32, #tpu.memory_space<vmem>>)
            %dma_wait3A_191 = arith.constant 0 : i32
            %dma_wait3A_192 = arith.constant 0 : i32
            %dma_wait3A_193 = tpu.memref_slice %arg14[%dma_wait3A_191, %dma_wait3A_192] : memref<640x64xf32, #tpu.memory_space<hbm>> -> memref<128x64xf32, #tpu.memory_space<hbm>>
            %dma_wait3A_194 = arith.constant 0 : i32
            %dma_wait3A_195 = arith.constant 0 : i32
            %dma_wait3A_196 = tpu.memref_slice %arg14[%dma_wait3A_194, %dma_wait3A_195] : memref<640x64xf32, #tpu.memory_space<hbm>> -> memref<128x64xf32, #tpu.memory_space<hbm>>
            tpu.wait_dma2 semaphore(%arg30 : memref<!tpu.dma_semaphore, #tpu.memory_space<semaphore_mem>>) src(%dma_wait3A_196 : memref<128x64xf32, #tpu.memory_space<hbm>>) dst(%arg25 : memref<128x64xf32, #tpu.memory_space<vmem>>)
          } else {
          }
          %mul3A_138 = arith.constant 2 : i32
          %mul3A_139 = arith.muli %scan3A_98, %mul3A_138 : i32
          %add3A_140 = arith.constant 0 : i32
          %add3A_141 = arith.addi %mul3A_139, %add3A_140 : i32
          %mul3A_142 = arith.constant 128 : i32
          %mul3A_143 = arith.muli %add3A_141, %mul3A_142 : i32
          %dma_start3A = tpu.memref_slice %arg18[%mul3A_143] : memref<10240xi32, #tpu.memory_space<vmem>> -> memref<128xi32, #tpu.memory_space<vmem>>
          %dma_start3A_144 = arith.constant 0 : i32
          %dma_start3A_145 = arith.constant 0 : i32
          %dma_start3A_146 = tpu.memref_slice %arg3[%dma_start3A_144, %dma_start3A_145] : memref<10000x64xf32, #tpu.memory_space<hbm>> -> memref<10000x64xf32, #tpu.memory_space<hbm>>
          tpu.enqueue_indirect_dma source(%dma_start3A_146 : memref<10000x64xf32, #tpu.memory_space<hbm>>) target(%arg24 : memref<128x64xf32, #tpu.memory_space<vmem>>) offsets(%dma_start3A : memref<128xi32, #tpu.memory_space<vmem>>) semaphore(%arg29 : memref<!tpu.dma_semaphore, #tpu.memory_space<semaphore_mem>>)
          %mul3A_147 = arith.constant 2 : i32
          %mul3A_148 = arith.muli %scan3A_98, %mul3A_147 : i32
          %add3A_149 = arith.constant 1 : i32
          %add3A_150 = arith.addi %mul3A_148, %add3A_149 : i32
          %mul3A_151 = arith.constant 128 : i32
          %mul3A_152 = arith.muli %add3A_150, %mul3A_151 : i32
          %dma_start3A_153 = tpu.memref_slice %arg18[%mul3A_152] : memref<10240xi32, #tpu.memory_space<vmem>> -> memref<128xi32, #tpu.memory_space<vmem>>
          %dma_start3A_154 = arith.constant 0 : i32
          %dma_start3A_155 = arith.constant 0 : i32
          %dma_start3A_156 = tpu.memref_slice %arg3[%dma_start3A_154, %dma_start3A_155] : memref<10000x64xf32, #tpu.memory_space<hbm>> -> memref<10000x64xf32, #tpu.memory_space<hbm>>
          tpu.enqueue_indirect_dma source(%dma_start3A_156 : memref<10000x64xf32, #tpu.memory_space<hbm>>) target(%arg25 : memref<128x64xf32, #tpu.memory_space<vmem>>) offsets(%dma_start3A_153 : memref<128xi32, #tpu.memory_space<vmem>>) semaphore(%arg29 : memref<!tpu.dma_semaphore, #tpu.memory_space<semaphore_mem>>)
          %dma_wait3A_157 = tpu.memref_slice %arg18[%mul3A_143] : memref<10240xi32, #tpu.memory_space<vmem>> -> memref<128xi32, #tpu.memory_space<vmem>>
          %dma_wait3A_158 = arith.constant 0 : i32
          %dma_wait3A_159 = arith.constant 0 : i32
          %dma_wait3A_160 = tpu.memref_slice %arg3[%dma_wait3A_158, %dma_wait3A_159] : memref<10000x64xf32, #tpu.memory_space<hbm>> -> memref<10000x64xf32, #tpu.memory_space<hbm>>
          tpu.wait_indirect_dma semaphore(%arg29 : memref<!tpu.dma_semaphore, #tpu.memory_space<semaphore_mem>>) src(%dma_wait3A_160 : memref<10000x64xf32, #tpu.memory_space<hbm>>) dst(%arg24 : memref<128x64xf32, #tpu.memory_space<vmem>>)
          %dma_wait3A_161 = tpu.memref_slice %arg18[%mul3A_152] : memref<10240xi32, #tpu.memory_space<vmem>> -> memref<128xi32, #tpu.memory_space<vmem>>
          %dma_wait3A_162 = arith.constant 0 : i32
          %dma_wait3A_163 = arith.constant 0 : i32
          %dma_wait3A_164 = tpu.memref_slice %arg3[%dma_wait3A_162, %dma_wait3A_163] : memref<10000x64xf32, #tpu.memory_space<hbm>> -> memref<10000x64xf32, #tpu.memory_space<hbm>>
          tpu.wait_indirect_dma semaphore(%arg29 : memref<!tpu.dma_semaphore, #tpu.memory_space<semaphore_mem>>) src(%dma_wait3A_164 : memref<10000x64xf32, #tpu.memory_space<hbm>>) dst(%arg25 : memref<128x64xf32, #tpu.memory_space<vmem>>)
          %mul3A_165 = arith.constant 2 : i32
          %mul3A_166 = arith.muli %scan3A_98, %mul3A_165 : i32
          %add3A_167 = arith.constant 0 : i32
          %add3A_168 = arith.addi %mul3A_166, %add3A_167 : i32
          %dma_start3A_169 = arith.constant 0 : i32
          %dma_start3A_170 = tpu.memref_slice %arg19[%add3A_168, %dma_start3A_169] : memref<80x128xi32, #tpu.memory_space<vmem>> -> memref<1x128xi32, #tpu.memory_space<vmem>>
          %dma_start3A_171 = tpu.memref_squeeze %dma_start3A_170 : memref<1x128xi32, #tpu.memory_space<vmem>> -> memref<128xi32, #tpu.memory_space<vmem>>
          %dma_start3A_172 = arith.constant 0 : i32
          %dma_start3A_173 = arith.constant 0 : i32
          %dma_start3A_174 = tpu.memref_slice %arg28[%dma_start3A_172, %dma_start3A_173] : memref<10240x64xf32, #tpu.memory_space<vmem_shared>> -> memref<10240x64xf32, #tpu.memory_space<vmem_shared>>
          tpu.enqueue_indirect_dma source(%arg24 : memref<128x64xf32, #tpu.memory_space<vmem>>) target(%dma_start3A_174 : memref<10240x64xf32, #tpu.memory_space<vmem_shared>>) offsets(%dma_start3A_171 : memref<128xi32, #tpu.memory_space<vmem>>) semaphore(%arg30 : memref<!tpu.dma_semaphore, #tpu.memory_space<semaphore_mem>>) {add = true}
          %mul3A_175 = arith.constant 2 : i32
          %mul3A_176 = arith.muli %scan3A_98, %mul3A_175 : i32
          %add3A_177 = arith.constant 1 : i32
          %add3A_178 = arith.addi %mul3A_176, %add3A_177 : i32
          %dma_start3A_179 = arith.constant 0 : i32
          %dma_start3A_180 = tpu.memref_slice %arg19[%add3A_178, %dma_start3A_179] : memref<80x128xi32, #tpu.memory_space<vmem>> -> memref<1x128xi32, #tpu.memory_space<vmem>>
          %dma_start3A_181 = tpu.memref_squeeze %dma_start3A_180 : memref<1x128xi32, #tpu.memory_space<vmem>> -> memref<128xi32, #tpu.memory_space<vmem>>
          %dma_start3A_182 = arith.constant 0 : i32
          %dma_start3A_183 = arith.constant 0 : i32
          %dma_start3A_184 = tpu.memref_slice %arg28[%dma_start3A_182, %dma_start3A_183] : memref<10240x64xf32, #tpu.memory_space<vmem_shared>> -> memref<10240x64xf32, #tpu.memory_space<vmem_shared>>
          tpu.enqueue_indirect_dma source(%arg25 : memref<128x64xf32, #tpu.memory_space<vmem>>) target(%dma_start3A_184 : memref<10240x64xf32, #tpu.memory_space<vmem_shared>>) offsets(%dma_start3A_181 : memref<128xi32, #tpu.memory_space<vmem>>) semaphore(%arg30 : memref<!tpu.dma_semaphore, #tpu.memory_space<semaphore_mem>>) {add = true}
        } else {
        }
      }
      %scan3A_48 = arith.constant 40 : i32
      %dma_wait3A_49 = arith.constant 0 : i32
      %dma_wait3A_50 = arith.constant 0 : i32
      %dma_wait3A_51 = tpu.memref_slice %arg14[%dma_wait3A_49, %dma_wait3A_50] : memref<640x64xf32, #tpu.memory_space<hbm>> -> memref<128x64xf32, #tpu.memory_space<hbm>>
      %dma_wait3A_52 = arith.constant 0 : i32
      %dma_wait3A_53 = arith.constant 0 : i32
      %dma_wait3A_54 = tpu.memref_slice %arg14[%dma_wait3A_52, %dma_wait3A_53] : memref<640x64xf32, #tpu.memory_space<hbm>> -> memref<128x64xf32, #tpu.memory_space<hbm>>
      tpu.wait_dma2 semaphore(%arg30 : memref<!tpu.dma_semaphore, #tpu.memory_space<semaphore_mem>>) src(%dma_wait3A_54 : memref<128x64xf32, #tpu.memory_space<hbm>>) dst(%arg22 : memref<128x64xf32, #tpu.memory_space<vmem>>)
      %dma_wait3A_55 = arith.constant 0 : i32
      %dma_wait3A_56 = arith.constant 0 : i32
      %dma_wait3A_57 = tpu.memref_slice %arg14[%dma_wait3A_55, %dma_wait3A_56] : memref<640x64xf32, #tpu.memory_space<hbm>> -> memref<128x64xf32, #tpu.memory_space<hbm>>
      %dma_wait3A_58 = arith.constant 0 : i32
      %dma_wait3A_59 = arith.constant 0 : i32
      %dma_wait3A_60 = tpu.memref_slice %arg14[%dma_wait3A_58, %dma_wait3A_59] : memref<640x64xf32, #tpu.memory_space<hbm>> -> memref<128x64xf32, #tpu.memory_space<hbm>>
      tpu.wait_dma2 semaphore(%arg30 : memref<!tpu.dma_semaphore, #tpu.memory_space<semaphore_mem>>) src(%dma_wait3A_60 : memref<128x64xf32, #tpu.memory_space<hbm>>) dst(%arg23 : memref<128x64xf32, #tpu.memory_space<vmem>>)
      %dma_wait3A_61 = arith.constant 0 : i32
      %dma_wait3A_62 = arith.constant 0 : i32
      %dma_wait3A_63 = tpu.memref_slice %arg14[%dma_wait3A_61, %dma_wait3A_62] : memref<640x64xf32, #tpu.memory_space<hbm>> -> memref<128x64xf32, #tpu.memory_space<hbm>>
      %dma_wait3A_64 = arith.constant 0 : i32
      %dma_wait3A_65 = arith.constant 0 : i32
      %dma_wait3A_66 = tpu.memref_slice %arg14[%dma_wait3A_64, %dma_wait3A_65] : memref<640x64xf32, #tpu.memory_space<hbm>> -> memref<128x64xf32, #tpu.memory_space<hbm>>
      tpu.wait_dma2 semaphore(%arg30 : memref<!tpu.dma_semaphore, #tpu.memory_space<semaphore_mem>>) src(%dma_wait3A_66 : memref<128x64xf32, #tpu.memory_space<hbm>>) dst(%arg24 : memref<128x64xf32, #tpu.memory_space<vmem>>)
      %dma_wait3A_67 = arith.constant 0 : i32
      %dma_wait3A_68 = arith.constant 0 : i32
      %dma_wait3A_69 = tpu.memref_slice %arg14[%dma_wait3A_67, %dma_wait3A_68] : memref<640x64xf32, #tpu.memory_space<hbm>> -> memref<128x64xf32, #tpu.memory_space<hbm>>
      %dma_wait3A_70 = arith.constant 0 : i32
      %dma_wait3A_71 = arith.constant 0 : i32
      %dma_wait3A_72 = tpu.memref_slice %arg14[%dma_wait3A_70, %dma_wait3A_71] : memref<640x64xf32, #tpu.memory_space<hbm>> -> memref<128x64xf32, #tpu.memory_space<hbm>>
      tpu.wait_dma2 semaphore(%arg30 : memref<!tpu.dma_semaphore, #tpu.memory_space<semaphore_mem>>) src(%dma_wait3A_72 : memref<128x64xf32, #tpu.memory_space<hbm>>) dst(%arg25 : memref<128x64xf32, #tpu.memory_space<vmem>>)
      %barrier3A_73 = arith.constant 0 : index
      tpu.barrier barrier_id(%barrier3A_73)
      "tpu.region"() ({
        %run_scoped3A = tpu.sem_alloc : memref<!tpu.dma_semaphore, #tpu.memory_space<semaphore_mem>>
        %dma_start3A = arith.constant 64 : i32
        %dma_start3A_98 = tpu.memref_slice %arg15[%mul3A_0, %dma_start3A] : memref<10240x128xf32, #tpu.memory_space<hbm>> -> memref<640x64xf32, #tpu.memory_space<hbm>>
        %dma_start3A_99 = arith.constant 0 : i32
        %dma_start3A_100 = tpu.memref_slice %arg28[%mul3A_0, %dma_start3A_99] : memref<10240x64xf32, #tpu.memory_space<vmem_shared>> -> memref<640x64xf32, #tpu.memory_space<vmem_shared>>
        tpu.enqueue_dma source(%dma_start3A_100 : memref<640x64xf32, #tpu.memory_space<vmem_shared>>) target(%dma_start3A_98 : memref<640x64xf32, #tpu.memory_space<hbm>>) target_semaphore(%run_scoped3A : memref<!tpu.dma_semaphore, #tpu.memory_space<semaphore_mem>>)
        %dma_wait3A_101 = arith.constant 64 : i32
        %dma_wait3A_102 = tpu.memref_slice %arg15[%mul3A_0, %dma_wait3A_101] : memref<10240x128xf32, #tpu.memory_space<hbm>> -> memref<640x64xf32, #tpu.memory_space<hbm>>
        %dma_wait3A_103 = arith.constant 0 : i32
        %dma_wait3A_104 = tpu.memref_slice %arg28[%mul3A_0, %dma_wait3A_103] : memref<10240x64xf32, #tpu.memory_space<vmem_shared>> -> memref<640x64xf32, #tpu.memory_space<vmem_shared>>
        tpu.wait_dma2 semaphore(%run_scoped3A : memref<!tpu.dma_semaphore, #tpu.memory_space<semaphore_mem>>) src(%dma_wait3A_104 : memref<640x64xf32, #tpu.memory_space<vmem_shared>>) dst(%dma_wait3A_102 : memref<640x64xf32, #tpu.memory_space<hbm>>)
        tpu.yield
      }) : () -> ()
      %barrier3A_74 = arith.constant 0 : index
      tpu.barrier barrier_id(%barrier3A_74)
      "tpu.region"() ({
        %run_scoped3A = tpu.sem_alloc : memref<!tpu.dma_semaphore, #tpu.memory_space<semaphore_mem>>
        %dma_start3A = arith.constant 0 : i32
        %dma_start3A_98 = tpu.memref_slice %arg10[%arg1, %dma_start3A] : memref<16x5120xi32, #tpu.memory_space<hbm>> -> memref<1x5120xi32, #tpu.memory_space<hbm>>
        %dma_start3A_99 = tpu.memref_squeeze %dma_start3A_98 : memref<1x5120xi32, #tpu.memory_space<hbm>> -> memref<5120xi32, #tpu.memory_space<hbm>>
        %dma_start3A_100 = arith.constant 0 : i32
        %dma_start3A_101 = tpu.memref_slice %arg10[%arg1, %dma_start3A_100] : memref<16x5120xi32, #tpu.memory_space<hbm>> -> memref<1x5120xi32, #tpu.memory_space<hbm>>
        %dma_start3A_102 = tpu.memref_squeeze %dma_start3A_101 : memref<1x5120xi32, #tpu.memory_space<hbm>> -> memref<5120xi32, #tpu.memory_space<hbm>>
        tpu.enqueue_dma source(%dma_start3A_102 : memref<5120xi32, #tpu.memory_space<hbm>>) target(%arg20 : memref<5120xi32, #tpu.memory_space<vmem>>) target_semaphore(%run_scoped3A : memref<!tpu.dma_semaphore, #tpu.memory_space<semaphore_mem>>)
        %dma_wait3A_103 = arith.constant 0 : i32
        %dma_wait3A_104 = tpu.memref_slice %arg10[%arg1, %dma_wait3A_103] : memref<16x5120xi32, #tpu.memory_space<hbm>> -> memref<1x5120xi32, #tpu.memory_space<hbm>>
        %dma_wait3A_105 = tpu.memref_squeeze %dma_wait3A_104 : memref<1x5120xi32, #tpu.memory_space<hbm>> -> memref<5120xi32, #tpu.memory_space<hbm>>
        %dma_wait3A_106 = arith.constant 0 : i32
        %dma_wait3A_107 = tpu.memref_slice %arg10[%arg1, %dma_wait3A_106] : memref<16x5120xi32, #tpu.memory_space<hbm>> -> memref<1x5120xi32, #tpu.memory_space<hbm>>
        %dma_wait3A_108 = tpu.memref_squeeze %dma_wait3A_107 : memref<1x5120xi32, #tpu.memory_space<hbm>> -> memref<5120xi32, #tpu.memory_space<hbm>>
        tpu.wait_dma2 semaphore(%run_scoped3A : memref<!tpu.dma_semaphore, #tpu.memory_space<semaphore_mem>>) src(%dma_wait3A_108 : memref<5120xi32, #tpu.memory_space<hbm>>) dst(%arg20 : memref<5120xi32, #tpu.memory_space<vmem>>)
        tpu.yield
      }) : () -> ()
      "tpu.region"() ({
        %run_scoped3A = tpu.sem_alloc : memref<!tpu.dma_semaphore, #tpu.memory_space<semaphore_mem>>
        %dma_start3A = arith.constant 0 : i32
        %dma_start3A_98 = arith.constant 0 : i32
        %dma_start3A_99 = tpu.memref_slice %arg8[%arg1, %dma_start3A, %dma_start3A_98] : memref<16x40x128xi32, #tpu.memory_space<hbm>> -> memref<1x40x128xi32, #tpu.memory_space<hbm>>
        %dma_start3A_100 = tpu.memref_squeeze %dma_start3A_99 : memref<1x40x128xi32, #tpu.memory_space<hbm>> -> memref<40x128xi32, #tpu.memory_space<hbm>>
        %dma_start3A_101 = arith.constant 0 : i32
        %dma_start3A_102 = arith.constant 0 : i32
        %dma_start3A_103 = tpu.memref_slice %arg8[%arg1, %dma_start3A_101, %dma_start3A_102] : memref<16x40x128xi32, #tpu.memory_space<hbm>> -> memref<1x40x128xi32, #tpu.memory_space<hbm>>
        %dma_start3A_104 = tpu.memref_squeeze %dma_start3A_103 : memref<1x40x128xi32, #tpu.memory_space<hbm>> -> memref<40x128xi32, #tpu.memory_space<hbm>>
        tpu.enqueue_dma source(%dma_start3A_104 : memref<40x128xi32, #tpu.memory_space<hbm>>) target(%arg21 : memref<40x128xi32, #tpu.memory_space<vmem>>) target_semaphore(%run_scoped3A : memref<!tpu.dma_semaphore, #tpu.memory_space<semaphore_mem>>)
        %dma_wait3A_105 = arith.constant 0 : i32
        %dma_wait3A_106 = arith.constant 0 : i32
        %dma_wait3A_107 = tpu.memref_slice %arg8[%arg1, %dma_wait3A_105, %dma_wait3A_106] : memref<16x40x128xi32, #tpu.memory_space<hbm>> -> memref<1x40x128xi32, #tpu.memory_space<hbm>>
        %dma_wait3A_108 = tpu.memref_squeeze %dma_wait3A_107 : memref<1x40x128xi32, #tpu.memory_space<hbm>> -> memref<40x128xi32, #tpu.memory_space<hbm>>
        %dma_wait3A_109 = arith.constant 0 : i32
        %dma_wait3A_110 = arith.constant 0 : i32
        %dma_wait3A_111 = tpu.memref_slice %arg8[%arg1, %dma_wait3A_109, %dma_wait3A_110] : memref<16x40x128xi32, #tpu.memory_space<hbm>> -> memref<1x40x128xi32, #tpu.memory_space<hbm>>
        %dma_wait3A_112 = tpu.memref_squeeze %dma_wait3A_111 : memref<1x40x128xi32, #tpu.memory_space<hbm>> -> memref<40x128xi32, #tpu.memory_space<hbm>>
        tpu.wait_dma2 semaphore(%run_scoped3A : memref<!tpu.dma_semaphore, #tpu.memory_space<semaphore_mem>>) src(%dma_wait3A_112 : memref<40x128xi32, #tpu.memory_space<hbm>>) dst(%arg21 : memref<40x128xi32, #tpu.memory_space<vmem>>)
        tpu.yield
      }) : () -> ()
      "tpu.region"() ({
        %run_scoped3A = tpu.sem_alloc : memref<!tpu.dma_semaphore, #tpu.memory_space<semaphore_mem>>
        %dma_start3A = arith.constant 0 : i32
        %dma_start3A_98 = arith.constant 0 : i32
        %dma_start3A_99 = tpu.memref_slice %arg14[%dma_start3A, %dma_start3A_98] : memref<640x64xf32, #tpu.memory_space<hbm>> -> memref<128x64xf32, #tpu.memory_space<hbm>>
        %dma_start3A_100 = arith.constant 0 : i32
        %dma_start3A_101 = arith.constant 0 : i32
        %dma_start3A_102 = tpu.memref_slice %arg14[%dma_start3A_100, %dma_start3A_101] : memref<640x64xf32, #tpu.memory_space<hbm>> -> memref<128x64xf32, #tpu.memory_space<hbm>>
        tpu.enqueue_dma source(%dma_start3A_102 : memref<128x64xf32, #tpu.memory_space<hbm>>) target(%arg22 : memref<128x64xf32, #tpu.memory_space<vmem>>) target_semaphore(%run_scoped3A : memref<!tpu.dma_semaphore, #tpu.memory_space<semaphore_mem>>)
        %dma_wait3A_103 = arith.constant 0 : i32
        %dma_wait3A_104 = arith.constant 0 : i32
        %dma_wait3A_105 = tpu.memref_slice %arg14[%dma_wait3A_103, %dma_wait3A_104] : memref<640x64xf32, #tpu.memory_space<hbm>> -> memref<128x64xf32, #tpu.memory_space<hbm>>
        %dma_wait3A_106 = arith.constant 0 : i32
        %dma_wait3A_107 = arith.constant 0 : i32
        %dma_wait3A_108 = tpu.memref_slice %arg14[%dma_wait3A_106, %dma_wait3A_107] : memref<640x64xf32, #tpu.memory_space<hbm>> -> memref<128x64xf32, #tpu.memory_space<hbm>>
        tpu.wait_dma2 semaphore(%run_scoped3A : memref<!tpu.dma_semaphore, #tpu.memory_space<semaphore_mem>>) src(%dma_wait3A_108 : memref<128x64xf32, #tpu.memory_space<hbm>>) dst(%arg22 : memref<128x64xf32, #tpu.memory_space<vmem>>)
        tpu.yield
      }) : () -> ()
      "tpu.region"() ({
        %run_scoped3A = tpu.sem_alloc : memref<!tpu.dma_semaphore, #tpu.memory_space<semaphore_mem>>
        %dma_start3A = arith.constant 0 : i32
        %dma_start3A_98 = arith.constant 0 : i32
        %dma_start3A_99 = tpu.memref_slice %arg14[%dma_start3A, %dma_start3A_98] : memref<640x64xf32, #tpu.memory_space<hbm>> -> memref<128x64xf32, #tpu.memory_space<hbm>>
        %dma_start3A_100 = arith.constant 0 : i32
        %dma_start3A_101 = arith.constant 0 : i32
        %dma_start3A_102 = tpu.memref_slice %arg14[%dma_start3A_100, %dma_start3A_101] : memref<640x64xf32, #tpu.memory_space<hbm>> -> memref<128x64xf32, #tpu.memory_space<hbm>>
        tpu.enqueue_dma source(%dma_start3A_102 : memref<128x64xf32, #tpu.memory_space<hbm>>) target(%arg23 : memref<128x64xf32, #tpu.memory_space<vmem>>) target_semaphore(%run_scoped3A : memref<!tpu.dma_semaphore, #tpu.memory_space<semaphore_mem>>)
        %dma_wait3A_103 = arith.constant 0 : i32
        %dma_wait3A_104 = arith.constant 0 : i32
        %dma_wait3A_105 = tpu.memref_slice %arg14[%dma_wait3A_103, %dma_wait3A_104] : memref<640x64xf32, #tpu.memory_space<hbm>> -> memref<128x64xf32, #tpu.memory_space<hbm>>
        %dma_wait3A_106 = arith.constant 0 : i32
        %dma_wait3A_107 = arith.constant 0 : i32
        %dma_wait3A_108 = tpu.memref_slice %arg14[%dma_wait3A_106, %dma_wait3A_107] : memref<640x64xf32, #tpu.memory_space<hbm>> -> memref<128x64xf32, #tpu.memory_space<hbm>>
        tpu.wait_dma2 semaphore(%run_scoped3A : memref<!tpu.dma_semaphore, #tpu.memory_space<semaphore_mem>>) src(%dma_wait3A_108 : memref<128x64xf32, #tpu.memory_space<hbm>>) dst(%arg23 : memref<128x64xf32, #tpu.memory_space<vmem>>)
        tpu.yield
      }) : () -> ()
      %mul3A_75 = arith.constant 640 : i32
      %mul3A_76 = arith.muli %arg1, %mul3A_75 : i32
      "tpu.region"() ({
        %run_scoped3A = tpu.sem_alloc : memref<!tpu.dma_semaphore, #tpu.memory_space<semaphore_mem>>
        %dma_start3A = arith.constant 0 : i32
        %dma_start3A_98 = tpu.memref_slice %arg28[%mul3A_76, %dma_start3A] : memref<10240x64xf32, #tpu.memory_space<vmem_shared>> -> memref<640x64xf32, #tpu.memory_space<vmem_shared>>
        tpu.enqueue_dma source(%arg14 : memref<640x64xf32, #tpu.memory_space<hbm>>) target(%dma_start3A_98 : memref<640x64xf32, #tpu.memory_space<vmem_shared>>) target_semaphore(%run_scoped3A : memref<!tpu.dma_semaphore, #tpu.memory_space<semaphore_mem>>)
        %dma_wait3A_99 = arith.constant 0 : i32
        %dma_wait3A_100 = tpu.memref_slice %arg28[%mul3A_76, %dma_wait3A_99] : memref<10240x64xf32, #tpu.memory_space<vmem_shared>> -> memref<640x64xf32, #tpu.memory_space<vmem_shared>>
        tpu.wait_dma2 semaphore(%run_scoped3A : memref<!tpu.dma_semaphore, #tpu.memory_space<semaphore_mem>>) src(%arg14 : memref<640x64xf32, #tpu.memory_space<hbm>>) dst(%dma_wait3A_100 : memref<640x64xf32, #tpu.memory_space<vmem_shared>>)
        tpu.yield
      }) : () -> ()
      %barrier3A_77 = arith.constant 0 : index
      tpu.barrier barrier_id(%barrier3A_77)
      %scan3A_78 = arith.constant 0 : i32
      %scan3A_79 = arith.constant 0 : i32
      %scan3A_80 = arith.constant 40 : i32
      %scan3A_81 = arith.addi %scan3A_79, %scan3A_80 : i32
      %scan3A_82 = arith.constant 1 : i32
      scf.for %scan3A_98 = %scan3A_79 to %scan3A_81 step %scan3A_82  : i32 {
        %jit3A = arith.constant 2 : i32
        %eq3A_99 = arith.constant 0 : i32
        %eq3A_100 = arith.cmpi eq, %jit3A, %eq3A_99 : i32
        %jit3A_101 = arith.constant 1 : i32
        %select_n3A = arith.select %eq3A_100, %jit3A_101, %jit3A : i32
        %rem3A = arith.remsi %scan3A_98, %select_n3A : i32
        %ne3A = arith.constant 0 : i32
        %ne3A_102 = arith.cmpi ne, %rem3A, %ne3A : i32
        %lt3A = arith.constant 0 : i32
        %lt3A_103 = arith.cmpi slt, %rem3A, %lt3A : i32
        %lt3A_104 = arith.constant 0 : i32
        %lt3A_105 = arith.cmpi slt, %select_n3A, %lt3A_104 : i32
        %ne3A_106 = arith.xori %lt3A_103, %lt3A_105 : i1
        %and3A = arith.andi %ne3A_106, %ne3A_102 : i1
        %add3A = arith.addi %rem3A, %select_n3A : i32
        %select_n3A_107 = arith.select %and3A, %add3A, %rem3A : i32
        %eq3A_108 = arith.constant 0 : i32
        %eq3A_109 = arith.cmpi eq, %select_n3A_107, %eq3A_108 : i32
        %convert_element_type3A_110 = arith.extui %eq3A_109 : i1 to i32
        %cond3A_111 = arith.constant 0 : i32
        %cond3A_112 = arith.cmpi ne, %convert_element_type3A_110, %cond3A_111 : i32
        scf.if %cond3A_112 {
          %ge3A = arith.constant 2 : i32
          %ge3A_134 = arith.cmpi sge, %scan3A_98, %ge3A : i32
          %convert_element_type3A_135 = arith.extui %ge3A_134 : i1 to i32
          %cond3A_136 = arith.constant 0 : i32
          %cond3A_137 = arith.cmpi ne, %convert_element_type3A_135, %cond3A_136 : i32
          scf.if %cond3A_137 {
            %dma_wait3A_229 = arith.constant 0 : i32
            %dma_wait3A_230 = arith.constant 0 : i32
            %dma_wait3A_231 = tpu.memref_slice %arg14[%dma_wait3A_229, %dma_wait3A_230] : memref<640x64xf32, #tpu.memory_space<hbm>> -> memref<128x64xf32, #tpu.memory_space<hbm>>
            %dma_wait3A_232 = arith.constant 0 : i32
            %dma_wait3A_233 = arith.constant 0 : i32
            %dma_wait3A_234 = tpu.memref_slice %arg14[%dma_wait3A_232, %dma_wait3A_233] : memref<640x64xf32, #tpu.memory_space<hbm>> -> memref<128x64xf32, #tpu.memory_space<hbm>>
            tpu.wait_dma2 semaphore(%arg30 : memref<!tpu.dma_semaphore, #tpu.memory_space<semaphore_mem>>) src(%dma_wait3A_234 : memref<128x64xf32, #tpu.memory_space<hbm>>) dst(%arg22 : memref<128x64xf32, #tpu.memory_space<vmem>>)
            %sub3A = arith.constant 2 : i32
            %sub3A_235 = arith.subi %scan3A_98, %sub3A : i32
            %mul3A_236 = arith.constant 128 : i32
            %mul3A_237 = arith.muli %sub3A_235, %mul3A_236 : i32
            %add3A_238 = arith.constant 0 : i32
            %add3A_239 = arith.addi %mul3A_237, %add3A_238 : i32
            %get3A_240 = arith.index_cast %add3A_239 : i32 to index
            %get3A_241 = tpu.vector_load %arg20[%get3A_240] {strides = array<i32>} : memref<5120xi32, #tpu.memory_space<vmem>>, vector<16xi32>,
            %gather3A_242 = tpu.vector_load_idx %arg26[%get3A_241] : memref<10000xi32, #tpu.memory_space<vmem>>[vector<16xi32>], vector<16xi32>,
            %add3A_243 = arith.constant 0 : i32
            %add3A_244 = vector.broadcast %add3A_243 : i32 to vector<16xi32>
            %add3A_245 = arith.addi %add3A_244, %iota3A : vector<16xi32>
            %broadcast_in_dim3A = arith.constant 0.000000e+00 : f32
            %broadcast_in_dim3A_246 = vector.broadcast %broadcast_in_dim3A : f32 to vector<16xf32>
            tpu.vector_store_idx %arg22[%add3A_245, %gather3A_242], %broadcast_in_dim3A_246 : memref<128x64xf32, #tpu.memory_space<vmem>>[vector<16xi32>, vector<16xi32>], vector<16xf32>,
            %mul3A_247 = arith.constant 128 : i32
            %mul3A_248 = arith.muli %sub3A_235, %mul3A_247 : i32
            %add3A_249 = arith.constant 16 : i32
            %add3A_250 = arith.addi %mul3A_248, %add3A_249 : i32
            %get3A_251 = arith.index_cast %add3A_250 : i32 to index
            %get3A_252 = tpu.vector_load %arg20[%get3A_251] {strides = array<i32>} : memref<5120xi32, #tpu.memory_space<vmem>>, vector<16xi32>,
            %gather3A_253 = tpu.vector_load_idx %arg26[%get3A_252] : memref<10000xi32, #tpu.memory_space<vmem>>[vector<16xi32>], vector<16xi32>,
            %add3A_254 = arith.constant 16 : i32
            %add3A_255 = vector.broadcast %add3A_254 : i32 to vector<16xi32>
            %add3A_256 = arith.addi %add3A_255, %iota3A : vector<16xi32>
            %broadcast_in_dim3A_257 = arith.constant 0.000000e+00 : f32
            %broadcast_in_dim3A_258 = vector.broadcast %broadcast_in_dim3A_257 : f32 to vector<16xf32>
            tpu.vector_store_idx %arg22[%add3A_256, %gather3A_253], %broadcast_in_dim3A_258 : memref<128x64xf32, #tpu.memory_space<vmem>>[vector<16xi32>, vector<16xi32>], vector<16xf32>,
            %mul3A_259 = arith.constant 128 : i32
            %mul3A_260 = arith.muli %sub3A_235, %mul3A_259 : i32
            %add3A_261 = arith.constant 32 : i32
            %add3A_262 = arith.addi %mul3A_260, %add3A_261 : i32
            %get3A_263 = arith.index_cast %add3A_262 : i32 to index
            %get3A_264 = tpu.vector_load %arg20[%get3A_263] {strides = array<i32>} : memref<5120xi32, #tpu.memory_space<vmem>>, vector<16xi32>,
            %gather3A_265 = tpu.vector_load_idx %arg26[%get3A_264] : memref<10000xi32, #tpu.memory_space<vmem>>[vector<16xi32>], vector<16xi32>,
            %add3A_266 = arith.constant 32 : i32
            %add3A_267 = vector.broadcast %add3A_266 : i32 to vector<16xi32>
            %add3A_268 = arith.addi %add3A_267, %iota3A : vector<16xi32>
            %broadcast_in_dim3A_269 = arith.constant 0.000000e+00 : f32
            %broadcast_in_dim3A_270 = vector.broadcast %broadcast_in_dim3A_269 : f32 to vector<16xf32>
            tpu.vector_store_idx %arg22[%add3A_268, %gather3A_265], %broadcast_in_dim3A_270 : memref<128x64xf32, #tpu.memory_space<vmem>>[vector<16xi32>, vector<16xi32>], vector<16xf32>,
            %mul3A_271 = arith.constant 128 : i32
            %mul3A_272 = arith.muli %sub3A_235, %mul3A_271 : i32
            %add3A_273 = arith.constant 48 : i32
            %add3A_274 = arith.addi %mul3A_272, %add3A_273 : i32
            %get3A_275 = arith.index_cast %add3A_274 : i32 to index
            %get3A_276 = tpu.vector_load %arg20[%get3A_275] {strides = array<i32>} : memref<5120xi32, #tpu.memory_space<vmem>>, vector<16xi32>,
            %gather3A_277 = tpu.vector_load_idx %arg26[%get3A_276] : memref<10000xi32, #tpu.memory_space<vmem>>[vector<16xi32>], vector<16xi32>,
            %add3A_278 = arith.constant 48 : i32
            %add3A_279 = vector.broadcast %add3A_278 : i32 to vector<16xi32>
            %add3A_280 = arith.addi %add3A_279, %iota3A : vector<16xi32>
            %broadcast_in_dim3A_281 = arith.constant 0.000000e+00 : f32
            %broadcast_in_dim3A_282 = vector.broadcast %broadcast_in_dim3A_281 : f32 to vector<16xf32>
            tpu.vector_store_idx %arg22[%add3A_280, %gather3A_277], %broadcast_in_dim3A_282 : memref<128x64xf32, #tpu.memory_space<vmem>>[vector<16xi32>, vector<16xi32>], vector<16xf32>,
            %mul3A_283 = arith.constant 128 : i32
            %mul3A_284 = arith.muli %sub3A_235, %mul3A_283 : i32
            %add3A_285 = arith.constant 64 : i32
            %add3A_286 = arith.addi %mul3A_284, %add3A_285 : i32
            %get3A_287 = arith.index_cast %add3A_286 : i32 to index
            %get3A_288 = tpu.vector_load %arg20[%get3A_287] {strides = array<i32>} : memref<5120xi32, #tpu.memory_space<vmem>>, vector<16xi32>,
            %gather3A_289 = tpu.vector_load_idx %arg26[%get3A_288] : memref<10000xi32, #tpu.memory_space<vmem>>[vector<16xi32>], vector<16xi32>,
            %add3A_290 = arith.constant 64 : i32
            %add3A_291 = vector.broadcast %add3A_290 : i32 to vector<16xi32>
            %add3A_292 = arith.addi %add3A_291, %iota3A : vector<16xi32>
            %broadcast_in_dim3A_293 = arith.constant 0.000000e+00 : f32
            %broadcast_in_dim3A_294 = vector.broadcast %broadcast_in_dim3A_293 : f32 to vector<16xf32>
            tpu.vector_store_idx %arg22[%add3A_292, %gather3A_289], %broadcast_in_dim3A_294 : memref<128x64xf32, #tpu.memory_space<vmem>>[vector<16xi32>, vector<16xi32>], vector<16xf32>,
            %mul3A_295 = arith.constant 128 : i32
            %mul3A_296 = arith.muli %sub3A_235, %mul3A_295 : i32
            %add3A_297 = arith.constant 80 : i32
            %add3A_298 = arith.addi %mul3A_296, %add3A_297 : i32
            %get3A_299 = arith.index_cast %add3A_298 : i32 to index
            %get3A_300 = tpu.vector_load %arg20[%get3A_299] {strides = array<i32>} : memref<5120xi32, #tpu.memory_space<vmem>>, vector<16xi32>,
            %gather3A_301 = tpu.vector_load_idx %arg26[%get3A_300] : memref<10000xi32, #tpu.memory_space<vmem>>[vector<16xi32>], vector<16xi32>,
            %add3A_302 = arith.constant 80 : i32
            %add3A_303 = vector.broadcast %add3A_302 : i32 to vector<16xi32>
            %add3A_304 = arith.addi %add3A_303, %iota3A : vector<16xi32>
            %broadcast_in_dim3A_305 = arith.constant 0.000000e+00 : f32
            %broadcast_in_dim3A_306 = vector.broadcast %broadcast_in_dim3A_305 : f32 to vector<16xf32>
            tpu.vector_store_idx %arg22[%add3A_304, %gather3A_301], %broadcast_in_dim3A_306 : memref<128x64xf32, #tpu.memory_space<vmem>>[vector<16xi32>, vector<16xi32>], vector<16xf32>,
            %mul3A_307 = arith.constant 128 : i32
            %mul3A_308 = arith.muli %sub3A_235, %mul3A_307 : i32
            %add3A_309 = arith.constant 96 : i32
            %add3A_310 = arith.addi %mul3A_308, %add3A_309 : i32
            %get3A_311 = arith.index_cast %add3A_310 : i32 to index
            %get3A_312 = tpu.vector_load %arg20[%get3A_311] {strides = array<i32>} : memref<5120xi32, #tpu.memory_space<vmem>>, vector<16xi32>,
            %gather3A_313 = tpu.vector_load_idx %arg26[%get3A_312] : memref<10000xi32, #tpu.memory_space<vmem>>[vector<16xi32>], vector<16xi32>,
            %add3A_314 = arith.constant 96 : i32
            %add3A_315 = vector.broadcast %add3A_314 : i32 to vector<16xi32>
            %add3A_316 = arith.addi %add3A_315, %iota3A : vector<16xi32>
            %broadcast_in_dim3A_317 = arith.constant 0.000000e+00 : f32
            %broadcast_in_dim3A_318 = vector.broadcast %broadcast_in_dim3A_317 : f32 to vector<16xf32>
            tpu.vector_store_idx %arg22[%add3A_316, %gather3A_313], %broadcast_in_dim3A_318 : memref<128x64xf32, #tpu.memory_space<vmem>>[vector<16xi32>, vector<16xi32>], vector<16xf32>,
            %mul3A_319 = arith.constant 128 : i32
            %mul3A_320 = arith.muli %sub3A_235, %mul3A_319 : i32
            %add3A_321 = arith.constant 112 : i32
            %add3A_322 = arith.addi %mul3A_320, %add3A_321 : i32
            %get3A_323 = arith.index_cast %add3A_322 : i32 to index
            %get3A_324 = tpu.vector_load %arg20[%get3A_323] {strides = array<i32>} : memref<5120xi32, #tpu.memory_space<vmem>>, vector<16xi32>,
            %gather3A_325 = tpu.vector_load_idx %arg26[%get3A_324] : memref<10000xi32, #tpu.memory_space<vmem>>[vector<16xi32>], vector<16xi32>,
            %add3A_326 = arith.constant 112 : i32
            %add3A_327 = vector.broadcast %add3A_326 : i32 to vector<16xi32>
            %add3A_328 = arith.addi %add3A_327, %iota3A : vector<16xi32>
            %broadcast_in_dim3A_329 = arith.constant 0.000000e+00 : f32
            %broadcast_in_dim3A_330 = vector.broadcast %broadcast_in_dim3A_329 : f32 to vector<16xf32>
            tpu.vector_store_idx %arg22[%add3A_328, %gather3A_325], %broadcast_in_dim3A_330 : memref<128x64xf32, #tpu.memory_space<vmem>>[vector<16xi32>, vector<16xi32>], vector<16xf32>,
          } else {
          }
          %mul3A_138 = arith.constant 128 : i32
          %mul3A_139 = arith.muli %scan3A_98, %mul3A_138 : i32
          %add3A_140 = arith.constant 0 : i32
          %add3A_141 = arith.addi %mul3A_139, %add3A_140 : i32
          %get3A = arith.index_cast %add3A_141 : i32 to index
          %get3A_142 = tpu.vector_load %arg20[%get3A] {strides = array<i32>} : memref<5120xi32, #tpu.memory_space<vmem>>, vector<16xi32>,
          %gather3A = tpu.vector_load_idx %arg26[%get3A_142] : memref<10000xi32, #tpu.memory_space<vmem>>[vector<16xi32>], vector<16xi32>,
          %add3A_143 = arith.constant 0 : i32
          %add3A_144 = vector.broadcast %add3A_143 : i32 to vector<16xi32>
          %add3A_145 = arith.addi %add3A_144, %iota3A : vector<16xi32>
          %gather3A_146 = tpu.vector_load_idx %arg27[%get3A_142] : memref<10000xf32, #tpu.memory_space<vmem>>[vector<16xi32>], vector<16xf32>,
          tpu.vector_store_idx %arg22[%add3A_145, %gather3A], %gather3A_146 : memref<128x64xf32, #tpu.memory_space<vmem>>[vector<16xi32>, vector<16xi32>], vector<16xf32>,
          %mul3A_147 = arith.constant 128 : i32
          %mul3A_148 = arith.muli %scan3A_98, %mul3A_147 : i32
          %add3A_149 = arith.constant 16 : i32
          %add3A_150 = arith.addi %mul3A_148, %add3A_149 : i32
          %get3A_151 = arith.index_cast %add3A_150 : i32 to index
          %get3A_152 = tpu.vector_load %arg20[%get3A_151] {strides = array<i32>} : memref<5120xi32, #tpu.memory_space<vmem>>, vector<16xi32>,
          %gather3A_153 = tpu.vector_load_idx %arg26[%get3A_152] : memref<10000xi32, #tpu.memory_space<vmem>>[vector<16xi32>], vector<16xi32>,
          %add3A_154 = arith.constant 16 : i32
          %add3A_155 = vector.broadcast %add3A_154 : i32 to vector<16xi32>
          %add3A_156 = arith.addi %add3A_155, %iota3A : vector<16xi32>
          %gather3A_157 = tpu.vector_load_idx %arg27[%get3A_152] : memref<10000xf32, #tpu.memory_space<vmem>>[vector<16xi32>], vector<16xf32>,
          tpu.vector_store_idx %arg22[%add3A_156, %gather3A_153], %gather3A_157 : memref<128x64xf32, #tpu.memory_space<vmem>>[vector<16xi32>, vector<16xi32>], vector<16xf32>,
          %mul3A_158 = arith.constant 128 : i32
          %mul3A_159 = arith.muli %scan3A_98, %mul3A_158 : i32
          %add3A_160 = arith.constant 32 : i32
          %add3A_161 = arith.addi %mul3A_159, %add3A_160 : i32
          %get3A_162 = arith.index_cast %add3A_161 : i32 to index
          %get3A_163 = tpu.vector_load %arg20[%get3A_162] {strides = array<i32>} : memref<5120xi32, #tpu.memory_space<vmem>>, vector<16xi32>,
          %gather3A_164 = tpu.vector_load_idx %arg26[%get3A_163] : memref<10000xi32, #tpu.memory_space<vmem>>[vector<16xi32>], vector<16xi32>,
          %add3A_165 = arith.constant 32 : i32
          %add3A_166 = vector.broadcast %add3A_165 : i32 to vector<16xi32>
          %add3A_167 = arith.addi %add3A_166, %iota3A : vector<16xi32>
          %gather3A_168 = tpu.vector_load_idx %arg27[%get3A_163] : memref<10000xf32, #tpu.memory_space<vmem>>[vector<16xi32>], vector<16xf32>,
          tpu.vector_store_idx %arg22[%add3A_167, %gather3A_164], %gather3A_168 : memref<128x64xf32, #tpu.memory_space<vmem>>[vector<16xi32>, vector<16xi32>], vector<16xf32>,
          %mul3A_169 = arith.constant 128 : i32
          %mul3A_170 = arith.muli %scan3A_98, %mul3A_169 : i32
          %add3A_171 = arith.constant 48 : i32
          %add3A_172 = arith.addi %mul3A_170, %add3A_171 : i32
          %get3A_173 = arith.index_cast %add3A_172 : i32 to index
          %get3A_174 = tpu.vector_load %arg20[%get3A_173] {strides = array<i32>} : memref<5120xi32, #tpu.memory_space<vmem>>, vector<16xi32>,
          %gather3A_175 = tpu.vector_load_idx %arg26[%get3A_174] : memref<10000xi32, #tpu.memory_space<vmem>>[vector<16xi32>], vector<16xi32>,
          %add3A_176 = arith.constant 48 : i32
          %add3A_177 = vector.broadcast %add3A_176 : i32 to vector<16xi32>
          %add3A_178 = arith.addi %add3A_177, %iota3A : vector<16xi32>
          %gather3A_179 = tpu.vector_load_idx %arg27[%get3A_174] : memref<10000xf32, #tpu.memory_space<vmem>>[vector<16xi32>], vector<16xf32>,
          tpu.vector_store_idx %arg22[%add3A_178, %gather3A_175], %gather3A_179 : memref<128x64xf32, #tpu.memory_space<vmem>>[vector<16xi32>, vector<16xi32>], vector<16xf32>,
          %mul3A_180 = arith.constant 128 : i32
          %mul3A_181 = arith.muli %scan3A_98, %mul3A_180 : i32
          %add3A_182 = arith.constant 64 : i32
          %add3A_183 = arith.addi %mul3A_181, %add3A_182 : i32
          %get3A_184 = arith.index_cast %add3A_183 : i32 to index
          %get3A_185 = tpu.vector_load %arg20[%get3A_184] {strides = array<i32>} : memref<5120xi32, #tpu.memory_space<vmem>>, vector<16xi32>,
          %gather3A_186 = tpu.vector_load_idx %arg26[%get3A_185] : memref<10000xi32, #tpu.memory_space<vmem>>[vector<16xi32>], vector<16xi32>,
          %add3A_187 = arith.constant 64 : i32
          %add3A_188 = vector.broadcast %add3A_187 : i32 to vector<16xi32>
          %add3A_189 = arith.addi %add3A_188, %iota3A : vector<16xi32>
          %gather3A_190 = tpu.vector_load_idx %arg27[%get3A_185] : memref<10000xf32, #tpu.memory_space<vmem>>[vector<16xi32>], vector<16xf32>,
          tpu.vector_store_idx %arg22[%add3A_189, %gather3A_186], %gather3A_190 : memref<128x64xf32, #tpu.memory_space<vmem>>[vector<16xi32>, vector<16xi32>], vector<16xf32>,
          %mul3A_191 = arith.constant 128 : i32
          %mul3A_192 = arith.muli %scan3A_98, %mul3A_191 : i32
          %add3A_193 = arith.constant 80 : i32
          %add3A_194 = arith.addi %mul3A_192, %add3A_193 : i32
          %get3A_195 = arith.index_cast %add3A_194 : i32 to index
          %get3A_196 = tpu.vector_load %arg20[%get3A_195] {strides = array<i32>} : memref<5120xi32, #tpu.memory_space<vmem>>, vector<16xi32>,
          %gather3A_197 = tpu.vector_load_idx %arg26[%get3A_196] : memref<10000xi32, #tpu.memory_space<vmem>>[vector<16xi32>], vector<16xi32>,
          %add3A_198 = arith.constant 80 : i32
          %add3A_199 = vector.broadcast %add3A_198 : i32 to vector<16xi32>
          %add3A_200 = arith.addi %add3A_199, %iota3A : vector<16xi32>
          %gather3A_201 = tpu.vector_load_idx %arg27[%get3A_196] : memref<10000xf32, #tpu.memory_space<vmem>>[vector<16xi32>], vector<16xf32>,
          tpu.vector_store_idx %arg22[%add3A_200, %gather3A_197], %gather3A_201 : memref<128x64xf32, #tpu.memory_space<vmem>>[vector<16xi32>, vector<16xi32>], vector<16xf32>,
          %mul3A_202 = arith.constant 128 : i32
          %mul3A_203 = arith.muli %scan3A_98, %mul3A_202 : i32
          %add3A_204 = arith.constant 96 : i32
          %add3A_205 = arith.addi %mul3A_203, %add3A_204 : i32
          %get3A_206 = arith.index_cast %add3A_205 : i32 to index
          %get3A_207 = tpu.vector_load %arg20[%get3A_206] {strides = array<i32>} : memref<5120xi32, #tpu.memory_space<vmem>>, vector<16xi32>,
          %gather3A_208 = tpu.vector_load_idx %arg26[%get3A_207] : memref<10000xi32, #tpu.memory_space<vmem>>[vector<16xi32>], vector<16xi32>,
          %add3A_209 = arith.constant 96 : i32
          %add3A_210 = vector.broadcast %add3A_209 : i32 to vector<16xi32>
          %add3A_211 = arith.addi %add3A_210, %iota3A : vector<16xi32>
          %gather3A_212 = tpu.vector_load_idx %arg27[%get3A_207] : memref<10000xf32, #tpu.memory_space<vmem>>[vector<16xi32>], vector<16xf32>,
          tpu.vector_store_idx %arg22[%add3A_211, %gather3A_208], %gather3A_212 : memref<128x64xf32, #tpu.memory_space<vmem>>[vector<16xi32>, vector<16xi32>], vector<16xf32>,
          %mul3A_213 = arith.constant 128 : i32
          %mul3A_214 = arith.muli %scan3A_98, %mul3A_213 : i32
          %add3A_215 = arith.constant 112 : i32
          %add3A_216 = arith.addi %mul3A_214, %add3A_215 : i32
          %get3A_217 = arith.index_cast %add3A_216 : i32 to index
          %get3A_218 = tpu.vector_load %arg20[%get3A_217] {strides = array<i32>} : memref<5120xi32, #tpu.memory_space<vmem>>, vector<16xi32>,
          %gather3A_219 = tpu.vector_load_idx %arg26[%get3A_218] : memref<10000xi32, #tpu.memory_space<vmem>>[vector<16xi32>], vector<16xi32>,
          %add3A_220 = arith.constant 112 : i32
          %add3A_221 = vector.broadcast %add3A_220 : i32 to vector<16xi32>
          %add3A_222 = arith.addi %add3A_221, %iota3A : vector<16xi32>
          %gather3A_223 = tpu.vector_load_idx %arg27[%get3A_218] : memref<10000xf32, #tpu.memory_space<vmem>>[vector<16xi32>], vector<16xf32>,
          tpu.vector_store_idx %arg22[%add3A_222, %gather3A_219], %gather3A_223 : memref<128x64xf32, #tpu.memory_space<vmem>>[vector<16xi32>, vector<16xi32>], vector<16xf32>,
          %dma_start3A = arith.constant 0 : i32
          %dma_start3A_224 = tpu.memref_slice %arg21[%scan3A_98, %dma_start3A] : memref<40x128xi32, #tpu.memory_space<vmem>> -> memref<1x128xi32, #tpu.memory_space<vmem>>
          %dma_start3A_225 = tpu.memref_squeeze %dma_start3A_224 : memref<1x128xi32, #tpu.memory_space<vmem>> -> memref<128xi32, #tpu.memory_space<vmem>>
          %dma_start3A_226 = arith.constant 0 : i32
          %dma_start3A_227 = arith.constant 0 : i32
          %dma_start3A_228 = tpu.memref_slice %arg28[%dma_start3A_226, %dma_start3A_227] : memref<10240x64xf32, #tpu.memory_space<vmem_shared>> -> memref<10240x64xf32, #tpu.memory_space<vmem_shared>>
          tpu.enqueue_indirect_dma source(%arg22 : memref<128x64xf32, #tpu.memory_space<vmem>>) target(%dma_start3A_228 : memref<10240x64xf32, #tpu.memory_space<vmem_shared>>) offsets(%dma_start3A_225 : memref<128xi32, #tpu.memory_space<vmem>>) semaphore(%arg30 : memref<!tpu.dma_semaphore, #tpu.memory_space<semaphore_mem>>) {add = true}
        } else {
        }
        %jit3A_113 = arith.constant 2 : i32
        %eq3A_114 = arith.constant 0 : i32
        %eq3A_115 = arith.cmpi eq, %jit3A_113, %eq3A_114 : i32
        %jit3A_116 = arith.constant 1 : i32
        %select_n3A_117 = arith.select %eq3A_115, %jit3A_116, %jit3A_113 : i32
        %rem3A_118 = arith.remsi %scan3A_98, %select_n3A_117 : i32
        %ne3A_119 = arith.constant 0 : i32
        %ne3A_120 = arith.cmpi ne, %rem3A_118, %ne3A_119 : i32
        %lt3A_121 = arith.constant 0 : i32
        %lt3A_122 = arith.cmpi slt, %rem3A_118, %lt3A_121 : i32
        %lt3A_123 = arith.constant 0 : i32
        %lt3A_124 = arith.cmpi slt, %select_n3A_117, %lt3A_123 : i32
        %ne3A_125 = arith.xori %lt3A_122, %lt3A_124 : i1
        %and3A_126 = arith.andi %ne3A_125, %ne3A_120 : i1
        %add3A_127 = arith.addi %rem3A_118, %select_n3A_117 : i32
        %select_n3A_128 = arith.select %and3A_126, %add3A_127, %rem3A_118 : i32
        %eq3A_129 = arith.constant 1 : i32
        %eq3A_130 = arith.cmpi eq, %select_n3A_128, %eq3A_129 : i32
        %convert_element_type3A_131 = arith.extui %eq3A_130 : i1 to i32
        %cond3A_132 = arith.constant 0 : i32
        %cond3A_133 = arith.cmpi ne, %convert_element_type3A_131, %cond3A_132 : i32
        scf.if %cond3A_133 {
          %ge3A = arith.constant 2 : i32
          %ge3A_134 = arith.cmpi sge, %scan3A_98, %ge3A : i32
          %convert_element_type3A_135 = arith.extui %ge3A_134 : i1 to i32
          %cond3A_136 = arith.constant 0 : i32
          %cond3A_137 = arith.cmpi ne, %convert_element_type3A_135, %cond3A_136 : i32
          scf.if %cond3A_137 {
            %dma_wait3A_229 = arith.constant 0 : i32
            %dma_wait3A_230 = arith.constant 0 : i32
            %dma_wait3A_231 = tpu.memref_slice %arg14[%dma_wait3A_229, %dma_wait3A_230] : memref<640x64xf32, #tpu.memory_space<hbm>> -> memref<128x64xf32, #tpu.memory_space<hbm>>
            %dma_wait3A_232 = arith.constant 0 : i32
            %dma_wait3A_233 = arith.constant 0 : i32
            %dma_wait3A_234 = tpu.memref_slice %arg14[%dma_wait3A_232, %dma_wait3A_233] : memref<640x64xf32, #tpu.memory_space<hbm>> -> memref<128x64xf32, #tpu.memory_space<hbm>>
            tpu.wait_dma2 semaphore(%arg30 : memref<!tpu.dma_semaphore, #tpu.memory_space<semaphore_mem>>) src(%dma_wait3A_234 : memref<128x64xf32, #tpu.memory_space<hbm>>) dst(%arg23 : memref<128x64xf32, #tpu.memory_space<vmem>>)
            %sub3A = arith.constant 2 : i32
            %sub3A_235 = arith.subi %scan3A_98, %sub3A : i32
            %mul3A_236 = arith.constant 128 : i32
            %mul3A_237 = arith.muli %sub3A_235, %mul3A_236 : i32
            %add3A_238 = arith.constant 0 : i32
            %add3A_239 = arith.addi %mul3A_237, %add3A_238 : i32
            %get3A_240 = arith.index_cast %add3A_239 : i32 to index
            %get3A_241 = tpu.vector_load %arg20[%get3A_240] {strides = array<i32>} : memref<5120xi32, #tpu.memory_space<vmem>>, vector<16xi32>,
            %gather3A_242 = tpu.vector_load_idx %arg26[%get3A_241] : memref<10000xi32, #tpu.memory_space<vmem>>[vector<16xi32>], vector<16xi32>,
            %add3A_243 = arith.constant 0 : i32
            %add3A_244 = vector.broadcast %add3A_243 : i32 to vector<16xi32>
            %add3A_245 = arith.addi %add3A_244, %iota3A : vector<16xi32>
            %broadcast_in_dim3A = arith.constant 0.000000e+00 : f32
            %broadcast_in_dim3A_246 = vector.broadcast %broadcast_in_dim3A : f32 to vector<16xf32>
            tpu.vector_store_idx %arg23[%add3A_245, %gather3A_242], %broadcast_in_dim3A_246 : memref<128x64xf32, #tpu.memory_space<vmem>>[vector<16xi32>, vector<16xi32>], vector<16xf32>,
            %mul3A_247 = arith.constant 128 : i32
            %mul3A_248 = arith.muli %sub3A_235, %mul3A_247 : i32
            %add3A_249 = arith.constant 16 : i32
            %add3A_250 = arith.addi %mul3A_248, %add3A_249 : i32
            %get3A_251 = arith.index_cast %add3A_250 : i32 to index
            %get3A_252 = tpu.vector_load %arg20[%get3A_251] {strides = array<i32>} : memref<5120xi32, #tpu.memory_space<vmem>>, vector<16xi32>,
            %gather3A_253 = tpu.vector_load_idx %arg26[%get3A_252] : memref<10000xi32, #tpu.memory_space<vmem>>[vector<16xi32>], vector<16xi32>,
            %add3A_254 = arith.constant 16 : i32
            %add3A_255 = vector.broadcast %add3A_254 : i32 to vector<16xi32>
            %add3A_256 = arith.addi %add3A_255, %iota3A : vector<16xi32>
            %broadcast_in_dim3A_257 = arith.constant 0.000000e+00 : f32
            %broadcast_in_dim3A_258 = vector.broadcast %broadcast_in_dim3A_257 : f32 to vector<16xf32>
            tpu.vector_store_idx %arg23[%add3A_256, %gather3A_253], %broadcast_in_dim3A_258 : memref<128x64xf32, #tpu.memory_space<vmem>>[vector<16xi32>, vector<16xi32>], vector<16xf32>,
            %mul3A_259 = arith.constant 128 : i32
            %mul3A_260 = arith.muli %sub3A_235, %mul3A_259 : i32
            %add3A_261 = arith.constant 32 : i32
            %add3A_262 = arith.addi %mul3A_260, %add3A_261 : i32
            %get3A_263 = arith.index_cast %add3A_262 : i32 to index
            %get3A_264 = tpu.vector_load %arg20[%get3A_263] {strides = array<i32>} : memref<5120xi32, #tpu.memory_space<vmem>>, vector<16xi32>,
            %gather3A_265 = tpu.vector_load_idx %arg26[%get3A_264] : memref<10000xi32, #tpu.memory_space<vmem>>[vector<16xi32>], vector<16xi32>,
            %add3A_266 = arith.constant 32 : i32
            %add3A_267 = vector.broadcast %add3A_266 : i32 to vector<16xi32>
            %add3A_268 = arith.addi %add3A_267, %iota3A : vector<16xi32>
            %broadcast_in_dim3A_269 = arith.constant 0.000000e+00 : f32
            %broadcast_in_dim3A_270 = vector.broadcast %broadcast_in_dim3A_269 : f32 to vector<16xf32>
            tpu.vector_store_idx %arg23[%add3A_268, %gather3A_265], %broadcast_in_dim3A_270 : memref<128x64xf32, #tpu.memory_space<vmem>>[vector<16xi32>, vector<16xi32>], vector<16xf32>,
            %mul3A_271 = arith.constant 128 : i32
            %mul3A_272 = arith.muli %sub3A_235, %mul3A_271 : i32
            %add3A_273 = arith.constant 48 : i32
            %add3A_274 = arith.addi %mul3A_272, %add3A_273 : i32
            %get3A_275 = arith.index_cast %add3A_274 : i32 to index
            %get3A_276 = tpu.vector_load %arg20[%get3A_275] {strides = array<i32>} : memref<5120xi32, #tpu.memory_space<vmem>>, vector<16xi32>,
            %gather3A_277 = tpu.vector_load_idx %arg26[%get3A_276] : memref<10000xi32, #tpu.memory_space<vmem>>[vector<16xi32>], vector<16xi32>,
            %add3A_278 = arith.constant 48 : i32
            %add3A_279 = vector.broadcast %add3A_278 : i32 to vector<16xi32>
            %add3A_280 = arith.addi %add3A_279, %iota3A : vector<16xi32>
            %broadcast_in_dim3A_281 = arith.constant 0.000000e+00 : f32
            %broadcast_in_dim3A_282 = vector.broadcast %broadcast_in_dim3A_281 : f32 to vector<16xf32>
            tpu.vector_store_idx %arg23[%add3A_280, %gather3A_277], %broadcast_in_dim3A_282 : memref<128x64xf32, #tpu.memory_space<vmem>>[vector<16xi32>, vector<16xi32>], vector<16xf32>,
            %mul3A_283 = arith.constant 128 : i32
            %mul3A_284 = arith.muli %sub3A_235, %mul3A_283 : i32
            %add3A_285 = arith.constant 64 : i32
            %add3A_286 = arith.addi %mul3A_284, %add3A_285 : i32
            %get3A_287 = arith.index_cast %add3A_286 : i32 to index
            %get3A_288 = tpu.vector_load %arg20[%get3A_287] {strides = array<i32>} : memref<5120xi32, #tpu.memory_space<vmem>>, vector<16xi32>,
            %gather3A_289 = tpu.vector_load_idx %arg26[%get3A_288] : memref<10000xi32, #tpu.memory_space<vmem>>[vector<16xi32>], vector<16xi32>,
            %add3A_290 = arith.constant 64 : i32
            %add3A_291 = vector.broadcast %add3A_290 : i32 to vector<16xi32>
            %add3A_292 = arith.addi %add3A_291, %iota3A : vector<16xi32>
            %broadcast_in_dim3A_293 = arith.constant 0.000000e+00 : f32
            %broadcast_in_dim3A_294 = vector.broadcast %broadcast_in_dim3A_293 : f32 to vector<16xf32>
            tpu.vector_store_idx %arg23[%add3A_292, %gather3A_289], %broadcast_in_dim3A_294 : memref<128x64xf32, #tpu.memory_space<vmem>>[vector<16xi32>, vector<16xi32>], vector<16xf32>,
            %mul3A_295 = arith.constant 128 : i32
            %mul3A_296 = arith.muli %sub3A_235, %mul3A_295 : i32
            %add3A_297 = arith.constant 80 : i32
            %add3A_298 = arith.addi %mul3A_296, %add3A_297 : i32
            %get3A_299 = arith.index_cast %add3A_298 : i32 to index
            %get3A_300 = tpu.vector_load %arg20[%get3A_299] {strides = array<i32>} : memref<5120xi32, #tpu.memory_space<vmem>>, vector<16xi32>,
            %gather3A_301 = tpu.vector_load_idx %arg26[%get3A_300] : memref<10000xi32, #tpu.memory_space<vmem>>[vector<16xi32>], vector<16xi32>,
            %add3A_302 = arith.constant 80 : i32
            %add3A_303 = vector.broadcast %add3A_302 : i32 to vector<16xi32>
            %add3A_304 = arith.addi %add3A_303, %iota3A : vector<16xi32>
            %broadcast_in_dim3A_305 = arith.constant 0.000000e+00 : f32
            %broadcast_in_dim3A_306 = vector.broadcast %broadcast_in_dim3A_305 : f32 to vector<16xf32>
            tpu.vector_store_idx %arg23[%add3A_304, %gather3A_301], %broadcast_in_dim3A_306 : memref<128x64xf32, #tpu.memory_space<vmem>>[vector<16xi32>, vector<16xi32>], vector<16xf32>,
            %mul3A_307 = arith.constant 128 : i32
            %mul3A_308 = arith.muli %sub3A_235, %mul3A_307 : i32
            %add3A_309 = arith.constant 96 : i32
            %add3A_310 = arith.addi %mul3A_308, %add3A_309 : i32
            %get3A_311 = arith.index_cast %add3A_310 : i32 to index
            %get3A_312 = tpu.vector_load %arg20[%get3A_311] {strides = array<i32>} : memref<5120xi32, #tpu.memory_space<vmem>>, vector<16xi32>,
            %gather3A_313 = tpu.vector_load_idx %arg26[%get3A_312] : memref<10000xi32, #tpu.memory_space<vmem>>[vector<16xi32>], vector<16xi32>,
            %add3A_314 = arith.constant 96 : i32
            %add3A_315 = vector.broadcast %add3A_314 : i32 to vector<16xi32>
            %add3A_316 = arith.addi %add3A_315, %iota3A : vector<16xi32>
            %broadcast_in_dim3A_317 = arith.constant 0.000000e+00 : f32
            %broadcast_in_dim3A_318 = vector.broadcast %broadcast_in_dim3A_317 : f32 to vector<16xf32>
            tpu.vector_store_idx %arg23[%add3A_316, %gather3A_313], %broadcast_in_dim3A_318 : memref<128x64xf32, #tpu.memory_space<vmem>>[vector<16xi32>, vector<16xi32>], vector<16xf32>,
            %mul3A_319 = arith.constant 128 : i32
            %mul3A_320 = arith.muli %sub3A_235, %mul3A_319 : i32
            %add3A_321 = arith.constant 112 : i32
            %add3A_322 = arith.addi %mul3A_320, %add3A_321 : i32
            %get3A_323 = arith.index_cast %add3A_322 : i32 to index
            %get3A_324 = tpu.vector_load %arg20[%get3A_323] {strides = array<i32>} : memref<5120xi32, #tpu.memory_space<vmem>>, vector<16xi32>,
            %gather3A_325 = tpu.vector_load_idx %arg26[%get3A_324] : memref<10000xi32, #tpu.memory_space<vmem>>[vector<16xi32>], vector<16xi32>,
            %add3A_326 = arith.constant 112 : i32
            %add3A_327 = vector.broadcast %add3A_326 : i32 to vector<16xi32>
            %add3A_328 = arith.addi %add3A_327, %iota3A : vector<16xi32>
            %broadcast_in_dim3A_329 = arith.constant 0.000000e+00 : f32
            %broadcast_in_dim3A_330 = vector.broadcast %broadcast_in_dim3A_329 : f32 to vector<16xf32>
            tpu.vector_store_idx %arg23[%add3A_328, %gather3A_325], %broadcast_in_dim3A_330 : memref<128x64xf32, #tpu.memory_space<vmem>>[vector<16xi32>, vector<16xi32>], vector<16xf32>,
          } else {
          }
          %mul3A_138 = arith.constant 128 : i32
          %mul3A_139 = arith.muli %scan3A_98, %mul3A_138 : i32
          %add3A_140 = arith.constant 0 : i32
          %add3A_141 = arith.addi %mul3A_139, %add3A_140 : i32
          %get3A = arith.index_cast %add3A_141 : i32 to index
          %get3A_142 = tpu.vector_load %arg20[%get3A] {strides = array<i32>} : memref<5120xi32, #tpu.memory_space<vmem>>, vector<16xi32>,
          %gather3A = tpu.vector_load_idx %arg26[%get3A_142] : memref<10000xi32, #tpu.memory_space<vmem>>[vector<16xi32>], vector<16xi32>,
          %add3A_143 = arith.constant 0 : i32
          %add3A_144 = vector.broadcast %add3A_143 : i32 to vector<16xi32>
          %add3A_145 = arith.addi %add3A_144, %iota3A : vector<16xi32>
          %gather3A_146 = tpu.vector_load_idx %arg27[%get3A_142] : memref<10000xf32, #tpu.memory_space<vmem>>[vector<16xi32>], vector<16xf32>,
          tpu.vector_store_idx %arg23[%add3A_145, %gather3A], %gather3A_146 : memref<128x64xf32, #tpu.memory_space<vmem>>[vector<16xi32>, vector<16xi32>], vector<16xf32>,
          %mul3A_147 = arith.constant 128 : i32
          %mul3A_148 = arith.muli %scan3A_98, %mul3A_147 : i32
          %add3A_149 = arith.constant 16 : i32
          %add3A_150 = arith.addi %mul3A_148, %add3A_149 : i32
          %get3A_151 = arith.index_cast %add3A_150 : i32 to index
          %get3A_152 = tpu.vector_load %arg20[%get3A_151] {strides = array<i32>} : memref<5120xi32, #tpu.memory_space<vmem>>, vector<16xi32>,
          %gather3A_153 = tpu.vector_load_idx %arg26[%get3A_152] : memref<10000xi32, #tpu.memory_space<vmem>>[vector<16xi32>], vector<16xi32>,
          %add3A_154 = arith.constant 16 : i32
          %add3A_155 = vector.broadcast %add3A_154 : i32 to vector<16xi32>
          %add3A_156 = arith.addi %add3A_155, %iota3A : vector<16xi32>
          %gather3A_157 = tpu.vector_load_idx %arg27[%get3A_152] : memref<10000xf32, #tpu.memory_space<vmem>>[vector<16xi32>], vector<16xf32>,
          tpu.vector_store_idx %arg23[%add3A_156, %gather3A_153], %gather3A_157 : memref<128x64xf32, #tpu.memory_space<vmem>>[vector<16xi32>, vector<16xi32>], vector<16xf32>,
          %mul3A_158 = arith.constant 128 : i32
          %mul3A_159 = arith.muli %scan3A_98, %mul3A_158 : i32
          %add3A_160 = arith.constant 32 : i32
          %add3A_161 = arith.addi %mul3A_159, %add3A_160 : i32
          %get3A_162 = arith.index_cast %add3A_161 : i32 to index
          %get3A_163 = tpu.vector_load %arg20[%get3A_162] {strides = array<i32>} : memref<5120xi32, #tpu.memory_space<vmem>>, vector<16xi32>,
          %gather3A_164 = tpu.vector_load_idx %arg26[%get3A_163] : memref<10000xi32, #tpu.memory_space<vmem>>[vector<16xi32>], vector<16xi32>,
          %add3A_165 = arith.constant 32 : i32
          %add3A_166 = vector.broadcast %add3A_165 : i32 to vector<16xi32>
          %add3A_167 = arith.addi %add3A_166, %iota3A : vector<16xi32>
          %gather3A_168 = tpu.vector_load_idx %arg27[%get3A_163] : memref<10000xf32, #tpu.memory_space<vmem>>[vector<16xi32>], vector<16xf32>,
          tpu.vector_store_idx %arg23[%add3A_167, %gather3A_164], %gather3A_168 : memref<128x64xf32, #tpu.memory_space<vmem>>[vector<16xi32>, vector<16xi32>], vector<16xf32>,
          %mul3A_169 = arith.constant 128 : i32
          %mul3A_170 = arith.muli %scan3A_98, %mul3A_169 : i32
          %add3A_171 = arith.constant 48 : i32
          %add3A_172 = arith.addi %mul3A_170, %add3A_171 : i32
          %get3A_173 = arith.index_cast %add3A_172 : i32 to index
          %get3A_174 = tpu.vector_load %arg20[%get3A_173] {strides = array<i32>} : memref<5120xi32, #tpu.memory_space<vmem>>, vector<16xi32>,
          %gather3A_175 = tpu.vector_load_idx %arg26[%get3A_174] : memref<10000xi32, #tpu.memory_space<vmem>>[vector<16xi32>], vector<16xi32>,
          %add3A_176 = arith.constant 48 : i32
          %add3A_177 = vector.broadcast %add3A_176 : i32 to vector<16xi32>
          %add3A_178 = arith.addi %add3A_177, %iota3A : vector<16xi32>
          %gather3A_179 = tpu.vector_load_idx %arg27[%get3A_174] : memref<10000xf32, #tpu.memory_space<vmem>>[vector<16xi32>], vector<16xf32>,
          tpu.vector_store_idx %arg23[%add3A_178, %gather3A_175], %gather3A_179 : memref<128x64xf32, #tpu.memory_space<vmem>>[vector<16xi32>, vector<16xi32>], vector<16xf32>,
          %mul3A_180 = arith.constant 128 : i32
          %mul3A_181 = arith.muli %scan3A_98, %mul3A_180 : i32
          %add3A_182 = arith.constant 64 : i32
          %add3A_183 = arith.addi %mul3A_181, %add3A_182 : i32
          %get3A_184 = arith.index_cast %add3A_183 : i32 to index
          %get3A_185 = tpu.vector_load %arg20[%get3A_184] {strides = array<i32>} : memref<5120xi32, #tpu.memory_space<vmem>>, vector<16xi32>,
          %gather3A_186 = tpu.vector_load_idx %arg26[%get3A_185] : memref<10000xi32, #tpu.memory_space<vmem>>[vector<16xi32>], vector<16xi32>,
          %add3A_187 = arith.constant 64 : i32
          %add3A_188 = vector.broadcast %add3A_187 : i32 to vector<16xi32>
          %add3A_189 = arith.addi %add3A_188, %iota3A : vector<16xi32>
          %gather3A_190 = tpu.vector_load_idx %arg27[%get3A_185] : memref<10000xf32, #tpu.memory_space<vmem>>[vector<16xi32>], vector<16xf32>,
          tpu.vector_store_idx %arg23[%add3A_189, %gather3A_186], %gather3A_190 : memref<128x64xf32, #tpu.memory_space<vmem>>[vector<16xi32>, vector<16xi32>], vector<16xf32>,
          %mul3A_191 = arith.constant 128 : i32
          %mul3A_192 = arith.muli %scan3A_98, %mul3A_191 : i32
          %add3A_193 = arith.constant 80 : i32
          %add3A_194 = arith.addi %mul3A_192, %add3A_193 : i32
          %get3A_195 = arith.index_cast %add3A_194 : i32 to index
          %get3A_196 = tpu.vector_load %arg20[%get3A_195] {strides = array<i32>} : memref<5120xi32, #tpu.memory_space<vmem>>, vector<16xi32>,
          %gather3A_197 = tpu.vector_load_idx %arg26[%get3A_196] : memref<10000xi32, #tpu.memory_space<vmem>>[vector<16xi32>], vector<16xi32>,
          %add3A_198 = arith.constant 80 : i32
          %add3A_199 = vector.broadcast %add3A_198 : i32 to vector<16xi32>
          %add3A_200 = arith.addi %add3A_199, %iota3A : vector<16xi32>
          %gather3A_201 = tpu.vector_load_idx %arg27[%get3A_196] : memref<10000xf32, #tpu.memory_space<vmem>>[vector<16xi32>], vector<16xf32>,
          tpu.vector_store_idx %arg23[%add3A_200, %gather3A_197], %gather3A_201 : memref<128x64xf32, #tpu.memory_space<vmem>>[vector<16xi32>, vector<16xi32>], vector<16xf32>,
          %mul3A_202 = arith.constant 128 : i32
          %mul3A_203 = arith.muli %scan3A_98, %mul3A_202 : i32
          %add3A_204 = arith.constant 96 : i32
          %add3A_205 = arith.addi %mul3A_203, %add3A_204 : i32
          %get3A_206 = arith.index_cast %add3A_205 : i32 to index
          %get3A_207 = tpu.vector_load %arg20[%get3A_206] {strides = array<i32>} : memref<5120xi32, #tpu.memory_space<vmem>>, vector<16xi32>,
          %gather3A_208 = tpu.vector_load_idx %arg26[%get3A_207] : memref<10000xi32, #tpu.memory_space<vmem>>[vector<16xi32>], vector<16xi32>,
          %add3A_209 = arith.constant 96 : i32
          %add3A_210 = vector.broadcast %add3A_209 : i32 to vector<16xi32>
          %add3A_211 = arith.addi %add3A_210, %iota3A : vector<16xi32>
          %gather3A_212 = tpu.vector_load_idx %arg27[%get3A_207] : memref<10000xf32, #tpu.memory_space<vmem>>[vector<16xi32>], vector<16xf32>,
          tpu.vector_store_idx %arg23[%add3A_211, %gather3A_208], %gather3A_212 : memref<128x64xf32, #tpu.memory_space<vmem>>[vector<16xi32>, vector<16xi32>], vector<16xf32>,
          %mul3A_213 = arith.constant 128 : i32
          %mul3A_214 = arith.muli %scan3A_98, %mul3A_213 : i32
          %add3A_215 = arith.constant 112 : i32
          %add3A_216 = arith.addi %mul3A_214, %add3A_215 : i32
          %get3A_217 = arith.index_cast %add3A_216 : i32 to index
          %get3A_218 = tpu.vector_load %arg20[%get3A_217] {strides = array<i32>} : memref<5120xi32, #tpu.memory_space<vmem>>, vector<16xi32>,
          %gather3A_219 = tpu.vector_load_idx %arg26[%get3A_218] : memref<10000xi32, #tpu.memory_space<vmem>>[vector<16xi32>], vector<16xi32>,
          %add3A_220 = arith.constant 112 : i32
          %add3A_221 = vector.broadcast %add3A_220 : i32 to vector<16xi32>
          %add3A_222 = arith.addi %add3A_221, %iota3A : vector<16xi32>
          %gather3A_223 = tpu.vector_load_idx %arg27[%get3A_218] : memref<10000xf32, #tpu.memory_space<vmem>>[vector<16xi32>], vector<16xf32>,
          tpu.vector_store_idx %arg23[%add3A_222, %gather3A_219], %gather3A_223 : memref<128x64xf32, #tpu.memory_space<vmem>>[vector<16xi32>, vector<16xi32>], vector<16xf32>,
          %dma_start3A = arith.constant 0 : i32
          %dma_start3A_224 = tpu.memref_slice %arg21[%scan3A_98, %dma_start3A] : memref<40x128xi32, #tpu.memory_space<vmem>> -> memref<1x128xi32, #tpu.memory_space<vmem>>
          %dma_start3A_225 = tpu.memref_squeeze %dma_start3A_224 : memref<1x128xi32, #tpu.memory_space<vmem>> -> memref<128xi32, #tpu.memory_space<vmem>>
          %dma_start3A_226 = arith.constant 0 : i32
          %dma_start3A_227 = arith.constant 0 : i32
          %dma_start3A_228 = tpu.memref_slice %arg28[%dma_start3A_226, %dma_start3A_227] : memref<10240x64xf32, #tpu.memory_space<vmem_shared>> -> memref<10240x64xf32, #tpu.memory_space<vmem_shared>>
          tpu.enqueue_indirect_dma source(%arg23 : memref<128x64xf32, #tpu.memory_space<vmem>>) target(%dma_start3A_228 : memref<10240x64xf32, #tpu.memory_space<vmem_shared>>) offsets(%dma_start3A_225 : memref<128xi32, #tpu.memory_space<vmem>>) semaphore(%arg30 : memref<!tpu.dma_semaphore, #tpu.memory_space<semaphore_mem>>) {add = true}
        } else {
        }
      }
      %scan3A_83 = arith.constant 40 : i32
      %dma_wait3A_84 = arith.constant 0 : i32
      %dma_wait3A_85 = arith.constant 0 : i32
      %dma_wait3A_86 = tpu.memref_slice %arg14[%dma_wait3A_84, %dma_wait3A_85] : memref<640x64xf32, #tpu.memory_space<hbm>> -> memref<128x64xf32, #tpu.memory_space<hbm>>
      %dma_wait3A_87 = arith.constant 0 : i32
      %dma_wait3A_88 = arith.constant 0 : i32
      %dma_wait3A_89 = tpu.memref_slice %arg14[%dma_wait3A_87, %dma_wait3A_88] : memref<640x64xf32, #tpu.memory_space<hbm>> -> memref<128x64xf32, #tpu.memory_space<hbm>>
      tpu.wait_dma2 semaphore(%arg30 : memref<!tpu.dma_semaphore, #tpu.memory_space<semaphore_mem>>) src(%dma_wait3A_89 : memref<128x64xf32, #tpu.memory_space<hbm>>) dst(%arg22 : memref<128x64xf32, #tpu.memory_space<vmem>>)
      %dma_wait3A_90 = arith.constant 0 : i32
      %dma_wait3A_91 = arith.constant 0 : i32
      %dma_wait3A_92 = tpu.memref_slice %arg14[%dma_wait3A_90, %dma_wait3A_91] : memref<640x64xf32, #tpu.memory_space<hbm>> -> memref<128x64xf32, #tpu.memory_space<hbm>>
      %dma_wait3A_93 = arith.constant 0 : i32
      %dma_wait3A_94 = arith.constant 0 : i32
      %dma_wait3A_95 = tpu.memref_slice %arg14[%dma_wait3A_93, %dma_wait3A_94] : memref<640x64xf32, #tpu.memory_space<hbm>> -> memref<128x64xf32, #tpu.memory_space<hbm>>
      tpu.wait_dma2 semaphore(%arg30 : memref<!tpu.dma_semaphore, #tpu.memory_space<semaphore_mem>>) src(%dma_wait3A_95 : memref<128x64xf32, #tpu.memory_space<hbm>>) dst(%arg23 : memref<128x64xf32, #tpu.memory_space<vmem>>)
      %barrier3A_96 = arith.constant 0 : index
      tpu.barrier barrier_id(%barrier3A_96)
      "tpu.region"() ({
        %run_scoped3A = tpu.sem_alloc : memref<!tpu.dma_semaphore, #tpu.memory_space<semaphore_mem>>
        %dma_start3A = arith.constant 0 : i32
        %dma_start3A_98 = tpu.memref_slice %arg17[%mul3A_0, %dma_start3A] : memref<10240x128xf32, #tpu.memory_space<hbm>> -> memref<640x64xf32, #tpu.memory_space<hbm>>
        %dma_start3A_99 = arith.constant 0 : i32
        %dma_start3A_100 = tpu.memref_slice %arg28[%mul3A_0, %dma_start3A_99] : memref<10240x64xf32, #tpu.memory_space<vmem_shared>> -> memref<640x64xf32, #tpu.memory_space<vmem_shared>>
        tpu.enqueue_dma source(%dma_start3A_100 : memref<640x64xf32, #tpu.memory_space<vmem_shared>>) target(%dma_start3A_98 : memref<640x64xf32, #tpu.memory_space<hbm>>) target_semaphore(%run_scoped3A : memref<!tpu.dma_semaphore, #tpu.memory_space<semaphore_mem>>)
        %dma_wait3A_101 = arith.constant 0 : i32
        %dma_wait3A_102 = tpu.memref_slice %arg17[%mul3A_0, %dma_wait3A_101] : memref<10240x128xf32, #tpu.memory_space<hbm>> -> memref<640x64xf32, #tpu.memory_space<hbm>>
        %dma_wait3A_103 = arith.constant 0 : i32
        %dma_wait3A_104 = tpu.memref_slice %arg28[%mul3A_0, %dma_wait3A_103] : memref<10240x64xf32, #tpu.memory_space<vmem_shared>> -> memref<640x64xf32, #tpu.memory_space<vmem_shared>>
        tpu.wait_dma2 semaphore(%run_scoped3A : memref<!tpu.dma_semaphore, #tpu.memory_space<semaphore_mem>>) src(%dma_wait3A_104 : memref<640x64xf32, #tpu.memory_space<vmem_shared>>) dst(%dma_wait3A_102 : memref<640x64xf32, #tpu.memory_space<hbm>>)
        tpu.yield
      }) : () -> ()
      %barrier3A_97 = arith.constant 0 : index
      tpu.barrier barrier_id(%barrier3A_97)
    } else {
    }
    %eq3A_3 = arith.constant 1 : i32
    %eq3A_4 = arith.cmpi eq, %arg0, %eq3A_3 : i32
    %convert_element_type3A_5 = arith.extui %eq3A_4 : i1 to i32
    %cond3A_6 = arith.constant 0 : i32
    %cond3A_7 = arith.cmpi ne, %convert_element_type3A_5, %cond3A_6 : i32
    scf.if %cond3A_7 {
      %mul3A_8 = arith.constant 640 : i32
      %mul3A_9 = arith.muli %arg1, %mul3A_8 : i32
      "tpu.region"() ({
        %run_scoped3A = tpu.sem_alloc : memref<!tpu.dma_semaphore, #tpu.memory_space<semaphore_mem>>
        %dma_start3A = arith.constant 0 : i32
        %dma_start3A_98 = tpu.memref_slice %arg28[%mul3A_9, %dma_start3A] : memref<10240x64xf32, #tpu.memory_space<vmem_shared>> -> memref<640x64xf32, #tpu.memory_space<vmem_shared>>
        tpu.enqueue_dma source(%arg14 : memref<640x64xf32, #tpu.memory_space<hbm>>) target(%dma_start3A_98 : memref<640x64xf32, #tpu.memory_space<vmem_shared>>) target_semaphore(%run_scoped3A : memref<!tpu.dma_semaphore, #tpu.memory_space<semaphore_mem>>)
        %dma_wait3A_99 = arith.constant 0 : i32
        %dma_wait3A_100 = tpu.memref_slice %arg28[%mul3A_9, %dma_wait3A_99] : memref<10240x64xf32, #tpu.memory_space<vmem_shared>> -> memref<640x64xf32, #tpu.memory_space<vmem_shared>>
        tpu.wait_dma2 semaphore(%run_scoped3A : memref<!tpu.dma_semaphore, #tpu.memory_space<semaphore_mem>>) src(%arg14 : memref<640x64xf32, #tpu.memory_space<hbm>>) dst(%dma_wait3A_100 : memref<640x64xf32, #tpu.memory_space<vmem_shared>>)
        tpu.yield
      }) : () -> ()
      %barrier3A = arith.constant 0 : index
      tpu.barrier barrier_id(%barrier3A)
      %scan3A = arith.constant 0 : i32
      %scan3A_10 = arith.constant 0 : i32
      %scan3A_11 = arith.constant 40 : i32
      %scan3A_12 = arith.addi %scan3A_10, %scan3A_11 : i32
      %scan3A_13 = arith.constant 1 : i32
      scf.for %scan3A_98 = %scan3A_10 to %scan3A_12 step %scan3A_13  : i32 {
        %jit3A = arith.constant 2 : i32
        %eq3A_99 = arith.constant 0 : i32
        %eq3A_100 = arith.cmpi eq, %jit3A, %eq3A_99 : i32
        %jit3A_101 = arith.constant 1 : i32
        %select_n3A = arith.select %eq3A_100, %jit3A_101, %jit3A : i32
        %rem3A = arith.remsi %scan3A_98, %select_n3A : i32
        %ne3A = arith.constant 0 : i32
        %ne3A_102 = arith.cmpi ne, %rem3A, %ne3A : i32
        %lt3A = arith.constant 0 : i32
        %lt3A_103 = arith.cmpi slt, %rem3A, %lt3A : i32
        %lt3A_104 = arith.constant 0 : i32
        %lt3A_105 = arith.cmpi slt, %select_n3A, %lt3A_104 : i32
        %ne3A_106 = arith.xori %lt3A_103, %lt3A_105 : i1
        %and3A = arith.andi %ne3A_106, %ne3A_102 : i1
        %add3A = arith.addi %rem3A, %select_n3A : i32
        %select_n3A_107 = arith.select %and3A, %add3A, %rem3A : i32
        %eq3A_108 = arith.constant 0 : i32
        %eq3A_109 = arith.cmpi eq, %select_n3A_107, %eq3A_108 : i32
        %convert_element_type3A_110 = arith.extui %eq3A_109 : i1 to i32
        %cond3A_111 = arith.constant 0 : i32
        %cond3A_112 = arith.cmpi ne, %convert_element_type3A_110, %cond3A_111 : i32
        scf.if %cond3A_112 {
          %ge3A = arith.constant 2 : i32
          %ge3A_134 = arith.cmpi sge, %scan3A_98, %ge3A : i32
          %convert_element_type3A_135 = arith.extui %ge3A_134 : i1 to i32
          %cond3A_136 = arith.constant 0 : i32
          %cond3A_137 = arith.cmpi ne, %convert_element_type3A_135, %cond3A_136 : i32
          scf.if %cond3A_137 {
            %dma_wait3A_185 = arith.constant 0 : i32
            %dma_wait3A_186 = arith.constant 0 : i32
            %dma_wait3A_187 = tpu.memref_slice %arg14[%dma_wait3A_185, %dma_wait3A_186] : memref<640x64xf32, #tpu.memory_space<hbm>> -> memref<128x64xf32, #tpu.memory_space<hbm>>
            %dma_wait3A_188 = arith.constant 0 : i32
            %dma_wait3A_189 = arith.constant 0 : i32
            %dma_wait3A_190 = tpu.memref_slice %arg14[%dma_wait3A_188, %dma_wait3A_189] : memref<640x64xf32, #tpu.memory_space<hbm>> -> memref<128x64xf32, #tpu.memory_space<hbm>>
            tpu.wait_dma2 semaphore(%arg30 : memref<!tpu.dma_semaphore, #tpu.memory_space<semaphore_mem>>) src(%dma_wait3A_190 : memref<128x64xf32, #tpu.memory_space<hbm>>) dst(%arg22 : memref<128x64xf32, #tpu.memory_space<vmem>>)
            %dma_wait3A_191 = arith.constant 0 : i32
            %dma_wait3A_192 = arith.constant 0 : i32
            %dma_wait3A_193 = tpu.memref_slice %arg14[%dma_wait3A_191, %dma_wait3A_192] : memref<640x64xf32, #tpu.memory_space<hbm>> -> memref<128x64xf32, #tpu.memory_space<hbm>>
            %dma_wait3A_194 = arith.constant 0 : i32
            %dma_wait3A_195 = arith.constant 0 : i32
            %dma_wait3A_196 = tpu.memref_slice %arg14[%dma_wait3A_194, %dma_wait3A_195] : memref<640x64xf32, #tpu.memory_space<hbm>> -> memref<128x64xf32, #tpu.memory_space<hbm>>
            tpu.wait_dma2 semaphore(%arg30 : memref<!tpu.dma_semaphore, #tpu.memory_space<semaphore_mem>>) src(%dma_wait3A_196 : memref<128x64xf32, #tpu.memory_space<hbm>>) dst(%arg23 : memref<128x64xf32, #tpu.memory_space<vmem>>)
          } else {
          }
          %mul3A_138 = arith.constant 2 : i32
          %mul3A_139 = arith.muli %scan3A_98, %mul3A_138 : i32
          %add3A_140 = arith.constant 0 : i32
          %add3A_141 = arith.addi %mul3A_139, %add3A_140 : i32
          %mul3A_142 = arith.constant 128 : i32
          %mul3A_143 = arith.muli %add3A_141, %mul3A_142 : i32
          %dma_start3A = tpu.memref_slice %arg18[%mul3A_143] : memref<10240xi32, #tpu.memory_space<vmem>> -> memref<128xi32, #tpu.memory_space<vmem>>
          %dma_start3A_144 = arith.constant 0 : i32
          %dma_start3A_145 = arith.constant 0 : i32
          %dma_start3A_146 = tpu.memref_slice %arg4[%dma_start3A_144, %dma_start3A_145] : memref<10000x64xf32, #tpu.memory_space<hbm>> -> memref<10000x64xf32, #tpu.memory_space<hbm>>
          tpu.enqueue_indirect_dma source(%dma_start3A_146 : memref<10000x64xf32, #tpu.memory_space<hbm>>) target(%arg22 : memref<128x64xf32, #tpu.memory_space<vmem>>) offsets(%dma_start3A : memref<128xi32, #tpu.memory_space<vmem>>) semaphore(%arg29 : memref<!tpu.dma_semaphore, #tpu.memory_space<semaphore_mem>>)
          %mul3A_147 = arith.constant 2 : i32
          %mul3A_148 = arith.muli %scan3A_98, %mul3A_147 : i32
          %add3A_149 = arith.constant 1 : i32
          %add3A_150 = arith.addi %mul3A_148, %add3A_149 : i32
          %mul3A_151 = arith.constant 128 : i32
          %mul3A_152 = arith.muli %add3A_150, %mul3A_151 : i32
          %dma_start3A_153 = tpu.memref_slice %arg18[%mul3A_152] : memref<10240xi32, #tpu.memory_space<vmem>> -> memref<128xi32, #tpu.memory_space<vmem>>
          %dma_start3A_154 = arith.constant 0 : i32
          %dma_start3A_155 = arith.constant 0 : i32
          %dma_start3A_156 = tpu.memref_slice %arg4[%dma_start3A_154, %dma_start3A_155] : memref<10000x64xf32, #tpu.memory_space<hbm>> -> memref<10000x64xf32, #tpu.memory_space<hbm>>
          tpu.enqueue_indirect_dma source(%dma_start3A_156 : memref<10000x64xf32, #tpu.memory_space<hbm>>) target(%arg23 : memref<128x64xf32, #tpu.memory_space<vmem>>) offsets(%dma_start3A_153 : memref<128xi32, #tpu.memory_space<vmem>>) semaphore(%arg29 : memref<!tpu.dma_semaphore, #tpu.memory_space<semaphore_mem>>)
          %dma_wait3A_157 = tpu.memref_slice %arg18[%mul3A_143] : memref<10240xi32, #tpu.memory_space<vmem>> -> memref<128xi32, #tpu.memory_space<vmem>>
          %dma_wait3A_158 = arith.constant 0 : i32
          %dma_wait3A_159 = arith.constant 0 : i32
          %dma_wait3A_160 = tpu.memref_slice %arg4[%dma_wait3A_158, %dma_wait3A_159] : memref<10000x64xf32, #tpu.memory_space<hbm>> -> memref<10000x64xf32, #tpu.memory_space<hbm>>
          tpu.wait_indirect_dma semaphore(%arg29 : memref<!tpu.dma_semaphore, #tpu.memory_space<semaphore_mem>>) src(%dma_wait3A_160 : memref<10000x64xf32, #tpu.memory_space<hbm>>) dst(%arg22 : memref<128x64xf32, #tpu.memory_space<vmem>>)
          %dma_wait3A_161 = tpu.memref_slice %arg18[%mul3A_152] : memref<10240xi32, #tpu.memory_space<vmem>> -> memref<128xi32, #tpu.memory_space<vmem>>
          %dma_wait3A_162 = arith.constant 0 : i32
          %dma_wait3A_163 = arith.constant 0 : i32
          %dma_wait3A_164 = tpu.memref_slice %arg4[%dma_wait3A_162, %dma_wait3A_163] : memref<10000x64xf32, #tpu.memory_space<hbm>> -> memref<10000x64xf32, #tpu.memory_space<hbm>>
          tpu.wait_indirect_dma semaphore(%arg29 : memref<!tpu.dma_semaphore, #tpu.memory_space<semaphore_mem>>) src(%dma_wait3A_164 : memref<10000x64xf32, #tpu.memory_space<hbm>>) dst(%arg23 : memref<128x64xf32, #tpu.memory_space<vmem>>)
          %mul3A_165 = arith.constant 2 : i32
          %mul3A_166 = arith.muli %scan3A_98, %mul3A_165 : i32
          %add3A_167 = arith.constant 0 : i32
          %add3A_168 = arith.addi %mul3A_166, %add3A_167 : i32
          %dma_start3A_169 = arith.constant 0 : i32
          %dma_start3A_170 = tpu.memref_slice %arg19[%add3A_168, %dma_start3A_169] : memref<80x128xi32, #tpu.memory_space<vmem>> -> memref<1x128xi32, #tpu.memory_space<vmem>>
          %dma_start3A_171 = tpu.memref_squeeze %dma_start3A_170 : memref<1x128xi32, #tpu.memory_space<vmem>> -> memref<128xi32, #tpu.memory_space<vmem>>
          %dma_start3A_172 = arith.constant 0 : i32
          %dma_start3A_173 = arith.constant 0 : i32
          %dma_start3A_174 = tpu.memref_slice %arg28[%dma_start3A_172, %dma_start3A_173] : memref<10240x64xf32, #tpu.memory_space<vmem_shared>> -> memref<10240x64xf32, #tpu.memory_space<vmem_shared>>
          tpu.enqueue_indirect_dma source(%arg22 : memref<128x64xf32, #tpu.memory_space<vmem>>) target(%dma_start3A_174 : memref<10240x64xf32, #tpu.memory_space<vmem_shared>>) offsets(%dma_start3A_171 : memref<128xi32, #tpu.memory_space<vmem>>) semaphore(%arg30 : memref<!tpu.dma_semaphore, #tpu.memory_space<semaphore_mem>>) {add = true}
          %mul3A_175 = arith.constant 2 : i32
          %mul3A_176 = arith.muli %scan3A_98, %mul3A_175 : i32
          %add3A_177 = arith.constant 1 : i32
          %add3A_178 = arith.addi %mul3A_176, %add3A_177 : i32
          %dma_start3A_179 = arith.constant 0 : i32
          %dma_start3A_180 = tpu.memref_slice %arg19[%add3A_178, %dma_start3A_179] : memref<80x128xi32, #tpu.memory_space<vmem>> -> memref<1x128xi32, #tpu.memory_space<vmem>>
          %dma_start3A_181 = tpu.memref_squeeze %dma_start3A_180 : memref<1x128xi32, #tpu.memory_space<vmem>> -> memref<128xi32, #tpu.memory_space<vmem>>
          %dma_start3A_182 = arith.constant 0 : i32
          %dma_start3A_183 = arith.constant 0 : i32
          %dma_start3A_184 = tpu.memref_slice %arg28[%dma_start3A_182, %dma_start3A_183] : memref<10240x64xf32, #tpu.memory_space<vmem_shared>> -> memref<10240x64xf32, #tpu.memory_space<vmem_shared>>
          tpu.enqueue_indirect_dma source(%arg23 : memref<128x64xf32, #tpu.memory_space<vmem>>) target(%dma_start3A_184 : memref<10240x64xf32, #tpu.memory_space<vmem_shared>>) offsets(%dma_start3A_181 : memref<128xi32, #tpu.memory_space<vmem>>) semaphore(%arg30 : memref<!tpu.dma_semaphore, #tpu.memory_space<semaphore_mem>>) {add = true}
        } else {
        }
        %jit3A_113 = arith.constant 2 : i32
        %eq3A_114 = arith.constant 0 : i32
        %eq3A_115 = arith.cmpi eq, %jit3A_113, %eq3A_114 : i32
        %jit3A_116 = arith.constant 1 : i32
        %select_n3A_117 = arith.select %eq3A_115, %jit3A_116, %jit3A_113 : i32
        %rem3A_118 = arith.remsi %scan3A_98, %select_n3A_117 : i32
        %ne3A_119 = arith.constant 0 : i32
        %ne3A_120 = arith.cmpi ne, %rem3A_118, %ne3A_119 : i32
        %lt3A_121 = arith.constant 0 : i32
        %lt3A_122 = arith.cmpi slt, %rem3A_118, %lt3A_121 : i32
        %lt3A_123 = arith.constant 0 : i32
        %lt3A_124 = arith.cmpi slt, %select_n3A_117, %lt3A_123 : i32
        %ne3A_125 = arith.xori %lt3A_122, %lt3A_124 : i1
        %and3A_126 = arith.andi %ne3A_125, %ne3A_120 : i1
        %add3A_127 = arith.addi %rem3A_118, %select_n3A_117 : i32
        %select_n3A_128 = arith.select %and3A_126, %add3A_127, %rem3A_118 : i32
        %eq3A_129 = arith.constant 1 : i32
        %eq3A_130 = arith.cmpi eq, %select_n3A_128, %eq3A_129 : i32
        %convert_element_type3A_131 = arith.extui %eq3A_130 : i1 to i32
        %cond3A_132 = arith.constant 0 : i32
        %cond3A_133 = arith.cmpi ne, %convert_element_type3A_131, %cond3A_132 : i32
        scf.if %cond3A_133 {
          %ge3A = arith.constant 2 : i32
          %ge3A_134 = arith.cmpi sge, %scan3A_98, %ge3A : i32
          %convert_element_type3A_135 = arith.extui %ge3A_134 : i1 to i32
          %cond3A_136 = arith.constant 0 : i32
          %cond3A_137 = arith.cmpi ne, %convert_element_type3A_135, %cond3A_136 : i32
          scf.if %cond3A_137 {
            %dma_wait3A_185 = arith.constant 0 : i32
            %dma_wait3A_186 = arith.constant 0 : i32
            %dma_wait3A_187 = tpu.memref_slice %arg14[%dma_wait3A_185, %dma_wait3A_186] : memref<640x64xf32, #tpu.memory_space<hbm>> -> memref<128x64xf32, #tpu.memory_space<hbm>>
            %dma_wait3A_188 = arith.constant 0 : i32
            %dma_wait3A_189 = arith.constant 0 : i32
            %dma_wait3A_190 = tpu.memref_slice %arg14[%dma_wait3A_188, %dma_wait3A_189] : memref<640x64xf32, #tpu.memory_space<hbm>> -> memref<128x64xf32, #tpu.memory_space<hbm>>
            tpu.wait_dma2 semaphore(%arg30 : memref<!tpu.dma_semaphore, #tpu.memory_space<semaphore_mem>>) src(%dma_wait3A_190 : memref<128x64xf32, #tpu.memory_space<hbm>>) dst(%arg24 : memref<128x64xf32, #tpu.memory_space<vmem>>)
            %dma_wait3A_191 = arith.constant 0 : i32
            %dma_wait3A_192 = arith.constant 0 : i32
            %dma_wait3A_193 = tpu.memref_slice %arg14[%dma_wait3A_191, %dma_wait3A_192] : memref<640x64xf32, #tpu.memory_space<hbm>> -> memref<128x64xf32, #tpu.memory_space<hbm>>
            %dma_wait3A_194 = arith.constant 0 : i32
            %dma_wait3A_195 = arith.constant 0 : i32
            %dma_wait3A_196 = tpu.memref_slice %arg14[%dma_wait3A_194, %dma_wait3A_195] : memref<640x64xf32, #tpu.memory_space<hbm>> -> memref<128x64xf32, #tpu.memory_space<hbm>>
            tpu.wait_dma2 semaphore(%arg30 : memref<!tpu.dma_semaphore, #tpu.memory_space<semaphore_mem>>) src(%dma_wait3A_196 : memref<128x64xf32, #tpu.memory_space<hbm>>) dst(%arg25 : memref<128x64xf32, #tpu.memory_space<vmem>>)
          } else {
          }
          %mul3A_138 = arith.constant 2 : i32
          %mul3A_139 = arith.muli %scan3A_98, %mul3A_138 : i32
          %add3A_140 = arith.constant 0 : i32
          %add3A_141 = arith.addi %mul3A_139, %add3A_140 : i32
          %mul3A_142 = arith.constant 128 : i32
          %mul3A_143 = arith.muli %add3A_141, %mul3A_142 : i32
          %dma_start3A = tpu.memref_slice %arg18[%mul3A_143] : memref<10240xi32, #tpu.memory_space<vmem>> -> memref<128xi32, #tpu.memory_space<vmem>>
          %dma_start3A_144 = arith.constant 0 : i32
          %dma_start3A_145 = arith.constant 0 : i32
          %dma_start3A_146 = tpu.memref_slice %arg4[%dma_start3A_144, %dma_start3A_145] : memref<10000x64xf32, #tpu.memory_space<hbm>> -> memref<10000x64xf32, #tpu.memory_space<hbm>>
          tpu.enqueue_indirect_dma source(%dma_start3A_146 : memref<10000x64xf32, #tpu.memory_space<hbm>>) target(%arg24 : memref<128x64xf32, #tpu.memory_space<vmem>>) offsets(%dma_start3A : memref<128xi32, #tpu.memory_space<vmem>>) semaphore(%arg29 : memref<!tpu.dma_semaphore, #tpu.memory_space<semaphore_mem>>)
          %mul3A_147 = arith.constant 2 : i32
          %mul3A_148 = arith.muli %scan3A_98, %mul3A_147 : i32
          %add3A_149 = arith.constant 1 : i32
          %add3A_150 = arith.addi %mul3A_148, %add3A_149 : i32
          %mul3A_151 = arith.constant 128 : i32
          %mul3A_152 = arith.muli %add3A_150, %mul3A_151 : i32
          %dma_start3A_153 = tpu.memref_slice %arg18[%mul3A_152] : memref<10240xi32, #tpu.memory_space<vmem>> -> memref<128xi32, #tpu.memory_space<vmem>>
          %dma_start3A_154 = arith.constant 0 : i32
          %dma_start3A_155 = arith.constant 0 : i32
          %dma_start3A_156 = tpu.memref_slice %arg4[%dma_start3A_154, %dma_start3A_155] : memref<10000x64xf32, #tpu.memory_space<hbm>> -> memref<10000x64xf32, #tpu.memory_space<hbm>>
          tpu.enqueue_indirect_dma source(%dma_start3A_156 : memref<10000x64xf32, #tpu.memory_space<hbm>>) target(%arg25 : memref<128x64xf32, #tpu.memory_space<vmem>>) offsets(%dma_start3A_153 : memref<128xi32, #tpu.memory_space<vmem>>) semaphore(%arg29 : memref<!tpu.dma_semaphore, #tpu.memory_space<semaphore_mem>>)
          %dma_wait3A_157 = tpu.memref_slice %arg18[%mul3A_143] : memref<10240xi32, #tpu.memory_space<vmem>> -> memref<128xi32, #tpu.memory_space<vmem>>
          %dma_wait3A_158 = arith.constant 0 : i32
          %dma_wait3A_159 = arith.constant 0 : i32
          %dma_wait3A_160 = tpu.memref_slice %arg4[%dma_wait3A_158, %dma_wait3A_159] : memref<10000x64xf32, #tpu.memory_space<hbm>> -> memref<10000x64xf32, #tpu.memory_space<hbm>>
          tpu.wait_indirect_dma semaphore(%arg29 : memref<!tpu.dma_semaphore, #tpu.memory_space<semaphore_mem>>) src(%dma_wait3A_160 : memref<10000x64xf32, #tpu.memory_space<hbm>>) dst(%arg24 : memref<128x64xf32, #tpu.memory_space<vmem>>)
          %dma_wait3A_161 = tpu.memref_slice %arg18[%mul3A_152] : memref<10240xi32, #tpu.memory_space<vmem>> -> memref<128xi32, #tpu.memory_space<vmem>>
          %dma_wait3A_162 = arith.constant 0 : i32
          %dma_wait3A_163 = arith.constant 0 : i32
          %dma_wait3A_164 = tpu.memref_slice %arg4[%dma_wait3A_162, %dma_wait3A_163] : memref<10000x64xf32, #tpu.memory_space<hbm>> -> memref<10000x64xf32, #tpu.memory_space<hbm>>
          tpu.wait_indirect_dma semaphore(%arg29 : memref<!tpu.dma_semaphore, #tpu.memory_space<semaphore_mem>>) src(%dma_wait3A_164 : memref<10000x64xf32, #tpu.memory_space<hbm>>) dst(%arg25 : memref<128x64xf32, #tpu.memory_space<vmem>>)
          %mul3A_165 = arith.constant 2 : i32
          %mul3A_166 = arith.muli %scan3A_98, %mul3A_165 : i32
          %add3A_167 = arith.constant 0 : i32
          %add3A_168 = arith.addi %mul3A_166, %add3A_167 : i32
          %dma_start3A_169 = arith.constant 0 : i32
          %dma_start3A_170 = tpu.memref_slice %arg19[%add3A_168, %dma_start3A_169] : memref<80x128xi32, #tpu.memory_space<vmem>> -> memref<1x128xi32, #tpu.memory_space<vmem>>
          %dma_start3A_171 = tpu.memref_squeeze %dma_start3A_170 : memref<1x128xi32, #tpu.memory_space<vmem>> -> memref<128xi32, #tpu.memory_space<vmem>>
          %dma_start3A_172 = arith.constant 0 : i32
          %dma_start3A_173 = arith.constant 0 : i32
          %dma_start3A_174 = tpu.memref_slice %arg28[%dma_start3A_172, %dma_start3A_173] : memref<10240x64xf32, #tpu.memory_space<vmem_shared>> -> memref<10240x64xf32, #tpu.memory_space<vmem_shared>>
          tpu.enqueue_indirect_dma source(%arg24 : memref<128x64xf32, #tpu.memory_space<vmem>>) target(%dma_start3A_174 : memref<10240x64xf32, #tpu.memory_space<vmem_shared>>) offsets(%dma_start3A_171 : memref<128xi32, #tpu.memory_space<vmem>>) semaphore(%arg30 : memref<!tpu.dma_semaphore, #tpu.memory_space<semaphore_mem>>) {add = true}
          %mul3A_175 = arith.constant 2 : i32
          %mul3A_176 = arith.muli %scan3A_98, %mul3A_175 : i32
          %add3A_177 = arith.constant 1 : i32
          %add3A_178 = arith.addi %mul3A_176, %add3A_177 : i32
          %dma_start3A_179 = arith.constant 0 : i32
          %dma_start3A_180 = tpu.memref_slice %arg19[%add3A_178, %dma_start3A_179] : memref<80x128xi32, #tpu.memory_space<vmem>> -> memref<1x128xi32, #tpu.memory_space<vmem>>
          %dma_start3A_181 = tpu.memref_squeeze %dma_start3A_180 : memref<1x128xi32, #tpu.memory_space<vmem>> -> memref<128xi32, #tpu.memory_space<vmem>>
          %dma_start3A_182 = arith.constant 0 : i32
          %dma_start3A_183 = arith.constant 0 : i32
          %dma_start3A_184 = tpu.memref_slice %arg28[%dma_start3A_182, %dma_start3A_183] : memref<10240x64xf32, #tpu.memory_space<vmem_shared>> -> memref<10240x64xf32, #tpu.memory_space<vmem_shared>>
          tpu.enqueue_indirect_dma source(%arg25 : memref<128x64xf32, #tpu.memory_space<vmem>>) target(%dma_start3A_184 : memref<10240x64xf32, #tpu.memory_space<vmem_shared>>) offsets(%dma_start3A_181 : memref<128xi32, #tpu.memory_space<vmem>>) semaphore(%arg30 : memref<!tpu.dma_semaphore, #tpu.memory_space<semaphore_mem>>) {add = true}
        } else {
        }
      }
      %scan3A_14 = arith.constant 40 : i32
      %dma_wait3A = arith.constant 0 : i32
      %dma_wait3A_15 = arith.constant 0 : i32
      %dma_wait3A_16 = tpu.memref_slice %arg14[%dma_wait3A, %dma_wait3A_15] : memref<640x64xf32, #tpu.memory_space<hbm>> -> memref<128x64xf32, #tpu.memory_space<hbm>>
      %dma_wait3A_17 = arith.constant 0 : i32
      %dma_wait3A_18 = arith.constant 0 : i32
      %dma_wait3A_19 = tpu.memref_slice %arg14[%dma_wait3A_17, %dma_wait3A_18] : memref<640x64xf32, #tpu.memory_space<hbm>> -> memref<128x64xf32, #tpu.memory_space<hbm>>
      tpu.wait_dma2 semaphore(%arg30 : memref<!tpu.dma_semaphore, #tpu.memory_space<semaphore_mem>>) src(%dma_wait3A_19 : memref<128x64xf32, #tpu.memory_space<hbm>>) dst(%arg22 : memref<128x64xf32, #tpu.memory_space<vmem>>)
      %dma_wait3A_20 = arith.constant 0 : i32
      %dma_wait3A_21 = arith.constant 0 : i32
      %dma_wait3A_22 = tpu.memref_slice %arg14[%dma_wait3A_20, %dma_wait3A_21] : memref<640x64xf32, #tpu.memory_space<hbm>> -> memref<128x64xf32, #tpu.memory_space<hbm>>
      %dma_wait3A_23 = arith.constant 0 : i32
      %dma_wait3A_24 = arith.constant 0 : i32
      %dma_wait3A_25 = tpu.memref_slice %arg14[%dma_wait3A_23, %dma_wait3A_24] : memref<640x64xf32, #tpu.memory_space<hbm>> -> memref<128x64xf32, #tpu.memory_space<hbm>>
      tpu.wait_dma2 semaphore(%arg30 : memref<!tpu.dma_semaphore, #tpu.memory_space<semaphore_mem>>) src(%dma_wait3A_25 : memref<128x64xf32, #tpu.memory_space<hbm>>) dst(%arg23 : memref<128x64xf32, #tpu.memory_space<vmem>>)
      %dma_wait3A_26 = arith.constant 0 : i32
      %dma_wait3A_27 = arith.constant 0 : i32
      %dma_wait3A_28 = tpu.memref_slice %arg14[%dma_wait3A_26, %dma_wait3A_27] : memref<640x64xf32, #tpu.memory_space<hbm>> -> memref<128x64xf32, #tpu.memory_space<hbm>>
      %dma_wait3A_29 = arith.constant 0 : i32
      %dma_wait3A_30 = arith.constant 0 : i32
      %dma_wait3A_31 = tpu.memref_slice %arg14[%dma_wait3A_29, %dma_wait3A_30] : memref<640x64xf32, #tpu.memory_space<hbm>> -> memref<128x64xf32, #tpu.memory_space<hbm>>
      tpu.wait_dma2 semaphore(%arg30 : memref<!tpu.dma_semaphore, #tpu.memory_space<semaphore_mem>>) src(%dma_wait3A_31 : memref<128x64xf32, #tpu.memory_space<hbm>>) dst(%arg24 : memref<128x64xf32, #tpu.memory_space<vmem>>)
      %dma_wait3A_32 = arith.constant 0 : i32
      %dma_wait3A_33 = arith.constant 0 : i32
      %dma_wait3A_34 = tpu.memref_slice %arg14[%dma_wait3A_32, %dma_wait3A_33] : memref<640x64xf32, #tpu.memory_space<hbm>> -> memref<128x64xf32, #tpu.memory_space<hbm>>
      %dma_wait3A_35 = arith.constant 0 : i32
      %dma_wait3A_36 = arith.constant 0 : i32
      %dma_wait3A_37 = tpu.memref_slice %arg14[%dma_wait3A_35, %dma_wait3A_36] : memref<640x64xf32, #tpu.memory_space<hbm>> -> memref<128x64xf32, #tpu.memory_space<hbm>>
      tpu.wait_dma2 semaphore(%arg30 : memref<!tpu.dma_semaphore, #tpu.memory_space<semaphore_mem>>) src(%dma_wait3A_37 : memref<128x64xf32, #tpu.memory_space<hbm>>) dst(%arg25 : memref<128x64xf32, #tpu.memory_space<vmem>>)
      %barrier3A_38 = arith.constant 0 : index
      tpu.barrier barrier_id(%barrier3A_38)
      "tpu.region"() ({
        %run_scoped3A = tpu.sem_alloc : memref<!tpu.dma_semaphore, #tpu.memory_space<semaphore_mem>>
        %dma_start3A = arith.constant 0 : i32
        %dma_start3A_98 = tpu.memref_slice %arg16[%mul3A_0, %dma_start3A] : memref<10240x128xf32, #tpu.memory_space<hbm>> -> memref<640x64xf32, #tpu.memory_space<hbm>>
        %dma_start3A_99 = arith.constant 0 : i32
        %dma_start3A_100 = tpu.memref_slice %arg28[%mul3A_0, %dma_start3A_99] : memref<10240x64xf32, #tpu.memory_space<vmem_shared>> -> memref<640x64xf32, #tpu.memory_space<vmem_shared>>
        tpu.enqueue_dma source(%dma_start3A_100 : memref<640x64xf32, #tpu.memory_space<vmem_shared>>) target(%dma_start3A_98 : memref<640x64xf32, #tpu.memory_space<hbm>>) target_semaphore(%run_scoped3A : memref<!tpu.dma_semaphore, #tpu.memory_space<semaphore_mem>>)
        %dma_wait3A_101 = arith.constant 0 : i32
        %dma_wait3A_102 = tpu.memref_slice %arg16[%mul3A_0, %dma_wait3A_101] : memref<10240x128xf32, #tpu.memory_space<hbm>> -> memref<640x64xf32, #tpu.memory_space<hbm>>
        %dma_wait3A_103 = arith.constant 0 : i32
        %dma_wait3A_104 = tpu.memref_slice %arg28[%mul3A_0, %dma_wait3A_103] : memref<10240x64xf32, #tpu.memory_space<vmem_shared>> -> memref<640x64xf32, #tpu.memory_space<vmem_shared>>
        tpu.wait_dma2 semaphore(%run_scoped3A : memref<!tpu.dma_semaphore, #tpu.memory_space<semaphore_mem>>) src(%dma_wait3A_104 : memref<640x64xf32, #tpu.memory_space<vmem_shared>>) dst(%dma_wait3A_102 : memref<640x64xf32, #tpu.memory_space<hbm>>)
        tpu.yield
      }) : () -> ()
      %barrier3A_39 = arith.constant 0 : index
      tpu.barrier barrier_id(%barrier3A_39)
      %mul3A_40 = arith.constant 640 : i32
      %mul3A_41 = arith.muli %arg1, %mul3A_40 : i32
      "tpu.region"() ({
        %run_scoped3A = tpu.sem_alloc : memref<!tpu.dma_semaphore, #tpu.memory_space<semaphore_mem>>
        %dma_start3A = arith.constant 0 : i32
        %dma_start3A_98 = tpu.memref_slice %arg28[%mul3A_41, %dma_start3A] : memref<10240x64xf32, #tpu.memory_space<vmem_shared>> -> memref<640x64xf32, #tpu.memory_space<vmem_shared>>
        tpu.enqueue_dma source(%arg14 : memref<640x64xf32, #tpu.memory_space<hbm>>) target(%dma_start3A_98 : memref<640x64xf32, #tpu.memory_space<vmem_shared>>) target_semaphore(%run_scoped3A : memref<!tpu.dma_semaphore, #tpu.memory_space<semaphore_mem>>)
        %dma_wait3A_99 = arith.constant 0 : i32
        %dma_wait3A_100 = tpu.memref_slice %arg28[%mul3A_41, %dma_wait3A_99] : memref<10240x64xf32, #tpu.memory_space<vmem_shared>> -> memref<640x64xf32, #tpu.memory_space<vmem_shared>>
        tpu.wait_dma2 semaphore(%run_scoped3A : memref<!tpu.dma_semaphore, #tpu.memory_space<semaphore_mem>>) src(%arg14 : memref<640x64xf32, #tpu.memory_space<hbm>>) dst(%dma_wait3A_100 : memref<640x64xf32, #tpu.memory_space<vmem_shared>>)
        tpu.yield
      }) : () -> ()
      %barrier3A_42 = arith.constant 0 : index
      tpu.barrier barrier_id(%barrier3A_42)
      %scan3A_43 = arith.constant 0 : i32
      %scan3A_44 = arith.constant 0 : i32
      %scan3A_45 = arith.constant 40 : i32
      %scan3A_46 = arith.addi %scan3A_44, %scan3A_45 : i32
      %scan3A_47 = arith.constant 1 : i32
      scf.for %scan3A_98 = %scan3A_44 to %scan3A_46 step %scan3A_47  : i32 {
        %jit3A = arith.constant 2 : i32
        %eq3A_99 = arith.constant 0 : i32
        %eq3A_100 = arith.cmpi eq, %jit3A, %eq3A_99 : i32
        %jit3A_101 = arith.constant 1 : i32
        %select_n3A = arith.select %eq3A_100, %jit3A_101, %jit3A : i32
        %rem3A = arith.remsi %scan3A_98, %select_n3A : i32
        %ne3A = arith.constant 0 : i32
        %ne3A_102 = arith.cmpi ne, %rem3A, %ne3A : i32
        %lt3A = arith.constant 0 : i32
        %lt3A_103 = arith.cmpi slt, %rem3A, %lt3A : i32
        %lt3A_104 = arith.constant 0 : i32
        %lt3A_105 = arith.cmpi slt, %select_n3A, %lt3A_104 : i32
        %ne3A_106 = arith.xori %lt3A_103, %lt3A_105 : i1
        %and3A = arith.andi %ne3A_106, %ne3A_102 : i1
        %add3A = arith.addi %rem3A, %select_n3A : i32
        %select_n3A_107 = arith.select %and3A, %add3A, %rem3A : i32
        %eq3A_108 = arith.constant 0 : i32
        %eq3A_109 = arith.cmpi eq, %select_n3A_107, %eq3A_108 : i32
        %convert_element_type3A_110 = arith.extui %eq3A_109 : i1 to i32
        %cond3A_111 = arith.constant 0 : i32
        %cond3A_112 = arith.cmpi ne, %convert_element_type3A_110, %cond3A_111 : i32
        scf.if %cond3A_112 {
          %ge3A = arith.constant 2 : i32
          %ge3A_134 = arith.cmpi sge, %scan3A_98, %ge3A : i32
          %convert_element_type3A_135 = arith.extui %ge3A_134 : i1 to i32
          %cond3A_136 = arith.constant 0 : i32
          %cond3A_137 = arith.cmpi ne, %convert_element_type3A_135, %cond3A_136 : i32
          scf.if %cond3A_137 {
            %dma_wait3A_185 = arith.constant 0 : i32
            %dma_wait3A_186 = arith.constant 0 : i32
            %dma_wait3A_187 = tpu.memref_slice %arg14[%dma_wait3A_185, %dma_wait3A_186] : memref<640x64xf32, #tpu.memory_space<hbm>> -> memref<128x64xf32, #tpu.memory_space<hbm>>
            %dma_wait3A_188 = arith.constant 0 : i32
            %dma_wait3A_189 = arith.constant 0 : i32
            %dma_wait3A_190 = tpu.memref_slice %arg14[%dma_wait3A_188, %dma_wait3A_189] : memref<640x64xf32, #tpu.memory_space<hbm>> -> memref<128x64xf32, #tpu.memory_space<hbm>>
            tpu.wait_dma2 semaphore(%arg30 : memref<!tpu.dma_semaphore, #tpu.memory_space<semaphore_mem>>) src(%dma_wait3A_190 : memref<128x64xf32, #tpu.memory_space<hbm>>) dst(%arg22 : memref<128x64xf32, #tpu.memory_space<vmem>>)
            %dma_wait3A_191 = arith.constant 0 : i32
            %dma_wait3A_192 = arith.constant 0 : i32
            %dma_wait3A_193 = tpu.memref_slice %arg14[%dma_wait3A_191, %dma_wait3A_192] : memref<640x64xf32, #tpu.memory_space<hbm>> -> memref<128x64xf32, #tpu.memory_space<hbm>>
            %dma_wait3A_194 = arith.constant 0 : i32
            %dma_wait3A_195 = arith.constant 0 : i32
            %dma_wait3A_196 = tpu.memref_slice %arg14[%dma_wait3A_194, %dma_wait3A_195] : memref<640x64xf32, #tpu.memory_space<hbm>> -> memref<128x64xf32, #tpu.memory_space<hbm>>
            tpu.wait_dma2 semaphore(%arg30 : memref<!tpu.dma_semaphore, #tpu.memory_space<semaphore_mem>>) src(%dma_wait3A_196 : memref<128x64xf32, #tpu.memory_space<hbm>>) dst(%arg23 : memref<128x64xf32, #tpu.memory_space<vmem>>)
          } else {
          }
          %mul3A_138 = arith.constant 2 : i32
          %mul3A_139 = arith.muli %scan3A_98, %mul3A_138 : i32
          %add3A_140 = arith.constant 0 : i32
          %add3A_141 = arith.addi %mul3A_139, %add3A_140 : i32
          %mul3A_142 = arith.constant 128 : i32
          %mul3A_143 = arith.muli %add3A_141, %mul3A_142 : i32
          %dma_start3A = tpu.memref_slice %arg18[%mul3A_143] : memref<10240xi32, #tpu.memory_space<vmem>> -> memref<128xi32, #tpu.memory_space<vmem>>
          %dma_start3A_144 = arith.constant 0 : i32
          %dma_start3A_145 = arith.constant 0 : i32
          %dma_start3A_146 = tpu.memref_slice %arg5[%dma_start3A_144, %dma_start3A_145] : memref<10000x64xf32, #tpu.memory_space<hbm>> -> memref<10000x64xf32, #tpu.memory_space<hbm>>
          tpu.enqueue_indirect_dma source(%dma_start3A_146 : memref<10000x64xf32, #tpu.memory_space<hbm>>) target(%arg22 : memref<128x64xf32, #tpu.memory_space<vmem>>) offsets(%dma_start3A : memref<128xi32, #tpu.memory_space<vmem>>) semaphore(%arg29 : memref<!tpu.dma_semaphore, #tpu.memory_space<semaphore_mem>>)
          %mul3A_147 = arith.constant 2 : i32
          %mul3A_148 = arith.muli %scan3A_98, %mul3A_147 : i32
          %add3A_149 = arith.constant 1 : i32
          %add3A_150 = arith.addi %mul3A_148, %add3A_149 : i32
          %mul3A_151 = arith.constant 128 : i32
          %mul3A_152 = arith.muli %add3A_150, %mul3A_151 : i32
          %dma_start3A_153 = tpu.memref_slice %arg18[%mul3A_152] : memref<10240xi32, #tpu.memory_space<vmem>> -> memref<128xi32, #tpu.memory_space<vmem>>
          %dma_start3A_154 = arith.constant 0 : i32
          %dma_start3A_155 = arith.constant 0 : i32
          %dma_start3A_156 = tpu.memref_slice %arg5[%dma_start3A_154, %dma_start3A_155] : memref<10000x64xf32, #tpu.memory_space<hbm>> -> memref<10000x64xf32, #tpu.memory_space<hbm>>
          tpu.enqueue_indirect_dma source(%dma_start3A_156 : memref<10000x64xf32, #tpu.memory_space<hbm>>) target(%arg23 : memref<128x64xf32, #tpu.memory_space<vmem>>) offsets(%dma_start3A_153 : memref<128xi32, #tpu.memory_space<vmem>>) semaphore(%arg29 : memref<!tpu.dma_semaphore, #tpu.memory_space<semaphore_mem>>)
          %dma_wait3A_157 = tpu.memref_slice %arg18[%mul3A_143] : memref<10240xi32, #tpu.memory_space<vmem>> -> memref<128xi32, #tpu.memory_space<vmem>>
          %dma_wait3A_158 = arith.constant 0 : i32
          %dma_wait3A_159 = arith.constant 0 : i32
          %dma_wait3A_160 = tpu.memref_slice %arg5[%dma_wait3A_158, %dma_wait3A_159] : memref<10000x64xf32, #tpu.memory_space<hbm>> -> memref<10000x64xf32, #tpu.memory_space<hbm>>
          tpu.wait_indirect_dma semaphore(%arg29 : memref<!tpu.dma_semaphore, #tpu.memory_space<semaphore_mem>>) src(%dma_wait3A_160 : memref<10000x64xf32, #tpu.memory_space<hbm>>) dst(%arg22 : memref<128x64xf32, #tpu.memory_space<vmem>>)
          %dma_wait3A_161 = tpu.memref_slice %arg18[%mul3A_152] : memref<10240xi32, #tpu.memory_space<vmem>> -> memref<128xi32, #tpu.memory_space<vmem>>
          %dma_wait3A_162 = arith.constant 0 : i32
          %dma_wait3A_163 = arith.constant 0 : i32
          %dma_wait3A_164 = tpu.memref_slice %arg5[%dma_wait3A_162, %dma_wait3A_163] : memref<10000x64xf32, #tpu.memory_space<hbm>> -> memref<10000x64xf32, #tpu.memory_space<hbm>>
          tpu.wait_indirect_dma semaphore(%arg29 : memref<!tpu.dma_semaphore, #tpu.memory_space<semaphore_mem>>) src(%dma_wait3A_164 : memref<10000x64xf32, #tpu.memory_space<hbm>>) dst(%arg23 : memref<128x64xf32, #tpu.memory_space<vmem>>)
          %mul3A_165 = arith.constant 2 : i32
          %mul3A_166 = arith.muli %scan3A_98, %mul3A_165 : i32
          %add3A_167 = arith.constant 0 : i32
          %add3A_168 = arith.addi %mul3A_166, %add3A_167 : i32
          %dma_start3A_169 = arith.constant 0 : i32
          %dma_start3A_170 = tpu.memref_slice %arg19[%add3A_168, %dma_start3A_169] : memref<80x128xi32, #tpu.memory_space<vmem>> -> memref<1x128xi32, #tpu.memory_space<vmem>>
          %dma_start3A_171 = tpu.memref_squeeze %dma_start3A_170 : memref<1x128xi32, #tpu.memory_space<vmem>> -> memref<128xi32, #tpu.memory_space<vmem>>
          %dma_start3A_172 = arith.constant 0 : i32
          %dma_start3A_173 = arith.constant 0 : i32
          %dma_start3A_174 = tpu.memref_slice %arg28[%dma_start3A_172, %dma_start3A_173] : memref<10240x64xf32, #tpu.memory_space<vmem_shared>> -> memref<10240x64xf32, #tpu.memory_space<vmem_shared>>
          tpu.enqueue_indirect_dma source(%arg22 : memref<128x64xf32, #tpu.memory_space<vmem>>) target(%dma_start3A_174 : memref<10240x64xf32, #tpu.memory_space<vmem_shared>>) offsets(%dma_start3A_171 : memref<128xi32, #tpu.memory_space<vmem>>) semaphore(%arg30 : memref<!tpu.dma_semaphore, #tpu.memory_space<semaphore_mem>>) {add = true}
          %mul3A_175 = arith.constant 2 : i32
          %mul3A_176 = arith.muli %scan3A_98, %mul3A_175 : i32
          %add3A_177 = arith.constant 1 : i32
          %add3A_178 = arith.addi %mul3A_176, %add3A_177 : i32
          %dma_start3A_179 = arith.constant 0 : i32
          %dma_start3A_180 = tpu.memref_slice %arg19[%add3A_178, %dma_start3A_179] : memref<80x128xi32, #tpu.memory_space<vmem>> -> memref<1x128xi32, #tpu.memory_space<vmem>>
          %dma_start3A_181 = tpu.memref_squeeze %dma_start3A_180 : memref<1x128xi32, #tpu.memory_space<vmem>> -> memref<128xi32, #tpu.memory_space<vmem>>
          %dma_start3A_182 = arith.constant 0 : i32
          %dma_start3A_183 = arith.constant 0 : i32
          %dma_start3A_184 = tpu.memref_slice %arg28[%dma_start3A_182, %dma_start3A_183] : memref<10240x64xf32, #tpu.memory_space<vmem_shared>> -> memref<10240x64xf32, #tpu.memory_space<vmem_shared>>
          tpu.enqueue_indirect_dma source(%arg23 : memref<128x64xf32, #tpu.memory_space<vmem>>) target(%dma_start3A_184 : memref<10240x64xf32, #tpu.memory_space<vmem_shared>>) offsets(%dma_start3A_181 : memref<128xi32, #tpu.memory_space<vmem>>) semaphore(%arg30 : memref<!tpu.dma_semaphore, #tpu.memory_space<semaphore_mem>>) {add = true}
        } else {
        }
        %jit3A_113 = arith.constant 2 : i32
        %eq3A_114 = arith.constant 0 : i32
        %eq3A_115 = arith.cmpi eq, %jit3A_113, %eq3A_114 : i32
        %jit3A_116 = arith.constant 1 : i32
        %select_n3A_117 = arith.select %eq3A_115, %jit3A_116, %jit3A_113 : i32
        %rem3A_118 = arith.remsi %scan3A_98, %select_n3A_117 : i32
        %ne3A_119 = arith.constant 0 : i32
        %ne3A_120 = arith.cmpi ne, %rem3A_118, %ne3A_119 : i32
        %lt3A_121 = arith.constant 0 : i32
        %lt3A_122 = arith.cmpi slt, %rem3A_118, %lt3A_121 : i32
        %lt3A_123 = arith.constant 0 : i32
        %lt3A_124 = arith.cmpi slt, %select_n3A_117, %lt3A_123 : i32
        %ne3A_125 = arith.xori %lt3A_122, %lt3A_124 : i1
        %and3A_126 = arith.andi %ne3A_125, %ne3A_120 : i1
        %add3A_127 = arith.addi %rem3A_118, %select_n3A_117 : i32
        %select_n3A_128 = arith.select %and3A_126, %add3A_127, %rem3A_118 : i32
        %eq3A_129 = arith.constant 1 : i32
        %eq3A_130 = arith.cmpi eq, %select_n3A_128, %eq3A_129 : i32
        %convert_element_type3A_131 = arith.extui %eq3A_130 : i1 to i32
        %cond3A_132 = arith.constant 0 : i32
        %cond3A_133 = arith.cmpi ne, %convert_element_type3A_131, %cond3A_132 : i32
        scf.if %cond3A_133 {
          %ge3A = arith.constant 2 : i32
          %ge3A_134 = arith.cmpi sge, %scan3A_98, %ge3A : i32
          %convert_element_type3A_135 = arith.extui %ge3A_134 : i1 to i32
          %cond3A_136 = arith.constant 0 : i32
          %cond3A_137 = arith.cmpi ne, %convert_element_type3A_135, %cond3A_136 : i32
          scf.if %cond3A_137 {
            %dma_wait3A_185 = arith.constant 0 : i32
            %dma_wait3A_186 = arith.constant 0 : i32
            %dma_wait3A_187 = tpu.memref_slice %arg14[%dma_wait3A_185, %dma_wait3A_186] : memref<640x64xf32, #tpu.memory_space<hbm>> -> memref<128x64xf32, #tpu.memory_space<hbm>>
            %dma_wait3A_188 = arith.constant 0 : i32
            %dma_wait3A_189 = arith.constant 0 : i32
            %dma_wait3A_190 = tpu.memref_slice %arg14[%dma_wait3A_188, %dma_wait3A_189] : memref<640x64xf32, #tpu.memory_space<hbm>> -> memref<128x64xf32, #tpu.memory_space<hbm>>
            tpu.wait_dma2 semaphore(%arg30 : memref<!tpu.dma_semaphore, #tpu.memory_space<semaphore_mem>>) src(%dma_wait3A_190 : memref<128x64xf32, #tpu.memory_space<hbm>>) dst(%arg24 : memref<128x64xf32, #tpu.memory_space<vmem>>)
            %dma_wait3A_191 = arith.constant 0 : i32
            %dma_wait3A_192 = arith.constant 0 : i32
            %dma_wait3A_193 = tpu.memref_slice %arg14[%dma_wait3A_191, %dma_wait3A_192] : memref<640x64xf32, #tpu.memory_space<hbm>> -> memref<128x64xf32, #tpu.memory_space<hbm>>
            %dma_wait3A_194 = arith.constant 0 : i32
            %dma_wait3A_195 = arith.constant 0 : i32
            %dma_wait3A_196 = tpu.memref_slice %arg14[%dma_wait3A_194, %dma_wait3A_195] : memref<640x64xf32, #tpu.memory_space<hbm>> -> memref<128x64xf32, #tpu.memory_space<hbm>>
            tpu.wait_dma2 semaphore(%arg30 : memref<!tpu.dma_semaphore, #tpu.memory_space<semaphore_mem>>) src(%dma_wait3A_196 : memref<128x64xf32, #tpu.memory_space<hbm>>) dst(%arg25 : memref<128x64xf32, #tpu.memory_space<vmem>>)
          } else {
          }
          %mul3A_138 = arith.constant 2 : i32
          %mul3A_139 = arith.muli %scan3A_98, %mul3A_138 : i32
          %add3A_140 = arith.constant 0 : i32
          %add3A_141 = arith.addi %mul3A_139, %add3A_140 : i32
          %mul3A_142 = arith.constant 128 : i32
          %mul3A_143 = arith.muli %add3A_141, %mul3A_142 : i32
          %dma_start3A = tpu.memref_slice %arg18[%mul3A_143] : memref<10240xi32, #tpu.memory_space<vmem>> -> memref<128xi32, #tpu.memory_space<vmem>>
          %dma_start3A_144 = arith.constant 0 : i32
          %dma_start3A_145 = arith.constant 0 : i32
          %dma_start3A_146 = tpu.memref_slice %arg5[%dma_start3A_144, %dma_start3A_145] : memref<10000x64xf32, #tpu.memory_space<hbm>> -> memref<10000x64xf32, #tpu.memory_space<hbm>>
          tpu.enqueue_indirect_dma source(%dma_start3A_146 : memref<10000x64xf32, #tpu.memory_space<hbm>>) target(%arg24 : memref<128x64xf32, #tpu.memory_space<vmem>>) offsets(%dma_start3A : memref<128xi32, #tpu.memory_space<vmem>>) semaphore(%arg29 : memref<!tpu.dma_semaphore, #tpu.memory_space<semaphore_mem>>)
          %mul3A_147 = arith.constant 2 : i32
          %mul3A_148 = arith.muli %scan3A_98, %mul3A_147 : i32
          %add3A_149 = arith.constant 1 : i32
          %add3A_150 = arith.addi %mul3A_148, %add3A_149 : i32
          %mul3A_151 = arith.constant 128 : i32
          %mul3A_152 = arith.muli %add3A_150, %mul3A_151 : i32
          %dma_start3A_153 = tpu.memref_slice %arg18[%mul3A_152] : memref<10240xi32, #tpu.memory_space<vmem>> -> memref<128xi32, #tpu.memory_space<vmem>>
          %dma_start3A_154 = arith.constant 0 : i32
          %dma_start3A_155 = arith.constant 0 : i32
          %dma_start3A_156 = tpu.memref_slice %arg5[%dma_start3A_154, %dma_start3A_155] : memref<10000x64xf32, #tpu.memory_space<hbm>> -> memref<10000x64xf32, #tpu.memory_space<hbm>>
          tpu.enqueue_indirect_dma source(%dma_start3A_156 : memref<10000x64xf32, #tpu.memory_space<hbm>>) target(%arg25 : memref<128x64xf32, #tpu.memory_space<vmem>>) offsets(%dma_start3A_153 : memref<128xi32, #tpu.memory_space<vmem>>) semaphore(%arg29 : memref<!tpu.dma_semaphore, #tpu.memory_space<semaphore_mem>>)
          %dma_wait3A_157 = tpu.memref_slice %arg18[%mul3A_143] : memref<10240xi32, #tpu.memory_space<vmem>> -> memref<128xi32, #tpu.memory_space<vmem>>
          %dma_wait3A_158 = arith.constant 0 : i32
          %dma_wait3A_159 = arith.constant 0 : i32
          %dma_wait3A_160 = tpu.memref_slice %arg5[%dma_wait3A_158, %dma_wait3A_159] : memref<10000x64xf32, #tpu.memory_space<hbm>> -> memref<10000x64xf32, #tpu.memory_space<hbm>>
          tpu.wait_indirect_dma semaphore(%arg29 : memref<!tpu.dma_semaphore, #tpu.memory_space<semaphore_mem>>) src(%dma_wait3A_160 : memref<10000x64xf32, #tpu.memory_space<hbm>>) dst(%arg24 : memref<128x64xf32, #tpu.memory_space<vmem>>)
          %dma_wait3A_161 = tpu.memref_slice %arg18[%mul3A_152] : memref<10240xi32, #tpu.memory_space<vmem>> -> memref<128xi32, #tpu.memory_space<vmem>>
          %dma_wait3A_162 = arith.constant 0 : i32
          %dma_wait3A_163 = arith.constant 0 : i32
          %dma_wait3A_164 = tpu.memref_slice %arg5[%dma_wait3A_162, %dma_wait3A_163] : memref<10000x64xf32, #tpu.memory_space<hbm>> -> memref<10000x64xf32, #tpu.memory_space<hbm>>
          tpu.wait_indirect_dma semaphore(%arg29 : memref<!tpu.dma_semaphore, #tpu.memory_space<semaphore_mem>>) src(%dma_wait3A_164 : memref<10000x64xf32, #tpu.memory_space<hbm>>) dst(%arg25 : memref<128x64xf32, #tpu.memory_space<vmem>>)
          %mul3A_165 = arith.constant 2 : i32
          %mul3A_166 = arith.muli %scan3A_98, %mul3A_165 : i32
          %add3A_167 = arith.constant 0 : i32
          %add3A_168 = arith.addi %mul3A_166, %add3A_167 : i32
          %dma_start3A_169 = arith.constant 0 : i32
          %dma_start3A_170 = tpu.memref_slice %arg19[%add3A_168, %dma_start3A_169] : memref<80x128xi32, #tpu.memory_space<vmem>> -> memref<1x128xi32, #tpu.memory_space<vmem>>
          %dma_start3A_171 = tpu.memref_squeeze %dma_start3A_170 : memref<1x128xi32, #tpu.memory_space<vmem>> -> memref<128xi32, #tpu.memory_space<vmem>>
          %dma_start3A_172 = arith.constant 0 : i32
          %dma_start3A_173 = arith.constant 0 : i32
          %dma_start3A_174 = tpu.memref_slice %arg28[%dma_start3A_172, %dma_start3A_173] : memref<10240x64xf32, #tpu.memory_space<vmem_shared>> -> memref<10240x64xf32, #tpu.memory_space<vmem_shared>>
          tpu.enqueue_indirect_dma source(%arg24 : memref<128x64xf32, #tpu.memory_space<vmem>>) target(%dma_start3A_174 : memref<10240x64xf32, #tpu.memory_space<vmem_shared>>) offsets(%dma_start3A_171 : memref<128xi32, #tpu.memory_space<vmem>>) semaphore(%arg30 : memref<!tpu.dma_semaphore, #tpu.memory_space<semaphore_mem>>) {add = true}
          %mul3A_175 = arith.constant 2 : i32
          %mul3A_176 = arith.muli %scan3A_98, %mul3A_175 : i32
          %add3A_177 = arith.constant 1 : i32
          %add3A_178 = arith.addi %mul3A_176, %add3A_177 : i32
          %dma_start3A_179 = arith.constant 0 : i32
          %dma_start3A_180 = tpu.memref_slice %arg19[%add3A_178, %dma_start3A_179] : memref<80x128xi32, #tpu.memory_space<vmem>> -> memref<1x128xi32, #tpu.memory_space<vmem>>
          %dma_start3A_181 = tpu.memref_squeeze %dma_start3A_180 : memref<1x128xi32, #tpu.memory_space<vmem>> -> memref<128xi32, #tpu.memory_space<vmem>>
          %dma_start3A_182 = arith.constant 0 : i32
          %dma_start3A_183 = arith.constant 0 : i32
          %dma_start3A_184 = tpu.memref_slice %arg28[%dma_start3A_182, %dma_start3A_183] : memref<10240x64xf32, #tpu.memory_space<vmem_shared>> -> memref<10240x64xf32, #tpu.memory_space<vmem_shared>>
          tpu.enqueue_indirect_dma source(%arg25 : memref<128x64xf32, #tpu.memory_space<vmem>>) target(%dma_start3A_184 : memref<10240x64xf32, #tpu.memory_space<vmem_shared>>) offsets(%dma_start3A_181 : memref<128xi32, #tpu.memory_space<vmem>>) semaphore(%arg30 : memref<!tpu.dma_semaphore, #tpu.memory_space<semaphore_mem>>) {add = true}
        } else {
        }
      }
      %scan3A_48 = arith.constant 40 : i32
      %dma_wait3A_49 = arith.constant 0 : i32
      %dma_wait3A_50 = arith.constant 0 : i32
      %dma_wait3A_51 = tpu.memref_slice %arg14[%dma_wait3A_49, %dma_wait3A_50] : memref<640x64xf32, #tpu.memory_space<hbm>> -> memref<128x64xf32, #tpu.memory_space<hbm>>
      %dma_wait3A_52 = arith.constant 0 : i32
      %dma_wait3A_53 = arith.constant 0 : i32
      %dma_wait3A_54 = tpu.memref_slice %arg14[%dma_wait3A_52, %dma_wait3A_53] : memref<640x64xf32, #tpu.memory_space<hbm>> -> memref<128x64xf32, #tpu.memory_space<hbm>>
      tpu.wait_dma2 semaphore(%arg30 : memref<!tpu.dma_semaphore, #tpu.memory_space<semaphore_mem>>) src(%dma_wait3A_54 : memref<128x64xf32, #tpu.memory_space<hbm>>) dst(%arg22 : memref<128x64xf32, #tpu.memory_space<vmem>>)
      %dma_wait3A_55 = arith.constant 0 : i32
      %dma_wait3A_56 = arith.constant 0 : i32
      %dma_wait3A_57 = tpu.memref_slice %arg14[%dma_wait3A_55, %dma_wait3A_56] : memref<640x64xf32, #tpu.memory_space<hbm>> -> memref<128x64xf32, #tpu.memory_space<hbm>>
      %dma_wait3A_58 = arith.constant 0 : i32
      %dma_wait3A_59 = arith.constant 0 : i32
      %dma_wait3A_60 = tpu.memref_slice %arg14[%dma_wait3A_58, %dma_wait3A_59] : memref<640x64xf32, #tpu.memory_space<hbm>> -> memref<128x64xf32, #tpu.memory_space<hbm>>
      tpu.wait_dma2 semaphore(%arg30 : memref<!tpu.dma_semaphore, #tpu.memory_space<semaphore_mem>>) src(%dma_wait3A_60 : memref<128x64xf32, #tpu.memory_space<hbm>>) dst(%arg23 : memref<128x64xf32, #tpu.memory_space<vmem>>)
      %dma_wait3A_61 = arith.constant 0 : i32
      %dma_wait3A_62 = arith.constant 0 : i32
      %dma_wait3A_63 = tpu.memref_slice %arg14[%dma_wait3A_61, %dma_wait3A_62] : memref<640x64xf32, #tpu.memory_space<hbm>> -> memref<128x64xf32, #tpu.memory_space<hbm>>
      %dma_wait3A_64 = arith.constant 0 : i32
      %dma_wait3A_65 = arith.constant 0 : i32
      %dma_wait3A_66 = tpu.memref_slice %arg14[%dma_wait3A_64, %dma_wait3A_65] : memref<640x64xf32, #tpu.memory_space<hbm>> -> memref<128x64xf32, #tpu.memory_space<hbm>>
      tpu.wait_dma2 semaphore(%arg30 : memref<!tpu.dma_semaphore, #tpu.memory_space<semaphore_mem>>) src(%dma_wait3A_66 : memref<128x64xf32, #tpu.memory_space<hbm>>) dst(%arg24 : memref<128x64xf32, #tpu.memory_space<vmem>>)
      %dma_wait3A_67 = arith.constant 0 : i32
      %dma_wait3A_68 = arith.constant 0 : i32
      %dma_wait3A_69 = tpu.memref_slice %arg14[%dma_wait3A_67, %dma_wait3A_68] : memref<640x64xf32, #tpu.memory_space<hbm>> -> memref<128x64xf32, #tpu.memory_space<hbm>>
      %dma_wait3A_70 = arith.constant 0 : i32
      %dma_wait3A_71 = arith.constant 0 : i32
      %dma_wait3A_72 = tpu.memref_slice %arg14[%dma_wait3A_70, %dma_wait3A_71] : memref<640x64xf32, #tpu.memory_space<hbm>> -> memref<128x64xf32, #tpu.memory_space<hbm>>
      tpu.wait_dma2 semaphore(%arg30 : memref<!tpu.dma_semaphore, #tpu.memory_space<semaphore_mem>>) src(%dma_wait3A_72 : memref<128x64xf32, #tpu.memory_space<hbm>>) dst(%arg25 : memref<128x64xf32, #tpu.memory_space<vmem>>)
      %barrier3A_73 = arith.constant 0 : index
      tpu.barrier barrier_id(%barrier3A_73)
      "tpu.region"() ({
        %run_scoped3A = tpu.sem_alloc : memref<!tpu.dma_semaphore, #tpu.memory_space<semaphore_mem>>
        %dma_start3A = arith.constant 64 : i32
        %dma_start3A_98 = tpu.memref_slice %arg16[%mul3A_0, %dma_start3A] : memref<10240x128xf32, #tpu.memory_space<hbm>> -> memref<640x64xf32, #tpu.memory_space<hbm>>
        %dma_start3A_99 = arith.constant 0 : i32
        %dma_start3A_100 = tpu.memref_slice %arg28[%mul3A_0, %dma_start3A_99] : memref<10240x64xf32, #tpu.memory_space<vmem_shared>> -> memref<640x64xf32, #tpu.memory_space<vmem_shared>>
        tpu.enqueue_dma source(%dma_start3A_100 : memref<640x64xf32, #tpu.memory_space<vmem_shared>>) target(%dma_start3A_98 : memref<640x64xf32, #tpu.memory_space<hbm>>) target_semaphore(%run_scoped3A : memref<!tpu.dma_semaphore, #tpu.memory_space<semaphore_mem>>)
        %dma_wait3A_101 = arith.constant 64 : i32
        %dma_wait3A_102 = tpu.memref_slice %arg16[%mul3A_0, %dma_wait3A_101] : memref<10240x128xf32, #tpu.memory_space<hbm>> -> memref<640x64xf32, #tpu.memory_space<hbm>>
        %dma_wait3A_103 = arith.constant 0 : i32
        %dma_wait3A_104 = tpu.memref_slice %arg28[%mul3A_0, %dma_wait3A_103] : memref<10240x64xf32, #tpu.memory_space<vmem_shared>> -> memref<640x64xf32, #tpu.memory_space<vmem_shared>>
        tpu.wait_dma2 semaphore(%run_scoped3A : memref<!tpu.dma_semaphore, #tpu.memory_space<semaphore_mem>>) src(%dma_wait3A_104 : memref<640x64xf32, #tpu.memory_space<vmem_shared>>) dst(%dma_wait3A_102 : memref<640x64xf32, #tpu.memory_space<hbm>>)
        tpu.yield
      }) : () -> ()
      %barrier3A_74 = arith.constant 0 : index
      tpu.barrier barrier_id(%barrier3A_74)
      "tpu.region"() ({
        %run_scoped3A = tpu.sem_alloc : memref<!tpu.dma_semaphore, #tpu.memory_space<semaphore_mem>>
        %dma_start3A = arith.constant 0 : i32
        %dma_start3A_98 = tpu.memref_slice %arg11[%arg1, %dma_start3A] : memref<16x5120xi32, #tpu.memory_space<hbm>> -> memref<1x5120xi32, #tpu.memory_space<hbm>>
        %dma_start3A_99 = tpu.memref_squeeze %dma_start3A_98 : memref<1x5120xi32, #tpu.memory_space<hbm>> -> memref<5120xi32, #tpu.memory_space<hbm>>
        %dma_start3A_100 = arith.constant 0 : i32
        %dma_start3A_101 = tpu.memref_slice %arg11[%arg1, %dma_start3A_100] : memref<16x5120xi32, #tpu.memory_space<hbm>> -> memref<1x5120xi32, #tpu.memory_space<hbm>>
        %dma_start3A_102 = tpu.memref_squeeze %dma_start3A_101 : memref<1x5120xi32, #tpu.memory_space<hbm>> -> memref<5120xi32, #tpu.memory_space<hbm>>
        tpu.enqueue_dma source(%dma_start3A_102 : memref<5120xi32, #tpu.memory_space<hbm>>) target(%arg20 : memref<5120xi32, #tpu.memory_space<vmem>>) target_semaphore(%run_scoped3A : memref<!tpu.dma_semaphore, #tpu.memory_space<semaphore_mem>>)
        %dma_wait3A_103 = arith.constant 0 : i32
        %dma_wait3A_104 = tpu.memref_slice %arg11[%arg1, %dma_wait3A_103] : memref<16x5120xi32, #tpu.memory_space<hbm>> -> memref<1x5120xi32, #tpu.memory_space<hbm>>
        %dma_wait3A_105 = tpu.memref_squeeze %dma_wait3A_104 : memref<1x5120xi32, #tpu.memory_space<hbm>> -> memref<5120xi32, #tpu.memory_space<hbm>>
        %dma_wait3A_106 = arith.constant 0 : i32
        %dma_wait3A_107 = tpu.memref_slice %arg11[%arg1, %dma_wait3A_106] : memref<16x5120xi32, #tpu.memory_space<hbm>> -> memref<1x5120xi32, #tpu.memory_space<hbm>>
        %dma_wait3A_108 = tpu.memref_squeeze %dma_wait3A_107 : memref<1x5120xi32, #tpu.memory_space<hbm>> -> memref<5120xi32, #tpu.memory_space<hbm>>
        tpu.wait_dma2 semaphore(%run_scoped3A : memref<!tpu.dma_semaphore, #tpu.memory_space<semaphore_mem>>) src(%dma_wait3A_108 : memref<5120xi32, #tpu.memory_space<hbm>>) dst(%arg20 : memref<5120xi32, #tpu.memory_space<vmem>>)
        tpu.yield
      }) : () -> ()
      "tpu.region"() ({
        %run_scoped3A = tpu.sem_alloc : memref<!tpu.dma_semaphore, #tpu.memory_space<semaphore_mem>>
        %dma_start3A = arith.constant 0 : i32
        %dma_start3A_98 = arith.constant 0 : i32
        %dma_start3A_99 = tpu.memref_slice %arg9[%arg1, %dma_start3A, %dma_start3A_98] : memref<16x40x128xi32, #tpu.memory_space<hbm>> -> memref<1x40x128xi32, #tpu.memory_space<hbm>>
        %dma_start3A_100 = tpu.memref_squeeze %dma_start3A_99 : memref<1x40x128xi32, #tpu.memory_space<hbm>> -> memref<40x128xi32, #tpu.memory_space<hbm>>
        %dma_start3A_101 = arith.constant 0 : i32
        %dma_start3A_102 = arith.constant 0 : i32
        %dma_start3A_103 = tpu.memref_slice %arg9[%arg1, %dma_start3A_101, %dma_start3A_102] : memref<16x40x128xi32, #tpu.memory_space<hbm>> -> memref<1x40x128xi32, #tpu.memory_space<hbm>>
        %dma_start3A_104 = tpu.memref_squeeze %dma_start3A_103 : memref<1x40x128xi32, #tpu.memory_space<hbm>> -> memref<40x128xi32, #tpu.memory_space<hbm>>
        tpu.enqueue_dma source(%dma_start3A_104 : memref<40x128xi32, #tpu.memory_space<hbm>>) target(%arg21 : memref<40x128xi32, #tpu.memory_space<vmem>>) target_semaphore(%run_scoped3A : memref<!tpu.dma_semaphore, #tpu.memory_space<semaphore_mem>>)
        %dma_wait3A_105 = arith.constant 0 : i32
        %dma_wait3A_106 = arith.constant 0 : i32
        %dma_wait3A_107 = tpu.memref_slice %arg9[%arg1, %dma_wait3A_105, %dma_wait3A_106] : memref<16x40x128xi32, #tpu.memory_space<hbm>> -> memref<1x40x128xi32, #tpu.memory_space<hbm>>
        %dma_wait3A_108 = tpu.memref_squeeze %dma_wait3A_107 : memref<1x40x128xi32, #tpu.memory_space<hbm>> -> memref<40x128xi32, #tpu.memory_space<hbm>>
        %dma_wait3A_109 = arith.constant 0 : i32
        %dma_wait3A_110 = arith.constant 0 : i32
        %dma_wait3A_111 = tpu.memref_slice %arg9[%arg1, %dma_wait3A_109, %dma_wait3A_110] : memref<16x40x128xi32, #tpu.memory_space<hbm>> -> memref<1x40x128xi32, #tpu.memory_space<hbm>>
        %dma_wait3A_112 = tpu.memref_squeeze %dma_wait3A_111 : memref<1x40x128xi32, #tpu.memory_space<hbm>> -> memref<40x128xi32, #tpu.memory_space<hbm>>
        tpu.wait_dma2 semaphore(%run_scoped3A : memref<!tpu.dma_semaphore, #tpu.memory_space<semaphore_mem>>) src(%dma_wait3A_112 : memref<40x128xi32, #tpu.memory_space<hbm>>) dst(%arg21 : memref<40x128xi32, #tpu.memory_space<vmem>>)
        tpu.yield
      }) : () -> ()
      "tpu.region"() ({
        %run_scoped3A = tpu.sem_alloc : memref<!tpu.dma_semaphore, #tpu.memory_space<semaphore_mem>>
        %dma_start3A = arith.constant 0 : i32
        %dma_start3A_98 = arith.constant 0 : i32
        %dma_start3A_99 = tpu.memref_slice %arg14[%dma_start3A, %dma_start3A_98] : memref<640x64xf32, #tpu.memory_space<hbm>> -> memref<128x64xf32, #tpu.memory_space<hbm>>
        %dma_start3A_100 = arith.constant 0 : i32
        %dma_start3A_101 = arith.constant 0 : i32
        %dma_start3A_102 = tpu.memref_slice %arg14[%dma_start3A_100, %dma_start3A_101] : memref<640x64xf32, #tpu.memory_space<hbm>> -> memref<128x64xf32, #tpu.memory_space<hbm>>
        tpu.enqueue_dma source(%dma_start3A_102 : memref<128x64xf32, #tpu.memory_space<hbm>>) target(%arg22 : memref<128x64xf32, #tpu.memory_space<vmem>>) target_semaphore(%run_scoped3A : memref<!tpu.dma_semaphore, #tpu.memory_space<semaphore_mem>>)
        %dma_wait3A_103 = arith.constant 0 : i32
        %dma_wait3A_104 = arith.constant 0 : i32
        %dma_wait3A_105 = tpu.memref_slice %arg14[%dma_wait3A_103, %dma_wait3A_104] : memref<640x64xf32, #tpu.memory_space<hbm>> -> memref<128x64xf32, #tpu.memory_space<hbm>>
        %dma_wait3A_106 = arith.constant 0 : i32
        %dma_wait3A_107 = arith.constant 0 : i32
        %dma_wait3A_108 = tpu.memref_slice %arg14[%dma_wait3A_106, %dma_wait3A_107] : memref<640x64xf32, #tpu.memory_space<hbm>> -> memref<128x64xf32, #tpu.memory_space<hbm>>
        tpu.wait_dma2 semaphore(%run_scoped3A : memref<!tpu.dma_semaphore, #tpu.memory_space<semaphore_mem>>) src(%dma_wait3A_108 : memref<128x64xf32, #tpu.memory_space<hbm>>) dst(%arg22 : memref<128x64xf32, #tpu.memory_space<vmem>>)
        tpu.yield
      }) : () -> ()
      "tpu.region"() ({
        %run_scoped3A = tpu.sem_alloc : memref<!tpu.dma_semaphore, #tpu.memory_space<semaphore_mem>>
        %dma_start3A = arith.constant 0 : i32
        %dma_start3A_98 = arith.constant 0 : i32
        %dma_start3A_99 = tpu.memref_slice %arg14[%dma_start3A, %dma_start3A_98] : memref<640x64xf32, #tpu.memory_space<hbm>> -> memref<128x64xf32, #tpu.memory_space<hbm>>
        %dma_start3A_100 = arith.constant 0 : i32
        %dma_start3A_101 = arith.constant 0 : i32
        %dma_start3A_102 = tpu.memref_slice %arg14[%dma_start3A_100, %dma_start3A_101] : memref<640x64xf32, #tpu.memory_space<hbm>> -> memref<128x64xf32, #tpu.memory_space<hbm>>
        tpu.enqueue_dma source(%dma_start3A_102 : memref<128x64xf32, #tpu.memory_space<hbm>>) target(%arg23 : memref<128x64xf32, #tpu.memory_space<vmem>>) target_semaphore(%run_scoped3A : memref<!tpu.dma_semaphore, #tpu.memory_space<semaphore_mem>>)
        %dma_wait3A_103 = arith.constant 0 : i32
        %dma_wait3A_104 = arith.constant 0 : i32
        %dma_wait3A_105 = tpu.memref_slice %arg14[%dma_wait3A_103, %dma_wait3A_104] : memref<640x64xf32, #tpu.memory_space<hbm>> -> memref<128x64xf32, #tpu.memory_space<hbm>>
        %dma_wait3A_106 = arith.constant 0 : i32
        %dma_wait3A_107 = arith.constant 0 : i32
        %dma_wait3A_108 = tpu.memref_slice %arg14[%dma_wait3A_106, %dma_wait3A_107] : memref<640x64xf32, #tpu.memory_space<hbm>> -> memref<128x64xf32, #tpu.memory_space<hbm>>
        tpu.wait_dma2 semaphore(%run_scoped3A : memref<!tpu.dma_semaphore, #tpu.memory_space<semaphore_mem>>) src(%dma_wait3A_108 : memref<128x64xf32, #tpu.memory_space<hbm>>) dst(%arg23 : memref<128x64xf32, #tpu.memory_space<vmem>>)
        tpu.yield
      }) : () -> ()
      %mul3A_75 = arith.constant 640 : i32
      %mul3A_76 = arith.muli %arg1, %mul3A_75 : i32
      "tpu.region"() ({
        %run_scoped3A = tpu.sem_alloc : memref<!tpu.dma_semaphore, #tpu.memory_space<semaphore_mem>>
        %dma_start3A = arith.constant 0 : i32
        %dma_start3A_98 = tpu.memref_slice %arg28[%mul3A_76, %dma_start3A] : memref<10240x64xf32, #tpu.memory_space<vmem_shared>> -> memref<640x64xf32, #tpu.memory_space<vmem_shared>>
        tpu.enqueue_dma source(%arg14 : memref<640x64xf32, #tpu.memory_space<hbm>>) target(%dma_start3A_98 : memref<640x64xf32, #tpu.memory_space<vmem_shared>>) target_semaphore(%run_scoped3A : memref<!tpu.dma_semaphore, #tpu.memory_space<semaphore_mem>>)
        %dma_wait3A_99 = arith.constant 0 : i32
        %dma_wait3A_100 = tpu.memref_slice %arg28[%mul3A_76, %dma_wait3A_99] : memref<10240x64xf32, #tpu.memory_space<vmem_shared>> -> memref<640x64xf32, #tpu.memory_space<vmem_shared>>
        tpu.wait_dma2 semaphore(%run_scoped3A : memref<!tpu.dma_semaphore, #tpu.memory_space<semaphore_mem>>) src(%arg14 : memref<640x64xf32, #tpu.memory_space<hbm>>) dst(%dma_wait3A_100 : memref<640x64xf32, #tpu.memory_space<vmem_shared>>)
        tpu.yield
      }) : () -> ()
      %barrier3A_77 = arith.constant 0 : index
      tpu.barrier barrier_id(%barrier3A_77)
      %scan3A_78 = arith.constant 0 : i32
      %scan3A_79 = arith.constant 0 : i32
      %scan3A_80 = arith.constant 40 : i32
      %scan3A_81 = arith.addi %scan3A_79, %scan3A_80 : i32
      %scan3A_82 = arith.constant 1 : i32
      scf.for %scan3A_98 = %scan3A_79 to %scan3A_81 step %scan3A_82  : i32 {
        %jit3A = arith.constant 2 : i32
        %eq3A_99 = arith.constant 0 : i32
        %eq3A_100 = arith.cmpi eq, %jit3A, %eq3A_99 : i32
        %jit3A_101 = arith.constant 1 : i32
        %select_n3A = arith.select %eq3A_100, %jit3A_101, %jit3A : i32
        %rem3A = arith.remsi %scan3A_98, %select_n3A : i32
        %ne3A = arith.constant 0 : i32
        %ne3A_102 = arith.cmpi ne, %rem3A, %ne3A : i32
        %lt3A = arith.constant 0 : i32
        %lt3A_103 = arith.cmpi slt, %rem3A, %lt3A : i32
        %lt3A_104 = arith.constant 0 : i32
        %lt3A_105 = arith.cmpi slt, %select_n3A, %lt3A_104 : i32
        %ne3A_106 = arith.xori %lt3A_103, %lt3A_105 : i1
        %and3A = arith.andi %ne3A_106, %ne3A_102 : i1
        %add3A = arith.addi %rem3A, %select_n3A : i32
        %select_n3A_107 = arith.select %and3A, %add3A, %rem3A : i32
        %eq3A_108 = arith.constant 0 : i32
        %eq3A_109 = arith.cmpi eq, %select_n3A_107, %eq3A_108 : i32
        %convert_element_type3A_110 = arith.extui %eq3A_109 : i1 to i32
        %cond3A_111 = arith.constant 0 : i32
        %cond3A_112 = arith.cmpi ne, %convert_element_type3A_110, %cond3A_111 : i32
        scf.if %cond3A_112 {
          %ge3A = arith.constant 2 : i32
          %ge3A_134 = arith.cmpi sge, %scan3A_98, %ge3A : i32
          %convert_element_type3A_135 = arith.extui %ge3A_134 : i1 to i32
          %cond3A_136 = arith.constant 0 : i32
          %cond3A_137 = arith.cmpi ne, %convert_element_type3A_135, %cond3A_136 : i32
          scf.if %cond3A_137 {
            %dma_wait3A_229 = arith.constant 0 : i32
            %dma_wait3A_230 = arith.constant 0 : i32
            %dma_wait3A_231 = tpu.memref_slice %arg14[%dma_wait3A_229, %dma_wait3A_230] : memref<640x64xf32, #tpu.memory_space<hbm>> -> memref<128x64xf32, #tpu.memory_space<hbm>>
            %dma_wait3A_232 = arith.constant 0 : i32
            %dma_wait3A_233 = arith.constant 0 : i32
            %dma_wait3A_234 = tpu.memref_slice %arg14[%dma_wait3A_232, %dma_wait3A_233] : memref<640x64xf32, #tpu.memory_space<hbm>> -> memref<128x64xf32, #tpu.memory_space<hbm>>
            tpu.wait_dma2 semaphore(%arg30 : memref<!tpu.dma_semaphore, #tpu.memory_space<semaphore_mem>>) src(%dma_wait3A_234 : memref<128x64xf32, #tpu.memory_space<hbm>>) dst(%arg22 : memref<128x64xf32, #tpu.memory_space<vmem>>)
            %sub3A = arith.constant 2 : i32
            %sub3A_235 = arith.subi %scan3A_98, %sub3A : i32
            %mul3A_236 = arith.constant 128 : i32
            %mul3A_237 = arith.muli %sub3A_235, %mul3A_236 : i32
            %add3A_238 = arith.constant 0 : i32
            %add3A_239 = arith.addi %mul3A_237, %add3A_238 : i32
            %get3A_240 = arith.index_cast %add3A_239 : i32 to index
            %get3A_241 = tpu.vector_load %arg20[%get3A_240] {strides = array<i32>} : memref<5120xi32, #tpu.memory_space<vmem>>, vector<16xi32>,
            %gather3A_242 = tpu.vector_load_idx %arg26[%get3A_241] : memref<10000xi32, #tpu.memory_space<vmem>>[vector<16xi32>], vector<16xi32>,
            %add3A_243 = arith.constant 0 : i32
            %add3A_244 = vector.broadcast %add3A_243 : i32 to vector<16xi32>
            %add3A_245 = arith.addi %add3A_244, %iota3A : vector<16xi32>
            %broadcast_in_dim3A = arith.constant 0.000000e+00 : f32
            %broadcast_in_dim3A_246 = vector.broadcast %broadcast_in_dim3A : f32 to vector<16xf32>
            tpu.vector_store_idx %arg22[%add3A_245, %gather3A_242], %broadcast_in_dim3A_246 : memref<128x64xf32, #tpu.memory_space<vmem>>[vector<16xi32>, vector<16xi32>], vector<16xf32>,
            %mul3A_247 = arith.constant 128 : i32
            %mul3A_248 = arith.muli %sub3A_235, %mul3A_247 : i32
            %add3A_249 = arith.constant 16 : i32
            %add3A_250 = arith.addi %mul3A_248, %add3A_249 : i32
            %get3A_251 = arith.index_cast %add3A_250 : i32 to index
            %get3A_252 = tpu.vector_load %arg20[%get3A_251] {strides = array<i32>} : memref<5120xi32, #tpu.memory_space<vmem>>, vector<16xi32>,
            %gather3A_253 = tpu.vector_load_idx %arg26[%get3A_252] : memref<10000xi32, #tpu.memory_space<vmem>>[vector<16xi32>], vector<16xi32>,
            %add3A_254 = arith.constant 16 : i32
            %add3A_255 = vector.broadcast %add3A_254 : i32 to vector<16xi32>
            %add3A_256 = arith.addi %add3A_255, %iota3A : vector<16xi32>
            %broadcast_in_dim3A_257 = arith.constant 0.000000e+00 : f32
            %broadcast_in_dim3A_258 = vector.broadcast %broadcast_in_dim3A_257 : f32 to vector<16xf32>
            tpu.vector_store_idx %arg22[%add3A_256, %gather3A_253], %broadcast_in_dim3A_258 : memref<128x64xf32, #tpu.memory_space<vmem>>[vector<16xi32>, vector<16xi32>], vector<16xf32>,
            %mul3A_259 = arith.constant 128 : i32
            %mul3A_260 = arith.muli %sub3A_235, %mul3A_259 : i32
            %add3A_261 = arith.constant 32 : i32
            %add3A_262 = arith.addi %mul3A_260, %add3A_261 : i32
            %get3A_263 = arith.index_cast %add3A_262 : i32 to index
            %get3A_264 = tpu.vector_load %arg20[%get3A_263] {strides = array<i32>} : memref<5120xi32, #tpu.memory_space<vmem>>, vector<16xi32>,
            %gather3A_265 = tpu.vector_load_idx %arg26[%get3A_264] : memref<10000xi32, #tpu.memory_space<vmem>>[vector<16xi32>], vector<16xi32>,
            %add3A_266 = arith.constant 32 : i32
            %add3A_267 = vector.broadcast %add3A_266 : i32 to vector<16xi32>
            %add3A_268 = arith.addi %add3A_267, %iota3A : vector<16xi32>
            %broadcast_in_dim3A_269 = arith.constant 0.000000e+00 : f32
            %broadcast_in_dim3A_270 = vector.broadcast %broadcast_in_dim3A_269 : f32 to vector<16xf32>
            tpu.vector_store_idx %arg22[%add3A_268, %gather3A_265], %broadcast_in_dim3A_270 : memref<128x64xf32, #tpu.memory_space<vmem>>[vector<16xi32>, vector<16xi32>], vector<16xf32>,
            %mul3A_271 = arith.constant 128 : i32
            %mul3A_272 = arith.muli %sub3A_235, %mul3A_271 : i32
            %add3A_273 = arith.constant 48 : i32
            %add3A_274 = arith.addi %mul3A_272, %add3A_273 : i32
            %get3A_275 = arith.index_cast %add3A_274 : i32 to index
            %get3A_276 = tpu.vector_load %arg20[%get3A_275] {strides = array<i32>} : memref<5120xi32, #tpu.memory_space<vmem>>, vector<16xi32>,
            %gather3A_277 = tpu.vector_load_idx %arg26[%get3A_276] : memref<10000xi32, #tpu.memory_space<vmem>>[vector<16xi32>], vector<16xi32>,
            %add3A_278 = arith.constant 48 : i32
            %add3A_279 = vector.broadcast %add3A_278 : i32 to vector<16xi32>
            %add3A_280 = arith.addi %add3A_279, %iota3A : vector<16xi32>
            %broadcast_in_dim3A_281 = arith.constant 0.000000e+00 : f32
            %broadcast_in_dim3A_282 = vector.broadcast %broadcast_in_dim3A_281 : f32 to vector<16xf32>
            tpu.vector_store_idx %arg22[%add3A_280, %gather3A_277], %broadcast_in_dim3A_282 : memref<128x64xf32, #tpu.memory_space<vmem>>[vector<16xi32>, vector<16xi32>], vector<16xf32>,
            %mul3A_283 = arith.constant 128 : i32
            %mul3A_284 = arith.muli %sub3A_235, %mul3A_283 : i32
            %add3A_285 = arith.constant 64 : i32
            %add3A_286 = arith.addi %mul3A_284, %add3A_285 : i32
            %get3A_287 = arith.index_cast %add3A_286 : i32 to index
            %get3A_288 = tpu.vector_load %arg20[%get3A_287] {strides = array<i32>} : memref<5120xi32, #tpu.memory_space<vmem>>, vector<16xi32>,
            %gather3A_289 = tpu.vector_load_idx %arg26[%get3A_288] : memref<10000xi32, #tpu.memory_space<vmem>>[vector<16xi32>], vector<16xi32>,
            %add3A_290 = arith.constant 64 : i32
            %add3A_291 = vector.broadcast %add3A_290 : i32 to vector<16xi32>
            %add3A_292 = arith.addi %add3A_291, %iota3A : vector<16xi32>
            %broadcast_in_dim3A_293 = arith.constant 0.000000e+00 : f32
            %broadcast_in_dim3A_294 = vector.broadcast %broadcast_in_dim3A_293 : f32 to vector<16xf32>
            tpu.vector_store_idx %arg22[%add3A_292, %gather3A_289], %broadcast_in_dim3A_294 : memref<128x64xf32, #tpu.memory_space<vmem>>[vector<16xi32>, vector<16xi32>], vector<16xf32>,
            %mul3A_295 = arith.constant 128 : i32
            %mul3A_296 = arith.muli %sub3A_235, %mul3A_295 : i32
            %add3A_297 = arith.constant 80 : i32
            %add3A_298 = arith.addi %mul3A_296, %add3A_297 : i32
            %get3A_299 = arith.index_cast %add3A_298 : i32 to index
            %get3A_300 = tpu.vector_load %arg20[%get3A_299] {strides = array<i32>} : memref<5120xi32, #tpu.memory_space<vmem>>, vector<16xi32>,
            %gather3A_301 = tpu.vector_load_idx %arg26[%get3A_300] : memref<10000xi32, #tpu.memory_space<vmem>>[vector<16xi32>], vector<16xi32>,
            %add3A_302 = arith.constant 80 : i32
            %add3A_303 = vector.broadcast %add3A_302 : i32 to vector<16xi32>
            %add3A_304 = arith.addi %add3A_303, %iota3A : vector<16xi32>
            %broadcast_in_dim3A_305 = arith.constant 0.000000e+00 : f32
            %broadcast_in_dim3A_306 = vector.broadcast %broadcast_in_dim3A_305 : f32 to vector<16xf32>
            tpu.vector_store_idx %arg22[%add3A_304, %gather3A_301], %broadcast_in_dim3A_306 : memref<128x64xf32, #tpu.memory_space<vmem>>[vector<16xi32>, vector<16xi32>], vector<16xf32>,
            %mul3A_307 = arith.constant 128 : i32
            %mul3A_308 = arith.muli %sub3A_235, %mul3A_307 : i32
            %add3A_309 = arith.constant 96 : i32
            %add3A_310 = arith.addi %mul3A_308, %add3A_309 : i32
            %get3A_311 = arith.index_cast %add3A_310 : i32 to index
            %get3A_312 = tpu.vector_load %arg20[%get3A_311] {strides = array<i32>} : memref<5120xi32, #tpu.memory_space<vmem>>, vector<16xi32>,
            %gather3A_313 = tpu.vector_load_idx %arg26[%get3A_312] : memref<10000xi32, #tpu.memory_space<vmem>>[vector<16xi32>], vector<16xi32>,
            %add3A_314 = arith.constant 96 : i32
            %add3A_315 = vector.broadcast %add3A_314 : i32 to vector<16xi32>
            %add3A_316 = arith.addi %add3A_315, %iota3A : vector<16xi32>
            %broadcast_in_dim3A_317 = arith.constant 0.000000e+00 : f32
            %broadcast_in_dim3A_318 = vector.broadcast %broadcast_in_dim3A_317 : f32 to vector<16xf32>
            tpu.vector_store_idx %arg22[%add3A_316, %gather3A_313], %broadcast_in_dim3A_318 : memref<128x64xf32, #tpu.memory_space<vmem>>[vector<16xi32>, vector<16xi32>], vector<16xf32>,
            %mul3A_319 = arith.constant 128 : i32
            %mul3A_320 = arith.muli %sub3A_235, %mul3A_319 : i32
            %add3A_321 = arith.constant 112 : i32
            %add3A_322 = arith.addi %mul3A_320, %add3A_321 : i32
            %get3A_323 = arith.index_cast %add3A_322 : i32 to index
            %get3A_324 = tpu.vector_load %arg20[%get3A_323] {strides = array<i32>} : memref<5120xi32, #tpu.memory_space<vmem>>, vector<16xi32>,
            %gather3A_325 = tpu.vector_load_idx %arg26[%get3A_324] : memref<10000xi32, #tpu.memory_space<vmem>>[vector<16xi32>], vector<16xi32>,
            %add3A_326 = arith.constant 112 : i32
            %add3A_327 = vector.broadcast %add3A_326 : i32 to vector<16xi32>
            %add3A_328 = arith.addi %add3A_327, %iota3A : vector<16xi32>
            %broadcast_in_dim3A_329 = arith.constant 0.000000e+00 : f32
            %broadcast_in_dim3A_330 = vector.broadcast %broadcast_in_dim3A_329 : f32 to vector<16xf32>
            tpu.vector_store_idx %arg22[%add3A_328, %gather3A_325], %broadcast_in_dim3A_330 : memref<128x64xf32, #tpu.memory_space<vmem>>[vector<16xi32>, vector<16xi32>], vector<16xf32>,
          } else {
          }
          %mul3A_138 = arith.constant 128 : i32
          %mul3A_139 = arith.muli %scan3A_98, %mul3A_138 : i32
          %add3A_140 = arith.constant 0 : i32
          %add3A_141 = arith.addi %mul3A_139, %add3A_140 : i32
          %get3A = arith.index_cast %add3A_141 : i32 to index
          %get3A_142 = tpu.vector_load %arg20[%get3A] {strides = array<i32>} : memref<5120xi32, #tpu.memory_space<vmem>>, vector<16xi32>,
          %gather3A = tpu.vector_load_idx %arg26[%get3A_142] : memref<10000xi32, #tpu.memory_space<vmem>>[vector<16xi32>], vector<16xi32>,
          %add3A_143 = arith.constant 0 : i32
          %add3A_144 = vector.broadcast %add3A_143 : i32 to vector<16xi32>
          %add3A_145 = arith.addi %add3A_144, %iota3A : vector<16xi32>
          %gather3A_146 = tpu.vector_load_idx %arg27[%get3A_142] : memref<10000xf32, #tpu.memory_space<vmem>>[vector<16xi32>], vector<16xf32>,
          tpu.vector_store_idx %arg22[%add3A_145, %gather3A], %gather3A_146 : memref<128x64xf32, #tpu.memory_space<vmem>>[vector<16xi32>, vector<16xi32>], vector<16xf32>,
          %mul3A_147 = arith.constant 128 : i32
          %mul3A_148 = arith.muli %scan3A_98, %mul3A_147 : i32
          %add3A_149 = arith.constant 16 : i32
          %add3A_150 = arith.addi %mul3A_148, %add3A_149 : i32
          %get3A_151 = arith.index_cast %add3A_150 : i32 to index
          %get3A_152 = tpu.vector_load %arg20[%get3A_151] {strides = array<i32>} : memref<5120xi32, #tpu.memory_space<vmem>>, vector<16xi32>,
          %gather3A_153 = tpu.vector_load_idx %arg26[%get3A_152] : memref<10000xi32, #tpu.memory_space<vmem>>[vector<16xi32>], vector<16xi32>,
          %add3A_154 = arith.constant 16 : i32
          %add3A_155 = vector.broadcast %add3A_154 : i32 to vector<16xi32>
          %add3A_156 = arith.addi %add3A_155, %iota3A : vector<16xi32>
          %gather3A_157 = tpu.vector_load_idx %arg27[%get3A_152] : memref<10000xf32, #tpu.memory_space<vmem>>[vector<16xi32>], vector<16xf32>,
          tpu.vector_store_idx %arg22[%add3A_156, %gather3A_153], %gather3A_157 : memref<128x64xf32, #tpu.memory_space<vmem>>[vector<16xi32>, vector<16xi32>], vector<16xf32>,
          %mul3A_158 = arith.constant 128 : i32
          %mul3A_159 = arith.muli %scan3A_98, %mul3A_158 : i32
          %add3A_160 = arith.constant 32 : i32
          %add3A_161 = arith.addi %mul3A_159, %add3A_160 : i32
          %get3A_162 = arith.index_cast %add3A_161 : i32 to index
          %get3A_163 = tpu.vector_load %arg20[%get3A_162] {strides = array<i32>} : memref<5120xi32, #tpu.memory_space<vmem>>, vector<16xi32>,
          %gather3A_164 = tpu.vector_load_idx %arg26[%get3A_163] : memref<10000xi32, #tpu.memory_space<vmem>>[vector<16xi32>], vector<16xi32>,
          %add3A_165 = arith.constant 32 : i32
          %add3A_166 = vector.broadcast %add3A_165 : i32 to vector<16xi32>
          %add3A_167 = arith.addi %add3A_166, %iota3A : vector<16xi32>
          %gather3A_168 = tpu.vector_load_idx %arg27[%get3A_163] : memref<10000xf32, #tpu.memory_space<vmem>>[vector<16xi32>], vector<16xf32>,
          tpu.vector_store_idx %arg22[%add3A_167, %gather3A_164], %gather3A_168 : memref<128x64xf32, #tpu.memory_space<vmem>>[vector<16xi32>, vector<16xi32>], vector<16xf32>,
          %mul3A_169 = arith.constant 128 : i32
          %mul3A_170 = arith.muli %scan3A_98, %mul3A_169 : i32
          %add3A_171 = arith.constant 48 : i32
          %add3A_172 = arith.addi %mul3A_170, %add3A_171 : i32
          %get3A_173 = arith.index_cast %add3A_172 : i32 to index
          %get3A_174 = tpu.vector_load %arg20[%get3A_173] {strides = array<i32>} : memref<5120xi32, #tpu.memory_space<vmem>>, vector<16xi32>,
          %gather3A_175 = tpu.vector_load_idx %arg26[%get3A_174] : memref<10000xi32, #tpu.memory_space<vmem>>[vector<16xi32>], vector<16xi32>,
          %add3A_176 = arith.constant 48 : i32
          %add3A_177 = vector.broadcast %add3A_176 : i32 to vector<16xi32>
          %add3A_178 = arith.addi %add3A_177, %iota3A : vector<16xi32>
          %gather3A_179 = tpu.vector_load_idx %arg27[%get3A_174] : memref<10000xf32, #tpu.memory_space<vmem>>[vector<16xi32>], vector<16xf32>,
          tpu.vector_store_idx %arg22[%add3A_178, %gather3A_175], %gather3A_179 : memref<128x64xf32, #tpu.memory_space<vmem>>[vector<16xi32>, vector<16xi32>], vector<16xf32>,
          %mul3A_180 = arith.constant 128 : i32
          %mul3A_181 = arith.muli %scan3A_98, %mul3A_180 : i32
          %add3A_182 = arith.constant 64 : i32
          %add3A_183 = arith.addi %mul3A_181, %add3A_182 : i32
          %get3A_184 = arith.index_cast %add3A_183 : i32 to index
          %get3A_185 = tpu.vector_load %arg20[%get3A_184] {strides = array<i32>} : memref<5120xi32, #tpu.memory_space<vmem>>, vector<16xi32>,
          %gather3A_186 = tpu.vector_load_idx %arg26[%get3A_185] : memref<10000xi32, #tpu.memory_space<vmem>>[vector<16xi32>], vector<16xi32>,
          %add3A_187 = arith.constant 64 : i32
          %add3A_188 = vector.broadcast %add3A_187 : i32 to vector<16xi32>
          %add3A_189 = arith.addi %add3A_188, %iota3A : vector<16xi32>
          %gather3A_190 = tpu.vector_load_idx %arg27[%get3A_185] : memref<10000xf32, #tpu.memory_space<vmem>>[vector<16xi32>], vector<16xf32>,
          tpu.vector_store_idx %arg22[%add3A_189, %gather3A_186], %gather3A_190 : memref<128x64xf32, #tpu.memory_space<vmem>>[vector<16xi32>, vector<16xi32>], vector<16xf32>,
          %mul3A_191 = arith.constant 128 : i32
          %mul3A_192 = arith.muli %scan3A_98, %mul3A_191 : i32
          %add3A_193 = arith.constant 80 : i32
          %add3A_194 = arith.addi %mul3A_192, %add3A_193 : i32
          %get3A_195 = arith.index_cast %add3A_194 : i32 to index
          %get3A_196 = tpu.vector_load %arg20[%get3A_195] {strides = array<i32>} : memref<5120xi32, #tpu.memory_space<vmem>>, vector<16xi32>,
          %gather3A_197 = tpu.vector_load_idx %arg26[%get3A_196] : memref<10000xi32, #tpu.memory_space<vmem>>[vector<16xi32>], vector<16xi32>,
          %add3A_198 = arith.constant 80 : i32
          %add3A_199 = vector.broadcast %add3A_198 : i32 to vector<16xi32>
          %add3A_200 = arith.addi %add3A_199, %iota3A : vector<16xi32>
          %gather3A_201 = tpu.vector_load_idx %arg27[%get3A_196] : memref<10000xf32, #tpu.memory_space<vmem>>[vector<16xi32>], vector<16xf32>,
          tpu.vector_store_idx %arg22[%add3A_200, %gather3A_197], %gather3A_201 : memref<128x64xf32, #tpu.memory_space<vmem>>[vector<16xi32>, vector<16xi32>], vector<16xf32>,
          %mul3A_202 = arith.constant 128 : i32
          %mul3A_203 = arith.muli %scan3A_98, %mul3A_202 : i32
          %add3A_204 = arith.constant 96 : i32
          %add3A_205 = arith.addi %mul3A_203, %add3A_204 : i32
          %get3A_206 = arith.index_cast %add3A_205 : i32 to index
          %get3A_207 = tpu.vector_load %arg20[%get3A_206] {strides = array<i32>} : memref<5120xi32, #tpu.memory_space<vmem>>, vector<16xi32>,
          %gather3A_208 = tpu.vector_load_idx %arg26[%get3A_207] : memref<10000xi32, #tpu.memory_space<vmem>>[vector<16xi32>], vector<16xi32>,
          %add3A_209 = arith.constant 96 : i32
          %add3A_210 = vector.broadcast %add3A_209 : i32 to vector<16xi32>
          %add3A_211 = arith.addi %add3A_210, %iota3A : vector<16xi32>
          %gather3A_212 = tpu.vector_load_idx %arg27[%get3A_207] : memref<10000xf32, #tpu.memory_space<vmem>>[vector<16xi32>], vector<16xf32>,
          tpu.vector_store_idx %arg22[%add3A_211, %gather3A_208], %gather3A_212 : memref<128x64xf32, #tpu.memory_space<vmem>>[vector<16xi32>, vector<16xi32>], vector<16xf32>,
          %mul3A_213 = arith.constant 128 : i32
          %mul3A_214 = arith.muli %scan3A_98, %mul3A_213 : i32
          %add3A_215 = arith.constant 112 : i32
          %add3A_216 = arith.addi %mul3A_214, %add3A_215 : i32
          %get3A_217 = arith.index_cast %add3A_216 : i32 to index
          %get3A_218 = tpu.vector_load %arg20[%get3A_217] {strides = array<i32>} : memref<5120xi32, #tpu.memory_space<vmem>>, vector<16xi32>,
          %gather3A_219 = tpu.vector_load_idx %arg26[%get3A_218] : memref<10000xi32, #tpu.memory_space<vmem>>[vector<16xi32>], vector<16xi32>,
          %add3A_220 = arith.constant 112 : i32
          %add3A_221 = vector.broadcast %add3A_220 : i32 to vector<16xi32>
          %add3A_222 = arith.addi %add3A_221, %iota3A : vector<16xi32>
          %gather3A_223 = tpu.vector_load_idx %arg27[%get3A_218] : memref<10000xf32, #tpu.memory_space<vmem>>[vector<16xi32>], vector<16xf32>,
          tpu.vector_store_idx %arg22[%add3A_222, %gather3A_219], %gather3A_223 : memref<128x64xf32, #tpu.memory_space<vmem>>[vector<16xi32>, vector<16xi32>], vector<16xf32>,
          %dma_start3A = arith.constant 0 : i32
          %dma_start3A_224 = tpu.memref_slice %arg21[%scan3A_98, %dma_start3A] : memref<40x128xi32, #tpu.memory_space<vmem>> -> memref<1x128xi32, #tpu.memory_space<vmem>>
          %dma_start3A_225 = tpu.memref_squeeze %dma_start3A_224 : memref<1x128xi32, #tpu.memory_space<vmem>> -> memref<128xi32, #tpu.memory_space<vmem>>
          %dma_start3A_226 = arith.constant 0 : i32
          %dma_start3A_227 = arith.constant 0 : i32
          %dma_start3A_228 = tpu.memref_slice %arg28[%dma_start3A_226, %dma_start3A_227] : memref<10240x64xf32, #tpu.memory_space<vmem_shared>> -> memref<10240x64xf32, #tpu.memory_space<vmem_shared>>
          tpu.enqueue_indirect_dma source(%arg22 : memref<128x64xf32, #tpu.memory_space<vmem>>) target(%dma_start3A_228 : memref<10240x64xf32, #tpu.memory_space<vmem_shared>>) offsets(%dma_start3A_225 : memref<128xi32, #tpu.memory_space<vmem>>) semaphore(%arg30 : memref<!tpu.dma_semaphore, #tpu.memory_space<semaphore_mem>>) {add = true}
        } else {
        }
        %jit3A_113 = arith.constant 2 : i32
        %eq3A_114 = arith.constant 0 : i32
        %eq3A_115 = arith.cmpi eq, %jit3A_113, %eq3A_114 : i32
        %jit3A_116 = arith.constant 1 : i32
        %select_n3A_117 = arith.select %eq3A_115, %jit3A_116, %jit3A_113 : i32
        %rem3A_118 = arith.remsi %scan3A_98, %select_n3A_117 : i32
        %ne3A_119 = arith.constant 0 : i32
        %ne3A_120 = arith.cmpi ne, %rem3A_118, %ne3A_119 : i32
        %lt3A_121 = arith.constant 0 : i32
        %lt3A_122 = arith.cmpi slt, %rem3A_118, %lt3A_121 : i32
        %lt3A_123 = arith.constant 0 : i32
        %lt3A_124 = arith.cmpi slt, %select_n3A_117, %lt3A_123 : i32
        %ne3A_125 = arith.xori %lt3A_122, %lt3A_124 : i1
        %and3A_126 = arith.andi %ne3A_125, %ne3A_120 : i1
        %add3A_127 = arith.addi %rem3A_118, %select_n3A_117 : i32
        %select_n3A_128 = arith.select %and3A_126, %add3A_127, %rem3A_118 : i32
        %eq3A_129 = arith.constant 1 : i32
        %eq3A_130 = arith.cmpi eq, %select_n3A_128, %eq3A_129 : i32
        %convert_element_type3A_131 = arith.extui %eq3A_130 : i1 to i32
        %cond3A_132 = arith.constant 0 : i32
        %cond3A_133 = arith.cmpi ne, %convert_element_type3A_131, %cond3A_132 : i32
        scf.if %cond3A_133 {
          %ge3A = arith.constant 2 : i32
          %ge3A_134 = arith.cmpi sge, %scan3A_98, %ge3A : i32
          %convert_element_type3A_135 = arith.extui %ge3A_134 : i1 to i32
          %cond3A_136 = arith.constant 0 : i32
          %cond3A_137 = arith.cmpi ne, %convert_element_type3A_135, %cond3A_136 : i32
          scf.if %cond3A_137 {
            %dma_wait3A_229 = arith.constant 0 : i32
            %dma_wait3A_230 = arith.constant 0 : i32
            %dma_wait3A_231 = tpu.memref_slice %arg14[%dma_wait3A_229, %dma_wait3A_230] : memref<640x64xf32, #tpu.memory_space<hbm>> -> memref<128x64xf32, #tpu.memory_space<hbm>>
            %dma_wait3A_232 = arith.constant 0 : i32
            %dma_wait3A_233 = arith.constant 0 : i32
            %dma_wait3A_234 = tpu.memref_slice %arg14[%dma_wait3A_232, %dma_wait3A_233] : memref<640x64xf32, #tpu.memory_space<hbm>> -> memref<128x64xf32, #tpu.memory_space<hbm>>
            tpu.wait_dma2 semaphore(%arg30 : memref<!tpu.dma_semaphore, #tpu.memory_space<semaphore_mem>>) src(%dma_wait3A_234 : memref<128x64xf32, #tpu.memory_space<hbm>>) dst(%arg23 : memref<128x64xf32, #tpu.memory_space<vmem>>)
            %sub3A = arith.constant 2 : i32
            %sub3A_235 = arith.subi %scan3A_98, %sub3A : i32
            %mul3A_236 = arith.constant 128 : i32
            %mul3A_237 = arith.muli %sub3A_235, %mul3A_236 : i32
            %add3A_238 = arith.constant 0 : i32
            %add3A_239 = arith.addi %mul3A_237, %add3A_238 : i32
            %get3A_240 = arith.index_cast %add3A_239 : i32 to index
            %get3A_241 = tpu.vector_load %arg20[%get3A_240] {strides = array<i32>} : memref<5120xi32, #tpu.memory_space<vmem>>, vector<16xi32>,
            %gather3A_242 = tpu.vector_load_idx %arg26[%get3A_241] : memref<10000xi32, #tpu.memory_space<vmem>>[vector<16xi32>], vector<16xi32>,
            %add3A_243 = arith.constant 0 : i32
            %add3A_244 = vector.broadcast %add3A_243 : i32 to vector<16xi32>
            %add3A_245 = arith.addi %add3A_244, %iota3A : vector<16xi32>
            %broadcast_in_dim3A = arith.constant 0.000000e+00 : f32
            %broadcast_in_dim3A_246 = vector.broadcast %broadcast_in_dim3A : f32 to vector<16xf32>
            tpu.vector_store_idx %arg23[%add3A_245, %gather3A_242], %broadcast_in_dim3A_246 : memref<128x64xf32, #tpu.memory_space<vmem>>[vector<16xi32>, vector<16xi32>], vector<16xf32>,
            %mul3A_247 = arith.constant 128 : i32
            %mul3A_248 = arith.muli %sub3A_235, %mul3A_247 : i32
            %add3A_249 = arith.constant 16 : i32
            %add3A_250 = arith.addi %mul3A_248, %add3A_249 : i32
            %get3A_251 = arith.index_cast %add3A_250 : i32 to index
            %get3A_252 = tpu.vector_load %arg20[%get3A_251] {strides = array<i32>} : memref<5120xi32, #tpu.memory_space<vmem>>, vector<16xi32>,
            %gather3A_253 = tpu.vector_load_idx %arg26[%get3A_252] : memref<10000xi32, #tpu.memory_space<vmem>>[vector<16xi32>], vector<16xi32>,
            %add3A_254 = arith.constant 16 : i32
            %add3A_255 = vector.broadcast %add3A_254 : i32 to vector<16xi32>
            %add3A_256 = arith.addi %add3A_255, %iota3A : vector<16xi32>
            %broadcast_in_dim3A_257 = arith.constant 0.000000e+00 : f32
            %broadcast_in_dim3A_258 = vector.broadcast %broadcast_in_dim3A_257 : f32 to vector<16xf32>
            tpu.vector_store_idx %arg23[%add3A_256, %gather3A_253], %broadcast_in_dim3A_258 : memref<128x64xf32, #tpu.memory_space<vmem>>[vector<16xi32>, vector<16xi32>], vector<16xf32>,
            %mul3A_259 = arith.constant 128 : i32
            %mul3A_260 = arith.muli %sub3A_235, %mul3A_259 : i32
            %add3A_261 = arith.constant 32 : i32
            %add3A_262 = arith.addi %mul3A_260, %add3A_261 : i32
            %get3A_263 = arith.index_cast %add3A_262 : i32 to index
            %get3A_264 = tpu.vector_load %arg20[%get3A_263] {strides = array<i32>} : memref<5120xi32, #tpu.memory_space<vmem>>, vector<16xi32>,
            %gather3A_265 = tpu.vector_load_idx %arg26[%get3A_264] : memref<10000xi32, #tpu.memory_space<vmem>>[vector<16xi32>], vector<16xi32>,
            %add3A_266 = arith.constant 32 : i32
            %add3A_267 = vector.broadcast %add3A_266 : i32 to vector<16xi32>
            %add3A_268 = arith.addi %add3A_267, %iota3A : vector<16xi32>
            %broadcast_in_dim3A_269 = arith.constant 0.000000e+00 : f32
            %broadcast_in_dim3A_270 = vector.broadcast %broadcast_in_dim3A_269 : f32 to vector<16xf32>
            tpu.vector_store_idx %arg23[%add3A_268, %gather3A_265], %broadcast_in_dim3A_270 : memref<128x64xf32, #tpu.memory_space<vmem>>[vector<16xi32>, vector<16xi32>], vector<16xf32>,
            %mul3A_271 = arith.constant 128 : i32
            %mul3A_272 = arith.muli %sub3A_235, %mul3A_271 : i32
            %add3A_273 = arith.constant 48 : i32
            %add3A_274 = arith.addi %mul3A_272, %add3A_273 : i32
            %get3A_275 = arith.index_cast %add3A_274 : i32 to index
            %get3A_276 = tpu.vector_load %arg20[%get3A_275] {strides = array<i32>} : memref<5120xi32, #tpu.memory_space<vmem>>, vector<16xi32>,
            %gather3A_277 = tpu.vector_load_idx %arg26[%get3A_276] : memref<10000xi32, #tpu.memory_space<vmem>>[vector<16xi32>], vector<16xi32>,
            %add3A_278 = arith.constant 48 : i32
            %add3A_279 = vector.broadcast %add3A_278 : i32 to vector<16xi32>
            %add3A_280 = arith.addi %add3A_279, %iota3A : vector<16xi32>
            %broadcast_in_dim3A_281 = arith.constant 0.000000e+00 : f32
            %broadcast_in_dim3A_282 = vector.broadcast %broadcast_in_dim3A_281 : f32 to vector<16xf32>
            tpu.vector_store_idx %arg23[%add3A_280, %gather3A_277], %broadcast_in_dim3A_282 : memref<128x64xf32, #tpu.memory_space<vmem>>[vector<16xi32>, vector<16xi32>], vector<16xf32>,
            %mul3A_283 = arith.constant 128 : i32
            %mul3A_284 = arith.muli %sub3A_235, %mul3A_283 : i32
            %add3A_285 = arith.constant 64 : i32
            %add3A_286 = arith.addi %mul3A_284, %add3A_285 : i32
            %get3A_287 = arith.index_cast %add3A_286 : i32 to index
            %get3A_288 = tpu.vector_load %arg20[%get3A_287] {strides = array<i32>} : memref<5120xi32, #tpu.memory_space<vmem>>, vector<16xi32>,
            %gather3A_289 = tpu.vector_load_idx %arg26[%get3A_288] : memref<10000xi32, #tpu.memory_space<vmem>>[vector<16xi32>], vector<16xi32>,
            %add3A_290 = arith.constant 64 : i32
            %add3A_291 = vector.broadcast %add3A_290 : i32 to vector<16xi32>
            %add3A_292 = arith.addi %add3A_291, %iota3A : vector<16xi32>
            %broadcast_in_dim3A_293 = arith.constant 0.000000e+00 : f32
            %broadcast_in_dim3A_294 = vector.broadcast %broadcast_in_dim3A_293 : f32 to vector<16xf32>
            tpu.vector_store_idx %arg23[%add3A_292, %gather3A_289], %broadcast_in_dim3A_294 : memref<128x64xf32, #tpu.memory_space<vmem>>[vector<16xi32>, vector<16xi32>], vector<16xf32>,
            %mul3A_295 = arith.constant 128 : i32
            %mul3A_296 = arith.muli %sub3A_235, %mul3A_295 : i32
            %add3A_297 = arith.constant 80 : i32
            %add3A_298 = arith.addi %mul3A_296, %add3A_297 : i32
            %get3A_299 = arith.index_cast %add3A_298 : i32 to index
            %get3A_300 = tpu.vector_load %arg20[%get3A_299] {strides = array<i32>} : memref<5120xi32, #tpu.memory_space<vmem>>, vector<16xi32>,
            %gather3A_301 = tpu.vector_load_idx %arg26[%get3A_300] : memref<10000xi32, #tpu.memory_space<vmem>>[vector<16xi32>], vector<16xi32>,
            %add3A_302 = arith.constant 80 : i32
            %add3A_303 = vector.broadcast %add3A_302 : i32 to vector<16xi32>
            %add3A_304 = arith.addi %add3A_303, %iota3A : vector<16xi32>
            %broadcast_in_dim3A_305 = arith.constant 0.000000e+00 : f32
            %broadcast_in_dim3A_306 = vector.broadcast %broadcast_in_dim3A_305 : f32 to vector<16xf32>
            tpu.vector_store_idx %arg23[%add3A_304, %gather3A_301], %broadcast_in_dim3A_306 : memref<128x64xf32, #tpu.memory_space<vmem>>[vector<16xi32>, vector<16xi32>], vector<16xf32>,
            %mul3A_307 = arith.constant 128 : i32
            %mul3A_308 = arith.muli %sub3A_235, %mul3A_307 : i32
            %add3A_309 = arith.constant 96 : i32
            %add3A_310 = arith.addi %mul3A_308, %add3A_309 : i32
            %get3A_311 = arith.index_cast %add3A_310 : i32 to index
            %get3A_312 = tpu.vector_load %arg20[%get3A_311] {strides = array<i32>} : memref<5120xi32, #tpu.memory_space<vmem>>, vector<16xi32>,
            %gather3A_313 = tpu.vector_load_idx %arg26[%get3A_312] : memref<10000xi32, #tpu.memory_space<vmem>>[vector<16xi32>], vector<16xi32>,
            %add3A_314 = arith.constant 96 : i32
            %add3A_315 = vector.broadcast %add3A_314 : i32 to vector<16xi32>
            %add3A_316 = arith.addi %add3A_315, %iota3A : vector<16xi32>
            %broadcast_in_dim3A_317 = arith.constant 0.000000e+00 : f32
            %broadcast_in_dim3A_318 = vector.broadcast %broadcast_in_dim3A_317 : f32 to vector<16xf32>
            tpu.vector_store_idx %arg23[%add3A_316, %gather3A_313], %broadcast_in_dim3A_318 : memref<128x64xf32, #tpu.memory_space<vmem>>[vector<16xi32>, vector<16xi32>], vector<16xf32>,
            %mul3A_319 = arith.constant 128 : i32
            %mul3A_320 = arith.muli %sub3A_235, %mul3A_319 : i32
            %add3A_321 = arith.constant 112 : i32
            %add3A_322 = arith.addi %mul3A_320, %add3A_321 : i32
            %get3A_323 = arith.index_cast %add3A_322 : i32 to index
            %get3A_324 = tpu.vector_load %arg20[%get3A_323] {strides = array<i32>} : memref<5120xi32, #tpu.memory_space<vmem>>, vector<16xi32>,
            %gather3A_325 = tpu.vector_load_idx %arg26[%get3A_324] : memref<10000xi32, #tpu.memory_space<vmem>>[vector<16xi32>], vector<16xi32>,
            %add3A_326 = arith.constant 112 : i32
            %add3A_327 = vector.broadcast %add3A_326 : i32 to vector<16xi32>
            %add3A_328 = arith.addi %add3A_327, %iota3A : vector<16xi32>
            %broadcast_in_dim3A_329 = arith.constant 0.000000e+00 : f32
            %broadcast_in_dim3A_330 = vector.broadcast %broadcast_in_dim3A_329 : f32 to vector<16xf32>
            tpu.vector_store_idx %arg23[%add3A_328, %gather3A_325], %broadcast_in_dim3A_330 : memref<128x64xf32, #tpu.memory_space<vmem>>[vector<16xi32>, vector<16xi32>], vector<16xf32>,
          } else {
          }
          %mul3A_138 = arith.constant 128 : i32
          %mul3A_139 = arith.muli %scan3A_98, %mul3A_138 : i32
          %add3A_140 = arith.constant 0 : i32
          %add3A_141 = arith.addi %mul3A_139, %add3A_140 : i32
          %get3A = arith.index_cast %add3A_141 : i32 to index
          %get3A_142 = tpu.vector_load %arg20[%get3A] {strides = array<i32>} : memref<5120xi32, #tpu.memory_space<vmem>>, vector<16xi32>,
          %gather3A = tpu.vector_load_idx %arg26[%get3A_142] : memref<10000xi32, #tpu.memory_space<vmem>>[vector<16xi32>], vector<16xi32>,
          %add3A_143 = arith.constant 0 : i32
          %add3A_144 = vector.broadcast %add3A_143 : i32 to vector<16xi32>
          %add3A_145 = arith.addi %add3A_144, %iota3A : vector<16xi32>
          %gather3A_146 = tpu.vector_load_idx %arg27[%get3A_142] : memref<10000xf32, #tpu.memory_space<vmem>>[vector<16xi32>], vector<16xf32>,
          tpu.vector_store_idx %arg23[%add3A_145, %gather3A], %gather3A_146 : memref<128x64xf32, #tpu.memory_space<vmem>>[vector<16xi32>, vector<16xi32>], vector<16xf32>,
          %mul3A_147 = arith.constant 128 : i32
          %mul3A_148 = arith.muli %scan3A_98, %mul3A_147 : i32
          %add3A_149 = arith.constant 16 : i32
          %add3A_150 = arith.addi %mul3A_148, %add3A_149 : i32
          %get3A_151 = arith.index_cast %add3A_150 : i32 to index
          %get3A_152 = tpu.vector_load %arg20[%get3A_151] {strides = array<i32>} : memref<5120xi32, #tpu.memory_space<vmem>>, vector<16xi32>,
          %gather3A_153 = tpu.vector_load_idx %arg26[%get3A_152] : memref<10000xi32, #tpu.memory_space<vmem>>[vector<16xi32>], vector<16xi32>,
          %add3A_154 = arith.constant 16 : i32
          %add3A_155 = vector.broadcast %add3A_154 : i32 to vector<16xi32>
          %add3A_156 = arith.addi %add3A_155, %iota3A : vector<16xi32>
          %gather3A_157 = tpu.vector_load_idx %arg27[%get3A_152] : memref<10000xf32, #tpu.memory_space<vmem>>[vector<16xi32>], vector<16xf32>,
          tpu.vector_store_idx %arg23[%add3A_156, %gather3A_153], %gather3A_157 : memref<128x64xf32, #tpu.memory_space<vmem>>[vector<16xi32>, vector<16xi32>], vector<16xf32>,
          %mul3A_158 = arith.constant 128 : i32
          %mul3A_159 = arith.muli %scan3A_98, %mul3A_158 : i32
          %add3A_160 = arith.constant 32 : i32
          %add3A_161 = arith.addi %mul3A_159, %add3A_160 : i32
          %get3A_162 = arith.index_cast %add3A_161 : i32 to index
          %get3A_163 = tpu.vector_load %arg20[%get3A_162] {strides = array<i32>} : memref<5120xi32, #tpu.memory_space<vmem>>, vector<16xi32>,
          %gather3A_164 = tpu.vector_load_idx %arg26[%get3A_163] : memref<10000xi32, #tpu.memory_space<vmem>>[vector<16xi32>], vector<16xi32>,
          %add3A_165 = arith.constant 32 : i32
          %add3A_166 = vector.broadcast %add3A_165 : i32 to vector<16xi32>
          %add3A_167 = arith.addi %add3A_166, %iota3A : vector<16xi32>
          %gather3A_168 = tpu.vector_load_idx %arg27[%get3A_163] : memref<10000xf32, #tpu.memory_space<vmem>>[vector<16xi32>], vector<16xf32>,
          tpu.vector_store_idx %arg23[%add3A_167, %gather3A_164], %gather3A_168 : memref<128x64xf32, #tpu.memory_space<vmem>>[vector<16xi32>, vector<16xi32>], vector<16xf32>,
          %mul3A_169 = arith.constant 128 : i32
          %mul3A_170 = arith.muli %scan3A_98, %mul3A_169 : i32
          %add3A_171 = arith.constant 48 : i32
          %add3A_172 = arith.addi %mul3A_170, %add3A_171 : i32
          %get3A_173 = arith.index_cast %add3A_172 : i32 to index
          %get3A_174 = tpu.vector_load %arg20[%get3A_173] {strides = array<i32>} : memref<5120xi32, #tpu.memory_space<vmem>>, vector<16xi32>,
          %gather3A_175 = tpu.vector_load_idx %arg26[%get3A_174] : memref<10000xi32, #tpu.memory_space<vmem>>[vector<16xi32>], vector<16xi32>,
          %add3A_176 = arith.constant 48 : i32
          %add3A_177 = vector.broadcast %add3A_176 : i32 to vector<16xi32>
          %add3A_178 = arith.addi %add3A_177, %iota3A : vector<16xi32>
          %gather3A_179 = tpu.vector_load_idx %arg27[%get3A_174] : memref<10000xf32, #tpu.memory_space<vmem>>[vector<16xi32>], vector<16xf32>,
          tpu.vector_store_idx %arg23[%add3A_178, %gather3A_175], %gather3A_179 : memref<128x64xf32, #tpu.memory_space<vmem>>[vector<16xi32>, vector<16xi32>], vector<16xf32>,
          %mul3A_180 = arith.constant 128 : i32
          %mul3A_181 = arith.muli %scan3A_98, %mul3A_180 : i32
          %add3A_182 = arith.constant 64 : i32
          %add3A_183 = arith.addi %mul3A_181, %add3A_182 : i32
          %get3A_184 = arith.index_cast %add3A_183 : i32 to index
          %get3A_185 = tpu.vector_load %arg20[%get3A_184] {strides = array<i32>} : memref<5120xi32, #tpu.memory_space<vmem>>, vector<16xi32>,
          %gather3A_186 = tpu.vector_load_idx %arg26[%get3A_185] : memref<10000xi32, #tpu.memory_space<vmem>>[vector<16xi32>], vector<16xi32>,
          %add3A_187 = arith.constant 64 : i32
          %add3A_188 = vector.broadcast %add3A_187 : i32 to vector<16xi32>
          %add3A_189 = arith.addi %add3A_188, %iota3A : vector<16xi32>
          %gather3A_190 = tpu.vector_load_idx %arg27[%get3A_185] : memref<10000xf32, #tpu.memory_space<vmem>>[vector<16xi32>], vector<16xf32>,
          tpu.vector_store_idx %arg23[%add3A_189, %gather3A_186], %gather3A_190 : memref<128x64xf32, #tpu.memory_space<vmem>>[vector<16xi32>, vector<16xi32>], vector<16xf32>,
          %mul3A_191 = arith.constant 128 : i32
          %mul3A_192 = arith.muli %scan3A_98, %mul3A_191 : i32
          %add3A_193 = arith.constant 80 : i32
          %add3A_194 = arith.addi %mul3A_192, %add3A_193 : i32
          %get3A_195 = arith.index_cast %add3A_194 : i32 to index
          %get3A_196 = tpu.vector_load %arg20[%get3A_195] {strides = array<i32>} : memref<5120xi32, #tpu.memory_space<vmem>>, vector<16xi32>,
          %gather3A_197 = tpu.vector_load_idx %arg26[%get3A_196] : memref<10000xi32, #tpu.memory_space<vmem>>[vector<16xi32>], vector<16xi32>,
          %add3A_198 = arith.constant 80 : i32
          %add3A_199 = vector.broadcast %add3A_198 : i32 to vector<16xi32>
          %add3A_200 = arith.addi %add3A_199, %iota3A : vector<16xi32>
          %gather3A_201 = tpu.vector_load_idx %arg27[%get3A_196] : memref<10000xf32, #tpu.memory_space<vmem>>[vector<16xi32>], vector<16xf32>,
          tpu.vector_store_idx %arg23[%add3A_200, %gather3A_197], %gather3A_201 : memref<128x64xf32, #tpu.memory_space<vmem>>[vector<16xi32>, vector<16xi32>], vector<16xf32>,
          %mul3A_202 = arith.constant 128 : i32
          %mul3A_203 = arith.muli %scan3A_98, %mul3A_202 : i32
          %add3A_204 = arith.constant 96 : i32
          %add3A_205 = arith.addi %mul3A_203, %add3A_204 : i32
          %get3A_206 = arith.index_cast %add3A_205 : i32 to index
          %get3A_207 = tpu.vector_load %arg20[%get3A_206] {strides = array<i32>} : memref<5120xi32, #tpu.memory_space<vmem>>, vector<16xi32>,
          %gather3A_208 = tpu.vector_load_idx %arg26[%get3A_207] : memref<10000xi32, #tpu.memory_space<vmem>>[vector<16xi32>], vector<16xi32>,
          %add3A_209 = arith.constant 96 : i32
          %add3A_210 = vector.broadcast %add3A_209 : i32 to vector<16xi32>
          %add3A_211 = arith.addi %add3A_210, %iota3A : vector<16xi32>
          %gather3A_212 = tpu.vector_load_idx %arg27[%get3A_207] : memref<10000xf32, #tpu.memory_space<vmem>>[vector<16xi32>], vector<16xf32>,
          tpu.vector_store_idx %arg23[%add3A_211, %gather3A_208], %gather3A_212 : memref<128x64xf32, #tpu.memory_space<vmem>>[vector<16xi32>, vector<16xi32>], vector<16xf32>,
          %mul3A_213 = arith.constant 128 : i32
          %mul3A_214 = arith.muli %scan3A_98, %mul3A_213 : i32
          %add3A_215 = arith.constant 112 : i32
          %add3A_216 = arith.addi %mul3A_214, %add3A_215 : i32
          %get3A_217 = arith.index_cast %add3A_216 : i32 to index
          %get3A_218 = tpu.vector_load %arg20[%get3A_217] {strides = array<i32>} : memref<5120xi32, #tpu.memory_space<vmem>>, vector<16xi32>,
          %gather3A_219 = tpu.vector_load_idx %arg26[%get3A_218] : memref<10000xi32, #tpu.memory_space<vmem>>[vector<16xi32>], vector<16xi32>,
          %add3A_220 = arith.constant 112 : i32
          %add3A_221 = vector.broadcast %add3A_220 : i32 to vector<16xi32>
          %add3A_222 = arith.addi %add3A_221, %iota3A : vector<16xi32>
          %gather3A_223 = tpu.vector_load_idx %arg27[%get3A_218] : memref<10000xf32, #tpu.memory_space<vmem>>[vector<16xi32>], vector<16xf32>,
          tpu.vector_store_idx %arg23[%add3A_222, %gather3A_219], %gather3A_223 : memref<128x64xf32, #tpu.memory_space<vmem>>[vector<16xi32>, vector<16xi32>], vector<16xf32>,
          %dma_start3A = arith.constant 0 : i32
          %dma_start3A_224 = tpu.memref_slice %arg21[%scan3A_98, %dma_start3A] : memref<40x128xi32, #tpu.memory_space<vmem>> -> memref<1x128xi32, #tpu.memory_space<vmem>>
          %dma_start3A_225 = tpu.memref_squeeze %dma_start3A_224 : memref<1x128xi32, #tpu.memory_space<vmem>> -> memref<128xi32, #tpu.memory_space<vmem>>
          %dma_start3A_226 = arith.constant 0 : i32
          %dma_start3A_227 = arith.constant 0 : i32
          %dma_start3A_228 = tpu.memref_slice %arg28[%dma_start3A_226, %dma_start3A_227] : memref<10240x64xf32, #tpu.memory_space<vmem_shared>> -> memref<10240x64xf32, #tpu.memory_space<vmem_shared>>
          tpu.enqueue_indirect_dma source(%arg23 : memref<128x64xf32, #tpu.memory_space<vmem>>) target(%dma_start3A_228 : memref<10240x64xf32, #tpu.memory_space<vmem_shared>>) offsets(%dma_start3A_225 : memref<128xi32, #tpu.memory_space<vmem>>) semaphore(%arg30 : memref<!tpu.dma_semaphore, #tpu.memory_space<semaphore_mem>>) {add = true}
        } else {
        }
      }
      %scan3A_83 = arith.constant 40 : i32
      %dma_wait3A_84 = arith.constant 0 : i32
      %dma_wait3A_85 = arith.constant 0 : i32
      %dma_wait3A_86 = tpu.memref_slice %arg14[%dma_wait3A_84, %dma_wait3A_85] : memref<640x64xf32, #tpu.memory_space<hbm>> -> memref<128x64xf32, #tpu.memory_space<hbm>>
      %dma_wait3A_87 = arith.constant 0 : i32
      %dma_wait3A_88 = arith.constant 0 : i32
      %dma_wait3A_89 = tpu.memref_slice %arg14[%dma_wait3A_87, %dma_wait3A_88] : memref<640x64xf32, #tpu.memory_space<hbm>> -> memref<128x64xf32, #tpu.memory_space<hbm>>
      tpu.wait_dma2 semaphore(%arg30 : memref<!tpu.dma_semaphore, #tpu.memory_space<semaphore_mem>>) src(%dma_wait3A_89 : memref<128x64xf32, #tpu.memory_space<hbm>>) dst(%arg22 : memref<128x64xf32, #tpu.memory_space<vmem>>)
      %dma_wait3A_90 = arith.constant 0 : i32
      %dma_wait3A_91 = arith.constant 0 : i32
      %dma_wait3A_92 = tpu.memref_slice %arg14[%dma_wait3A_90, %dma_wait3A_91] : memref<640x64xf32, #tpu.memory_space<hbm>> -> memref<128x64xf32, #tpu.memory_space<hbm>>
      %dma_wait3A_93 = arith.constant 0 : i32
      %dma_wait3A_94 = arith.constant 0 : i32
      %dma_wait3A_95 = tpu.memref_slice %arg14[%dma_wait3A_93, %dma_wait3A_94] : memref<640x64xf32, #tpu.memory_space<hbm>> -> memref<128x64xf32, #tpu.memory_space<hbm>>
      tpu.wait_dma2 semaphore(%arg30 : memref<!tpu.dma_semaphore, #tpu.memory_space<semaphore_mem>>) src(%dma_wait3A_95 : memref<128x64xf32, #tpu.memory_space<hbm>>) dst(%arg23 : memref<128x64xf32, #tpu.memory_space<vmem>>)
      %barrier3A_96 = arith.constant 0 : index
      tpu.barrier barrier_id(%barrier3A_96)
      "tpu.region"() ({
        %run_scoped3A = tpu.sem_alloc : memref<!tpu.dma_semaphore, #tpu.memory_space<semaphore_mem>>
        %dma_start3A = arith.constant 64 : i32
        %dma_start3A_98 = tpu.memref_slice %arg17[%mul3A_0, %dma_start3A] : memref<10240x128xf32, #tpu.memory_space<hbm>> -> memref<640x64xf32, #tpu.memory_space<hbm>>
        %dma_start3A_99 = arith.constant 0 : i32
        %dma_start3A_100 = tpu.memref_slice %arg28[%mul3A_0, %dma_start3A_99] : memref<10240x64xf32, #tpu.memory_space<vmem_shared>> -> memref<640x64xf32, #tpu.memory_space<vmem_shared>>
        tpu.enqueue_dma source(%dma_start3A_100 : memref<640x64xf32, #tpu.memory_space<vmem_shared>>) target(%dma_start3A_98 : memref<640x64xf32, #tpu.memory_space<hbm>>) target_semaphore(%run_scoped3A : memref<!tpu.dma_semaphore, #tpu.memory_space<semaphore_mem>>)
        %dma_wait3A_101 = arith.constant 64 : i32
        %dma_wait3A_102 = tpu.memref_slice %arg17[%mul3A_0, %dma_wait3A_101] : memref<10240x128xf32, #tpu.memory_space<hbm>> -> memref<640x64xf32, #tpu.memory_space<hbm>>
        %dma_wait3A_103 = arith.constant 0 : i32
        %dma_wait3A_104 = tpu.memref_slice %arg28[%mul3A_0, %dma_wait3A_103] : memref<10240x64xf32, #tpu.memory_space<vmem_shared>> -> memref<640x64xf32, #tpu.memory_space<vmem_shared>>
        tpu.wait_dma2 semaphore(%run_scoped3A : memref<!tpu.dma_semaphore, #tpu.memory_space<semaphore_mem>>) src(%dma_wait3A_104 : memref<640x64xf32, #tpu.memory_space<vmem_shared>>) dst(%dma_wait3A_102 : memref<640x64xf32, #tpu.memory_space<hbm>>)
        tpu.yield
      }) : () -> ()
      %barrier3A_97 = arith.constant 0 : index
      tpu.barrier barrier_id(%barrier3A_97)
    } else {
    }
    return
  }
}

#map = affine_map<(d0, d1) -> (0, 0, 0)>
#map1 = affine_map<(d0, d1) -> (0, 0)>
module attributes {stable_mosaic.version = 14 : i64} {
  func.func @_deg_kernel(%arg0: i32, %arg1: i32, %arg2: memref<32x40x128xi32, #tpu.memory_space<hbm>>, %arg3: memref<128x16xf32, #tpu.memory_space<hbm>>, %arg4: memref<640x16xf32, #tpu.memory_space<hbm>>, %arg5: memref<20480x16xf32, #tpu.memory_space<hbm>>, %arg6: memref<40x128xi32, #tpu.memory_space<vmem>>, %arg7: memref<128x16xf32, #tpu.memory_space<vmem>>, %arg8: memref<10240x16xf32, #tpu.memory_space<vmem_shared>>, %arg9: memref<!tpu.dma_semaphore, #tpu.memory_space<semaphore_mem>>) attributes {dimension_semantics = [#tpu.dimension_semantics<core_parallel>, #tpu.dimension_semantics<subcore_parallel>], iteration_bounds = array<i64: 2, 16>, scalar_prefetch = 0 : i64, scratch_operands = 4 : i64, tpu.core_type = #tpu.core_type<sc_vector_subcore>, window_params = [{transform_indices = #map}, {transform_indices = #map1}, {transform_indices = #map1}, {transform_indices = #map1}]} {
    %mul3A = arith.constant 640 : i32
    %mul3A_0 = arith.muli %arg1, %mul3A : i32
    "tpu.region"() ({
      %run_scoped3A = tpu.sem_alloc : memref<!tpu.dma_semaphore, #tpu.memory_space<semaphore_mem>>
      %dma_start3A = arith.constant 0 : i32
      %dma_start3A_16 = tpu.memref_slice %arg8[%mul3A_0, %dma_start3A] : memref<10240x16xf32, #tpu.memory_space<vmem_shared>> -> memref<640x16xf32, #tpu.memory_space<vmem_shared>>
      tpu.enqueue_dma source(%arg4 : memref<640x16xf32, #tpu.memory_space<hbm>>) target(%dma_start3A_16 : memref<640x16xf32, #tpu.memory_space<vmem_shared>>) target_semaphore(%run_scoped3A : memref<!tpu.dma_semaphore, #tpu.memory_space<semaphore_mem>>)
      %dma_wait3A = arith.constant 0 : i32
      %dma_wait3A_17 = tpu.memref_slice %arg8[%mul3A_0, %dma_wait3A] : memref<10240x16xf32, #tpu.memory_space<vmem_shared>> -> memref<640x16xf32, #tpu.memory_space<vmem_shared>>
      tpu.wait_dma2 semaphore(%run_scoped3A : memref<!tpu.dma_semaphore, #tpu.memory_space<semaphore_mem>>) src(%arg4 : memref<640x16xf32, #tpu.memory_space<hbm>>) dst(%dma_wait3A_17 : memref<640x16xf32, #tpu.memory_space<vmem_shared>>)
      tpu.yield
    }) : () -> ()
    "tpu.region"() ({
      %run_scoped3A = tpu.sem_alloc : memref<!tpu.dma_semaphore, #tpu.memory_space<semaphore_mem>>
      tpu.enqueue_dma source(%arg3 : memref<128x16xf32, #tpu.memory_space<hbm>>) target(%arg7 : memref<128x16xf32, #tpu.memory_space<vmem>>) target_semaphore(%run_scoped3A : memref<!tpu.dma_semaphore, #tpu.memory_space<semaphore_mem>>)
      tpu.wait_dma2 semaphore(%run_scoped3A : memref<!tpu.dma_semaphore, #tpu.memory_space<semaphore_mem>>) src(%arg3 : memref<128x16xf32, #tpu.memory_space<hbm>>) dst(%arg7 : memref<128x16xf32, #tpu.memory_space<vmem>>)
      tpu.yield
    }) : () -> ()
    %mul3A_1 = arith.constant 16 : i32
    %mul3A_2 = arith.muli %arg0, %mul3A_1 : i32
    %add3A = arith.addi %mul3A_2, %arg1 : i32
    "tpu.region"() ({
      %run_scoped3A = tpu.sem_alloc : memref<!tpu.dma_semaphore, #tpu.memory_space<semaphore_mem>>
      %dma_start3A = arith.constant 0 : i32
      %dma_start3A_16 = arith.constant 0 : i32
      %dma_start3A_17 = tpu.memref_slice %arg2[%add3A, %dma_start3A, %dma_start3A_16] : memref<32x40x128xi32, #tpu.memory_space<hbm>> -> memref<1x40x128xi32, #tpu.memory_space<hbm>>
      %dma_start3A_18 = tpu.memref_squeeze %dma_start3A_17 : memref<1x40x128xi32, #tpu.memory_space<hbm>> -> memref<40x128xi32, #tpu.memory_space<hbm>>
      %dma_start3A_19 = arith.constant 0 : i32
      %dma_start3A_20 = arith.constant 0 : i32
      %dma_start3A_21 = tpu.memref_slice %arg2[%add3A, %dma_start3A_19, %dma_start3A_20] : memref<32x40x128xi32, #tpu.memory_space<hbm>> -> memref<1x40x128xi32, #tpu.memory_space<hbm>>
      %dma_start3A_22 = tpu.memref_squeeze %dma_start3A_21 : memref<1x40x128xi32, #tpu.memory_space<hbm>> -> memref<40x128xi32, #tpu.memory_space<hbm>>
      tpu.enqueue_dma source(%dma_start3A_22 : memref<40x128xi32, #tpu.memory_space<hbm>>) target(%arg6 : memref<40x128xi32, #tpu.memory_space<vmem>>) target_semaphore(%run_scoped3A : memref<!tpu.dma_semaphore, #tpu.memory_space<semaphore_mem>>)
      %dma_wait3A = arith.constant 0 : i32
      %dma_wait3A_23 = arith.constant 0 : i32
      %dma_wait3A_24 = tpu.memref_slice %arg2[%add3A, %dma_wait3A, %dma_wait3A_23] : memref<32x40x128xi32, #tpu.memory_space<hbm>> -> memref<1x40x128xi32, #tpu.memory_space<hbm>>
      %dma_wait3A_25 = tpu.memref_squeeze %dma_wait3A_24 : memref<1x40x128xi32, #tpu.memory_space<hbm>> -> memref<40x128xi32, #tpu.memory_space<hbm>>
      %dma_wait3A_26 = arith.constant 0 : i32
      %dma_wait3A_27 = arith.constant 0 : i32
      %dma_wait3A_28 = tpu.memref_slice %arg2[%add3A, %dma_wait3A_26, %dma_wait3A_27] : memref<32x40x128xi32, #tpu.memory_space<hbm>> -> memref<1x40x128xi32, #tpu.memory_space<hbm>>
      %dma_wait3A_29 = tpu.memref_squeeze %dma_wait3A_28 : memref<1x40x128xi32, #tpu.memory_space<hbm>> -> memref<40x128xi32, #tpu.memory_space<hbm>>
      tpu.wait_dma2 semaphore(%run_scoped3A : memref<!tpu.dma_semaphore, #tpu.memory_space<semaphore_mem>>) src(%dma_wait3A_29 : memref<40x128xi32, #tpu.memory_space<hbm>>) dst(%arg6 : memref<40x128xi32, #tpu.memory_space<vmem>>)
      tpu.yield
    }) : () -> ()
    %barrier3A = arith.constant 0 : index
    tpu.barrier barrier_id(%barrier3A)
    %scan3A = arith.constant 0 : i32
    %scan3A_3 = arith.constant 0 : i32
    %scan3A_4 = arith.constant 5 : i32
    %scan3A_5 = arith.addi %scan3A_3, %scan3A_4 : i32
    %scan3A_6 = arith.constant 1 : i32
    scf.for %scan3A_16 = %scan3A_3 to %scan3A_5 step %scan3A_6  : i32 {
      %mul3A_17 = arith.constant 8 : i32
      %mul3A_18 = arith.muli %scan3A_16, %mul3A_17 : i32
      %add3A_19 = arith.constant 0 : i32
      %add3A_20 = arith.addi %mul3A_18, %add3A_19 : i32
      %dma_start3A = arith.constant 0 : i32
      %dma_start3A_21 = tpu.memref_slice %arg6[%add3A_20, %dma_start3A] : memref<40x128xi32, #tpu.memory_space<vmem>> -> memref<1x128xi32, #tpu.memory_space<vmem>>
      %dma_start3A_22 = tpu.memref_squeeze %dma_start3A_21 : memref<1x128xi32, #tpu.memory_space<vmem>> -> memref<128xi32, #tpu.memory_space<vmem>>
      %dma_start3A_23 = arith.constant 0 : i32
      %dma_start3A_24 = arith.constant 0 : i32
      %dma_start3A_25 = tpu.memref_slice %arg8[%dma_start3A_23, %dma_start3A_24] : memref<10240x16xf32, #tpu.memory_space<vmem_shared>> -> memref<10240x16xf32, #tpu.memory_space<vmem_shared>>
      tpu.enqueue_indirect_dma source(%arg7 : memref<128x16xf32, #tpu.memory_space<vmem>>) target(%dma_start3A_25 : memref<10240x16xf32, #tpu.memory_space<vmem_shared>>) offsets(%dma_start3A_22 : memref<128xi32, #tpu.memory_space<vmem>>) semaphore(%arg9 : memref<!tpu.dma_semaphore, #tpu.memory_space<semaphore_mem>>) {add = true}
      %mul3A_26 = arith.constant 8 : i32
      %mul3A_27 = arith.muli %scan3A_16, %mul3A_26 : i32
      %add3A_28 = arith.constant 1 : i32
      %add3A_29 = arith.addi %mul3A_27, %add3A_28 : i32
      %dma_start3A_30 = arith.constant 0 : i32
      %dma_start3A_31 = tpu.memref_slice %arg6[%add3A_29, %dma_start3A_30] : memref<40x128xi32, #tpu.memory_space<vmem>> -> memref<1x128xi32, #tpu.memory_space<vmem>>
      %dma_start3A_32 = tpu.memref_squeeze %dma_start3A_31 : memref<1x128xi32, #tpu.memory_space<vmem>> -> memref<128xi32, #tpu.memory_space<vmem>>
      %dma_start3A_33 = arith.constant 0 : i32
      %dma_start3A_34 = arith.constant 0 : i32
      %dma_start3A_35 = tpu.memref_slice %arg8[%dma_start3A_33, %dma_start3A_34] : memref<10240x16xf32, #tpu.memory_space<vmem_shared>> -> memref<10240x16xf32, #tpu.memory_space<vmem_shared>>
      tpu.enqueue_indirect_dma source(%arg7 : memref<128x16xf32, #tpu.memory_space<vmem>>) target(%dma_start3A_35 : memref<10240x16xf32, #tpu.memory_space<vmem_shared>>) offsets(%dma_start3A_32 : memref<128xi32, #tpu.memory_space<vmem>>) semaphore(%arg9 : memref<!tpu.dma_semaphore, #tpu.memory_space<semaphore_mem>>) {add = true}
      %mul3A_36 = arith.constant 8 : i32
      %mul3A_37 = arith.muli %scan3A_16, %mul3A_36 : i32
      %add3A_38 = arith.constant 2 : i32
      %add3A_39 = arith.addi %mul3A_37, %add3A_38 : i32
      %dma_start3A_40 = arith.constant 0 : i32
      %dma_start3A_41 = tpu.memref_slice %arg6[%add3A_39, %dma_start3A_40] : memref<40x128xi32, #tpu.memory_space<vmem>> -> memref<1x128xi32, #tpu.memory_space<vmem>>
      %dma_start3A_42 = tpu.memref_squeeze %dma_start3A_41 : memref<1x128xi32, #tpu.memory_space<vmem>> -> memref<128xi32, #tpu.memory_space<vmem>>
      %dma_start3A_43 = arith.constant 0 : i32
      %dma_start3A_44 = arith.constant 0 : i32
      %dma_start3A_45 = tpu.memref_slice %arg8[%dma_start3A_43, %dma_start3A_44] : memref<10240x16xf32, #tpu.memory_space<vmem_shared>> -> memref<10240x16xf32, #tpu.memory_space<vmem_shared>>
      tpu.enqueue_indirect_dma source(%arg7 : memref<128x16xf32, #tpu.memory_space<vmem>>) target(%dma_start3A_45 : memref<10240x16xf32, #tpu.memory_space<vmem_shared>>) offsets(%dma_start3A_42 : memref<128xi32, #tpu.memory_space<vmem>>) semaphore(%arg9 : memref<!tpu.dma_semaphore, #tpu.memory_space<semaphore_mem>>) {add = true}
      %mul3A_46 = arith.constant 8 : i32
      %mul3A_47 = arith.muli %scan3A_16, %mul3A_46 : i32
      %add3A_48 = arith.constant 3 : i32
      %add3A_49 = arith.addi %mul3A_47, %add3A_48 : i32
      %dma_start3A_50 = arith.constant 0 : i32
      %dma_start3A_51 = tpu.memref_slice %arg6[%add3A_49, %dma_start3A_50] : memref<40x128xi32, #tpu.memory_space<vmem>> -> memref<1x128xi32, #tpu.memory_space<vmem>>
      %dma_start3A_52 = tpu.memref_squeeze %dma_start3A_51 : memref<1x128xi32, #tpu.memory_space<vmem>> -> memref<128xi32, #tpu.memory_space<vmem>>
      %dma_start3A_53 = arith.constant 0 : i32
      %dma_start3A_54 = arith.constant 0 : i32
      %dma_start3A_55 = tpu.memref_slice %arg8[%dma_start3A_53, %dma_start3A_54] : memref<10240x16xf32, #tpu.memory_space<vmem_shared>> -> memref<10240x16xf32, #tpu.memory_space<vmem_shared>>
      tpu.enqueue_indirect_dma source(%arg7 : memref<128x16xf32, #tpu.memory_space<vmem>>) target(%dma_start3A_55 : memref<10240x16xf32, #tpu.memory_space<vmem_shared>>) offsets(%dma_start3A_52 : memref<128xi32, #tpu.memory_space<vmem>>) semaphore(%arg9 : memref<!tpu.dma_semaphore, #tpu.memory_space<semaphore_mem>>) {add = true}
      %mul3A_56 = arith.constant 8 : i32
      %mul3A_57 = arith.muli %scan3A_16, %mul3A_56 : i32
      %add3A_58 = arith.constant 4 : i32
      %add3A_59 = arith.addi %mul3A_57, %add3A_58 : i32
      %dma_start3A_60 = arith.constant 0 : i32
      %dma_start3A_61 = tpu.memref_slice %arg6[%add3A_59, %dma_start3A_60] : memref<40x128xi32, #tpu.memory_space<vmem>> -> memref<1x128xi32, #tpu.memory_space<vmem>>
      %dma_start3A_62 = tpu.memref_squeeze %dma_start3A_61 : memref<1x128xi32, #tpu.memory_space<vmem>> -> memref<128xi32, #tpu.memory_space<vmem>>
      %dma_start3A_63 = arith.constant 0 : i32
      %dma_start3A_64 = arith.constant 0 : i32
      %dma_start3A_65 = tpu.memref_slice %arg8[%dma_start3A_63, %dma_start3A_64] : memref<10240x16xf32, #tpu.memory_space<vmem_shared>> -> memref<10240x16xf32, #tpu.memory_space<vmem_shared>>
      tpu.enqueue_indirect_dma source(%arg7 : memref<128x16xf32, #tpu.memory_space<vmem>>) target(%dma_start3A_65 : memref<10240x16xf32, #tpu.memory_space<vmem_shared>>) offsets(%dma_start3A_62 : memref<128xi32, #tpu.memory_space<vmem>>) semaphore(%arg9 : memref<!tpu.dma_semaphore, #tpu.memory_space<semaphore_mem>>) {add = true}
      %mul3A_66 = arith.constant 8 : i32
      %mul3A_67 = arith.muli %scan3A_16, %mul3A_66 : i32
      %add3A_68 = arith.constant 5 : i32
      %add3A_69 = arith.addi %mul3A_67, %add3A_68 : i32
      %dma_start3A_70 = arith.constant 0 : i32
      %dma_start3A_71 = tpu.memref_slice %arg6[%add3A_69, %dma_start3A_70] : memref<40x128xi32, #tpu.memory_space<vmem>> -> memref<1x128xi32, #tpu.memory_space<vmem>>
      %dma_start3A_72 = tpu.memref_squeeze %dma_start3A_71 : memref<1x128xi32, #tpu.memory_space<vmem>> -> memref<128xi32, #tpu.memory_space<vmem>>
      %dma_start3A_73 = arith.constant 0 : i32
      %dma_start3A_74 = arith.constant 0 : i32
      %dma_start3A_75 = tpu.memref_slice %arg8[%dma_start3A_73, %dma_start3A_74] : memref<10240x16xf32, #tpu.memory_space<vmem_shared>> -> memref<10240x16xf32, #tpu.memory_space<vmem_shared>>
      tpu.enqueue_indirect_dma source(%arg7 : memref<128x16xf32, #tpu.memory_space<vmem>>) target(%dma_start3A_75 : memref<10240x16xf32, #tpu.memory_space<vmem_shared>>) offsets(%dma_start3A_72 : memref<128xi32, #tpu.memory_space<vmem>>) semaphore(%arg9 : memref<!tpu.dma_semaphore, #tpu.memory_space<semaphore_mem>>) {add = true}
      %mul3A_76 = arith.constant 8 : i32
      %mul3A_77 = arith.muli %scan3A_16, %mul3A_76 : i32
      %add3A_78 = arith.constant 6 : i32
      %add3A_79 = arith.addi %mul3A_77, %add3A_78 : i32
      %dma_start3A_80 = arith.constant 0 : i32
      %dma_start3A_81 = tpu.memref_slice %arg6[%add3A_79, %dma_start3A_80] : memref<40x128xi32, #tpu.memory_space<vmem>> -> memref<1x128xi32, #tpu.memory_space<vmem>>
      %dma_start3A_82 = tpu.memref_squeeze %dma_start3A_81 : memref<1x128xi32, #tpu.memory_space<vmem>> -> memref<128xi32, #tpu.memory_space<vmem>>
      %dma_start3A_83 = arith.constant 0 : i32
      %dma_start3A_84 = arith.constant 0 : i32
      %dma_start3A_85 = tpu.memref_slice %arg8[%dma_start3A_83, %dma_start3A_84] : memref<10240x16xf32, #tpu.memory_space<vmem_shared>> -> memref<10240x16xf32, #tpu.memory_space<vmem_shared>>
      tpu.enqueue_indirect_dma source(%arg7 : memref<128x16xf32, #tpu.memory_space<vmem>>) target(%dma_start3A_85 : memref<10240x16xf32, #tpu.memory_space<vmem_shared>>) offsets(%dma_start3A_82 : memref<128xi32, #tpu.memory_space<vmem>>) semaphore(%arg9 : memref<!tpu.dma_semaphore, #tpu.memory_space<semaphore_mem>>) {add = true}
      %mul3A_86 = arith.constant 8 : i32
      %mul3A_87 = arith.muli %scan3A_16, %mul3A_86 : i32
      %add3A_88 = arith.constant 7 : i32
      %add3A_89 = arith.addi %mul3A_87, %add3A_88 : i32
      %dma_start3A_90 = arith.constant 0 : i32
      %dma_start3A_91 = tpu.memref_slice %arg6[%add3A_89, %dma_start3A_90] : memref<40x128xi32, #tpu.memory_space<vmem>> -> memref<1x128xi32, #tpu.memory_space<vmem>>
      %dma_start3A_92 = tpu.memref_squeeze %dma_start3A_91 : memref<1x128xi32, #tpu.memory_space<vmem>> -> memref<128xi32, #tpu.memory_space<vmem>>
      %dma_start3A_93 = arith.constant 0 : i32
      %dma_start3A_94 = arith.constant 0 : i32
      %dma_start3A_95 = tpu.memref_slice %arg8[%dma_start3A_93, %dma_start3A_94] : memref<10240x16xf32, #tpu.memory_space<vmem_shared>> -> memref<10240x16xf32, #tpu.memory_space<vmem_shared>>
      tpu.enqueue_indirect_dma source(%arg7 : memref<128x16xf32, #tpu.memory_space<vmem>>) target(%dma_start3A_95 : memref<10240x16xf32, #tpu.memory_space<vmem_shared>>) offsets(%dma_start3A_92 : memref<128xi32, #tpu.memory_space<vmem>>) semaphore(%arg9 : memref<!tpu.dma_semaphore, #tpu.memory_space<semaphore_mem>>) {add = true}
      tpu.wait_dma2 semaphore(%arg9 : memref<!tpu.dma_semaphore, #tpu.memory_space<semaphore_mem>>) src(%arg3 : memref<128x16xf32, #tpu.memory_space<hbm>>) dst(%arg7 : memref<128x16xf32, #tpu.memory_space<vmem>>)
      tpu.wait_dma2 semaphore(%arg9 : memref<!tpu.dma_semaphore, #tpu.memory_space<semaphore_mem>>) src(%arg3 : memref<128x16xf32, #tpu.memory_space<hbm>>) dst(%arg7 : memref<128x16xf32, #tpu.memory_space<vmem>>)
      tpu.wait_dma2 semaphore(%arg9 : memref<!tpu.dma_semaphore, #tpu.memory_space<semaphore_mem>>) src(%arg3 : memref<128x16xf32, #tpu.memory_space<hbm>>) dst(%arg7 : memref<128x16xf32, #tpu.memory_space<vmem>>)
      tpu.wait_dma2 semaphore(%arg9 : memref<!tpu.dma_semaphore, #tpu.memory_space<semaphore_mem>>) src(%arg3 : memref<128x16xf32, #tpu.memory_space<hbm>>) dst(%arg7 : memref<128x16xf32, #tpu.memory_space<vmem>>)
      tpu.wait_dma2 semaphore(%arg9 : memref<!tpu.dma_semaphore, #tpu.memory_space<semaphore_mem>>) src(%arg3 : memref<128x16xf32, #tpu.memory_space<hbm>>) dst(%arg7 : memref<128x16xf32, #tpu.memory_space<vmem>>)
      tpu.wait_dma2 semaphore(%arg9 : memref<!tpu.dma_semaphore, #tpu.memory_space<semaphore_mem>>) src(%arg3 : memref<128x16xf32, #tpu.memory_space<hbm>>) dst(%arg7 : memref<128x16xf32, #tpu.memory_space<vmem>>)
      tpu.wait_dma2 semaphore(%arg9 : memref<!tpu.dma_semaphore, #tpu.memory_space<semaphore_mem>>) src(%arg3 : memref<128x16xf32, #tpu.memory_space<hbm>>) dst(%arg7 : memref<128x16xf32, #tpu.memory_space<vmem>>)
      tpu.wait_dma2 semaphore(%arg9 : memref<!tpu.dma_semaphore, #tpu.memory_space<semaphore_mem>>) src(%arg3 : memref<128x16xf32, #tpu.memory_space<hbm>>) dst(%arg7 : memref<128x16xf32, #tpu.memory_space<vmem>>)
    }
    %scan3A_7 = arith.constant 5 : i32
    %barrier3A_8 = arith.constant 0 : index
    tpu.barrier barrier_id(%barrier3A_8)
    %mul3A_9 = arith.constant 640 : i32
    %mul3A_10 = arith.muli %arg1, %mul3A_9 : i32
    %mul3A_11 = arith.constant 10240 : i32
    %mul3A_12 = arith.muli %arg0, %mul3A_11 : i32
    %mul3A_13 = arith.constant 640 : i32
    %mul3A_14 = arith.muli %arg1, %mul3A_13 : i32
    %add3A_15 = arith.addi %mul3A_12, %mul3A_14 : i32
    "tpu.region"() ({
      %run_scoped3A = tpu.sem_alloc : memref<!tpu.dma_semaphore, #tpu.memory_space<semaphore_mem>>
      %dma_start3A = arith.constant 0 : i32
      %dma_start3A_16 = tpu.memref_slice %arg5[%add3A_15, %dma_start3A] : memref<20480x16xf32, #tpu.memory_space<hbm>> -> memref<640x16xf32, #tpu.memory_space<hbm>>
      %dma_start3A_17 = arith.constant 0 : i32
      %dma_start3A_18 = tpu.memref_slice %arg8[%mul3A_10, %dma_start3A_17] : memref<10240x16xf32, #tpu.memory_space<vmem_shared>> -> memref<640x16xf32, #tpu.memory_space<vmem_shared>>
      tpu.enqueue_dma source(%dma_start3A_18 : memref<640x16xf32, #tpu.memory_space<vmem_shared>>) target(%dma_start3A_16 : memref<640x16xf32, #tpu.memory_space<hbm>>) target_semaphore(%run_scoped3A : memref<!tpu.dma_semaphore, #tpu.memory_space<semaphore_mem>>)
      %dma_wait3A = arith.constant 0 : i32
      %dma_wait3A_19 = tpu.memref_slice %arg5[%add3A_15, %dma_wait3A] : memref<20480x16xf32, #tpu.memory_space<hbm>> -> memref<640x16xf32, #tpu.memory_space<hbm>>
      %dma_wait3A_20 = arith.constant 0 : i32
      %dma_wait3A_21 = tpu.memref_slice %arg8[%mul3A_10, %dma_wait3A_20] : memref<10240x16xf32, #tpu.memory_space<vmem_shared>> -> memref<640x16xf32, #tpu.memory_space<vmem_shared>>
      tpu.wait_dma2 semaphore(%run_scoped3A : memref<!tpu.dma_semaphore, #tpu.memory_space<semaphore_mem>>) src(%dma_wait3A_21 : memref<640x16xf32, #tpu.memory_space<vmem_shared>>) dst(%dma_wait3A_19 : memref<640x16xf32, #tpu.memory_space<hbm>>)
      tpu.yield
    }) : () -> ()
    return
  }
}

module attributes {stable_mosaic.version = 14 : i64} {
  func.func @_prep_body(%arg0: i32, %arg1: memref<2000x16xf32, #tpu.memory_space<vmem>>, %arg2: memref<2000x16xf32, #tpu.memory_space<vmem>>, %arg3: memref<2000x256xf32, #tpu.memory_space<vmem>>, %arg4: memref<2000x1xi32, #tpu.memory_space<vmem>>, %arg5: memref<2000x64xf32, #tpu.memory_space<vmem>>, %arg6: memref<2000x64xf32, #tpu.memory_space<vmem>>, %arg7: memref<2000x64xf32, #tpu.memory_space<vmem>>, %arg8: memref<2000x64xf32, #tpu.memory_space<vmem>>, %arg9: memref<2000x1xf32, #tpu.memory_space<vmem>>, %arg10: memref<1x64xf32, #tpu.memory_space<vmem>>, %arg11: memref<1x64xf32, #tpu.memory_space<vmem>>) attributes {dimension_semantics = [#tpu.dimension_semantics<arbitrary>], iteration_bounds = array<i64: 5>, scalar_prefetch = 0 : i64, scratch_operands = 1 : i64, tpu.core_type = #tpu.core_type<tc>, window_params = [{transform_indices = @transform_0, window_bounds = array<i64: 2000, 16>}, {transform_indices = @transform_1, window_bounds = array<i64: 2000, 16>}, {transform_indices = @transform_2, window_bounds = array<i64: 2000, 256>}, {transform_indices = @transform_3, window_bounds = array<i64: 2000, 1>}, {transform_indices = @transform_4, window_bounds = array<i64: 2000, 64>}, {transform_indices = @transform_5, window_bounds = array<i64: 2000, 64>}, {transform_indices = @transform_6, window_bounds = array<i64: 2000, 64>}, {transform_indices = @transform_7, window_bounds = array<i64: 2000, 64>}, {transform_indices = @transform_8, window_bounds = array<i64: 2000, 1>}, {pipeline_mode = #tpu.pipeline_mode<synchronous>, transform_indices = @transform_9, window_bounds = array<i64: 1, 64>}]} {
    %get3A = arith.constant 0 : index
    %get3A_0 = arith.constant 0 : index
    %get3A_1 = vector.load %arg1[%get3A, %get3A_0] : memref<2000x16xf32, #tpu.memory_space<vmem>>, vector<2000x1xf32>
    %get3A_2 = arith.constant 0 : index
    %get3A_3 = arith.constant 0 : index
    %get3A_4 = vector.load %arg2[%get3A_2, %get3A_3] : memref<2000x16xf32, #tpu.memory_space<vmem>>, vector<2000x1xf32>
    %add3A = arith.addf %get3A_1, %get3A_4 : vector<2000x1xf32>
    %add3A_5 = arith.constant 1.000000e+00 : f32
    %add3A_6 = vector.broadcast %add3A_5 : f32 to vector<2000x1xf32>
    %add3A_7 = arith.addf %add3A, %add3A_6 : vector<2000x1xf32>
    %rsqrt3A = math.rsqrt %add3A_7 : vector<2000x1xf32>
    %swap3A = arith.constant 0 : index
    %swap3A_8 = arith.constant 0 : index
    %swap3A_9 = vector.load %arg9[%swap3A, %swap3A_8] : memref<2000x1xf32, #tpu.memory_space<vmem>>, vector<2000x1xf32>
    tpu.vector_store %arg9[%swap3A, %swap3A_8], %rsqrt3A {strides = array<i32>} : memref<2000x1xf32, #tpu.memory_space<vmem>>, vector<2000x1xf32>,
    %get3A_10 = arith.constant 0 : index
    %get3A_11 = arith.constant 0 : index
    %get3A_12 = vector.load %arg3[%get3A_10, %get3A_11] : memref<2000x256xf32, #tpu.memory_space<vmem>>, vector<2000x256xf32>
    %mul3A = vector.broadcast %rsqrt3A : vector<2000x1xf32> to vector<2000x256xf32>
    %mul3A_13 = arith.mulf %get3A_12, %mul3A : vector<2000x256xf32>
    %slice3A = vector.extract_strided_slice %mul3A_13 {offsets = [0, 0], sizes = [2000, 64], strides = [1, 1]} : vector<2000x256xf32> to vector<2000x64xf32>
    %swap3A_14 = arith.constant 0 : index
    %swap3A_15 = arith.constant 0 : index
    %swap3A_16 = vector.load %arg5[%swap3A_14, %swap3A_15] : memref<2000x64xf32, #tpu.memory_space<vmem>>, vector<2000x64xf32>
    tpu.vector_store %arg5[%swap3A_14, %swap3A_15], %slice3A {strides = array<i32>} : memref<2000x64xf32, #tpu.memory_space<vmem>>, vector<2000x64xf32>,
    %slice3A_17 = vector.extract_strided_slice %mul3A_13 {offsets = [0, 64], sizes = [2000, 64], strides = [1, 1]} : vector<2000x256xf32> to vector<2000x64xf32>
    %swap3A_18 = arith.constant 0 : index
    %swap3A_19 = arith.constant 0 : index
    %swap3A_20 = vector.load %arg6[%swap3A_18, %swap3A_19] : memref<2000x64xf32, #tpu.memory_space<vmem>>, vector<2000x64xf32>
    tpu.vector_store %arg6[%swap3A_18, %swap3A_19], %slice3A_17 {strides = array<i32>} : memref<2000x64xf32, #tpu.memory_space<vmem>>, vector<2000x64xf32>,
    %slice3A_21 = vector.extract_strided_slice %mul3A_13 {offsets = [0, 128], sizes = [2000, 64], strides = [1, 1]} : vector<2000x256xf32> to vector<2000x64xf32>
    %swap3A_22 = arith.constant 0 : index
    %swap3A_23 = arith.constant 0 : index
    %swap3A_24 = vector.load %arg7[%swap3A_22, %swap3A_23] : memref<2000x64xf32, #tpu.memory_space<vmem>>, vector<2000x64xf32>
    tpu.vector_store %arg7[%swap3A_22, %swap3A_23], %slice3A_21 {strides = array<i32>} : memref<2000x64xf32, #tpu.memory_space<vmem>>, vector<2000x64xf32>,
    %slice3A_25 = vector.extract_strided_slice %mul3A_13 {offsets = [0, 192], sizes = [2000, 64], strides = [1, 1]} : vector<2000x256xf32> to vector<2000x64xf32>
    %swap3A_26 = arith.constant 0 : index
    %swap3A_27 = arith.constant 0 : index
    %swap3A_28 = vector.load %arg8[%swap3A_26, %swap3A_27] : memref<2000x64xf32, #tpu.memory_space<vmem>>, vector<2000x64xf32>
    tpu.vector_store %arg8[%swap3A_26, %swap3A_27], %slice3A_25 {strides = array<i32>} : memref<2000x64xf32, #tpu.memory_space<vmem>>, vector<2000x64xf32>,
    %get3A_29 = arith.constant 0 : index
    %get3A_30 = arith.constant 0 : index
    %get3A_31 = vector.load %arg4[%get3A_29, %get3A_30] : memref<2000x1xi32, #tpu.memory_space<vmem>>, vector<2000x1xi32>
    %iota3A = tpu.iota {dimensions = array<i32: 1>} : vector<2000x64xi32>
    %eq3A = vector.broadcast %get3A_31 : vector<2000x1xi32> to vector<2000x64xi32>
    %eq3A_32 = arith.cmpi eq, %eq3A, %iota3A : vector<2000x64xi32>
    %convert_element_type3A = arith.extui %eq3A_32 : vector<2000x64xi1> to vector<2000x64xi32>
    %convert_element_type3A_33 = arith.sitofp %convert_element_type3A : vector<2000x64xi32> to vector<2000x64xf32>
    %eq3A_34 = arith.constant 0 : i32
    %eq3A_35 = arith.cmpi eq, %arg0, %eq3A_34 : i32
    %convert_element_type3A_36 = arith.extui %eq3A_35 : i1 to i32
    %cond3A = arith.constant 0 : i32
    %cond3A_37 = arith.cmpi ne, %convert_element_type3A_36, %cond3A : i32
    scf.if %cond3A_37 {
      %broadcast_in_dim3A_51 = arith.constant 0.000000e+00 : f32
      %broadcast_in_dim3A_52 = vector.broadcast %broadcast_in_dim3A_51 : f32 to vector<1x64xf32>
      %swap3A_53 = arith.constant 0 : index
      %swap3A_54 = arith.constant 0 : index
      %swap3A_55 = vector.load %arg11[%swap3A_53, %swap3A_54] : memref<1x64xf32, #tpu.memory_space<vmem>>, vector<1x64xf32>
      tpu.vector_store %arg11[%swap3A_53, %swap3A_54], %broadcast_in_dim3A_52 {strides = array<i32>} : memref<1x64xf32, #tpu.memory_space<vmem>>, vector<1x64xf32>,
    } else {
    }
    %get3A_38 = arith.constant 0 : index
    %get3A_39 = arith.constant 0 : index
    %get3A_40 = vector.load %arg11[%get3A_38, %get3A_39] : memref<1x64xf32, #tpu.memory_space<vmem>>, vector<1x64xf32>
    %reduce_sum3A = arith.constant dense<0.000000e+00> : vector<64xf32>
    %reduce_sum3A_41 = vector.multi_reduction <add>, %convert_element_type3A_33, %reduce_sum3A [0] : vector<2000x64xf32> to vector<64xf32>
    %broadcast_in_dim3A = vector.shape_cast %reduce_sum3A_41 : vector<64xf32> to vector<1x64xf32>
    %add3A_42 = arith.addf %get3A_40, %broadcast_in_dim3A : vector<1x64xf32>
    %swap3A_43 = arith.constant 0 : index
    %swap3A_44 = arith.constant 0 : index
    %swap3A_45 = vector.load %arg11[%swap3A_43, %swap3A_44] : memref<1x64xf32, #tpu.memory_space<vmem>>, vector<1x64xf32>
    tpu.vector_store %arg11[%swap3A_43, %swap3A_44], %add3A_42 {strides = array<i32>} : memref<1x64xf32, #tpu.memory_space<vmem>>, vector<1x64xf32>,
    %eq3A_46 = arith.constant 4 : i32
    %eq3A_47 = arith.cmpi eq, %arg0, %eq3A_46 : i32
    %convert_element_type3A_48 = arith.extui %eq3A_47 : i1 to i32
    %cond3A_49 = arith.constant 0 : i32
    %cond3A_50 = arith.cmpi ne, %convert_element_type3A_48, %cond3A_49 : i32
    scf.if %cond3A_50 {
      %get3A_51 = arith.constant 0 : index
      %get3A_52 = arith.constant 0 : index
      %get3A_53 = vector.load %arg11[%get3A_51, %get3A_52] : memref<1x64xf32, #tpu.memory_space<vmem>>, vector<1x64xf32>
      %max3A = arith.constant 1.000000e+00 : f32
      %max3A_54 = vector.broadcast %max3A : f32 to vector<1x64xf32>
      %max3A_55 = arith.maximumf %get3A_53, %max3A_54 : vector<1x64xf32>
      %div3A = arith.constant 1.000000e+00 : f32
      %div3A_56 = vector.broadcast %div3A : f32 to vector<1x64xf32>
      %div3A_57 = arith.divf %div3A_56, %max3A_55 : vector<1x64xf32>
      %swap3A_58 = arith.constant 0 : index
      %swap3A_59 = arith.constant 0 : index
      %swap3A_60 = vector.load %arg10[%swap3A_58, %swap3A_59] : memref<1x64xf32, #tpu.memory_space<vmem>>, vector<1x64xf32>
      tpu.vector_store %arg10[%swap3A_58, %swap3A_59], %div3A_57 {strides = array<i32>} : memref<1x64xf32, #tpu.memory_space<vmem>>, vector<1x64xf32>,
    } else {
    }
    return
  }
  func.func @transform_0(%arg0: i32) -> (i32, i32) {
    %c0_i32 = arith.constant 0 : i32
    %c0_i32_0 = arith.constant 0 : i32
    return %arg0, %c0_i32 : i32, i32
  }
  func.func @transform_1(%arg0: i32) -> (i32, i32) {
    %c0_i32 = arith.constant 0 : i32
    %c0_i32_0 = arith.constant 0 : i32
    return %arg0, %c0_i32 : i32, i32
  }
  func.func @transform_2(%arg0: i32) -> (i32, i32) {
    %c0_i32 = arith.constant 0 : i32
    %c0_i32_0 = arith.constant 0 : i32
    return %arg0, %c0_i32 : i32, i32
  }
  func.func @transform_3(%arg0: i32) -> (i32, i32) {
    %c0_i32 = arith.constant 0 : i32
    %c0_i32_0 = arith.constant 0 : i32
    return %arg0, %c0_i32 : i32, i32
  }
  func.func @transform_4(%arg0: i32) -> (i32, i32) {
    %c0_i32 = arith.constant 0 : i32
    %c0_i32_0 = arith.constant 0 : i32
    return %arg0, %c0_i32 : i32, i32
  }
  func.func @transform_5(%arg0: i32) -> (i32, i32) {
    %c0_i32 = arith.constant 0 : i32
    %c0_i32_0 = arith.constant 0 : i32
    return %arg0, %c0_i32 : i32, i32
  }
  func.func @transform_6(%arg0: i32) -> (i32, i32) {
    %c0_i32 = arith.constant 0 : i32
    %c0_i32_0 = arith.constant 0 : i32
    return %arg0, %c0_i32 : i32, i32
  }
  func.func @transform_7(%arg0: i32) -> (i32, i32) {
    %c0_i32 = arith.constant 0 : i32
    %c0_i32_0 = arith.constant 0 : i32
    return %arg0, %c0_i32 : i32, i32
  }
  func.func @transform_8(%arg0: i32) -> (i32, i32) {
    %c0_i32 = arith.constant 0 : i32
    %c0_i32_0 = arith.constant 0 : i32
    return %arg0, %c0_i32 : i32, i32
  }
  func.func @transform_9(%arg0: i32) -> (i32, i32) {
    %c0_i32 = arith.constant 0 : i32
    %c0_i32_0 = arith.constant 0 : i32
    %c0_i32_1 = arith.constant 0 : i32
    return %c0_i32, %c0_i32_0 : i32, i32
  }
}

module attributes {stable_mosaic.version = 14 : i64} {
  func.func @_dense_body(%arg0: i32, %arg1: memref<2000x256xf32, #tpu.memory_space<vmem>>, %arg2: memref<2000x128xf32, #tpu.memory_space<vmem>>, %arg3: memref<2000x128xf32, #tpu.memory_space<vmem>>, %arg4: memref<2000x128xf32, #tpu.memory_space<vmem>>, %arg5: memref<2000x1xf32, #tpu.memory_space<vmem>>, %arg6: memref<2000x1xi32, #tpu.memory_space<vmem>>, %arg7: memref<64x1xf32, #tpu.memory_space<vmem>>, %arg8: memref<256x512xf32, #tpu.memory_space<vmem>>, %arg9: memref<1x512xf32, #tpu.memory_space<vmem>>, %arg10: memref<256x512xf32, #tpu.memory_space<vmem>>, %arg11: memref<1x512xf32, #tpu.memory_space<vmem>>, %arg12: memref<512x128xf32, #tpu.memory_space<vmem>>, %arg13: memref<1x128xf32, #tpu.memory_space<vmem>>, %arg14: memref<512x128xf32, #tpu.memory_space<vmem>>, %arg15: memref<1x128xf32, #tpu.memory_space<vmem>>, %arg16: memref<64x128xf32, #tpu.memory_space<vmem>>, %arg17: memref<64x128xf32, #tpu.memory_space<vmem>>, %arg18: memref<64x512xf32, #tpu.memory_space<vmem>>, %arg19: memref<64x512xf32, #tpu.memory_space<vmem>>) attributes {dimension_semantics = [#tpu.dimension_semantics<arbitrary>], iteration_bounds = array<i64: 5>, scalar_prefetch = 0 : i64, scratch_operands = 2 : i64, tpu.core_type = #tpu.core_type<tc>, window_params = [{transform_indices = @transform_0, window_bounds = array<i64: 2000, 256>}, {transform_indices = @transform_1, window_bounds = array<i64: 2000, 128>}, {transform_indices = @transform_2, window_bounds = array<i64: 2000, 128>}, {transform_indices = @transform_3, window_bounds = array<i64: 2000, 128>}, {transform_indices = @transform_4, window_bounds = array<i64: 2000, 1>}, {transform_indices = @transform_5, window_bounds = array<i64: 2000, 1>}, {pipeline_mode = #tpu.pipeline_mode<synchronous>, transform_indices = @transform_6, window_bounds = array<i64: 64, 1>}, {pipeline_mode = #tpu.pipeline_mode<synchronous>, transform_indices = @transform_7, window_bounds = array<i64: 256, 512>}, {pipeline_mode = #tpu.pipeline_mode<synchronous>, transform_indices = @transform_8, window_bounds = array<i64: 1, 512>}, {pipeline_mode = #tpu.pipeline_mode<synchronous>, transform_indices = @transform_9, window_bounds = array<i64: 256, 512>}, {pipeline_mode = #tpu.pipeline_mode<synchronous>, transform_indices = @transform_10, window_bounds = array<i64: 1, 512>}, {pipeline_mode = #tpu.pipeline_mode<synchronous>, transform_indices = @transform_11, window_bounds = array<i64: 512, 128>}, {pipeline_mode = #tpu.pipeline_mode<synchronous>, transform_indices = @transform_12, window_bounds = array<i64: 1, 128>}, {pipeline_mode = #tpu.pipeline_mode<synchronous>, transform_indices = @transform_13, window_bounds = array<i64: 512, 128>}, {pipeline_mode = #tpu.pipeline_mode<synchronous>, transform_indices = @transform_14, window_bounds = array<i64: 1, 128>}, {pipeline_mode = #tpu.pipeline_mode<synchronous>, transform_indices = @transform_15, window_bounds = array<i64: 64, 128>}, {pipeline_mode = #tpu.pipeline_mode<synchronous>, transform_indices = @transform_16, window_bounds = array<i64: 64, 128>}]} {
    %get3A = arith.constant 0 : index
    %get3A_0 = arith.constant 0 : index
    %get3A_1 = vector.load %arg5[%get3A, %get3A_0] : memref<2000x1xf32, #tpu.memory_space<vmem>>, vector<2000x1xf32>
    %mul3A = arith.mulf %get3A_1, %get3A_1 : vector<2000x1xf32>
    %get3A_2 = arith.constant 0 : index
    %get3A_3 = arith.constant 0 : index
    %get3A_4 = vector.load %arg2[%get3A_2, %get3A_3] : memref<2000x128xf32, #tpu.memory_space<vmem>>, vector<2000x128xf32>
    %get3A_5 = arith.constant 0 : index
    %get3A_6 = arith.constant 0 : index
    %get3A_7 = vector.load %arg3[%get3A_5, %get3A_6] : memref<2000x128xf32, #tpu.memory_space<vmem>>, vector<2000x128xf32>
    %concatenate3A = tpu.concatenate %get3A_4, %get3A_7 in 1 : vector<2000x128xf32>, vector<2000x128xf32> -> vector<2000x256xf32>
    %mul3A_8 = vector.broadcast %get3A_1 : vector<2000x1xf32> to vector<2000x256xf32>
    %mul3A_9 = arith.mulf %mul3A_8, %concatenate3A : vector<2000x256xf32>
    %get3A_10 = arith.constant 0 : index
    %get3A_11 = arith.constant 0 : index
    %get3A_12 = vector.load %arg1[%get3A_10, %get3A_11] : memref<2000x256xf32, #tpu.memory_space<vmem>>, vector<2000x256xf32>
    %mul3A_13 = vector.broadcast %mul3A : vector<2000x1xf32> to vector<2000x256xf32>
    %mul3A_14 = arith.mulf %mul3A_13, %get3A_12 : vector<2000x256xf32>
    %add3A = arith.addf %mul3A_9, %mul3A_14 : vector<2000x256xf32>
    %get3A_15 = arith.constant 0 : index
    %get3A_16 = arith.constant 0 : index
    %get3A_17 = vector.load %arg8[%get3A_15, %get3A_16] : memref<256x512xf32, #tpu.memory_space<vmem>>, vector<256x512xf32>
    %dot_general3A = arith.constant dense<0.000000e+00> : vector<2000x512xf32>
    %dot_general3A_18 = tpu.matmul %add3A, %get3A_17, %dot_general3A {dimension_numbers = #tpu.dot_dimension_numbers<[1], [0], [0], [1], [0, 0, 1, 1], [], []>, transpose_lhs_hint = false} : vector<2000x256xf32>, vector<256x512xf32>, vector<2000x512xf32> -> vector<2000x512xf32>
    %get3A_19 = arith.constant 0 : index
    %get3A_20 = arith.constant 0 : index
    %get3A_21 = vector.load %arg9[%get3A_19, %get3A_20] : memref<1x512xf32, #tpu.memory_space<vmem>>, vector<1x512xf32>
    %add3A_22 = vector.broadcast %get3A_21 : vector<1x512xf32> to vector<2000x512xf32>
    %add3A_23 = arith.addf %dot_general3A_18, %add3A_22 : vector<2000x512xf32>
    %max3A = arith.constant 0.000000e+00 : f32
    %max3A_24 = vector.broadcast %max3A : f32 to vector<2000x512xf32>
    %max3A_25 = arith.maximumf %add3A_23, %max3A_24 : vector<2000x512xf32>
    %get3A_26 = arith.constant 0 : index
    %get3A_27 = arith.constant 0 : index
    %get3A_28 = vector.load %arg10[%get3A_26, %get3A_27] : memref<256x512xf32, #tpu.memory_space<vmem>>, vector<256x512xf32>
    %dot_general3A_29 = arith.constant dense<0.000000e+00> : vector<2000x512xf32>
    %dot_general3A_30 = tpu.matmul %add3A, %get3A_28, %dot_general3A_29 {dimension_numbers = #tpu.dot_dimension_numbers<[1], [0], [0], [1], [0, 0, 1, 1], [], []>, transpose_lhs_hint = false} : vector<2000x256xf32>, vector<256x512xf32>, vector<2000x512xf32> -> vector<2000x512xf32>
    %get3A_31 = arith.constant 0 : index
    %get3A_32 = arith.constant 0 : index
    %get3A_33 = vector.load %arg11[%get3A_31, %get3A_32] : memref<1x512xf32, #tpu.memory_space<vmem>>, vector<1x512xf32>
    %add3A_34 = vector.broadcast %get3A_33 : vector<1x512xf32> to vector<2000x512xf32>
    %add3A_35 = arith.addf %dot_general3A_30, %add3A_34 : vector<2000x512xf32>
    %max3A_36 = arith.constant 0.000000e+00 : f32
    %max3A_37 = vector.broadcast %max3A_36 : f32 to vector<2000x512xf32>
    %max3A_38 = arith.maximumf %add3A_35, %max3A_37 : vector<2000x512xf32>
    %get3A_39 = arith.constant 0 : index
    %get3A_40 = arith.constant 0 : index
    %get3A_41 = vector.load %arg6[%get3A_39, %get3A_40] : memref<2000x1xi32, #tpu.memory_space<vmem>>, vector<2000x1xi32>
    %iota3A = tpu.iota {dimensions = array<i32: 1>} : vector<2000x64xi32>
    %eq3A = vector.broadcast %get3A_41 : vector<2000x1xi32> to vector<2000x64xi32>
    %eq3A_42 = arith.cmpi eq, %eq3A, %iota3A : vector<2000x64xi32>
    %convert_element_type3A = arith.extui %eq3A_42 : vector<2000x64xi1> to vector<2000x64xi32>
    %convert_element_type3A_43 = arith.sitofp %convert_element_type3A : vector<2000x64xi32> to vector<2000x64xf32>
    %get3A_44 = arith.constant 0 : index
    %get3A_45 = arith.constant 0 : index
    %get3A_46 = vector.load %arg4[%get3A_44, %get3A_45] : memref<2000x128xf32, #tpu.memory_space<vmem>>, vector<2000x128xf32>
    %slice3A = vector.extract_strided_slice %get3A_46 {offsets = [0, 0], sizes = [2000, 64], strides = [1, 1]} : vector<2000x128xf32> to vector<2000x64xf32>
    %slice3A_47 = vector.extract_strided_slice %get3A_46 {offsets = [0, 64], sizes = [2000, 64], strides = [1, 1]} : vector<2000x128xf32> to vector<2000x64xf32>
    %add3A_48 = arith.addf %slice3A, %slice3A_47 : vector<2000x64xf32>
    %mul3A_49 = vector.broadcast %get3A_1 : vector<2000x1xf32> to vector<2000x64xf32>
    %mul3A_50 = arith.mulf %mul3A_49, %add3A_48 : vector<2000x64xf32>
    %mul3A_51 = vector.broadcast %mul3A : vector<2000x1xf32> to vector<2000x64xf32>
    %mul3A_52 = arith.mulf %mul3A_51, %convert_element_type3A_43 : vector<2000x64xf32>
    %add3A_53 = arith.addf %mul3A_50, %mul3A_52 : vector<2000x64xf32>
    %eq3A_54 = arith.constant 0 : i32
    %eq3A_55 = arith.cmpi eq, %arg0, %eq3A_54 : i32
    %convert_element_type3A_56 = arith.extui %eq3A_55 : i1 to i32
    %cond3A = arith.constant 0 : i32
    %cond3A_57 = arith.cmpi ne, %convert_element_type3A_56, %cond3A : i32
    scf.if %cond3A_57 {
      %broadcast_in_dim3A = arith.constant 0.000000e+00 : f32
      %broadcast_in_dim3A_80 = vector.broadcast %broadcast_in_dim3A : f32 to vector<64x512xf32>
      %swap3A_81 = arith.constant 0 : index
      %swap3A_82 = arith.constant 0 : index
      %swap3A_83 = vector.load %arg18[%swap3A_81, %swap3A_82] : memref<64x512xf32, #tpu.memory_space<vmem>>, vector<64x512xf32>
      tpu.vector_store %arg18[%swap3A_81, %swap3A_82], %broadcast_in_dim3A_80 {strides = array<i32>} : memref<64x512xf32, #tpu.memory_space<vmem>>, vector<64x512xf32>,
      %broadcast_in_dim3A_84 = arith.constant 0.000000e+00 : f32
      %broadcast_in_dim3A_85 = vector.broadcast %broadcast_in_dim3A_84 : f32 to vector<64x512xf32>
      %swap3A_86 = arith.constant 0 : index
      %swap3A_87 = arith.constant 0 : index
      %swap3A_88 = vector.load %arg19[%swap3A_86, %swap3A_87] : memref<64x512xf32, #tpu.memory_space<vmem>>, vector<64x512xf32>
      tpu.vector_store %arg19[%swap3A_86, %swap3A_87], %broadcast_in_dim3A_85 {strides = array<i32>} : memref<64x512xf32, #tpu.memory_space<vmem>>, vector<64x512xf32>,
    } else {
    }
    %get3A_58 = arith.constant 0 : index
    %get3A_59 = arith.constant 0 : index
    %get3A_60 = vector.load %arg18[%get3A_58, %get3A_59] : memref<64x512xf32, #tpu.memory_space<vmem>>, vector<64x512xf32>
    %dot_general3A_61 = arith.constant dense<0.000000e+00> : vector<64x512xf32>
    %dot_general3A_62 = tpu.matmul %add3A_53, %max3A_25, %dot_general3A_61 {dimension_numbers = #tpu.dot_dimension_numbers<[0], [0], [1], [1], [0, 1, 1, 1], [], []>, transpose_lhs_hint = false} : vector<2000x64xf32>, vector<2000x512xf32>, vector<64x512xf32> -> vector<64x512xf32>
    %add3A_63 = arith.addf %get3A_60, %dot_general3A_62 : vector<64x512xf32>
    %swap3A = arith.constant 0 : index
    %swap3A_64 = arith.constant 0 : index
    %swap3A_65 = vector.load %arg18[%swap3A, %swap3A_64] : memref<64x512xf32, #tpu.memory_space<vmem>>, vector<64x512xf32>
    tpu.vector_store %arg18[%swap3A, %swap3A_64], %add3A_63 {strides = array<i32>} : memref<64x512xf32, #tpu.memory_space<vmem>>, vector<64x512xf32>,
    %get3A_66 = arith.constant 0 : index
    %get3A_67 = arith.constant 0 : index
    %get3A_68 = vector.load %arg19[%get3A_66, %get3A_67] : memref<64x512xf32, #tpu.memory_space<vmem>>, vector<64x512xf32>
    %dot_general3A_69 = arith.constant dense<0.000000e+00> : vector<64x512xf32>
    %dot_general3A_70 = tpu.matmul %add3A_53, %max3A_38, %dot_general3A_69 {dimension_numbers = #tpu.dot_dimension_numbers<[0], [0], [1], [1], [0, 1, 1, 1], [], []>, transpose_lhs_hint = false} : vector<2000x64xf32>, vector<2000x512xf32>, vector<64x512xf32> -> vector<64x512xf32>
    %add3A_71 = arith.addf %get3A_68, %dot_general3A_70 : vector<64x512xf32>
    %swap3A_72 = arith.constant 0 : index
    %swap3A_73 = arith.constant 0 : index
    %swap3A_74 = vector.load %arg19[%swap3A_72, %swap3A_73] : memref<64x512xf32, #tpu.memory_space<vmem>>, vector<64x512xf32>
    tpu.vector_store %arg19[%swap3A_72, %swap3A_73], %add3A_71 {strides = array<i32>} : memref<64x512xf32, #tpu.memory_space<vmem>>, vector<64x512xf32>,
    %eq3A_75 = arith.constant 4 : i32
    %eq3A_76 = arith.cmpi eq, %arg0, %eq3A_75 : i32
    %convert_element_type3A_77 = arith.extui %eq3A_76 : i1 to i32
    %cond3A_78 = arith.constant 0 : i32
    %cond3A_79 = arith.cmpi ne, %convert_element_type3A_77, %cond3A_78 : i32
    scf.if %cond3A_79 {
      %get3A_80 = arith.constant 0 : index
      %get3A_81 = arith.constant 0 : index
      %get3A_82 = vector.load %arg7[%get3A_80, %get3A_81] : memref<64x1xf32, #tpu.memory_space<vmem>>, vector<64x1xf32>
      %get3A_83 = arith.constant 0 : index
      %get3A_84 = arith.constant 0 : index
      %get3A_85 = vector.load %arg18[%get3A_83, %get3A_84] : memref<64x512xf32, #tpu.memory_space<vmem>>, vector<64x512xf32>
      %mul3A_86 = vector.broadcast %get3A_82 : vector<64x1xf32> to vector<64x512xf32>
      %mul3A_87 = arith.mulf %get3A_85, %mul3A_86 : vector<64x512xf32>
      %get3A_88 = arith.constant 0 : index
      %get3A_89 = arith.constant 0 : index
      %get3A_90 = vector.load %arg12[%get3A_88, %get3A_89] : memref<512x128xf32, #tpu.memory_space<vmem>>, vector<512x128xf32>
      %dot_general3A_91 = arith.constant dense<0.000000e+00> : vector<64x128xf32>
      %dot_general3A_92 = tpu.matmul %mul3A_87, %get3A_90, %dot_general3A_91 {dimension_numbers = #tpu.dot_dimension_numbers<[1], [0], [0], [1], [0, 0, 1, 1], [], []>, transpose_lhs_hint = false} : vector<64x512xf32>, vector<512x128xf32>, vector<64x128xf32> -> vector<64x128xf32>
      %get3A_93 = arith.constant 0 : index
      %get3A_94 = arith.constant 0 : index
      %get3A_95 = vector.load %arg13[%get3A_93, %get3A_94] : memref<1x128xf32, #tpu.memory_space<vmem>>, vector<1x128xf32>
      %add3A_96 = vector.broadcast %get3A_95 : vector<1x128xf32> to vector<64x128xf32>
      %add3A_97 = arith.addf %dot_general3A_92, %add3A_96 : vector<64x128xf32>
      %swap3A_98 = arith.constant 0 : index
      %swap3A_99 = arith.constant 0 : index
      %swap3A_100 = vector.load %arg16[%swap3A_98, %swap3A_99] : memref<64x128xf32, #tpu.memory_space<vmem>>, vector<64x128xf32>
      tpu.vector_store %arg16[%swap3A_98, %swap3A_99], %add3A_97 {strides = array<i32>} : memref<64x128xf32, #tpu.memory_space<vmem>>, vector<64x128xf32>,
      %get3A_101 = arith.constant 0 : index
      %get3A_102 = arith.constant 0 : index
      %get3A_103 = vector.load %arg19[%get3A_101, %get3A_102] : memref<64x512xf32, #tpu.memory_space<vmem>>, vector<64x512xf32>
      %mul3A_104 = vector.broadcast %get3A_82 : vector<64x1xf32> to vector<64x512xf32>
      %mul3A_105 = arith.mulf %get3A_103, %mul3A_104 : vector<64x512xf32>
      %get3A_106 = arith.constant 0 : index
      %get3A_107 = arith.constant 0 : index
      %get3A_108 = vector.load %arg14[%get3A_106, %get3A_107] : memref<512x128xf32, #tpu.memory_space<vmem>>, vector<512x128xf32>
      %dot_general3A_109 = arith.constant dense<0.000000e+00> : vector<64x128xf32>
      %dot_general3A_110 = tpu.matmul %mul3A_105, %get3A_108, %dot_general3A_109 {dimension_numbers = #tpu.dot_dimension_numbers<[1], [0], [0], [1], [0, 0, 1, 1], [], []>, transpose_lhs_hint = false} : vector<64x512xf32>, vector<512x128xf32>, vector<64x128xf32> -> vector<64x128xf32>
      %get3A_111 = arith.constant 0 : index
      %get3A_112 = arith.constant 0 : index
      %get3A_113 = vector.load %arg15[%get3A_111, %get3A_112] : memref<1x128xf32, #tpu.memory_space<vmem>>, vector<1x128xf32>
      %add3A_114 = vector.broadcast %get3A_113 : vector<1x128xf32> to vector<64x128xf32>
      %add3A_115 = arith.addf %dot_general3A_110, %add3A_114 : vector<64x128xf32>
      %swap3A_116 = arith.constant 0 : index
      %swap3A_117 = arith.constant 0 : index
      %swap3A_118 = vector.load %arg17[%swap3A_116, %swap3A_117] : memref<64x128xf32, #tpu.memory_space<vmem>>, vector<64x128xf32>
      tpu.vector_store %arg17[%swap3A_116, %swap3A_117], %add3A_115 {strides = array<i32>} : memref<64x128xf32, #tpu.memory_space<vmem>>, vector<64x128xf32>,
    } else {
    }
    return
  }
  func.func @transform_0(%arg0: i32) -> (i32, i32) {
    %c0_i32 = arith.constant 0 : i32
    %c0_i32_0 = arith.constant 0 : i32
    return %arg0, %c0_i32 : i32, i32
  }
  func.func @transform_1(%arg0: i32) -> (i32, i32) {
    %c0_i32 = arith.constant 0 : i32
    %c0_i32_0 = arith.constant 0 : i32
    return %arg0, %c0_i32 : i32, i32
  }
  func.func @transform_2(%arg0: i32) -> (i32, i32) {
    %c0_i32 = arith.constant 0 : i32
    %c0_i32_0 = arith.constant 0 : i32
    return %arg0, %c0_i32 : i32, i32
  }
  func.func @transform_3(%arg0: i32) -> (i32, i32) {
    %c0_i32 = arith.constant 0 : i32
    %c0_i32_0 = arith.constant 0 : i32
    return %arg0, %c0_i32 : i32, i32
  }
  func.func @transform_4(%arg0: i32) -> (i32, i32) {
    %c0_i32 = arith.constant 0 : i32
    %c0_i32_0 = arith.constant 0 : i32
    return %arg0, %c0_i32 : i32, i32
  }
  func.func @transform_5(%arg0: i32) -> (i32, i32) {
    %c0_i32 = arith.constant 0 : i32
    %c0_i32_0 = arith.constant 0 : i32
    return %arg0, %c0_i32 : i32, i32
  }
  func.func @transform_6(%arg0: i32) -> (i32, i32) {
    %c0_i32 = arith.constant 0 : i32
    %c0_i32_0 = arith.constant 0 : i32
    %c0_i32_1 = arith.constant 0 : i32
    return %c0_i32, %c0_i32_0 : i32, i32
  }
  func.func @transform_7(%arg0: i32) -> (i32, i32) {
    %c0_i32 = arith.constant 0 : i32
    %c0_i32_0 = arith.constant 0 : i32
    %c0_i32_1 = arith.constant 0 : i32
    return %c0_i32, %c0_i32_0 : i32, i32
  }
  func.func @transform_8(%arg0: i32) -> (i32, i32) {
    %c0_i32 = arith.constant 0 : i32
    %c0_i32_0 = arith.constant 0 : i32
    %c0_i32_1 = arith.constant 0 : i32
    return %c0_i32, %c0_i32_0 : i32, i32
  }
  func.func @transform_9(%arg0: i32) -> (i32, i32) {
    %c0_i32 = arith.constant 0 : i32
    %c0_i32_0 = arith.constant 0 : i32
    %c0_i32_1 = arith.constant 0 : i32
    return %c0_i32, %c0_i32_0 : i32, i32
  }
  func.func @transform_10(%arg0: i32) -> (i32, i32) {
    %c0_i32 = arith.constant 0 : i32
    %c0_i32_0 = arith.constant 0 : i32
    %c0_i32_1 = arith.constant 0 : i32
    return %c0_i32, %c0_i32_0 : i32, i32
  }
  func.func @transform_11(%arg0: i32) -> (i32, i32) {
    %c0_i32 = arith.constant 0 : i32
    %c0_i32_0 = arith.constant 0 : i32
    %c0_i32_1 = arith.constant 0 : i32
    return %c0_i32, %c0_i32_0 : i32, i32
  }
  func.func @transform_12(%arg0: i32) -> (i32, i32) {
    %c0_i32 = arith.constant 0 : i32
    %c0_i32_0 = arith.constant 0 : i32
    %c0_i32_1 = arith.constant 0 : i32
    return %c0_i32, %c0_i32_0 : i32, i32
  }
  func.func @transform_13(%arg0: i32) -> (i32, i32) {
    %c0_i32 = arith.constant 0 : i32
    %c0_i32_0 = arith.constant 0 : i32
    %c0_i32_1 = arith.constant 0 : i32
    return %c0_i32, %c0_i32_0 : i32, i32
  }
  func.func @transform_14(%arg0: i32) -> (i32, i32) {
    %c0_i32 = arith.constant 0 : i32
    %c0_i32_0 = arith.constant 0 : i32
    %c0_i32_1 = arith.constant 0 : i32
    return %c0_i32, %c0_i32_0 : i32, i32
  }
  func.func @transform_15(%arg0: i32) -> (i32, i32) {
    %c0_i32 = arith.constant 0 : i32
    %c0_i32_0 = arith.constant 0 : i32
    %c0_i32_1 = arith.constant 0 : i32
    return %c0_i32, %c0_i32_0 : i32, i32
  }
  func.func @transform_16(%arg0: i32) -> (i32, i32) {
    %c0_i32 = arith.constant 0 : i32
    %c0_i32_0 = arith.constant 0 : i32
    %c0_i32_1 = arith.constant 0 : i32
    return %c0_i32, %c0_i32_0 : i32, i32
  }
}

</mosaic_0001>

<sc_bundles>
// kernel: kernel.6.cloned.1.call-start
scs
__scs_entry_jumppad:
0x0: {  	(pc) =	sbr.rel $0x88, $3  }
0x1: {  	(tag) =	ssettag $0x0;
	lr =	simm.s32 $0x1  }
0x2: {  	[smem:$0x3F96] =	sst lr;
	_ =	strace $0xD0000000  }
0x3: {  	_ = 	snop  }
0x4: {  	_ = 	snop  }
0x5: {  	_ = 	snop  }
0x6: {  	_ = 	snop  }
0x7: {  	_ = 	snop  }
__scs_overlays_trampoline_lowered:
0x8: {  	[smem:$0x3FA5] =	sst s0  }
0x9: {  	[smem:$0x3FA6] =	sst s1  }
0xa: {  	[smem:$0x3FA7] =	sst s2  }
0xb: {  	[smem:$0x3FA8] =	sst s3  }
0xc: {  	[smem:$0x3FA9] =	sst s4  }
0xd: {  	[smem:$0x3FAA] =	sst s5  }
0xe: {  	[smem:$0x3FAB] =	sst s6  }
0xf: {  	[smem:$0x3FAC] =	sst s7  }
0x10: {  	[smem:$0x3FAD] =	sst s8  }
0x11: {  	[smem:$0x3FAE] =	sst s9;
	s0 =	simm.s32 @!p0 $0x0  }
0x12: {  	s1 =	sld [smem:$0x3F94];
	s0 =	simm.s32 @p0 $0x1  }
0x13: {  	[smem:$0x3FAF] =	sst s0;
	s0 =	simm.s32 @!p1 $0x0  }
0x14: {  	s2 =	sld [smem:$0x3F93];
	s0 =	simm.s32 @p1 $0x1  }
0x15: {  	[smem:$0x3FB0] =	sst s0;
	s0 =	simm.s32 @!p2 $0x0  }
0x16: {  	s3 =	sld [smem:$0x3FDB];
	s0 =	simm.s32 @p2 $0x1  }
0x17: {  	s4 =	simm.s32 $0x1BF5;
	[smem:$0x3FB2] =	sst s0  }
0x18: {  	s0 =	sld [smem:$0x3F95];
	_ =	swait.ge [sflag:s4], $0x0  }
0x19: {  	s7 =	sld [smem:$0x3F96]  }
0x1a: {  	s8 =	sadd.s32 $0xFFFFE003, lr  }
0x1b: {  	s9 =	sadd.s32 $0xFFFFFEF7, lr;
	s5 =	simm.s32 $0xFFFFFFFF;
	p2 =	slt.u32 s8, $0xFFFFF086  }
0x1c: {  	p1 =	slt.u32 s9, $0xF7A;
	s5 =	simm.s32 @!p2 $0x0  }
0x1d: {  	s5 =	simm.s32 @p1 $0x1;
	p0 =	seq.s32 s7, s2  }
0x1e: {  	s7 =	smul.u32 @!p0 $0xF7A, s2;
	p2 =	seq.s32 @!p0 s5, $0x0  }
0x1f: {  	s9 =	smul.u32 $0xF7A, s1;
	s8 =	simm.s32 @!p0 $0x1BF5;
	p2 =	por !p2, p0  }
0x20: {  	[sflag:s8] =	ssyncset.s32 @!p0 $0xFFFFF086;
	s6 =	sadd.s32 @!p0 s3, s7;
	s7 =	simm.s32 @!p0 $0x108  }
0x21: {  	s3 =	sadd.s32 s3, s9;
	s6 =	sadd.s32 @!p0 $0x88, s6;
	s7 =	simm.s32 @p2 $0x1082  }
0x22: {  	[simem:s7], [sflag:s8] =	dma.local @!p0 [hbm:s6], $0xF7A  }
0x23: {  	s9 =	sor.u32 $0xD0000000, s2;
	s6 =	simm.s32 $0x108;
	_ =	swait.ge @!p0 [sflag:s8], $0x0  }
0x24: {  	s3 =	sadd.s32 $0x88, s3;
	s6 =	simm.s32 @!p1 $0x1082;
	[sflag:s4] =	ssyncset.s32 $0xFFFFF086  }
0x25: {  	[simem:s6], [sflag:s4] =	dma.local [hbm:s3], $0xF7A  }
0x26: {  	[smem:$0x3F96] =	sst s1;
	(tag) =	ssettag s2;
	_ =	strace s9  }
0x27: {  	s1 =	sld [smem:$0x3FA6]  }
0x28: {  	s2 =	sld [smem:$0x3FA7]  }
0x29: {  	s4 =	sld [smem:$0x3FA9]  }
0x2a: {  	p0 =	seq.s32 s5, $0x0;
	s5 =	sld [smem:$0x3FAA]  }
0x2b: {  	s6 =	sld [smem:$0x3FAB]  }
0x2c: {  	s7 =	sld [smem:$0x3FAC]  }
0x2d: {  	s3 =	simm.s32 $0x108;
	s8 =	sld [smem:$0x3FAD]  }
0x2e: {  	s3 =	simm.s32 @!p0 $0x1082;
	s9 =	sld [smem:$0x3FAE]  }
0x2f: {  	lr =	sadd.s32 s0, s3;
	s0 =	sld [smem:$0x3FA5]  }
0x30: {  	s3 =	sld [smem:$0x3FA8]  }
0x31: {  	[smem:$0x3FB1] =	sst s10  }
0x32: {  	s10 =	sld [smem:$0x3FAF];
	_ =	sdelay $0x3  }
0x33: {  	p0 =	seq.s32 s10, $0x1;
	s10 =	sld [smem:$0x3FB1];
	_ =	sdelay $0x3  }
0x34: {  	[smem:$0x3FB1] =	sst s10  }
0x35: {  	s10 =	sld [smem:$0x3FB0];
	_ =	sdelay $0x3  }
0x36: {  	p1 =	seq.s32 s10, $0x1;
	s10 =	sld [smem:$0x3FB1];
	_ =	sdelay $0x3  }
0x37: {  	[smem:$0x3FB1] =	sst s10  }
0x38: {  	s10 =	sld [smem:$0x3FB2]  }
0x39: {  	_ = 	snop;
	(pc) =	sbr.ind lr, $3  }
0x3a: {  	_ = 	snop  }
0x3b: {  	_ = 	snop  }
0x3c: {  	p2 =	seq.s32 s10, $0x1;
	s10 =	sld [smem:$0x3FB1]  }
0x3d: {  	_ =	shalt  }
0x3e: {  	_ =	shalt  }
0x3f: {  	_ =	shalt  }
0x40: {  	_ =	shalt  }
0x41: {  	_ =	shalt  }
0x42: {  	_ =	shalt  }
0x43: {  	_ =	shalt  }
0x44: {  	_ =	shalt  }
0x45: {  	_ =	shalt  }
0x46: {  	_ =	shalt  }
0x47: {  	_ =	shalt  }
0x48: {  	_ =	shalt  }
0x49: {  	_ =	shalt  }
0x4a: {  	_ =	shalt  }
0x4b: {  	_ =	shalt  }
0x4c: {  	_ =	shalt  }
0x4d: {  	_ =	shalt  }
0x4e: {  	_ =	shalt  }
0x4f: {  	_ =	shalt  }
0x50: {  	_ =	shalt  }
0x51: {  	_ =	shalt  }
0x52: {  	_ =	shalt  }
0x53: {  	_ =	shalt  }
0x54: {  	_ =	shalt  }
0x55: {  	_ =	shalt  }
0x56: {  	_ =	shalt  }
0x57: {  	_ =	shalt  }
0x58: {  	_ =	shalt  }
0x59: {  	_ =	shalt  }
0x5a: {  	_ =	shalt  }
0x5b: {  	_ =	shalt  }
0x5c: {  	_ =	shalt  }
0x5d: {  	_ =	shalt  }
0x5e: {  	_ =	shalt  }
0x5f: {  	_ =	shalt  }
0x60: {  	_ =	shalt  }
0x61: {  	_ =	shalt  }
0x62: {  	_ =	shalt  }
0x63: {  	_ =	shalt  }
0x64: {  	_ =	shalt  }
0x65: {  	_ =	shalt  }
0x66: {  	_ =	shalt  }
0x67: {  	_ =	shalt  }
0x68: {  	_ =	shalt  }
0x69: {  	_ =	shalt  }
0x6a: {  	_ =	shalt  }
0x6b: {  	_ =	shalt  }
0x6c: {  	_ =	shalt  }
0x6d: {  	_ =	shalt  }
0x6e: {  	_ =	shalt  }
0x6f: {  	_ =	shalt  }
0x70: {  	_ =	shalt  }
0x71: {  	_ =	shalt  }
0x72: {  	_ =	shalt  }
0x73: {  	_ =	shalt  }
0x74: {  	_ =	shalt  }
0x75: {  	_ =	shalt  }
0x76: {  	_ =	shalt  }
0x77: {  	_ =	shalt  }
0x78: {  	_ =	shalt  }
0x79: {  	_ =	shalt  }
0x7a: {  	_ =	shalt  }
0x7b: {  	_ =	shalt  }
0x7c: {  	_ =	shalt  }
0x7d: {  	_ =	shalt  }
0x7e: {  	_ =	shalt  }
0x7f: {  	_ =	shalt  }
0x80: {  	_ =	shalt  }
0x81: {  	_ =	shalt  }
0x82: {  	_ =	shalt  }
0x83: {  	_ =	shalt  }
0x84: {  	_ =	shalt  }
0x85: {  	_ =	shalt  }
0x86: {  	_ =	shalt  }
0x87: {  	_ =	shalt  }
.Lfunc_end0:
.L_simem_size_0:
called_computation_lowered:
.L_overlay_start_0:
0x88: {  	s2 =	sld [smem:$0x3FD9]  }
0x89: {  	s3 =	sld [smem:$0x3FFE];
	_ =	sdelay $0x1  }
0x8a: {  	s1 =	srdreg.scid  }
0x8b: {  	s0 =	sand.u32 $0x1, s1  }
0x8c: {  	s14 =	sshll.u32 s0, $0xA;
	s2 =	sadd.s32 s3, s2  }
0x8d: {  	s2 =	sadd.s32 s2, s14  }
0x8e: {  	[smem:$0x3FBD] =	sst s2  }
0x8f: {  	_ = 	snop  }
0x90: {  	s2 =	sld [smem:$0x3FD0];
	_ =	sdelay $0x2  }
0x91: {  	s15 =	simm.s32 $0xA;
	s4 =	simm.s32 $0x10  }
0x92: {  	[smem:s4], [sflag:s15] =	dma.local [hbm:s2], $0x1  }
0x93: {  	_ =	swait.eq [sflag:s15], $0x1  }
0x94: {  	[sflag:s15] =	ssyncset.done $0x0  }
0x95: {  	[sflag:s15] =	ssyncadd.s32 $0xFFFFFFFF  }
0x96: {  	s16 =	sld [smem:$0x11];
	(tm) =	ssettm $0x1  }
0x97: {  	s17 =	sld [smem:$0x3FFB];
	_ =	sdelay $0x3  }
0x98: {  	_ =	strace s17  }
0x99: {  	s3 =	sld [smem:$0x3FFC];
	_ =	sdelay $0x3  }
0x9a: {  	_ =	strace s3  }
0x9b: {  	s3 =	sld [smem:$0x3FFD];
	_ =	sdelay $0x3  }
0x9c: {  	_ =	strace s3  }
0x9d: {  	_ =	strace $0x8FFFFFFF  }
0x9e: {  	s18 =	sld [smem:$0x3FDB];
	_ =	sdelay $0x1  }
0x9f: {  	s19 =	simm.s32 $_scs_section_size  }
0xa0: {  	s5 =	simm.s32 $_size__tile_overlayer_lowered;
	s6 =	simm.s32 $_tile_overlayer_lowered  }
0xa1: {  	s22 =	simm.s32 $0x1BFF;
	s21 =	sshll.u32 s6, $0x1;
	s3 =	sadd.s32 s19, s18  }
0xa2: {  	s7 =	simm.s32 $0x0;
	s20 =	sshll.u32 s5, $0x1;
	s5 =	sadd.s32 s21, s3  }
0xa3: {  	[timem:s7], [sflag:s22] =	dma.local [hbm:s5], s20  }
0xa4: {  	_ =	swait.ge [sflag:s22], s20  }
0xa5: {  	s4 =	ssub.s32 $0x0, s20;
	[sflag:s22] =	ssyncset.done $0x0  }
0xa6: {  	[sflag:s22] =	ssyncadd.s32 s4;
	_ =	sdelay $0x1  }
0xa7: {  	s23 =	simm.s32 $0x1B8B  }
0xa8: {  	_ =	swait.ge [sflag:s23], $0x1  }
0xa9: {  	[sflag:s23] =	ssyncset.done $0x0  }
0xaa: {  	s25 =	simm.s32 $0x1B8E;
	s24 =	sld [smem:$0x3FFE];
	[sflag:s23] =	ssyncadd.s32 $0xFFFFFFFF  }
0xab: {  	s26 =	simm.s32 $execute0_lowered;
	[smem:$0x3FD2] =	sst s25  }
0xac: {  	s5 =	sshll.u32 s26, $0x1;
	_ =	strace $0x80000046;
	[dreg:$0x1] =	wrdreg $0xFFFFFFFF  }
0xad: {  	s28 =	simm.s32 $_size_execute0_lowered;
	s3 =	sadd.s32 s3, s5;
	[dreg:$0x0] =	wrdreg $0x0  }
0xae: {  	s5 =	sshll.u32 s28, $0x1;
	[dreg:$0x2] =	wrdreg s3  }
0xaf: {  	[dreg:$0x3] =	wrdreg s5  }
0xb0: {  	[dreg:$0x4] =	wrdreg $0xC0  }
0xb1: {  	_ =	task [dreg:s7], $0x5FFFF  }
0xb2: {  	[dreg:$0x1] =	wrdreg $0xFFFFFFFF  }
0xb3: {  	[dreg:$0x0] =	wrdreg $0x60  }
0xb4: {  	[dreg:$0x2] =	wrdreg s24  }
0xb5: {  	[dreg:$0x3] =	wrdreg s16  }
0xb6: {  	[dreg:$0x4] =	wrdreg $0x1C000  }
0xb7: {  	[dreg:$0x5] =	wrdreg $0x9  }
0xb8: {  	_ =	task.clear_ibuf [dreg:s7], $0x6FFFF;
	_ =	strace $0x90000046  }
0xb9: {  	s29 =	simm.s32 $0x9;
	_ =	strace $0x80000048  }
0xba: {  	_ =	swait.ge [sflag:s29], $0x1  }
0xbb: {  	[sflag:s29] =	ssyncadd.s32 $0xFFFFFFFF  }
0xbc: {  	_ =	strace $0x90000048  }
0xbd: {  	_ =	sfence  }
0xbe: {  	s30 =	sld [smem:$0x0];
	_ =	sdelay $0x2  }
0xbf: {  	s31 =	sshll.u32 s1, $0xD;
	s1 =	sshrl.u32 s1, $0x2  }
0xc0: {  	s3 =	sand.u32 $0x4000, s31;
	s1 =	sadd.s32 s1, s30  }
0xc1: {  	s0 =	sor.u32 s3, s0;
	s1 =	sshll.u32 s1, $0x11  }
0xc2: {  	s0 =	sor.u32 s1, s0  }
0xc3: {  	s0 =	sadd.s32 $0x8F2B, s0  }
0xc4: {  	[sflag:s0] =	ssyncadd.remote.s32 $0x1  }
0xc5: {  	_ =	sfence.sel $0xFFFF  }
0xc6: {  	[dreg:$0x0] =	wrdreg $0xFFFFFFFF;
	(pc) =	sbr.abs _section_cstart, $3  }
0xc7: {  	[dreg:$0x1] =	wrdreg $0xFFFFFFFF  }
0xc8: {  	_ =	task.clear_ibuf [dreg:s7], $0x2FFFF;
	_ =	strace $0x9FFFFFFF  }
0xc9: {  	(tm) =	ssettm $0x7FFFFFFF  }
tec
execute0_lowered:
.L_overlay_start_1:
0x0: {  	(tag) =	ssettag $0x1  }
0x1: {  	s1 =	rddreg [dreg:$0x0]  }
0x2: {  	s2 =	rddreg [dreg:$0x1]  }
0x3: {  	[dreg:$0x4] =	wrdreg s2  }
0x4: {  	s31 =	simm.s32 $0x0;
	s2 =	rddreg [dreg:$0x2]  }
0x5: {  	[smem:$0x7FF] =	sst s31;
	s6 =	sadd.s32 $0x6C00, s1  }
0x6: {  	s7 =	simm.s32 $0x200;
	_ =	strace $0x80000047;
	[dreg:$0x5] =	wrdreg s6  }
0x7: {  	s0 =	srdreg.scid;
	s8 =	simm.s32 $0x280;
	[dreg:$0xa] =	wrdreg s7  }
0x8: {  	s9 =	stileid.u32;
	s10 =	simm.s32 $0x300;
	[dreg:$0xb] =	wrdreg s8  }
0x9: {  	s12 =	simm.s32 $0x380;
	s14 =	simm.s32 $0x400;
	[dreg:$0xc] =	wrdreg s10  }
0xa: {  	s15 =	simm.s32 $0x480;
	s17 =	simm.s32 $0x500;
	[dreg:$0xd] =	wrdreg s12  }
0xb: {  	s18 =	simm.s32 $0x580;
	s20 =	simm.s32 $0x600;
	[dreg:$0xe] =	wrdreg s14  }
0xc: {  	s21 =	simm.s32 $0x680;
	s22 =	simm.s32 $0x700;
	[dreg:$0xf] =	wrdreg s15  }
0xd: {  	s23 =	simm.s32 $0x780;
	s24 =	simm.s32 $0x800;
	[dreg:$0x10] =	wrdreg s17  }
0xe: {  	s25 =	simm.s32 $0x880;
	s26 =	simm.s32 $0x900;
	[dreg:$0x11] =	wrdreg s18  }
0xf: {  	s28 =	simm.s32 $0xA00;
	s29 =	simm.s32 $0xA80;
	[dreg:$0x12] =	wrdreg s20  }
0x10: {  	s30 =	simm.s32 $0xB00;
	p0 =	por $0x0, $0x0;
	[dreg:$0x13] =	wrdreg s21  }
0x11: {  	s0 =	sand.u32 $0x1, s0;
	s4 =	smul.u32 $0x500, s9;
	[dreg:$0x14] =	wrdreg s22  }
0x12: {  	s13 =	smul.u32 $0xA000, s9;
	s19 =	sshll.u32 s9, $0x6;
	[dreg:$0x15] =	wrdreg s23  }
0x13: {  	s3 =	sshll.u32 s0, $0x4;
	s5 =	smul.u32 $0x5000, s0;
	[dreg:$0x16] =	wrdreg s24  }
0x14: {  	s6 =	simm.s32 $0x180;
	s0 =	ssub.s32 $0x2, s0;
	[dreg:$0x17] =	wrdreg s25  }
0x15: {  	s7 =	simm.s32 $0x1400;
	s8 =	simm.s32 $0x80;
	[dreg:$0x18] =	wrdreg s26  }
0x16: {  	s26 =	simm.s32 $0x980;
	s18 =	simm.s32 $0xB80;
	s20 =	simm.s32 $0xD00  }
0x17: {  	s21 =	simm.s32 $0xD80;
	s22 =	simm.s32 $0xE00;
	s23 =	simm.s32 $0xE80  }
0x18: {  	s24 =	simm.s32 $0xF00;
	s25 =	simm.s32 $0xF80;
	s10 =	simm.s32 $0x1000  }
0x19: {  	s12 =	simm.s32 $0x1100;
	s14 =	simm.s32 $0x1200;
	s15 =	simm.s32 $0x1280  }
0x1a: {  	s17 =	simm.s32 $0x1380;
	s3 =	sor.u32 s9, s3;
	[dreg:$0x9] =	wrdreg s6  }
0x1b: {  	s11 =	sshrl.u32 s0, $0x1;
	s16 =	sshrl.u32 s13, $0x2;
	s6 =	simm.s32 $0x1  }
0x1c: {  	s13 =	simm.s32 $0x1180;
	s3 =	smul.u32 $0x280, s3;
	s0 =	ssub.s32 s0, s11  }
0x1d: {  	s4 =	sadd.s32 s4, s5;
	s5 =	simm.s32 $0x100;
	s0 =	smax.u32 s0, $0x1  }
0x1e: {  	s11 =	simm.s32 $0x1080;
	[dreg:$0x8] =	wrdreg s5;
	p1 =	sne.s32 s0, $0x1  }
.Ltmp0:
0x1f: {  	s5 =	simm.s32 $0x2;
	s3 =	sadd.s32 s3, s1;
	(pc) =	sbr.rel @!p1 .LBB2_1-.Ltmp0, $4  }
0x20: {  	s1 =	sadd.s32 s4, s1;
	s4 =	sadd.s32 s16, s2;
	s3 =	sadd.s32 $0x1C00, s3  }
0x21: {  	s16 =	simm.s32 $0x1300;
	s1 =	sadd.s32 $0x7200, s1;
	[dreg:$0x6] =	wrdreg s3  }
0x22: {  	s4 =	sshrl.u32 s4, $0x3;
	[dreg:$0x7] =	wrdreg s1;
	s3 =	sor.u32 $0x1C02, s19  }
0x23: {  	s19 =	simm.s32 $0xC80;
	s1 =	sadd.s32 $0xFFFFFFFF, s0;
	s0 =	rddreg [dreg:$0x5]  }
0x24: {  	[spmem:s4], [sflag:s3] =	dma.local [hbm:s0], $0x500  }
0x25: {  	_ =	swait.ge [sflag:s5], $0x500  }
0x26: {  	[sflag:s5] =	ssyncset.done $0x0  }
0x27: {  	s9 =	rddreg [dreg:$0x4];
	[sflag:s5] =	ssyncadd.s32 $0xFFFFFB00  }
0x28: {  	[tilespmem:s7], [sflag:$0x2] =	stream.linear.gather [hbm4b:s9+s31], $0x800, $0x38;
	[tilespmem:$0x4400] =	vst v63  }
0x29: {  	_ =	swait.ge [sflag:s5], $0x800  }
0x2a: {  	[sflag:s5] =	ssyncset.done $0x0  }
0x2b: {  	s9 =	rddreg [dreg:$0x6];
	[sflag:s5] =	ssyncadd.s32 $0xFFFFF800  }
0x2c: {  	[tilespmem:s31], [sflag:$0x2] =	stream.linear.gather [hbm4b:s9+s31], $0x1400, $0x38;
	[tilespmem:$0x4400] =	vst v63  }
0x2d: {  	_ =	swait.ge [sflag:s5], $0x1400  }
0x2e: {  	[sflag:s5] =	ssyncset.done $0x0  }
0x2f: {  	[sflag:s5] =	ssyncadd.s32 $0xFFFFEC00  }
0x30: {  	[bflag:$0x0] =	sbarrier.arrive $0xFFFF  }
0x31: {  	[spmem:s2] =	stream.indirect.scatter.add.f32 [tilespmem:s7], [sflag:$0x1], $0x10, s31, s8, $0xb8;
	[tilespmem:$0x4400] =	vst v63  }
0x32: {  	_ = 	snop  }
0x33: {  	[spmem:s2] =	stream.indirect.scatter.add.f32 [tilespmem:s7], [sflag:$0x1], $0x10, s8, s8, $0xb8;
	[tilespmem:$0x4400] =	vst v63  }
0x34: {  	s0 =	rddreg [dreg:$0x8]  }
0x35: {  	[spmem:s2] =	stream.indirect.scatter.add.f32 [tilespmem:s7], [sflag:$0x1], $0x10, s0, s8, $0xb8;
	[tilespmem:$0x4400] =	vst v63  }
0x36: {  	s9 =	smov.u32 s1;
	s1 =	rddreg [dreg:$0x9]  }
0x37: {  	[spmem:s2] =	stream.indirect.scatter.add.f32 [tilespmem:s7], [sflag:$0x1], $0x10, s1, s8, $0xb8;
	[tilespmem:$0x4400] =	vst v63  }
0x38: {  	s0 =	rddreg [dreg:$0xa]  }
0x39: {  	[spmem:s2] =	stream.indirect.scatter.add.f32 [tilespmem:s7], [sflag:$0x1], $0x10, s0, s8, $0xb8;
	[tilespmem:$0x4400] =	vst v63  }
0x3a: {  	s1 =	rddreg [dreg:$0xb]  }
0x3b: {  	[spmem:s2] =	stream.indirect.scatter.add.f32 [tilespmem:s7], [sflag:$0x1], $0x10, s1, s8, $0xb8;
	[tilespmem:$0x4400] =	vst v63  }
0x3c: {  	s0 =	rddreg [dreg:$0xc]  }
0x3d: {  	[spmem:s2] =	stream.indirect.scatter.add.f32 [tilespmem:s7], [sflag:$0x1], $0x10, s0, s8, $0xb8;
	[tilespmem:$0x4400] =	vst v63  }
0x3e: {  	s1 =	rddreg [dreg:$0xd]  }
0x3f: {  	[spmem:s2] =	stream.indirect.scatter.add.f32 [tilespmem:s7], [sflag:$0x1], $0x10, s1, s8, $0xb8;
	[tilespmem:$0x4400] =	vst v63  }
0x40: {  	_ =	swait.ge [sflag:s6], $0x800  }
0x41: {  	[sflag:s6] =	ssyncset.done $0x0  }
0x42: {  	[sflag:s6] =	ssyncadd.s32 $0xFFFFF800  }
0x43: {  	_ =	swait.ge [sflag:s6], $0x800  }
0x44: {  	[sflag:s6] =	ssyncset.done $0x0  }
0x45: {  	[sflag:s6] =	ssyncadd.s32 $0xFFFFF800  }
0x46: {  	_ =	swait.ge [sflag:s6], $0x800  }
0x47: {  	[sflag:s6] =	ssyncset.done $0x0  }
0x48: {  	[sflag:s6] =	ssyncadd.s32 $0xFFFFF800  }
0x49: {  	_ =	swait.ge [sflag:s6], $0x800  }
0x4a: {  	[sflag:s6] =	ssyncset.done $0x0  }
0x4b: {  	[sflag:s6] =	ssyncadd.s32 $0xFFFFF800  }
0x4c: {  	_ =	swait.ge [sflag:s6], $0x800  }
0x4d: {  	[sflag:s6] =	ssyncset.done $0x0  }
0x4e: {  	[sflag:s6] =	ssyncadd.s32 $0xFFFFF800  }
0x4f: {  	_ =	swait.ge [sflag:s6], $0x800  }
0x50: {  	[sflag:s6] =	ssyncset.done $0x0  }
0x51: {  	[sflag:s6] =	ssyncadd.s32 $0xFFFFF800  }
0x52: {  	_ =	swait.ge [sflag:s6], $0x800  }
0x53: {  	[sflag:s6] =	ssyncset.done $0x0  }
0x54: {  	[sflag:s6] =	ssyncadd.s32 $0xFFFFF800  }
0x55: {  	_ =	swait.ge [sflag:s6], $0x800  }
0x56: {  	[sflag:s6] =	ssyncset.done $0x0  }
0x57: {  	s0 =	rddreg [dreg:$0xe];
	[sflag:s6] =	ssyncadd.s32 $0xFFFFF800  }
0x58: {  	[spmem:s2] =	stream.indirect.scatter.add.f32 [tilespmem:s7], [sflag:$0x1], $0x10, s0, s8, $0xb8;
	[tilespmem:$0x4400] =	vst v63  }
0x59: {  	s1 =	rddreg [dreg:$0xf]  }
0x5a: {  	[spmem:s2] =	stream.indirect.scatter.add.f32 [tilespmem:s7], [sflag:$0x1], $0x10, s1, s8, $0xb8;
	[tilespmem:$0x4400] =	vst v63  }
0x5b: {  	s0 =	rddreg [dreg:$0x10]  }
0x5c: {  	[spmem:s2] =	stream.indirect.scatter.add.f32 [tilespmem:s7], [sflag:$0x1], $0x10, s0, s8, $0xb8;
	[tilespmem:$0x4400] =	vst v63  }
0x5d: {  	s1 =	rddreg [dreg:$0x11]  }
0x5e: {  	[spmem:s2] =	stream.indirect.scatter.add.f32 [tilespmem:s7], [sflag:$0x1], $0x10, s1, s8, $0xb8;
	[tilespmem:$0x4400] =	vst v63  }
0x5f: {  	s0 =	rddreg [dreg:$0x12]  }
0x60: {  	[spmem:s2] =	stream.indirect.scatter.add.f32 [tilespmem:s7], [sflag:$0x1], $0x10, s0, s8, $0xb8;
	[tilespmem:$0x4400] =	vst v63  }
0x61: {  	s1 =	rddreg [dreg:$0x13]  }
0x62: {  	[spmem:s2] =	stream.indirect.scatter.add.f32 [tilespmem:s7], [sflag:$0x1], $0x10, s1, s8, $0xb8;
	[tilespmem:$0x4400] =	vst v63  }
0x63: {  	s0 =	rddreg [dreg:$0x14]  }
0x64: {  	[spmem:s2] =	stream.indirect.scatter.add.f32 [tilespmem:s7], [sflag:$0x1], $0x10, s0, s8, $0xb8;
	[tilespmem:$0x4400] =	vst v63  }
0x65: {  	s1 =	rddreg [dreg:$0x15]  }
0x66: {  	[spmem:s2] =	stream.indirect.scatter.add.f32 [tilespmem:s7], [sflag:$0x1], $0x10, s1, s8, $0xb8;
	[tilespmem:$0x4400] =	vst v63  }
0x67: {  	_ =	swait.ge [sflag:s6], $0x800  }
0x68: {  	[sflag:s6] =	ssyncset.done $0x0  }
0x69: {  	[sflag:s6] =	ssyncadd.s32 $0xFFFFF800  }
0x6a: {  	_ =	swait.ge [sflag:s6], $0x800  }
0x6b: {  	[sflag:s6] =	ssyncset.done $0x0  }
0x6c: {  	[sflag:s6] =	ssyncadd.s32 $0xFFFFF800  }
0x6d: {  	_ =	swait.ge [sflag:s6], $0x800  }
0x6e: {  	[sflag:s6] =	ssyncset.done $0x0  }
0x6f: {  	[sflag:s6] =	ssyncadd.s32 $0xFFFFF800  }
0x70: {  	_ =	swait.ge [sflag:s6], $0x800  }
0x71: {  	[sflag:s6] =	ssyncset.done $0x0  }
0x72: {  	[sflag:s6] =	ssyncadd.s32 $0xFFFFF800  }
0x73: {  	_ =	swait.ge [sflag:s6], $0x800  }
0x74: {  	[sflag:s6] =	ssyncset.done $0x0  }
0x75: {  	[sflag:s6] =	ssyncadd.s32 $0xFFFFF800  }
0x76: {  	_ =	swait.ge [sflag:s6], $0x800  }
0x77: {  	[sflag:s6] =	ssyncset.done $0x0  }
0x78: {  	[sflag:s6] =	ssyncadd.s32 $0xFFFFF800  }
0x79: {  	_ =	swait.ge [sflag:s6], $0x800  }
0x7a: {  	[sflag:s6] =	ssyncset.done $0x0  }
0x7b: {  	[sflag:s6] =	ssyncadd.s32 $0xFFFFF800  }
0x7c: {  	_ =	swait.ge [sflag:s6], $0x800  }
0x7d: {  	[sflag:s6] =	ssyncset.done $0x0  }
0x7e: {  	s0 =	rddreg [dreg:$0x16];
	[sflag:s6] =	ssyncadd.s32 $0xFFFFF800  }
0x7f: {  	[spmem:s2] =	stream.indirect.scatter.add.f32 [tilespmem:s7], [sflag:$0x1], $0x10, s0, s8, $0xb8;
	[tilespmem:$0x4400] =	vst v63  }
0x80: {  	s1 =	rddreg [dreg:$0x17]  }
0x81: {  	[spmem:s2] =	stream.indirect.scatter.add.f32 [tilespmem:s7], [sflag:$0x1], $0x10, s1, s8, $0xb8;
	[tilespmem:$0x4400] =	vst v63  }
0x82: {  	s0 =	rddreg [dreg:$0x18]  }
0x83: {  	[spmem:s2] =	stream.indirect.scatter.add.f32 [tilespmem:s7], [sflag:$0x1], $0x10, s0, s8, $0xb8;
	[tilespmem:$0x4400] =	vst v63  }
0x84: {  	_ = 	snop  }
0x85: {  	[spmem:s2] =	stream.indirect.scatter.add.f32 [tilespmem:s7], [sflag:$0x1], $0x10, s26, s8, $0xb8;
	[tilespmem:$0x4400] =	vst v63  }
0x86: {  	_ = 	snop  }
0x87: {  	[spmem:s2] =	stream.indirect.scatter.add.f32 [tilespmem:s7], [sflag:$0x1], $0x10, s28, s8, $0xb8;
	[tilespmem:$0x4400] =	vst v63  }
0x88: {  	_ = 	snop  }
0x89: {  	[spmem:s2] =	stream.indirect.scatter.add.f32 [tilespmem:s7], [sflag:$0x1], $0x10, s29, s8, $0xb8;
	[tilespmem:$0x4400] =	vst v63  }
0x8a: {  	_ = 	snop  }
0x8b: {  	[spmem:s2] =	stream.indirect.scatter.add.f32 [tilespmem:s7], [sflag:$0x1], $0x10, s30, s8, $0xb8;
	[tilespmem:$0x4400] =	vst v63  }
0x8c: {  	_ = 	snop  }
0x8d: {  	[spmem:s2] =	stream.indirect.scatter.add.f32 [tilespmem:s7], [sflag:$0x1], $0x10, s18, s8, $0xb8;
	[tilespmem:$0x4400] =	vst v63  }
0x8e: {  	_ =	swait.ge [sflag:s6], $0x800  }
0x8f: {  	[sflag:s6] =	ssyncset.done $0x0  }
0x90: {  	[sflag:s6] =	ssyncadd.s32 $0xFFFFF800  }
0x91: {  	_ =	swait.ge [sflag:s6], $0x800  }
0x92: {  	[sflag:s6] =	ssyncset.done $0x0  }
0x93: {  	[sflag:s6] =	ssyncadd.s32 $0xFFFFF800  }
0x94: {  	_ =	swait.ge [sflag:s6], $0x800  }
0x95: {  	[sflag:s6] =	ssyncset.done $0x0  }
0x96: {  	[sflag:s6] =	ssyncadd.s32 $0xFFFFF800  }
0x97: {  	_ =	swait.ge [sflag:s6], $0x800  }
0x98: {  	[sflag:s6] =	ssyncset.done $0x0  }
0x99: {  	[sflag:s6] =	ssyncadd.s32 $0xFFFFF800  }
0x9a: {  	_ =	swait.ge [sflag:s6], $0x800  }
0x9b: {  	[sflag:s6] =	ssyncset.done $0x0  }
0x9c: {  	[sflag:s6] =	ssyncadd.s32 $0xFFFFF800  }
0x9d: {  	_ =	swait.ge [sflag:s6], $0x800  }
0x9e: {  	[sflag:s6] =	ssyncset.done $0x0  }
0x9f: {  	[sflag:s6] =	ssyncadd.s32 $0xFFFFF800  }
0xa0: {  	_ =	swait.ge [sflag:s6], $0x800  }
0xa1: {  	[sflag:s6] =	ssyncset.done $0x0  }
0xa2: {  	[sflag:s6] =	ssyncadd.s32 $0xFFFFF800  }
0xa3: {  	_ =	swait.ge [sflag:s6], $0x800  }
0xa4: {  	[sflag:s6] =	ssyncset.done $0x0  }
0xa5: {  	s1 =	simm.s32 $0xC00;
	[sflag:s6] =	ssyncadd.s32 $0xFFFFF800  }
0xa6: {  	[spmem:s2] =	stream.indirect.scatter.add.f32 [tilespmem:s7], [sflag:$0x1], $0x10, s1, s8, $0xb8;
	[tilespmem:$0x4400] =	vst v63  }
0xa7: {  	_ = 	snop  }
0xa8: {  	[spmem:s2] =	stream.indirect.scatter.add.f32 [tilespmem:s7], [sflag:$0x1], $0x10, s19, s8, $0xb8;
	[tilespmem:$0x4400] =	vst v63  }
0xa9: {  	_ = 	snop  }
0xaa: {  	[spmem:s2] =	stream.indirect.scatter.add.f32 [tilespmem:s7], [sflag:$0x1], $0x10, s20, s8, $0xb8;
	[tilespmem:$0x4400] =	vst v63  }
0xab: {  	_ = 	snop  }
0xac: {  	[spmem:s2] =	stream.indirect.scatter.add.f32 [tilespmem:s7], [sflag:$0x1], $0x10, s21, s8, $0xb8;
	[tilespmem:$0x4400] =	vst v63  }
0xad: {  	_ = 	snop  }
0xae: {  	[spmem:s2] =	stream.indirect.scatter.add.f32 [tilespmem:s7], [sflag:$0x1], $0x10, s22, s8, $0xb8;
	[tilespmem:$0x4400] =	vst v63  }
0xaf: {  	_ = 	snop  }
0xb0: {  	[spmem:s2] =	stream.indirect.scatter.add.f32 [tilespmem:s7], [sflag:$0x1], $0x10, s23, s8, $0xb8;
	[tilespmem:$0x4400] =	vst v63  }
0xb1: {  	_ = 	snop  }
0xb2: {  	[spmem:s2] =	stream.indirect.scatter.add.f32 [tilespmem:s7], [sflag:$0x1], $0x10, s24, s8, $0xb8;
	[tilespmem:$0x4400] =	vst v63  }
0xb3: {  	_ = 	snop  }
0xb4: {  	[spmem:s2] =	stream.indirect.scatter.add.f32 [tilespmem:s7], [sflag:$0x1], $0x10, s25, s8, $0xb8;
	[tilespmem:$0x4400] =	vst v63  }
0xb5: {  	_ =	swait.ge [sflag:s6], $0x800  }
0xb6: {  	[sflag:s6] =	ssyncset.done $0x0  }
0xb7: {  	[sflag:s6] =	ssyncadd.s32 $0xFFFFF800  }
0xb8: {  	_ =	swait.ge [sflag:s6], $0x800  }
0xb9: {  	[sflag:s6] =	ssyncset.done $0x0  }
0xba: {  	[sflag:s6] =	ssyncadd.s32 $0xFFFFF800  }
0xbb: {  	_ =	swait.ge [sflag:s6], $0x800  }
0xbc: {  	[sflag:s6] =	ssyncset.done $0x0  }
0xbd: {  	[sflag:s6] =	ssyncadd.s32 $0xFFFFF800  }
0xbe: {  	_ =	swait.ge [sflag:s6], $0x800  }
0xbf: {  	[sflag:s6] =	ssyncset.done $0x0  }
0xc0: {  	[sflag:s6] =	ssyncadd.s32 $0xFFFFF800  }
0xc1: {  	_ =	swait.ge [sflag:s6], $0x800  }
0xc2: {  	[sflag:s6] =	ssyncset.done $0x0  }
0xc3: {  	[sflag:s6] =	ssyncadd.s32 $0xFFFFF800  }
0xc4: {  	_ =	swait.ge [sflag:s6], $0x800  }
0xc5: {  	[sflag:s6] =	ssyncset.done $0x0  }
0xc6: {  	[sflag:s6] =	ssyncadd.s32 $0xFFFFF800  }
0xc7: {  	_ =	swait.ge [sflag:s6], $0x800  }
0xc8: {  	[sflag:s6] =	ssyncset.done $0x0  }
0xc9: {  	[sflag:s6] =	ssyncadd.s32 $0xFFFFF800  }
0xca: {  	_ =	swait.ge [sflag:s6], $0x800  }
0xcb: {  	[sflag:s6] =	ssyncset.done $0x0  }
0xcc: {  	[sflag:s6] =	ssyncadd.s32 $0xFFFFF800  }
0xcd: {  	[spmem:s2] =	stream.indirect.scatter.add.f32 [tilespmem:s7], [sflag:$0x1], $0x10, s10, s8, $0xb8;
	[tilespmem:$0x4400] =	vst v63  }
0xce: {  	_ = 	snop  }
0xcf: {  	[spmem:s2] =	stream.indirect.scatter.add.f32 [tilespmem:s7], [sflag:$0x1], $0x10, s11, s8, $0xb8;
	[tilespmem:$0x4400] =	vst v63  }
0xd0: {  	_ = 	snop  }
0xd1: {  	[spmem:s2] =	stream.indirect.scatter.add.f32 [tilespmem:s7], [sflag:$0x1], $0x10, s12, s8, $0xb8;
	[tilespmem:$0x4400] =	vst v63  }
0xd2: {  	_ = 	snop  }
0xd3: {  	[spmem:s2] =	stream.indirect.scatter.add.f32 [tilespmem:s7], [sflag:$0x1], $0x10, s13, s8, $0xb8;
	[tilespmem:$0x4400] =	vst v63  }
0xd4: {  	_ = 	snop  }
0xd5: {  	[spmem:s2] =	stream.indirect.scatter.add.f32 [tilespmem:s7], [sflag:$0x1], $0x10, s14, s8, $0xb8;
	[tilespmem:$0x4400] =	vst v63  }
0xd6: {  	_ = 	snop  }
0xd7: {  	[spmem:s2] =	stream.indirect.scatter.add.f32 [tilespmem:s7], [sflag:$0x1], $0x10, s15, s8, $0xb8;
	[tilespmem:$0x4400] =	vst v63  }
0xd8: {  	_ = 	snop  }
0xd9: {  	[spmem:s2] =	stream.indirect.scatter.add.f32 [tilespmem:s7], [sflag:$0x1], $0x10, s16, s8, $0xb8;
	[tilespmem:$0x4400] =	vst v63  }
0xda: {  	_ = 	snop  }
0xdb: {  	[spmem:s2] =	stream.indirect.scatter.add.f32 [tilespmem:s7], [sflag:$0x1], $0x10, s17, s8, $0xb8;
	[tilespmem:$0x4400] =	vst v63  }
0xdc: {  	_ =	swait.ge [sflag:s6], $0x800  }
0xdd: {  	[sflag:s6] =	ssyncset.done $0x0  }
0xde: {  	[sflag:s6] =	ssyncadd.s32 $0xFFFFF800  }
0xdf: {  	_ =	swait.ge [sflag:s6], $0x800  }
0xe0: {  	[sflag:s6] =	ssyncset.done $0x0  }
0xe1: {  	[sflag:s6] =	ssyncadd.s32 $0xFFFFF800  }
0xe2: {  	_ =	swait.ge [sflag:s6], $0x800  }
0xe3: {  	[sflag:s6] =	ssyncset.done $0x0  }
0xe4: {  	[sflag:s6] =	ssyncadd.s32 $0xFFFFF800  }
0xe5: {  	_ =	swait.ge [sflag:s6], $0x800  }
0xe6: {  	[sflag:s6] =	ssyncset.done $0x0  }
0xe7: {  	[sflag:s6] =	ssyncadd.s32 $0xFFFFF800  }
0xe8: {  	_ =	swait.ge [sflag:s6], $0x800  }
0xe9: {  	[sflag:s6] =	ssyncset.done $0x0  }
0xea: {  	[sflag:s6] =	ssyncadd.s32 $0xFFFFF800  }
0xeb: {  	_ =	swait.ge [sflag:s6], $0x800  }
0xec: {  	[sflag:s6] =	ssyncset.done $0x0  }
0xed: {  	[sflag:s6] =	ssyncadd.s32 $0xFFFFF800  }
0xee: {  	_ =	swait.ge [sflag:s6], $0x800  }
0xef: {  	[sflag:s6] =	ssyncset.done $0x0  }
0xf0: {  	[sflag:s6] =	ssyncadd.s32 $0xFFFFF800  }
0xf1: {  	_ =	swait.ge [sflag:s6], $0x800  }
0xf2: {  	[sflag:s6] =	ssyncset.done $0x0  }
0xf3: {  	p1 =	sne.s32 s9, $0x1;
	[sflag:s6] =	ssyncadd.s32 $0xFFFFF800  }
.Ltmp1:
0xf4: {  	[bflag:$0x0] =	sbarrier.arrive $0xFFFF;
	(pc) =	sbr.rel @!p1 .LBB2_3-.Ltmp1, $4  }
0xf5: {  	s1 =	rddreg [dreg:$0x7]  }
0xf6: {  	[hbm:s1], [sflag:s3] =	dma.local [spmem:s4], $0x500  }
0xf7: {  	p0 =	por $0x1, $0x1;
	_ =	swait.ge [sflag:s5], $0x500  }
0xf8: {  	s1 =	sadd.s32 $0xFFFFFFFF, s9;
	s0 =	rddreg [dreg:$0x5];
	[sflag:s5] =	ssyncset.done $0x0  }
.LBB2_4:
0xf9: {  	[sflag:s5] =	ssyncadd.s32 $0xFFFFFB00  }
0xfa: {  	[spmem:s4], [sflag:s3] =	dma.local [hbm:s0], $0x500  }
0xfb: {  	_ =	swait.ge [sflag:s5], $0x500  }
0xfc: {  	[sflag:s5] =	ssyncset.done $0x0  }
0xfd: {  	s9 =	rddreg [dreg:$0x4];
	[sflag:s5] =	ssyncadd.s32 $0xFFFFFB00  }
0xfe: {  	[tilespmem:s7], [sflag:$0x2] =	stream.linear.gather [hbm4b:s9+s31], $0x800, $0x38;
	[tilespmem:$0x4400] =	vst v63  }
0xff: {  	_ =	swait.ge [sflag:s5], $0x800  }
0x100: {  	[sflag:s5] =	ssyncset.done $0x0  }
0x101: {  	s9 =	rddreg [dreg:$0x6];
	[sflag:s5] =	ssyncadd.s32 $0xFFFFF800  }
0x102: {  	[tilespmem:s31], [sflag:$0x2] =	stream.linear.gather [hbm4b:s9+s31], $0x1400, $0x38;
	[tilespmem:$0x4400] =	vst v63  }
0x103: {  	_ =	swait.ge [sflag:s5], $0x1400  }
0x104: {  	[sflag:s5] =	ssyncset.done $0x0  }
0x105: {  	[sflag:s5] =	ssyncadd.s32 $0xFFFFEC00  }
0x106: {  	[bflag:$0x0] =	sbarrier.arrive $0xFFFF  }
0x107: {  	[spmem:s2] =	stream.indirect.scatter.add.f32 [tilespmem:s7], [sflag:$0x1], $0x10, s31, s8, $0xb8;
	[tilespmem:$0x4400] =	vst v63  }
0x108: {  	_ = 	snop  }
0x109: {  	[spmem:s2] =	stream.indirect.scatter.add.f32 [tilespmem:s7], [sflag:$0x1], $0x10, s8, s8, $0xb8;
	[tilespmem:$0x4400] =	vst v63  }
0x10a: {  	s0 =	rddreg [dreg:$0x8]  }
0x10b: {  	[spmem:s2] =	stream.indirect.scatter.add.f32 [tilespmem:s7], [sflag:$0x1], $0x10, s0, s8, $0xb8;
	[tilespmem:$0x4400] =	vst v63  }
0x10c: {  	s9 =	rddreg [dreg:$0x9]  }
0x10d: {  	[spmem:s2] =	stream.indirect.scatter.add.f32 [tilespmem:s7], [sflag:$0x1], $0x10, s9, s8, $0xb8;
	[tilespmem:$0x4400] =	vst v63  }
0x10e: {  	s0 =	rddreg [dreg:$0xa]  }
0x10f: {  	[spmem:s2] =	stream.indirect.scatter.add.f32 [tilespmem:s7], [sflag:$0x1], $0x10, s0, s8, $0xb8;
	[tilespmem:$0x4400] =	vst v63  }
0x110: {  	s9 =	rddreg [dreg:$0xb]  }
0x111: {  	[spmem:s2] =	stream.indirect.scatter.add.f32 [tilespmem:s7], [sflag:$0x1], $0x10, s9, s8, $0xb8;
	[tilespmem:$0x4400] =	vst v63  }
0x112: {  	s0 =	rddreg [dreg:$0xc]  }
0x113: {  	[spmem:s2] =	stream.indirect.scatter.add.f32 [tilespmem:s7], [sflag:$0x1], $0x10, s0, s8, $0xb8;
	[tilespmem:$0x4400] =	vst v63  }
0x114: {  	s9 =	rddreg [dreg:$0xd]  }
0x115: {  	[spmem:s2] =	stream.indirect.scatter.add.f32 [tilespmem:s7], [sflag:$0x1], $0x10, s9, s8, $0xb8;
	[tilespmem:$0x4400] =	vst v63  }
0x116: {  	_ =	swait.ge [sflag:s6], $0x800  }
0x117: {  	[sflag:s6] =	ssyncset.done $0x0  }
0x118: {  	[sflag:s6] =	ssyncadd.s32 $0xFFFFF800  }
0x119: {  	_ =	swait.ge [sflag:s6], $0x800  }
0x11a: {  	[sflag:s6] =	ssyncset.done $0x0  }
0x11b: {  	[sflag:s6] =	ssyncadd.s32 $0xFFFFF800  }
0x11c: {  	_ =	swait.ge [sflag:s6], $0x800  }
0x11d: {  	[sflag:s6] =	ssyncset.done $0x0  }
0x11e: {  	[sflag:s6] =	ssyncadd.s32 $0xFFFFF800  }
0x11f: {  	_ =	swait.ge [sflag:s6], $0x800  }
0x120: {  	[sflag:s6] =	ssyncset.done $0x0  }
0x121: {  	[sflag:s6] =	ssyncadd.s32 $0xFFFFF800  }
0x122: {  	_ =	swait.ge [sflag:s6], $0x800  }
0x123: {  	[sflag:s6] =	ssyncset.done $0x0  }
0x124: {  	[sflag:s6] =	ssyncadd.s32 $0xFFFFF800  }
0x125: {  	_ =	swait.ge [sflag:s6], $0x800  }
0x126: {  	[sflag:s6] =	ssyncset.done $0x0  }
0x127: {  	[sflag:s6] =	ssyncadd.s32 $0xFFFFF800  }
0x128: {  	_ =	swait.ge [sflag:s6], $0x800  }
0x129: {  	[sflag:s6] =	ssyncset.done $0x0  }
0x12a: {  	[sflag:s6] =	ssyncadd.s32 $0xFFFFF800  }
0x12b: {  	_ =	swait.ge [sflag:s6], $0x800  }
0x12c: {  	[sflag:s6] =	ssyncset.done $0x0  }
0x12d: {  	s0 =	rddreg [dreg:$0xe];
	[sflag:s6] =	ssyncadd.s32 $0xFFFFF800  }
0x12e: {  	[spmem:s2] =	stream.indirect.scatter.add.f32 [tilespmem:s7], [sflag:$0x1], $0x10, s0, s8, $0xb8;
	[tilespmem:$0x4400] =	vst v63  }
0x12f: {  	s9 =	rddreg [dreg:$0xf]  }
0x130: {  	[spmem:s2] =	stream.indirect.scatter.add.f32 [tilespmem:s7], [sflag:$0x1], $0x10, s9, s8, $0xb8;
	[tilespmem:$0x4400] =	vst v63  }
0x131: {  	s0 =	rddreg [dreg:$0x10]  }
0x132: {  	[spmem:s2] =	stream.indirect.scatter.add.f32 [tilespmem:s7], [sflag:$0x1], $0x10, s0, s8, $0xb8;
	[tilespmem:$0x4400] =	vst v63  }
0x133: {  	s9 =	rddreg [dreg:$0x11]  }
0x134: {  	[spmem:s2] =	stream.indirect.scatter.add.f32 [tilespmem:s7], [sflag:$0x1], $0x10, s9, s8, $0xb8;
	[tilespmem:$0x4400] =	vst v63  }
0x135: {  	s0 =	rddreg [dreg:$0x12]  }
0x136: {  	[spmem:s2] =	stream.indirect.scatter.add.f32 [tilespmem:s7], [sflag:$0x1], $0x10, s0, s8, $0xb8;
	[tilespmem:$0x4400] =	vst v63  }
0x137: {  	s9 =	rddreg [dreg:$0x13]  }
0x138: {  	[spmem:s2] =	stream.indirect.scatter.add.f32 [tilespmem:s7], [sflag:$0x1], $0x10, s9, s8, $0xb8;
	[tilespmem:$0x4400] =	vst v63  }
0x139: {  	s0 =	rddreg [dreg:$0x14]  }
0x13a: {  	[spmem:s2] =	stream.indirect.scatter.add.f32 [tilespmem:s7], [sflag:$0x1], $0x10, s0, s8, $0xb8;
	[tilespmem:$0x4400] =	vst v63  }
0x13b: {  	s9 =	rddreg [dreg:$0x15]  }
0x13c: {  	[spmem:s2] =	stream.indirect.scatter.add.f32 [tilespmem:s7], [sflag:$0x1], $0x10, s9, s8, $0xb8;
	[tilespmem:$0x4400] =	vst v63  }
0x13d: {  	_ =	swait.ge [sflag:s6], $0x800  }
0x13e: {  	[sflag:s6] =	ssyncset.done $0x0  }
0x13f: {  	[sflag:s6] =	ssyncadd.s32 $0xFFFFF800  }
0x140: {  	_ =	swait.ge [sflag:s6], $0x800  }
0x141: {  	[sflag:s6] =	ssyncset.done $0x0  }
0x142: {  	[sflag:s6] =	ssyncadd.s32 $0xFFFFF800  }
0x143: {  	_ =	swait.ge [sflag:s6], $0x800  }
0x144: {  	[sflag:s6] =	ssyncset.done $0x0  }
0x145: {  	[sflag:s6] =	ssyncadd.s32 $0xFFFFF800  }
0x146: {  	_ =	swait.ge [sflag:s6], $0x800  }
0x147: {  	[sflag:s6] =	ssyncset.done $0x0  }
0x148: {  	[sflag:s6] =	ssyncadd.s32 $0xFFFFF800  }
0x149: {  	_ =	swait.ge [sflag:s6], $0x800  }
0x14a: {  	[sflag:s6] =	ssyncset.done $0x0  }
0x14b: {  	[sflag:s6] =	ssyncadd.s32 $0xFFFFF800  }
0x14c: {  	_ =	swait.ge [sflag:s6], $0x800  }
0x14d: {  	[sflag:s6] =	ssyncset.done $0x0  }
0x14e: {  	[sflag:s6] =	ssyncadd.s32 $0xFFFFF800  }
0x14f: {  	_ =	swait.ge [sflag:s6], $0x800  }
0x150: {  	[sflag:s6] =	ssyncset.done $0x0  }
0x151: {  	[sflag:s6] =	ssyncadd.s32 $0xFFFFF800  }
0x152: {  	_ =	swait.ge [sflag:s6], $0x800  }
0x153: {  	[sflag:s6] =	ssyncset.done $0x0  }
0x154: {  	s0 =	rddreg [dreg:$0x16];
	[sflag:s6] =	ssyncadd.s32 $0xFFFFF800  }
0x155: {  	[spmem:s2] =	stream.indirect.scatter.add.f32 [tilespmem:s7], [sflag:$0x1], $0x10, s0, s8, $0xb8;
	[tilespmem:$0x4400] =	vst v63  }
0x156: {  	s9 =	rddreg [dreg:$0x17]  }
0x157: {  	[spmem:s2] =	stream.indirect.scatter.add.f32 [tilespmem:s7], [sflag:$0x1], $0x10, s9, s8, $0xb8;
	[tilespmem:$0x4400] =	vst v63  }
0x158: {  	s0 =	rddreg [dreg:$0x18]  }
0x159: {  	[spmem:s2] =	stream.indirect.scatter.add.f32 [tilespmem:s7], [sflag:$0x1], $0x10, s0, s8, $0xb8;
	[tilespmem:$0x4400] =	vst v63  }
0x15a: {  	_ = 	snop  }
0x15b: {  	[spmem:s2] =	stream.indirect.scatter.add.f32 [tilespmem:s7], [sflag:$0x1], $0x10, s26, s8, $0xb8;
	[tilespmem:$0x4400] =	vst v63  }
0x15c: {  	_ = 	snop  }
0x15d: {  	[spmem:s2] =	stream.indirect.scatter.add.f32 [tilespmem:s7], [sflag:$0x1], $0x10, s28, s8, $0xb8;
	[tilespmem:$0x4400] =	vst v63  }
0x15e: {  	_ = 	snop  }
0x15f: {  	[spmem:s2] =	stream.indirect.scatter.add.f32 [tilespmem:s7], [sflag:$0x1], $0x10, s29, s8, $0xb8;
	[tilespmem:$0x4400] =	vst v63  }
0x160: {  	_ = 	snop  }
0x161: {  	[spmem:s2] =	stream.indirect.scatter.add.f32 [tilespmem:s7], [sflag:$0x1], $0x10, s30, s8, $0xb8;
	[tilespmem:$0x4400] =	vst v63  }
0x162: {  	_ = 	snop  }
0x163: {  	[spmem:s2] =	stream.indirect.scatter.add.f32 [tilespmem:s7], [sflag:$0x1], $0x10, s18, s8, $0xb8;
	[tilespmem:$0x4400] =	vst v63  }
0x164: {  	_ =	swait.ge [sflag:s6], $0x800  }
0x165: {  	[sflag:s6] =	ssyncset.done $0x0  }
0x166: {  	[sflag:s6] =	ssyncadd.s32 $0xFFFFF800  }
0x167: {  	_ =	swait.ge [sflag:s6], $0x800  }
0x168: {  	[sflag:s6] =	ssyncset.done $0x0  }
0x169: {  	[sflag:s6] =	ssyncadd.s32 $0xFFFFF800  }
0x16a: {  	_ =	swait.ge [sflag:s6], $0x800  }
0x16b: {  	[sflag:s6] =	ssyncset.done $0x0  }
0x16c: {  	[sflag:s6] =	ssyncadd.s32 $0xFFFFF800  }
0x16d: {  	_ =	swait.ge [sflag:s6], $0x800  }
0x16e: {  	[sflag:s6] =	ssyncset.done $0x0  }
0x16f: {  	[sflag:s6] =	ssyncadd.s32 $0xFFFFF800  }
0x170: {  	_ =	swait.ge [sflag:s6], $0x800  }
0x171: {  	[sflag:s6] =	ssyncset.done $0x0  }
0x172: {  	[sflag:s6] =	ssyncadd.s32 $0xFFFFF800  }
0x173: {  	_ =	swait.ge [sflag:s6], $0x800  }
0x174: {  	[sflag:s6] =	ssyncset.done $0x0  }
0x175: {  	[sflag:s6] =	ssyncadd.s32 $0xFFFFF800  }
0x176: {  	_ =	swait.ge [sflag:s6], $0x800  }
0x177: {  	[sflag:s6] =	ssyncset.done $0x0  }
0x178: {  	[sflag:s6] =	ssyncadd.s32 $0xFFFFF800  }
0x179: {  	_ =	swait.ge [sflag:s6], $0x800  }
0x17a: {  	[sflag:s6] =	ssyncset.done $0x0  }
0x17b: {  	s9 =	simm.s32 $0xC00;
	[sflag:s6] =	ssyncadd.s32 $0xFFFFF800  }
0x17c: {  	[spmem:s2] =	stream.indirect.scatter.add.f32 [tilespmem:s7], [sflag:$0x1], $0x10, s9, s8, $0xb8;
	[tilespmem:$0x4400] =	vst v63  }
0x17d: {  	_ = 	snop  }
0x17e: {  	[spmem:s2] =	stream.indirect.scatter.add.f32 [tilespmem:s7], [sflag:$0x1], $0x10, s19, s8, $0xb8;
	[tilespmem:$0x4400] =	vst v63  }
0x17f: {  	_ = 	snop  }
0x180: {  	[spmem:s2] =	stream.indirect.scatter.add.f32 [tilespmem:s7], [sflag:$0x1], $0x10, s20, s8, $0xb8;
	[tilespmem:$0x4400] =	vst v63  }
0x181: {  	_ = 	snop  }
0x182: {  	[spmem:s2] =	stream.indirect.scatter.add.f32 [tilespmem:s7], [sflag:$0x1], $0x10, s21, s8, $0xb8;
	[tilespmem:$0x4400] =	vst v63  }
0x183: {  	_ = 	snop  }
0x184: {  	[spmem:s2] =	stream.indirect.scatter.add.f32 [tilespmem:s7], [sflag:$0x1], $0x10, s22, s8, $0xb8;
	[tilespmem:$0x4400] =	vst v63  }
0x185: {  	_ = 	snop  }
0x186: {  	[spmem:s2] =	stream.indirect.scatter.add.f32 [tilespmem:s7], [sflag:$0x1], $0x10, s23, s8, $0xb8;
	[tilespmem:$0x4400] =	vst v63  }
0x187: {  	_ = 	snop  }
0x188: {  	[spmem:s2] =	stream.indirect.scatter.add.f32 [tilespmem:s7], [sflag:$0x1], $0x10, s24, s8, $0xb8;
	[tilespmem:$0x4400] =	vst v63  }
0x189: {  	_ = 	snop  }
0x18a: {  	[spmem:s2] =	stream.indirect.scatter.add.f32 [tilespmem:s7], [sflag:$0x1], $0x10, s25, s8, $0xb8;
	[tilespmem:$0x4400] =	vst v63  }
0x18b: {  	_ =	swait.ge [sflag:s6], $0x800  }
0x18c: {  	[sflag:s6] =	ssyncset.done $0x0  }
0x18d: {  	[sflag:s6] =	ssyncadd.s32 $0xFFFFF800  }
0x18e: {  	_ =	swait.ge [sflag:s6], $0x800  }
0x18f: {  	[sflag:s6] =	ssyncset.done $0x0  }
0x190: {  	[sflag:s6] =	ssyncadd.s32 $0xFFFFF800  }
0x191: {  	_ =	swait.ge [sflag:s6], $0x800  }
0x192: {  	[sflag:s6] =	ssyncset.done $0x0  }
0x193: {  	[sflag:s6] =	ssyncadd.s32 $0xFFFFF800  }
0x194: {  	_ =	swait.ge [sflag:s6], $0x800  }
0x195: {  	[sflag:s6] =	ssyncset.done $0x0  }
0x196: {  	[sflag:s6] =	ssyncadd.s32 $0xFFFFF800  }
0x197: {  	_ =	swait.ge [sflag:s6], $0x800  }
0x198: {  	[sflag:s6] =	ssyncset.done $0x0  }
0x199: {  	[sflag:s6] =	ssyncadd.s32 $0xFFFFF800  }
0x19a: {  	_ =	swait.ge [sflag:s6], $0x800  }
0x19b: {  	[sflag:s6] =	ssyncset.done $0x0  }
0x19c: {  	[sflag:s6] =	ssyncadd.s32 $0xFFFFF800  }
0x19d: {  	_ =	swait.ge [sflag:s6], $0x800  }
0x19e: {  	[sflag:s6] =	ssyncset.done $0x0  }
0x19f: {  	[sflag:s6] =	ssyncadd.s32 $0xFFFFF800  }
0x1a0: {  	_ =	swait.ge [sflag:s6], $0x800  }
0x1a1: {  	[sflag:s6] =	ssyncset.done $0x0  }
0x1a2: {  	[sflag:s6] =	ssyncadd.s32 $0xFFFFF800  }
0x1a3: {  	[spmem:s2] =	stream.indirect.scatter.add.f32 [tilespmem:s7], [sflag:$0x1], $0x10, s10, s8, $0xb8;
	[tilespmem:$0x4400] =	vst v63  }
0x1a4: {  	_ = 	snop  }
0x1a5: {  	[spmem:s2] =	stream.indirect.scatter.add.f32 [tilespmem:s7], [sflag:$0x1], $0x10, s11, s8, $0xb8;
	[tilespmem:$0x4400] =	vst v63  }
0x1a6: {  	_ = 	snop  }
0x1a7: {  	[spmem:s2] =	stream.indirect.scatter.add.f32 [tilespmem:s7], [sflag:$0x1], $0x10, s12, s8, $0xb8;
	[tilespmem:$0x4400] =	vst v63  }
0x1a8: {  	_ = 	snop  }
0x1a9: {  	[spmem:s2] =	stream.indirect.scatter.add.f32 [tilespmem:s7], [sflag:$0x1], $0x10, s13, s8, $0xb8;
	[tilespmem:$0x4400] =	vst v63  }
0x1aa: {  	_ = 	snop  }
0x1ab: {  	[spmem:s2] =	stream.indirect.scatter.add.f32 [tilespmem:s7], [sflag:$0x1], $0x10, s14, s8, $0xb8;
	[tilespmem:$0x4400] =	vst v63  }
0x1ac: {  	_ = 	snop  }
0x1ad: {  	[spmem:s2] =	stream.indirect.scatter.add.f32 [tilespmem:s7], [sflag:$0x1], $0x10, s15, s8, $0xb8;
	[tilespmem:$0x4400] =	vst v63  }
0x1ae: {  	_ = 	snop  }
0x1af: {  	[spmem:s2] =	stream.indirect.scatter.add.f32 [tilespmem:s7], [sflag:$0x1], $0x10, s16, s8, $0xb8;
	[tilespmem:$0x4400] =	vst v63  }
0x1b0: {  	_ = 	snop  }
0x1b1: {  	[spmem:s2] =	stream.indirect.scatter.add.f32 [tilespmem:s7], [sflag:$0x1], $0x10, s17, s8, $0xb8;
	[tilespmem:$0x4400] =	vst v63  }
0x1b2: {  	_ =	swait.ge [sflag:s6], $0x800  }
0x1b3: {  	[sflag:s6] =	ssyncset.done $0x0  }
0x1b4: {  	[sflag:s6] =	ssyncadd.s32 $0xFFFFF800  }
0x1b5: {  	_ =	swait.ge [sflag:s6], $0x800  }
0x1b6: {  	[sflag:s6] =	ssyncset.done $0x0  }
0x1b7: {  	[sflag:s6] =	ssyncadd.s32 $0xFFFFF800  }
0x1b8: {  	_ =	swait.ge [sflag:s6], $0x800  }
0x1b9: {  	[sflag:s6] =	ssyncset.done $0x0  }
0x1ba: {  	[sflag:s6] =	ssyncadd.s32 $0xFFFFF800  }
0x1bb: {  	_ =	swait.ge [sflag:s6], $0x800  }
0x1bc: {  	[sflag:s6] =	ssyncset.done $0x0  }
0x1bd: {  	[sflag:s6] =	ssyncadd.s32 $0xFFFFF800  }
0x1be: {  	_ =	swait.ge [sflag:s6], $0x800  }
0x1bf: {  	[sflag:s6] =	ssyncset.done $0x0  }
0x1c0: {  	[sflag:s6] =	ssyncadd.s32 $0xFFFFF800  }
0x1c1: {  	_ =	swait.ge [sflag:s6], $0x800  }
0x1c2: {  	[sflag:s6] =	ssyncset.done $0x0  }
0x1c3: {  	[sflag:s6] =	ssyncadd.s32 $0xFFFFF800  }
0x1c4: {  	_ =	swait.ge [sflag:s6], $0x800  }
0x1c5: {  	[sflag:s6] =	ssyncset.done $0x0  }
0x1c6: {  	[sflag:s6] =	ssyncadd.s32 $0xFFFFF800  }
0x1c7: {  	_ =	swait.ge [sflag:s6], $0x800  }
0x1c8: {  	[sflag:s6] =	ssyncset.done $0x0  }
0x1c9: {  	p1 =	sne.s32 s1, $0x1;
	[sflag:s6] =	ssyncadd.s32 $0xFFFFF800  }
.Ltmp2:
0x1ca: {  	[bflag:$0x0] =	sbarrier.arrive $0xFFFF;
	(pc) =	sbr.rel @p1 .LBB2_4-.Ltmp2, $4  }
0x1cb: {  	s9 =	rddreg [dreg:$0x7]  }
0x1cc: {  	[hbm:s9], [sflag:s3] =	dma.local [spmem:s4], $0x500  }
0x1cd: {  	_ =	swait.ge [sflag:s5], $0x500  }
0x1ce: {  	s1 =	sadd.s32 $0xFFFFFFFF, s1;
	s0 =	rddreg [dreg:$0x5];
	[sflag:s5] =	ssyncset.done $0x0  }
0x1cf: {  	s17 =	simm.s32 $0xB80;
	s30 =	simm.s32 $0xB00;
	s29 =	simm.s32 $0xA80  }
0x1d0: {  	s28 =	simm.s32 $0xA00;
	s26 =	simm.s32 $0x980;
	s25 =	simm.s32 $0xF80  }
0x1d1: {  	s24 =	simm.s32 $0xF00;
	s23 =	simm.s32 $0xE80;
	s22 =	simm.s32 $0xE00  }
0x1d2: {  	s21 =	simm.s32 $0xD80;
	s20 =	simm.s32 $0xD00;
	s19 =	simm.s32 $0xC80  }
0x1d3: {  	s18 =	simm.s32 $0xC00;
	s16 =	simm.s32 $0x1300;
	s15 =	simm.s32 $0x1280  }
0x1d4: {  	s14 =	simm.s32 $0x1200;
	s13 =	simm.s32 $0x1180;
	s12 =	simm.s32 $0x1100  }
0x1d5: {  	s11 =	simm.s32 $0x1080;
	s10 =	simm.s32 $0x1000;
	s9 =	stileid.u32  }
.LBB2_6:
0x1d6: {  	[sflag:s5] =	ssyncadd.s32 @p0 $0xFFFFFB00  }
0x1d7: {  	[spmem:s4], [sflag:s3] =	dma.local [hbm:s0], $0x500  }
0x1d8: {  	_ =	swait.ge [sflag:s5], $0x500  }
0x1d9: {  	[sflag:s5] =	ssyncset.done $0x0  }
0x1da: {  	s1 =	rddreg [dreg:$0x4];
	[sflag:s5] =	ssyncadd.s32 $0xFFFFFB00  }
0x1db: {  	[tilespmem:s7], [sflag:$0x2] =	stream.linear.gather [hbm4b:s1+s31], $0x800, $0x38;
	[tilespmem:$0x4400] =	vst v63  }
0x1dc: {  	_ =	swait.ge [sflag:s5], $0x800  }
0x1dd: {  	[sflag:s5] =	ssyncset.done $0x0  }
0x1de: {  	s1 =	rddreg [dreg:$0x6];
	[sflag:s5] =	ssyncadd.s32 $0xFFFFF800  }
0x1df: {  	[tilespmem:s31], [sflag:$0x2] =	stream.linear.gather [hbm4b:s1+s31], $0x1400, $0x38;
	[tilespmem:$0x4400] =	vst v63  }
0x1e0: {  	_ =	swait.ge [sflag:s5], $0x1400  }
0x1e1: {  	[sflag:s5] =	ssyncset.done $0x0  }
0x1e2: {  	[sflag:s5] =	ssyncadd.s32 $0xFFFFEC00  }
0x1e3: {  	[bflag:$0x0] =	sbarrier.arrive $0xFFFF  }
0x1e4: {  	[spmem:s2] =	stream.indirect.scatter.add.f32 [tilespmem:s7], [sflag:$0x1], $0x10, s31, s8, $0xb8;
	[tilespmem:$0x4400] =	vst v63  }
0x1e5: {  	_ = 	snop  }
0x1e6: {  	[spmem:s2] =	stream.indirect.scatter.add.f32 [tilespmem:s7], [sflag:$0x1], $0x10, s8, s8, $0xb8;
	[tilespmem:$0x4400] =	vst v63  }
0x1e7: {  	s31 =	rddreg [dreg:$0x8]  }
0x1e8: {  	[spmem:s2] =	stream.indirect.scatter.add.f32 [tilespmem:s7], [sflag:$0x1], $0x10, s31, s8, $0xb8;
	[tilespmem:$0x4400] =	vst v63  }
0x1e9: {  	s1 =	rddreg [dreg:$0x9]  }
0x1ea: {  	[spmem:s2] =	stream.indirect.scatter.add.f32 [tilespmem:s7], [sflag:$0x1], $0x10, s1, s8, $0xb8;
	[tilespmem:$0x4400] =	vst v63  }
0x1eb: {  	s0 =	rddreg [dreg:$0xa]  }
0x1ec: {  	[spmem:s2] =	stream.indirect.scatter.add.f32 [tilespmem:s7], [sflag:$0x1], $0x10, s0, s8, $0xb8;
	[tilespmem:$0x4400] =	vst v63  }
0x1ed: {  	s31 =	rddreg [dreg:$0xb]  }
0x1ee: {  	[spmem:s2] =	stream.indirect.scatter.add.f32 [tilespmem:s7], [sflag:$0x1], $0x10, s31, s8, $0xb8;
	[tilespmem:$0x4400] =	vst v63  }
0x1ef: {  	s0 =	rddreg [dreg:$0xc]  }
0x1f0: {  	[spmem:s2] =	stream.indirect.scatter.add.f32 [tilespmem:s7], [sflag:$0x1], $0x10, s0, s8, $0xb8;
	[tilespmem:$0x4400] =	vst v63  }
0x1f1: {  	s31 =	rddreg [dreg:$0xd]  }
0x1f2: {  	[spmem:s2] =	stream.indirect.scatter.add.f32 [tilespmem:s7], [sflag:$0x1], $0x10, s31, s8, $0xb8;
	[tilespmem:$0x4400] =	vst v63  }
0x1f3: {  	_ =	swait.ge [sflag:s6], $0x800  }
0x1f4: {  	[sflag:s6] =	ssyncset.done $0x0  }
0x1f5: {  	[sflag:s6] =	ssyncadd.s32 $0xFFFFF800  }
0x1f6: {  	_ =	swait.ge [sflag:s6], $0x800  }
0x1f7: {  	[sflag:s6] =	ssyncset.done $0x0  }
0x1f8: {  	[sflag:s6] =	ssyncadd.s32 $0xFFFFF800  }
0x1f9: {  	_ =	swait.ge [sflag:s6], $0x800  }
0x1fa: {  	[sflag:s6] =	ssyncset.done $0x0  }
0x1fb: {  	[sflag:s6] =	ssyncadd.s32 $0xFFFFF800  }
0x1fc: {  	_ =	swait.ge [sflag:s6], $0x800  }
0x1fd: {  	[sflag:s6] =	ssyncset.done $0x0  }
0x1fe: {  	[sflag:s6] =	ssyncadd.s32 $0xFFFFF800  }
0x1ff: {  	_ =	swait.ge [sflag:s6], $0x800  }
0x200: {  	[sflag:s6] =	ssyncset.done $0x0  }
0x201: {  	[sflag:s6] =	ssyncadd.s32 $0xFFFFF800  }
0x202: {  	_ =	swait.ge [sflag:s6], $0x800  }
0x203: {  	[sflag:s6] =	ssyncset.done $0x0  }
0x204: {  	[sflag:s6] =	ssyncadd.s32 $0xFFFFF800  }
0x205: {  	_ =	swait.ge [sflag:s6], $0x800  }
0x206: {  	[sflag:s6] =	ssyncset.done $0x0  }
0x207: {  	[sflag:s6] =	ssyncadd.s32 $0xFFFFF800  }
0x208: {  	_ =	swait.ge [sflag:s6], $0x800  }
0x209: {  	[sflag:s6] =	ssyncset.done $0x0  }
0x20a: {  	s1 =	rddreg [dreg:$0xe];
	[sflag:s6] =	ssyncadd.s32 $0xFFFFF800  }
0x20b: {  	[spmem:s2] =	stream.indirect.scatter.add.f32 [tilespmem:s7], [sflag:$0x1], $0x10, s1, s8, $0xb8;
	[tilespmem:$0x4400] =	vst v63  }
0x20c: {  	s31 =	rddreg [dreg:$0xf]  }
0x20d: {  	[spmem:s2] =	stream.indirect.scatter.add.f32 [tilespmem:s7], [sflag:$0x1], $0x10, s31, s8, $0xb8;
	[tilespmem:$0x4400] =	vst v63  }
0x20e: {  	s0 =	rddreg [dreg:$0x10]  }
0x20f: {  	[spmem:s2] =	stream.indirect.scatter.add.f32 [tilespmem:s7], [sflag:$0x1], $0x10, s0, s8, $0xb8;
	[tilespmem:$0x4400] =	vst v63  }
0x210: {  	s31 =	rddreg [dreg:$0x11]  }
0x211: {  	[spmem:s2] =	stream.indirect.scatter.add.f32 [tilespmem:s7], [sflag:$0x1], $0x10, s31, s8, $0xb8;
	[tilespmem:$0x4400] =	vst v63  }
0x212: {  	s0 =	rddreg [dreg:$0x12]  }
0x213: {  	[spmem:s2] =	stream.indirect.scatter.add.f32 [tilespmem:s7], [sflag:$0x1], $0x10, s0, s8, $0xb8;
	[tilespmem:$0x4400] =	vst v63  }
0x214: {  	s31 =	rddreg [dreg:$0x13]  }
0x215: {  	[spmem:s2] =	stream.indirect.scatter.add.f32 [tilespmem:s7], [sflag:$0x1], $0x10, s31, s8, $0xb8;
	[tilespmem:$0x4400] =	vst v63  }
0x216: {  	s0 =	rddreg [dreg:$0x14]  }
0x217: {  	[spmem:s2] =	stream.indirect.scatter.add.f32 [tilespmem:s7], [sflag:$0x1], $0x10, s0, s8, $0xb8;
	[tilespmem:$0x4400] =	vst v63  }
0x218: {  	s31 =	rddreg [dreg:$0x15]  }
0x219: {  	[spmem:s2] =	stream.indirect.scatter.add.f32 [tilespmem:s7], [sflag:$0x1], $0x10, s31, s8, $0xb8;
	[tilespmem:$0x4400] =	vst v63  }
0x21a: {  	_ =	swait.ge [sflag:s6], $0x800  }
0x21b: {  	[sflag:s6] =	ssyncset.done $0x0  }
0x21c: {  	[sflag:s6] =	ssyncadd.s32 $0xFFFFF800  }
0x21d: {  	_ =	swait.ge [sflag:s6], $0x800  }
0x21e: {  	[sflag:s6] =	ssyncset.done $0x0  }
0x21f: {  	[sflag:s6] =	ssyncadd.s32 $0xFFFFF800  }
0x220: {  	_ =	swait.ge [sflag:s6], $0x800  }
0x221: {  	[sflag:s6] =	ssyncset.done $0x0  }
0x222: {  	[sflag:s6] =	ssyncadd.s32 $0xFFFFF800  }
0x223: {  	_ =	swait.ge [sflag:s6], $0x800  }
0x224: {  	[sflag:s6] =	ssyncset.done $0x0  }
0x225: {  	[sflag:s6] =	ssyncadd.s32 $0xFFFFF800  }
0x226: {  	_ =	swait.ge [sflag:s6], $0x800  }
0x227: {  	[sflag:s6] =	ssyncset.done $0x0  }
0x228: {  	[sflag:s6] =	ssyncadd.s32 $0xFFFFF800  }
0x229: {  	_ =	swait.ge [sflag:s6], $0x800  }
0x22a: {  	[sflag:s6] =	ssyncset.done $0x0  }
0x22b: {  	[sflag:s6] =	ssyncadd.s32 $0xFFFFF800  }
0x22c: {  	_ =	swait.ge [sflag:s6], $0x800  }
0x22d: {  	[sflag:s6] =	ssyncset.done $0x0  }
0x22e: {  	[sflag:s6] =	ssyncadd.s32 $0xFFFFF800  }
0x22f: {  	_ =	swait.ge [sflag:s6], $0x800  }
0x230: {  	[sflag:s6] =	ssyncset.done $0x0  }
0x231: {  	s31 =	rddreg [dreg:$0x16];
	[sflag:s6] =	ssyncadd.s32 $0xFFFFF800  }
0x232: {  	[spmem:s2] =	stream.indirect.scatter.add.f32 [tilespmem:s7], [sflag:$0x1], $0x10, s31, s8, $0xb8;
	[tilespmem:$0x4400] =	vst v63  }
0x233: {  	s1 =	rddreg [dreg:$0x17]  }
0x234: {  	[spmem:s2] =	stream.indirect.scatter.add.f32 [tilespmem:s7], [sflag:$0x1], $0x10, s1, s8, $0xb8;
	[tilespmem:$0x4400] =	vst v63  }
0x235: {  	s31 =	rddreg [dreg:$0x18]  }
0x236: {  	[spmem:s2] =	stream.indirect.scatter.add.f32 [tilespmem:s7], [sflag:$0x1], $0x10, s31, s8, $0xb8;
	[tilespmem:$0x4400] =	vst v63  }
0x237: {  	_ = 	snop  }
0x238: {  	[spmem:s2] =	stream.indirect.scatter.add.f32 [tilespmem:s7], [sflag:$0x1], $0x10, s26, s8, $0xb8;
	[tilespmem:$0x4400] =	vst v63  }
0x239: {  	_ = 	snop  }
0x23a: {  	[spmem:s2] =	stream.indirect.scatter.add.f32 [tilespmem:s7], [sflag:$0x1], $0x10, s28, s8, $0xb8;
	[tilespmem:$0x4400] =	vst v63  }
0x23b: {  	_ = 	snop  }
0x23c: {  	[spmem:s2] =	stream.indirect.scatter.add.f32 [tilespmem:s7], [sflag:$0x1], $0x10, s29, s8, $0xb8;
	[tilespmem:$0x4400] =	vst v63  }
0x23d: {  	_ = 	snop  }
0x23e: {  	[spmem:s2] =	stream.indirect.scatter.add.f32 [tilespmem:s7], [sflag:$0x1], $0x10, s30, s8, $0xb8;
	[tilespmem:$0x4400] =	vst v63  }
0x23f: {  	_ = 	snop  }
0x240: {  	[spmem:s2] =	stream.indirect.scatter.add.f32 [tilespmem:s7], [sflag:$0x1], $0x10, s17, s8, $0xb8;
	[tilespmem:$0x4400] =	vst v63  }
0x241: {  	_ =	swait.ge [sflag:s6], $0x800  }
0x242: {  	[sflag:s6] =	ssyncset.done $0x0  }
0x243: {  	[sflag:s6] =	ssyncadd.s32 $0xFFFFF800  }
0x244: {  	_ =	swait.ge [sflag:s6], $0x800  }
0x245: {  	[sflag:s6] =	ssyncset.done $0x0  }
0x246: {  	[sflag:s6] =	ssyncadd.s32 $0xFFFFF800  }
0x247: {  	_ =	swait.ge [sflag:s6], $0x800  }
0x248: {  	[sflag:s6] =	ssyncset.done $0x0  }
0x249: {  	[sflag:s6] =	ssyncadd.s32 $0xFFFFF800  }
0x24a: {  	_ =	swait.ge [sflag:s6], $0x800  }
0x24b: {  	[sflag:s6] =	ssyncset.done $0x0  }
0x24c: {  	[sflag:s6] =	ssyncadd.s32 $0xFFFFF800  }
0x24d: {  	_ =	swait.ge [sflag:s6], $0x800  }
0x24e: {  	[sflag:s6] =	ssyncset.done $0x0  }
0x24f: {  	[sflag:s6] =	ssyncadd.s32 $0xFFFFF800  }
0x250: {  	_ =	swait.ge [sflag:s6], $0x800  }
0x251: {  	[sflag:s6] =	ssyncset.done $0x0  }
0x252: {  	[sflag:s6] =	ssyncadd.s32 $0xFFFFF800  }
0x253: {  	_ =	swait.ge [sflag:s6], $0x800  }
0x254: {  	[sflag:s6] =	ssyncset.done $0x0  }
0x255: {  	[sflag:s6] =	ssyncadd.s32 $0xFFFFF800  }
0x256: {  	_ =	swait.ge [sflag:s6], $0x800  }
0x257: {  	[sflag:s6] =	ssyncset.done $0x0  }
0x258: {  	[sflag:s6] =	ssyncadd.s32 $0xFFFFF800  }
0x259: {  	[spmem:s2] =	stream.indirect.scatter.add.f32 [tilespmem:s7], [sflag:$0x1], $0x10, s18, s8, $0xb8;
	[tilespmem:$0x4400] =	vst v63  }
0x25a: {  	_ = 	snop  }
0x25b: {  	[spmem:s2] =	stream.indirect.scatter.add.f32 [tilespmem:s7], [sflag:$0x1], $0x10, s19, s8, $0xb8;
	[tilespmem:$0x4400] =	vst v63  }
0x25c: {  	_ = 	snop  }
0x25d: {  	[spmem:s2] =	stream.indirect.scatter.add.f32 [tilespmem:s7], [sflag:$0x1], $0x10, s20, s8, $0xb8;
	[tilespmem:$0x4400] =	vst v63  }
0x25e: {  	_ = 	snop  }
0x25f: {  	[spmem:s2] =	stream.indirect.scatter.add.f32 [tilespmem:s7], [sflag:$0x1], $0x10, s21, s8, $0xb8;
	[tilespmem:$0x4400] =	vst v63  }
0x260: {  	_ = 	snop  }
0x261: {  	[spmem:s2] =	stream.indirect.scatter.add.f32 [tilespmem:s7], [sflag:$0x1], $0x10, s22, s8, $0xb8;
	[tilespmem:$0x4400] =	vst v63  }
0x262: {  	_ = 	snop  }
0x263: {  	[spmem:s2] =	stream.indirect.scatter.add.f32 [tilespmem:s7], [sflag:$0x1], $0x10, s23, s8, $0xb8;
	[tilespmem:$0x4400] =	vst v63  }
0x264: {  	_ = 	snop  }
0x265: {  	[spmem:s2] =	stream.indirect.scatter.add.f32 [tilespmem:s7], [sflag:$0x1], $0x10, s24, s8, $0xb8;
	[tilespmem:$0x4400] =	vst v63  }
0x266: {  	_ = 	snop  }
0x267: {  	[spmem:s2] =	stream.indirect.scatter.add.f32 [tilespmem:s7], [sflag:$0x1], $0x10, s25, s8, $0xb8;
	[tilespmem:$0x4400] =	vst v63  }
0x268: {  	_ =	swait.ge [sflag:s6], $0x800  }
0x269: {  	[sflag:s6] =	ssyncset.done $0x0  }
0x26a: {  	[sflag:s6] =	ssyncadd.s32 $0xFFFFF800  }
0x26b: {  	_ =	swait.ge [sflag:s6], $0x800  }
0x26c: {  	[sflag:s6] =	ssyncset.done $0x0  }
0x26d: {  	[sflag:s6] =	ssyncadd.s32 $0xFFFFF800  }
0x26e: {  	_ =	swait.ge [sflag:s6], $0x800  }
0x26f: {  	[sflag:s6] =	ssyncset.done $0x0  }
0x270: {  	[sflag:s6] =	ssyncadd.s32 $0xFFFFF800  }
0x271: {  	_ =	swait.ge [sflag:s6], $0x800  }
0x272: {  	[sflag:s6] =	ssyncset.done $0x0  }
0x273: {  	[sflag:s6] =	ssyncadd.s32 $0xFFFFF800  }
0x274: {  	_ =	swait.ge [sflag:s6], $0x800  }
0x275: {  	[sflag:s6] =	ssyncset.done $0x0  }
0x276: {  	[sflag:s6] =	ssyncadd.s32 $0xFFFFF800  }
0x277: {  	_ =	swait.ge [sflag:s6], $0x800  }
0x278: {  	[sflag:s6] =	ssyncset.done $0x0  }
0x279: {  	[sflag:s6] =	ssyncadd.s32 $0xFFFFF800  }
0x27a: {  	_ =	swait.ge [sflag:s6], $0x800  }
0x27b: {  	[sflag:s6] =	ssyncset.done $0x0  }
0x27c: {  	[sflag:s6] =	ssyncadd.s32 $0xFFFFF800  }
0x27d: {  	_ =	swait.ge [sflag:s6], $0x800  }
0x27e: {  	[sflag:s6] =	ssyncset.done $0x0  }
0x27f: {  	[sflag:s6] =	ssyncadd.s32 $0xFFFFF800  }
0x280: {  	[spmem:s2] =	stream.indirect.scatter.add.f32 [tilespmem:s7], [sflag:$0x1], $0x10, s10, s8, $0xb8;
	[tilespmem:$0x4400] =	vst v63  }
0x281: {  	_ = 	snop  }
0x282: {  	[spmem:s2] =	stream.indirect.scatter.add.f32 [tilespmem:s7], [sflag:$0x1], $0x10, s11, s8, $0xb8;
	[tilespmem:$0x4400] =	vst v63  }
0x283: {  	_ = 	snop  }
0x284: {  	[spmem:s2] =	stream.indirect.scatter.add.f32 [tilespmem:s7], [sflag:$0x1], $0x10, s12, s8, $0xb8;
	[tilespmem:$0x4400] =	vst v63  }
0x285: {  	_ = 	snop  }
0x286: {  	[spmem:s2] =	stream.indirect.scatter.add.f32 [tilespmem:s7], [sflag:$0x1], $0x10, s13, s8, $0xb8;
	[tilespmem:$0x4400] =	vst v63  }
0x287: {  	_ = 	snop  }
0x288: {  	[spmem:s2] =	stream.indirect.scatter.add.f32 [tilespmem:s7], [sflag:$0x1], $0x10, s14, s8, $0xb8;
	[tilespmem:$0x4400] =	vst v63  }
0x289: {  	_ = 	snop  }
0x28a: {  	[spmem:s2] =	stream.indirect.scatter.add.f32 [tilespmem:s7], [sflag:$0x1], $0x10, s15, s8, $0xb8;
	[tilespmem:$0x4400] =	vst v63  }
0x28b: {  	_ = 	snop  }
0x28c: {  	[spmem:s2] =	stream.indirect.scatter.add.f32 [tilespmem:s7], [sflag:$0x1], $0x10, s16, s8, $0xb8;
	[tilespmem:$0x4400] =	vst v63  }
0x28d: {  	s30 =	simm.s32 $0x1380  }
0x28e: {  	[spmem:s2] =	stream.indirect.scatter.add.f32 [tilespmem:s7], [sflag:$0x1], $0x10, s30, s8, $0xb8;
	[tilespmem:$0x4400] =	vst v63  }
0x28f: {  	_ =	swait.ge [sflag:s6], $0x800  }
0x290: {  	[sflag:s6] =	ssyncset.done $0x0  }
0x291: {  	[sflag:s6] =	ssyncadd.s32 $0xFFFFF800  }
0x292: {  	_ =	swait.ge [sflag:s6], $0x800  }
0x293: {  	[sflag:s6] =	ssyncset.done $0x0  }
0x294: {  	[sflag:s6] =	ssyncadd.s32 $0xFFFFF800  }
0x295: {  	_ =	swait.ge [sflag:s6], $0x800  }
0x296: {  	[sflag:s6] =	ssyncset.done $0x0  }
0x297: {  	[sflag:s6] =	ssyncadd.s32 $0xFFFFF800  }
0x298: {  	_ =	swait.ge [sflag:s6], $0x800  }
0x299: {  	[sflag:s6] =	ssyncset.done $0x0  }
0x29a: {  	[sflag:s6] =	ssyncadd.s32 $0xFFFFF800  }
0x29b: {  	_ =	swait.ge [sflag:s6], $0x800  }
0x29c: {  	[sflag:s6] =	ssyncset.done $0x0  }
0x29d: {  	[sflag:s6] =	ssyncadd.s32 $0xFFFFF800  }
0x29e: {  	_ =	swait.ge [sflag:s6], $0x800  }
0x29f: {  	[sflag:s6] =	ssyncset.done $0x0  }
0x2a0: {  	[sflag:s6] =	ssyncadd.s32 $0xFFFFF800  }
0x2a1: {  	_ =	swait.ge [sflag:s6], $0x800  }
0x2a2: {  	[sflag:s6] =	ssyncset.done $0x0  }
0x2a3: {  	[sflag:s6] =	ssyncadd.s32 $0xFFFFF800  }
0x2a4: {  	_ =	swait.ge [sflag:s6], $0x800  }
0x2a5: {  	[sflag:s6] =	ssyncset.done $0x0  }
0x2a6: {  	[sflag:s6] =	ssyncadd.s32 $0xFFFFF800  }
0x2a7: {  	[bflag:$0x0] =	sbarrier.arrive $0xFFFF  }
0x2a8: {  	s31 =	rddreg [dreg:$0x7]  }
0x2a9: {  	[hbm:s31], [sflag:s3] =	dma.local [spmem:s4], $0x500  }
0x2aa: {  	_ =	swait.ge [sflag:s5], $0x500  }
0x2ab: {  	[sflag:s5] =	ssyncset.done $0x0  }
0x2ac: {  	[sflag:s5] =	ssyncadd.s32 $0xFFFFFB00  }
0x2ad: {  	_ =	sfence.sel $0x180000  }
0x2ae: {  	[bflag:$0x0] =	sbarrier.arrive $0xFFFF  }
0x2af: {  	_ =	strace $0x90000047  }
0x2b0: {  	[bflag:$0x2] =	sbarrier.arrive $0xFFFF  }
0x2b1: {  	p0 =	sne.s32 s9, $0x0;
	s0 =	rddreg [dreg:$0x3]  }
0x2b2: {  	s0 =	sadd.s32 @!p0 $0x100000, s0  }
0x2b3: {  	[sflag:s0] =	ssyncadd.tile.s32 @!p0 $0x1;
	_ =	shalt  }
.LBB2_1:
0x2b4: {  	s17 =	simm.s32 $0xB80;
	s30 =	simm.s32 $0xB00;
	s29 =	simm.s32 $0xA80  }
0x2b5: {  	s28 =	simm.s32 $0xA00;
	s26 =	simm.s32 $0x980;
	s25 =	simm.s32 $0xF80  }
.Ltmp3:
0x2b6: {  	s24 =	simm.s32 $0xF00;
	s23 =	simm.s32 $0xE80;
	(pc) =	sbr.rel .LBB2_6-.Ltmp3, $4  }
0x2b7: {  	s22 =	simm.s32 $0xE00;
	s21 =	simm.s32 $0xD80;
	s20 =	simm.s32 $0xD00  }
0x2b8: {  	s19 =	simm.s32 $0xC80;
	s18 =	simm.s32 $0xC00;
	s16 =	simm.s32 $0x1300  }
0x2b9: {  	s15 =	simm.s32 $0x1280;
	s14 =	simm.s32 $0x1200;
	s13 =	simm.s32 $0x1180  }
0x2ba: {  	s12 =	simm.s32 $0x1100;
	s11 =	simm.s32 $0x1080;
	s10 =	simm.s32 $0x1000  }
.LBB2_3:
0x2bb: {  	s17 =	simm.s32 $0xB80  }
0x2bc: {  	s30 =	simm.s32 $0xB00;
	s29 =	simm.s32 $0xA80;
	s28 =	simm.s32 $0xA00  }
0x2bd: {  	s26 =	simm.s32 $0x980;
	s25 =	simm.s32 $0xF80;
	s24 =	simm.s32 $0xF00  }
.Ltmp4:
0x2be: {  	s23 =	simm.s32 $0xE80;
	s22 =	simm.s32 $0xE00;
	(pc) =	sbr.rel .LBB2_6-.Ltmp4, $4  }
0x2bf: {  	s21 =	simm.s32 $0xD80;
	s20 =	simm.s32 $0xD00;
	s19 =	simm.s32 $0xC80  }
0x2c0: {  	s18 =	simm.s32 $0xC00;
	s16 =	simm.s32 $0x1300;
	s15 =	simm.s32 $0x1280  }
0x2c1: {  	s14 =	simm.s32 $0x1200;
	s13 =	simm.s32 $0x1180;
	s12 =	simm.s32 $0x1100  }
0x2c2: {  	s11 =	simm.s32 $0x1080;
	s10 =	simm.s32 $0x1000;
	s9 =	stileid.u32  }
.Lfunc_end2:
_tile_overlayer_lowered:
.L_overlay_start_2:
0x2c3: {  	(tag) =	ssettag $0x2  }
0x2c4: {  	s0 =	rddreg [dreg:$0x0];
	s2 =	stileid.u32  }
0x2c5: {  	s1 =	rddreg [dreg:$0x1];
	p0 =	sne.s32 s2, $0x0  }
0x2c6: {  	s3 =	rddreg [dreg:$0x2];
	[bflag:$0x3] =	sbarrier.arrive $0xFFFF;
	s2 =	simm.s32 @!p0 $0x1C02  }
0x2c7: {  	[timem:s3], [sflag:s2] =	dma.local @!p0 [hbm:s0], s1  }
0x2c8: {  	s0 =	simm.s32 @!p0 $0x2  }
0x2c9: {  	_ =	swait.ge @!p0 [sflag:s0], s1  }
0x2ca: {  	s1 =	ssub.s32 @!p0 $0x0, s1;
	[sflag:s0] =	ssyncset.done @!p0 $0x0  }
0x2cb: {  	[sflag:s0] =	ssyncadd.s32 @!p0 s1  }
0x2cc: {  	[bflag:$0x3] =	sbarrier.arrive $0xFFFF  }
0x2cd: {  	_ =	shalt  }

// kernel: kernel.9.cloned.1.call-start
scs
__scs_entry_jumppad:
0x0: {  	(pc) =	sbr.rel $0x88, $3  }
0x1: {  	(tag) =	ssettag $0x0;
	lr =	simm.s32 $0x1  }
0x2: {  	[smem:$0x3F96] =	sst lr;
	_ =	strace $0xD0000000  }
0x3: {  	_ = 	snop  }
0x4: {  	_ = 	snop  }
0x5: {  	_ = 	snop  }
0x6: {  	_ = 	snop  }
0x7: {  	_ = 	snop  }
__scs_overlays_trampoline_lowered:
0x8: {  	[smem:$0x3FA5] =	sst s0  }
0x9: {  	[smem:$0x3FA6] =	sst s1  }
0xa: {  	[smem:$0x3FA7] =	sst s2  }
0xb: {  	[smem:$0x3FA8] =	sst s3  }
0xc: {  	[smem:$0x3FA9] =	sst s4  }
0xd: {  	[smem:$0x3FAA] =	sst s5  }
0xe: {  	[smem:$0x3FAB] =	sst s6  }
0xf: {  	[smem:$0x3FAC] =	sst s7  }
0x10: {  	[smem:$0x3FAD] =	sst s8  }
0x11: {  	[smem:$0x3FAE] =	sst s9;
	s0 =	simm.s32 @!p0 $0x0  }
0x12: {  	s1 =	sld [smem:$0x3F94];
	s0 =	simm.s32 @p0 $0x1  }
0x13: {  	[smem:$0x3FAF] =	sst s0;
	s0 =	simm.s32 @!p1 $0x0  }
0x14: {  	s2 =	sld [smem:$0x3F93];
	s0 =	simm.s32 @p1 $0x1  }
0x15: {  	[smem:$0x3FB0] =	sst s0;
	s0 =	simm.s32 @!p2 $0x0  }
0x16: {  	s3 =	sld [smem:$0x3FDB];
	s0 =	simm.s32 @p2 $0x1  }
0x17: {  	s4 =	simm.s32 $0x1BF5;
	[smem:$0x3FB2] =	sst s0  }
0x18: {  	s0 =	sld [smem:$0x3F95];
	_ =	swait.ge [sflag:s4], $0x0  }
0x19: {  	s7 =	sld [smem:$0x3F96]  }
0x1a: {  	s8 =	sadd.s32 $0xFFFFE003, lr  }
0x1b: {  	s9 =	sadd.s32 $0xFFFFFEF7, lr;
	s5 =	simm.s32 $0xFFFFFFFF;
	p2 =	slt.u32 s8, $0xFFFFF086  }
0x1c: {  	p1 =	slt.u32 s9, $0xF7A;
	s5 =	simm.s32 @!p2 $0x0  }
0x1d: {  	s5 =	simm.s32 @p1 $0x1;
	p0 =	seq.s32 s7, s2  }
0x1e: {  	s7 =	smul.u32 @!p0 $0xF7A, s2;
	p2 =	seq.s32 @!p0 s5, $0x0  }
0x1f: {  	s9 =	smul.u32 $0xF7A, s1;
	s8 =	simm.s32 @!p0 $0x1BF5;
	p2 =	por !p2, p0  }
0x20: {  	[sflag:s8] =	ssyncset.s32 @!p0 $0xFFFFF086;
	s6 =	sadd.s32 @!p0 s3, s7;
	s7 =	simm.s32 @!p0 $0x108  }
0x21: {  	s3 =	sadd.s32 s3, s9;
	s6 =	sadd.s32 @!p0 $0x88, s6;
	s7 =	simm.s32 @p2 $0x1082  }
0x22: {  	[simem:s7], [sflag:s8] =	dma.local @!p0 [hbm:s6], $0xF7A  }
0x23: {  	s9 =	sor.u32 $0xD0000000, s2;
	s6 =	simm.s32 $0x108;
	_ =	swait.ge @!p0 [sflag:s8], $0x0  }
0x24: {  	s3 =	sadd.s32 $0x88, s3;
	s6 =	simm.s32 @!p1 $0x1082;
	[sflag:s4] =	ssyncset.s32 $0xFFFFF086  }
0x25: {  	[simem:s6], [sflag:s4] =	dma.local [hbm:s3], $0xF7A  }
0x26: {  	[smem:$0x3F96] =	sst s1;
	(tag) =	ssettag s2;
	_ =	strace s9  }
0x27: {  	s1 =	sld [smem:$0x3FA6]  }
0x28: {  	s2 =	sld [smem:$0x3FA7]  }
0x29: {  	s4 =	sld [smem:$0x3FA9]  }
0x2a: {  	p0 =	seq.s32 s5, $0x0;
	s5 =	sld [smem:$0x3FAA]  }
0x2b: {  	s6 =	sld [smem:$0x3FAB]  }
0x2c: {  	s7 =	sld [smem:$0x3FAC]  }
0x2d: {  	s3 =	simm.s32 $0x108;
	s8 =	sld [smem:$0x3FAD]  }
0x2e: {  	s3 =	simm.s32 @!p0 $0x1082;
	s9 =	sld [smem:$0x3FAE]  }
0x2f: {  	lr =	sadd.s32 s0, s3;
	s0 =	sld [smem:$0x3FA5]  }
0x30: {  	s3 =	sld [smem:$0x3FA8]  }
0x31: {  	[smem:$0x3FB1] =	sst s10  }
0x32: {  	s10 =	sld [smem:$0x3FAF];
	_ =	sdelay $0x3  }
0x33: {  	p0 =	seq.s32 s10, $0x1;
	s10 =	sld [smem:$0x3FB1];
	_ =	sdelay $0x3  }
0x34: {  	[smem:$0x3FB1] =	sst s10  }
0x35: {  	s10 =	sld [smem:$0x3FB0];
	_ =	sdelay $0x3  }
0x36: {  	p1 =	seq.s32 s10, $0x1;
	s10 =	sld [smem:$0x3FB1];
	_ =	sdelay $0x3  }
0x37: {  	[smem:$0x3FB1] =	sst s10  }
0x38: {  	s10 =	sld [smem:$0x3FB2]  }
0x39: {  	_ = 	snop;
	(pc) =	sbr.ind lr, $3  }
0x3a: {  	_ = 	snop  }
0x3b: {  	_ = 	snop  }
0x3c: {  	p2 =	seq.s32 s10, $0x1;
	s10 =	sld [smem:$0x3FB1]  }
0x3d: {  	_ =	shalt  }
0x3e: {  	_ =	shalt  }
0x3f: {  	_ =	shalt  }
0x40: {  	_ =	shalt  }
0x41: {  	_ =	shalt  }
0x42: {  	_ =	shalt  }
0x43: {  	_ =	shalt  }
0x44: {  	_ =	shalt  }
0x45: {  	_ =	shalt  }
0x46: {  	_ =	shalt  }
0x47: {  	_ =	shalt  }
0x48: {  	_ =	shalt  }
0x49: {  	_ =	shalt  }
0x4a: {  	_ =	shalt  }
0x4b: {  	_ =	shalt  }
0x4c: {  	_ =	shalt  }
0x4d: {  	_ =	shalt  }
0x4e: {  	_ =	shalt  }
0x4f: {  	_ =	shalt  }
0x50: {  	_ =	shalt  }
0x51: {  	_ =	shalt  }
0x52: {  	_ =	shalt  }
0x53: {  	_ =	shalt  }
0x54: {  	_ =	shalt  }
0x55: {  	_ =	shalt  }
0x56: {  	_ =	shalt  }
0x57: {  	_ =	shalt  }
0x58: {  	_ =	shalt  }
0x59: {  	_ =	shalt  }
0x5a: {  	_ =	shalt  }
0x5b: {  	_ =	shalt  }
0x5c: {  	_ =	shalt  }
0x5d: {  	_ =	shalt  }
0x5e: {  	_ =	shalt  }
0x5f: {  	_ =	shalt  }
0x60: {  	_ =	shalt  }
0x61: {  	_ =	shalt  }
0x62: {  	_ =	shalt  }
0x63: {  	_ =	shalt  }
0x64: {  	_ =	shalt  }
0x65: {  	_ =	shalt  }
0x66: {  	_ =	shalt  }
0x67: {  	_ =	shalt  }
0x68: {  	_ =	shalt  }
0x69: {  	_ =	shalt  }
0x6a: {  	_ =	shalt  }
0x6b: {  	_ =	shalt  }
0x6c: {  	_ =	shalt  }
0x6d: {  	_ =	shalt  }
0x6e: {  	_ =	shalt  }
0x6f: {  	_ =	shalt  }
0x70: {  	_ =	shalt  }
0x71: {  	_ =	shalt  }
0x72: {  	_ =	shalt  }
0x73: {  	_ =	shalt  }
0x74: {  	_ =	shalt  }
0x75: {  	_ =	shalt  }
0x76: {  	_ =	shalt  }
0x77: {  	_ =	shalt  }
0x78: {  	_ =	shalt  }
0x79: {  	_ =	shalt  }
0x7a: {  	_ =	shalt  }
0x7b: {  	_ =	shalt  }
0x7c: {  	_ =	shalt  }
0x7d: {  	_ =	shalt  }
0x7e: {  	_ =	shalt  }
0x7f: {  	_ =	shalt  }
0x80: {  	_ =	shalt  }
0x81: {  	_ =	shalt  }
0x82: {  	_ =	shalt  }
0x83: {  	_ =	shalt  }
0x84: {  	_ =	shalt  }
0x85: {  	_ =	shalt  }
0x86: {  	_ =	shalt  }
0x87: {  	_ =	shalt  }
.Lfunc_end0:
.L_simem_size_0:
called_computation.1_lowered:
.L_overlay_start_0:
0x88: {  	s2 =	sld [smem:$0x3FD9]  }
0x89: {  	s3 =	sld [smem:$0x3FFE];
	_ =	sdelay $0x1  }
0x8a: {  	s1 =	srdreg.scid  }
0x8b: {  	s0 =	sand.u32 $0x1, s1  }
0x8c: {  	s17 =	sshll.u32 s0, $0xA;
	s2 =	sadd.s32 s3, s2  }
0x8d: {  	s2 =	sadd.s32 s2, s17  }
0x8e: {  	[smem:$0x3FBD] =	sst s2  }
0x8f: {  	_ = 	snop  }
0x90: {  	s2 =	sld [smem:$0x3FC7];
	(tm) =	ssettm $0x1  }
0x91: {  	s18 =	sld [smem:$0x3FFB];
	_ =	sdelay $0x3  }
0x92: {  	_ =	strace s18  }
0x93: {  	s3 =	sld [smem:$0x3FFC];
	_ =	sdelay $0x3  }
0x94: {  	_ =	strace s3  }
0x95: {  	s3 =	sld [smem:$0x3FFD];
	_ =	sdelay $0x3  }
0x96: {  	_ =	strace s3  }
0x97: {  	_ =	strace $0x8FFFFFFF  }
0x98: {  	s19 =	sld [smem:$0x3FDB];
	_ =	sdelay $0x1  }
0x99: {  	s4 =	simm.s32 $_scs_section_size  }
0x9a: {  	s5 =	simm.s32 $_size__tile_overlayer_lowered;
	s6 =	simm.s32 $_tile_overlayer_lowered  }
0x9b: {  	s22 =	simm.s32 $0x1BFF;
	s21 =	sshll.u32 s6, $0x1;
	s3 =	sadd.s32 s4, s19  }
0x9c: {  	s7 =	simm.s32 $0x0;
	s20 =	sshll.u32 s5, $0x1;
	s5 =	sadd.s32 s21, s3  }
0x9d: {  	[timem:s7], [sflag:s22] =	dma.local [hbm:s5], s20  }
0x9e: {  	_ =	swait.ge [sflag:s22], s20  }
0x9f: {  	s4 =	ssub.s32 $0x0, s20;
	[sflag:s22] =	ssyncset.done $0x0  }
0xa0: {  	[sflag:s22] =	ssyncadd.s32 s4;
	_ =	sdelay $0x1  }
0xa1: {  	s23 =	simm.s32 $0x1B8B  }
0xa2: {  	_ =	swait.ge [sflag:s23], $0x1  }
0xa3: {  	[sflag:s23] =	ssyncset.done $0x0  }
0xa4: {  	s25 =	simm.s32 $0x1B8E;
	s24 =	sld [smem:$0x3FFE];
	[sflag:s23] =	ssyncadd.s32 $0xFFFFFFFF  }
0xa5: {  	s26 =	simm.s32 $execute0_lowered;
	[smem:$0x3FD2] =	sst s25  }
0xa6: {  	s5 =	sshll.u32 s26, $0x1;
	_ =	strace $0x80000049;
	[dreg:$0x1] =	wrdreg $0xFFFFFFFF  }
0xa7: {  	s28 =	simm.s32 $_size_execute0_lowered;
	s3 =	sadd.s32 s3, s5;
	[dreg:$0x0] =	wrdreg $0x0  }
0xa8: {  	s5 =	sshll.u32 s28, $0x1;
	[dreg:$0x2] =	wrdreg s3  }
0xa9: {  	[dreg:$0x3] =	wrdreg s5  }
0xaa: {  	[dreg:$0x4] =	wrdreg $0xC0  }
0xab: {  	_ =	task [dreg:s7], $0x5FFFF  }
0xac: {  	[dreg:$0x1] =	wrdreg $0xFFFFFFFF  }
0xad: {  	[dreg:$0x0] =	wrdreg $0x60  }
0xae: {  	[dreg:$0x2] =	wrdreg s24  }
0xaf: {  	[dreg:$0x3] =	wrdreg s2  }
0xb0: {  	[dreg:$0x4] =	wrdreg $0x146200  }
0xb1: {  	[dreg:$0x5] =	wrdreg $0x9  }
0xb2: {  	_ =	task.clear_ibuf [dreg:s7], $0x6FFFF;
	_ =	strace $0x90000049  }
0xb3: {  	s29 =	simm.s32 $0x9;
	_ =	strace $0x8000004B  }
0xb4: {  	_ =	swait.ge [sflag:s29], $0x1  }
0xb5: {  	[sflag:s29] =	ssyncadd.s32 $0xFFFFFFFF  }
0xb6: {  	_ =	strace $0x9000004B  }
0xb7: {  	_ =	sfence  }
0xb8: {  	s30 =	sld [smem:$0x0];
	_ =	sdelay $0x2  }
0xb9: {  	s31 =	sshll.u32 s1, $0xD;
	s1 =	sshrl.u32 s1, $0x2  }
0xba: {  	s3 =	sand.u32 $0x4000, s31;
	s1 =	sadd.s32 s1, s30  }
0xbb: {  	s0 =	sor.u32 s3, s0;
	s1 =	sshll.u32 s1, $0x11  }
0xbc: {  	s0 =	sor.u32 s1, s0  }
0xbd: {  	s0 =	sadd.s32 $0x8F2B, s0  }
0xbe: {  	[sflag:s0] =	ssyncadd.remote.s32 $0x1  }
0xbf: {  	_ =	sfence.sel $0xFFFF  }
0xc0: {  	[dreg:$0x0] =	wrdreg $0xFFFFFFFF;
	(pc) =	sbr.abs _section_cstart, $3  }
0xc1: {  	[dreg:$0x1] =	wrdreg $0xFFFFFFFF  }
0xc2: {  	_ =	task.clear_ibuf [dreg:s7], $0x2FFFF;
	_ =	strace $0x9FFFFFFF  }
0xc3: {  	(tm) =	ssettm $0x7FFFFFFF  }
tec
execute0_lowered:
.L_overlay_start_1:
0x0: {  	(tag) =	ssettag $0x1  }
0x1: {  	s0 =	rddreg [dreg:$0x0]  }
0x2: {  	s3 =	rddreg [dreg:$0x2]  }
0x3: {  	s4 =	simm.s32 $0x0;
	s12 =	stileid.u32;
	s9 =	srdreg.scid  }
0x4: {  	s29 =	simm.s32 $0xF800;
	s30 =	simm.s32 $0x11F10;
	s31 =	simm.s32 $0x2  }
0x5: {  	[smem:$0x7FF] =	sst s4;
	s1 =	smul.u32 $0x500, s12;
	s5 =	sadd.s32 $0x87200, s0  }
0x6: {  	s6 =	sadd.s32 $0x73800, s0;
	s2 =	smul.u32 $0x280, s12;
	s7 =	sadd.s32 $0x5FE00, s0  }
0x7: {  	s8 =	sadd.s32 $0x4C400, s0;
	s17 =	smul.u32 $0x2800, s12;
	s10 =	sadd.s32 $0x1C00, s0  }
0x8: {  	s11 =	sadd.s32 $0x2200, s0;
	s16 =	sadd.s32 $0xC2C00, s0;
	_ =	strace $0x8000004A  }
0x9: {  	[dreg:$0x5] =	wrdreg s10;
	s1 =	sadd.s32 s1, s0;
	s2 =	sadd.s32 s2, s0  }
0xa: {  	s26 =	sadd.s32 s17, s0;
	s0 =	sadd.s32 $0xEAC00, s0;
	[dreg:$0x4] =	wrdreg s17  }
0xb: {  	s28 =	simm.s32 $0x8;
	s23 =	sadd.s32 s16, s17;
	[dreg:$0x6] =	wrdreg s0  }
0xc: {  	s9 =	sand.u32 $0x1, s9;
	s24 =	sor.u32 $0x8, s17;
	[dreg:$0xd] =	wrdreg s23  }
0xd: {  	s14 =	smul.u32 $0x28000, s12;
	s18 =	sadd.s32 $0x47400, s1;
	[dreg:$0xe] =	wrdreg s24  }
0xe: {  	s13 =	ssub.s32 $0x2, s9;
	s1 =	sadd.s32 $0x42400, s1;
	[dreg:$0x7] =	wrdreg s18  }
0xf: {  	p0 =	seq.s32 s9, $0x1;
	s19 =	sadd.s32 $0x9AC00, s26;
	[dreg:$0x8] =	wrdreg s1  }
0x10: {  	s15 =	sshrl.u32 s13, $0x1;
	s20 =	sadd.s32 $0x9AC08, s26;
	[dreg:$0x9] =	wrdreg s19  }
0x11: {  	s17 =	simm.s32 $0x80;
	s21 =	sadd.s32 $0x3D400, s2;
	[dreg:$0xa] =	wrdreg s20  }
0x12: {  	s0 =	ssub.s32 s13, s15;
	s22 =	sadd.s32 $0x3AC00, s2;
	[dreg:$0xb] =	wrdreg s21  }
0x13: {  	v0 =	vlaneseq.u32;
	s15 =	sshrl.u32 s14, $0x2;
	s25 =	sadd.s32 $0x3FC00, s2;
	[dreg:$0xc] =	wrdreg s22  }
.Ltmp0:
0x14: {  	v0 =	vmul.u32 $0x40, v0;
	s26 =	sadd.s32 $0x38400, s2;
	[dreg:$0x10] =	wrdreg s25;
	(pc) =	sbr.rel .LBB2_1-.Ltmp0, $4  }
0x15: {  	s15 =	sadd.s32 s15, s3;
	s1 =	sadd.s32 s16, s24;
	[dreg:$0x11] =	wrdreg s26  }
0x16: {  	v1 =	vor.u32 $0x400, v0;
	s25 =	smax.u32 s0, $0x1;
	s26 =	simm.s32 $0x3;
	s0 =	simm.s32 $0x1  }
0x17: {  	v2 =	vor.u32 $0x800, v0;
	v3 =	vor.u32 $0xC00, v0;
	v4 =	vor.u32 $0x1000, v0;
	s16 =	simm.s32 $0x9800;
	s18 =	simm.s32 $0xB800;
	s19 =	simm.s32 $0xD800  }
0x18: {  	v5 =	vor.u32 $0x1400, v0;
	v6 =	vor.u32 $0x1800, v0;
	v7 =	vor.u32 $0x1C00, v0;
	s20 =	simm.s32 $0x0;
	[dreg:$0xf] =	wrdreg s1;
	s1 =	simm.s32 $0x10  }
.LBB2_25:
0x19: {  	s2 =	rddreg [dreg:$0xe]  }
.LBB2_26:
0x1a: {  	_ =	swait.ge [sflag:s31], $0x2000  }
0x1b: {  	[sflag:s31] =	ssyncset.done $0x0  }
0x1c: {  	[sflag:s31] =	ssyncadd.s32 $0xFFFFE000  }
0x1d: {  	_ =	swait.ge [sflag:s31], $0x2000  }
0x1e: {  	[sflag:s31] =	ssyncset.done $0x0  }
0x1f: {  	s20 =	sadd.s32 $0x1, s20;
	s9 =	rddreg [dreg:$0x6];
	[sflag:s31] =	ssyncadd.s32 $0xFFFFE000  }
0x20: {  	p1 =	sne.s32 s20, s25;
	s2 =	sadd.s32 s9, s2;
	[bflag:$0x0] =	sbarrier.arrive $0xFFFF  }
0x21: {  	[hbm:s2@s1], [sflag:s22] =	dma.strided [spmem:s23@s28], $0x1400, s0, $0x8   }
.Ltmp1:
0x22: {  	_ =	swait.ge [sflag:s26], $0x1400;
	(pc) =	sbr.rel @!p1 .LBB2_27-.Ltmp1, $3  }
0x23: {  	[sflag:s26] =	ssyncset.done $0x0  }
0x24: {  	[sflag:s26] =	ssyncadd.s32 $0xFFFFEC00  }
0x25: {  	[bflag:$0x0] =	sbarrier.arrive $0xFFFF;
	_ =	sdelay $0x1  }
.LBB2_1:
0x26: {  	s2 =	rddreg [dreg:$0x7]  }
0x27: {  	[tilespmem:s4], [sflag:$0x3] =	stream.linear.gather [hbm4b:s2+s4], $0x2800, $0x38;
	[tilespmem:$0x1E620] =	vst v63  }
0x28: {  	_ =	swait.ge [sflag:s26], $0x2800  }
0x29: {  	[sflag:s26] =	ssyncset.done $0x0  }
0x2a: {  	s9 =	simm.s32 $0x2800;
	s21 =	rddreg [dreg:$0x8];
	[sflag:s26] =	ssyncadd.s32 $0xFFFFD800  }
0x2b: {  	[tilespmem:s9], [sflag:$0x3] =	stream.linear.gather [hbm4b:s21+s4], $0x2800, $0x38;
	[tilespmem:$0x1E620] =	vst v63  }
0x2c: {  	_ =	swait.ge [sflag:s26], $0x2800  }
0x2d: {  	[sflag:s26] =	ssyncset.done $0x0  }
0x2e: {  	[sflag:s26] =	ssyncadd.s32 $0xFFFFD800  }
0x2f: {  	s22 =	rddreg [dreg:$0x1]  }
0x30: {  	[tilespmem:s29], [sflag:$0x3] =	stream.linear.gather [hbm4b:s22+s4], $0x2710, $0x38;
	[tilespmem:$0x1E620] =	vst v63  }
0x31: {  	_ =	swait.ge [sflag:s26], $0x2710  }
0x32: {  	[sflag:s26] =	ssyncset.done $0x0  }
0x33: {  	s23 =	rddreg [dreg:$0x5];
	[sflag:s26] =	ssyncadd.s32 $0xFFFFD8F0  }
0x34: {  	[tilespmem:s30], [sflag:$0x3] =	stream.linear.gather [hbm4b:s23+s4], $0x2710, $0x38;
	[tilespmem:$0x1E620] =	vst v63  }
0x35: {  	s24 =	stileid.u32;
	_ =	swait.ge [sflag:s26], $0x2710  }
0x36: {  	s2 =	sshll.u32 s24, $0x6;
	[sflag:s26] =	ssyncset.done $0x0  }
0x37: {  	s22 =	sor.u32 $0x1C03, s2;
	s23 =	sshrl.u32 s15, $0x3;
	[sflag:s26] =	ssyncadd.s32 $0xFFFFD8F0  }
0x38: {  	[spmem:s23], [sflag:s22] =	dma.local [hbm:s11], $0x1400  }
.Ltmp2:
0x39: {  	_ =	swait.ge [sflag:s26], $0x1400;
	(pc) =	sbr.rel @p0 .LBB2_14-.Ltmp2, $4  }
.Ltmp3:
0x3a: {  	[sflag:s26] =	ssyncset.done $0x0;
	(pc) =	sbr.rel @!p0 .LBB2_2-.Ltmp3, $4  }
0x3b: {  	[sflag:s26] =	ssyncadd.s32 $0xFFFFEC00  }
0x3c: {  	s10 =	simm.s32 $0x0;
	s24 =	simm.s32 $0x80;
	[bflag:$0x0] =	sbarrier.arrive $0xFFFF  }
0x3d: {  	s9 =	simm.s32 $0x80;
	s21 =	simm.s32 $0x0;
	s2 =	simm.s32 $0x2880  }
0x3e: {  	_ = 	snop  }
.LBB2_16:
0x3f: {  	s10 =	sadd.s32 $0x1, s10  }
0x40: {  	p1 =	sne.s32 s10, $0x28  }
.Ltmp4:
0x41: {  	_ = 	snop;
	(pc) =	sbr.rel @!p1 .LBB2_17-.Ltmp4, $2  }
0x42: {  	_ =	sdelay $0x2  }
0x43: {  	s24 =	sadd.s32 $0x100, s24;
	s2 =	sadd.s32 $0x100, s2  }
.LBB2_14:
0x44: {  	s9 =	sand.u32 $0x1, s10  }
0x45: {  	p1 =	seq.s32 s9, $0x1  }
0x46: {  	p2 =	slt.u32 @!p1 s10, $0x2  }
0x47: {  	p2 =	por p2, p1  }
0x48: {  	s12 =	simm.s32 @!p2 $0x2  }
0x49: {  	_ =	swait.ge @!p2 [sflag:s12], $0x2000  }
0x4a: {  	[sflag:s12] =	ssyncset.done @!p2 $0x0  }
0x4b: {  	[sflag:s12] =	ssyncadd.s32 @!p2 $0xFFFFE000  }
0x4c: {  	_ =	swait.ge @!p2 [sflag:s12], $0x2000  }
0x4d: {  	s13 =	simm.s32 @!p1 $0x80;
	[sflag:s12] =	ssyncset.done @!p2 $0x0  }
0x4e: {  	s14 =	simm.s32 @!p1 $0x7800;
	[sflag:s12] =	ssyncadd.s32 @!p2 $0xFFFFE000;
	s12 =	sadd.s32 @!p1 $0xFFFFFF80, s24  }
0x4f: {  	[tilespmem:s14], [sflag:$0x1] =	stream.indirect.gather @!p1 [hbm4b:s7+s13], $0x40, s12, s13, $0xb8;
	[tilespmem:$0x1E620] =	vst v63  }
0x50: {  	s21 =	simm.s32 @!p1 $0x1;
	s12 =	simm.s32 @!p1 $0x9800  }
0x51: {  	[tilespmem:s12], [sflag:$0x1] =	stream.indirect.gather @!p1 [hbm4b:s7+s13], $0x40, s24, s13, $0xb8;
	[tilespmem:$0x1E620] =	vst v63  }
0x52: {  	_ =	swait.ge @!p1 [sflag:s21], $0x2000  }
0x53: {  	[sflag:s21] =	ssyncset.done @!p1 $0x0  }
0x54: {  	[sflag:s21] =	ssyncadd.s32 @!p1 $0xFFFFE000  }
0x55: {  	_ =	swait.ge @!p1 [sflag:s21], $0x2000  }
0x56: {  	[sflag:s21] =	ssyncset.done @!p1 $0x0  }
0x57: {  	[sflag:s21] =	ssyncadd.s32 @!p1 $0xFFFFE000;
	s21 =	sadd.s32 @!p1 $0xFFFFFF80, s2  }
0x58: {  	[spmem:s3] =	stream.indirect.scatter.add.f32 @!p1 [tilespmem:s14], [sflag:$0x2], $0x40, s21, s13, $0xb8;
	[tilespmem:$0x1E620] =	vst v63  }
0x59: {  	p2 =	seq.s32 @!p1 s9, $0x0  }
0x5a: {  	[spmem:s3] =	stream.indirect.scatter.add.f32 @!p1 [tilespmem:s12], [sflag:$0x2], $0x40, s2, s13, $0xb8;
	[tilespmem:$0x1E620] =	vst v63  }
0x5b: {  	p1 =	por p1, !p2  }
.Ltmp5:
0x5c: {  	_ = 	snop;
	(pc) =	sbr.rel @!p1 .LBB2_16-.Ltmp5, $1  }
0x5d: {  	_ =	sdelay $0x3  }
0x5e: {  	p1 =	slt.u32 s10, $0x2  }
0x5f: {  	s9 =	simm.s32 @!p1 $0x2  }
0x60: {  	_ =	swait.ge @!p1 [sflag:s9], $0x2000  }
0x61: {  	[sflag:s9] =	ssyncset.done @!p1 $0x0  }
0x62: {  	[sflag:s9] =	ssyncadd.s32 @!p1 $0xFFFFE000  }
0x63: {  	_ =	swait.ge @!p1 [sflag:s9], $0x2000  }
0x64: {  	[sflag:s9] =	ssyncset.done @!p1 $0x0  }
0x65: {  	s14 =	sadd.s32 $0xFFFFFF80, s24;
	[sflag:s9] =	ssyncadd.s32 @!p1 $0xFFFFE000  }
0x66: {  	[tilespmem:s18], [sflag:$0x1] =	stream.indirect.gather [hbm4b:s7+s17], $0x40, s14, s17, $0xb8;
	[tilespmem:$0x1E620] =	vst v63  }
0x67: {  	_ = 	snop  }
0x68: {  	[tilespmem:s19], [sflag:$0x1] =	stream.indirect.gather [hbm4b:s7+s17], $0x40, s24, s17, $0xb8;
	[tilespmem:$0x1E620] =	vst v63  }
0x69: {  	_ =	swait.ge [sflag:s0], $0x2000  }
0x6a: {  	[sflag:s0] =	ssyncset.done $0x0  }
0x6b: {  	[sflag:s0] =	ssyncadd.s32 $0xFFFFE000  }
0x6c: {  	_ =	swait.ge [sflag:s0], $0x2000  }
.Ltmp6:
0x6d: {  	[sflag:s0] =	ssyncset.done $0x0;
	(pc) =	sbr.rel .LBB2_16-.Ltmp6, $4  }
0x6e: {  	s21 =	sadd.s32 $0xFFFFFF80, s2;
	[sflag:s0] =	ssyncadd.s32 $0xFFFFE000  }
0x6f: {  	[spmem:s3] =	stream.indirect.scatter.add.f32 [tilespmem:s18], [sflag:$0x2], $0x40, s21, s17, $0xb8;
	[tilespmem:$0x1E620] =	vst v63  }
0x70: {  	_ = 	snop  }
0x71: {  	[spmem:s3] =	stream.indirect.scatter.add.f32 [tilespmem:s19], [sflag:$0x2], $0x40, s2, s17, $0xb8;
	[tilespmem:$0x1E620] =	vst v63  }
.LBB2_4:
0x72: {  	s21 =	sadd.s32 $0x1, s21  }
0x73: {  	p1 =	sne.s32 s21, $0x28  }
.Ltmp7:
0x74: {  	_ = 	snop;
	(pc) =	sbr.rel @!p1 .LBB2_5-.Ltmp7, $2  }
0x75: {  	_ =	sdelay $0x2  }
0x76: {  	s9 =	sadd.s32 $0x100, s9;
	s2 =	sadd.s32 $0x100, s2  }
.LBB2_2:
0x77: {  	s10 =	sand.u32 $0x1, s21  }
0x78: {  	p1 =	seq.s32 s10, $0x1  }
0x79: {  	p2 =	slt.u32 @!p1 s21, $0x2  }
0x7a: {  	p2 =	por p2, p1  }
0x7b: {  	s24 =	simm.s32 @!p2 $0x2  }
0x7c: {  	_ =	swait.ge @!p2 [sflag:s24], $0x2000  }
0x7d: {  	[sflag:s24] =	ssyncset.done @!p2 $0x0  }
0x7e: {  	[sflag:s24] =	ssyncadd.s32 @!p2 $0xFFFFE000  }
0x7f: {  	_ =	swait.ge @!p2 [sflag:s24], $0x2000  }
0x80: {  	s12 =	simm.s32 @!p1 $0x80;
	[sflag:s24] =	ssyncset.done @!p2 $0x0  }
0x81: {  	s13 =	simm.s32 @!p1 $0x7800;
	[sflag:s24] =	ssyncadd.s32 @!p2 $0xFFFFE000;
	s24 =	sadd.s32 @!p1 $0xFFFFFF80, s9  }
0x82: {  	[tilespmem:s13], [sflag:$0x1] =	stream.indirect.gather @!p1 [hbm4b:s5+s12], $0x40, s24, s12, $0xb8;
	[tilespmem:$0x1E620] =	vst v63  }
0x83: {  	s14 =	simm.s32 @!p1 $0x1;
	s24 =	simm.s32 @!p1 $0x9800  }
0x84: {  	[tilespmem:s24], [sflag:$0x1] =	stream.indirect.gather @!p1 [hbm4b:s5+s12], $0x40, s9, s12, $0xb8;
	[tilespmem:$0x1E620] =	vst v63  }
0x85: {  	_ =	swait.ge @!p1 [sflag:s14], $0x2000  }
0x86: {  	[sflag:s14] =	ssyncset.done @!p1 $0x0  }
0x87: {  	[sflag:s14] =	ssyncadd.s32 @!p1 $0xFFFFE000  }
0x88: {  	_ =	swait.ge @!p1 [sflag:s14], $0x2000  }
0x89: {  	[sflag:s14] =	ssyncset.done @!p1 $0x0  }
0x8a: {  	[sflag:s14] =	ssyncadd.s32 @!p1 $0xFFFFE000;
	s14 =	sadd.s32 @!p1 $0xFFFFFF80, s2  }
0x8b: {  	[spmem:s3] =	stream.indirect.scatter.add.f32 @!p1 [tilespmem:s13], [sflag:$0x2], $0x40, s14, s12, $0xb8;
	[tilespmem:$0x1E620] =	vst v63  }
0x8c: {  	p2 =	seq.s32 @!p1 s10, $0x0  }
0x8d: {  	[spmem:s3] =	stream.indirect.scatter.add.f32 @!p1 [tilespmem:s24], [sflag:$0x2], $0x40, s2, s12, $0xb8;
	[tilespmem:$0x1E620] =	vst v63  }
0x8e: {  	p1 =	por p1, !p2  }
.Ltmp8:
0x8f: {  	_ = 	snop;
	(pc) =	sbr.rel @!p1 .LBB2_4-.Ltmp8, $1  }
0x90: {  	_ =	sdelay $0x3  }
0x91: {  	p1 =	slt.u32 s21, $0x2  }
0x92: {  	s10 =	simm.s32 @!p1 $0x2  }
0x93: {  	_ =	swait.ge @!p1 [sflag:s10], $0x2000  }
0x94: {  	[sflag:s10] =	ssyncset.done @!p1 $0x0  }
0x95: {  	[sflag:s10] =	ssyncadd.s32 @!p1 $0xFFFFE000  }
0x96: {  	_ =	swait.ge @!p1 [sflag:s10], $0x2000  }
0x97: {  	[sflag:s10] =	ssyncset.done @!p1 $0x0  }
0x98: {  	s14 =	sadd.s32 $0xFFFFFF80, s9;
	[sflag:s10] =	ssyncadd.s32 @!p1 $0xFFFFE000  }
0x99: {  	[tilespmem:s18], [sflag:$0x1] =	stream.indirect.gather [hbm4b:s5+s17], $0x40, s14, s17, $0xb8;
	[tilespmem:$0x1E620] =	vst v63  }
0x9a: {  	_ = 	snop  }
0x9b: {  	[tilespmem:s19], [sflag:$0x1] =	stream.indirect.gather [hbm4b:s5+s17], $0x40, s9, s17, $0xb8;
	[tilespmem:$0x1E620] =	vst v63  }
0x9c: {  	_ =	swait.ge [sflag:s0], $0x2000  }
0x9d: {  	[sflag:s0] =	ssyncset.done $0x0  }
0x9e: {  	[sflag:s0] =	ssyncadd.s32 $0xFFFFE000  }
0x9f: {  	_ =	swait.ge [sflag:s0], $0x2000  }
.Ltmp9:
0xa0: {  	[sflag:s0] =	ssyncset.done $0x0;
	(pc) =	sbr.rel .LBB2_4-.Ltmp9, $4  }
0xa1: {  	s24 =	sadd.s32 $0xFFFFFF80, s2;
	[sflag:s0] =	ssyncadd.s32 $0xFFFFE000  }
0xa2: {  	[spmem:s3] =	stream.indirect.scatter.add.f32 [tilespmem:s18], [sflag:$0x2], $0x40, s24, s17, $0xb8;
	[tilespmem:$0x1E620] =	vst v63  }
0xa3: {  	_ = 	snop  }
0xa4: {  	[spmem:s3] =	stream.indirect.scatter.add.f32 [tilespmem:s19], [sflag:$0x2], $0x40, s2, s17, $0xb8;
	[tilespmem:$0x1E620] =	vst v63  }
.LBB2_17:
0xa5: {  	_ =	swait.ge [sflag:s31], $0x2000  }
0xa6: {  	[sflag:s31] =	ssyncset.done $0x0  }
0xa7: {  	[sflag:s31] =	ssyncadd.s32 $0xFFFFE000  }
0xa8: {  	_ =	swait.ge [sflag:s31], $0x2000  }
0xa9: {  	[sflag:s31] =	ssyncset.done $0x0  }
0xaa: {  	[sflag:s31] =	ssyncadd.s32 $0xFFFFE000  }
0xab: {  	_ =	swait.ge [sflag:s31], $0x2000  }
0xac: {  	[sflag:s31] =	ssyncset.done $0x0  }
0xad: {  	[sflag:s31] =	ssyncadd.s32 $0xFFFFE000  }
0xae: {  	_ =	swait.ge [sflag:s31], $0x2000  }
0xaf: {  	[sflag:s31] =	ssyncset.done $0x0  }
0xb0: {  	[sflag:s31] =	ssyncadd.s32 $0xFFFFE000  }
0xb1: {  	[bflag:$0x0] =	sbarrier.arrive $0xFFFF  }
0xb2: {  	s2 =	rddreg [dreg:$0xd]  }
0xb3: {  	[hbm:s2@s1], [sflag:s22] =	dma.strided [spmem:s23@s28], $0x1400, s0, $0x8   }
0xb4: {  	_ =	swait.ge [sflag:s26], $0x1400  }
0xb5: {  	[sflag:s26] =	ssyncset.done $0x0  }
0xb6: {  	[sflag:s26] =	ssyncadd.s32 $0xFFFFEC00  }
0xb7: {  	[bflag:$0x0] =	sbarrier.arrive $0xFFFF  }
0xb8: {  	[spmem:s23], [sflag:s22] =	dma.local [hbm:s11], $0x1400  }
.Ltmp10:
0xb9: {  	_ =	swait.ge [sflag:s26], $0x1400;
	(pc) =	sbr.rel .LBB2_18-.Ltmp10, $4  }
0xba: {  	[sflag:s26] =	ssyncset.done $0x0  }
0xbb: {  	[sflag:s26] =	ssyncadd.s32 $0xFFFFEC00  }
0xbc: {  	[bflag:$0x0] =	sbarrier.arrive $0xFFFF  }
0xbd: {  	s9 =	simm.s32 $0x80;
	s10 =	simm.s32 $0x2880;
	s2 =	simm.s32 $0x0  }
.LBB2_20:
0xbe: {  	s2 =	sadd.s32 $0x1, s2  }
0xbf: {  	p1 =	sne.s32 s2, $0x28  }
.Ltmp11:
0xc0: {  	_ = 	snop;
	(pc) =	sbr.rel @!p1 .LBB2_21-.Ltmp11, $2  }
0xc1: {  	_ =	sdelay $0x2  }
0xc2: {  	s9 =	sadd.s32 $0x100, s9;
	s10 =	sadd.s32 $0x100, s10  }
.LBB2_18:
0xc3: {  	s12 =	sand.u32 $0x1, s2  }
0xc4: {  	p1 =	seq.s32 s12, $0x1  }
0xc5: {  	p2 =	slt.u32 @!p1 s2, $0x2  }
0xc6: {  	p2 =	por p2, p1  }
0xc7: {  	s13 =	simm.s32 @!p2 $0x2  }
0xc8: {  	_ =	swait.ge @!p2 [sflag:s13], $0x2000  }
0xc9: {  	[sflag:s13] =	ssyncset.done @!p2 $0x0  }
0xca: {  	[sflag:s13] =	ssyncadd.s32 @!p2 $0xFFFFE000  }
0xcb: {  	_ =	swait.ge @!p2 [sflag:s13], $0x2000  }
0xcc: {  	s14 =	simm.s32 @!p1 $0x80;
	[sflag:s13] =	ssyncset.done @!p2 $0x0  }
0xcd: {  	s21 =	simm.s32 @!p1 $0x7800;
	[sflag:s13] =	ssyncadd.s32 @!p2 $0xFFFFE000;
	s13 =	sadd.s32 @!p1 $0xFFFFFF80, s9  }
0xce: {  	[tilespmem:s21], [sflag:$0x1] =	stream.indirect.gather @!p1 [hbm4b:s8+s14], $0x40, s13, s14, $0xb8;
	[tilespmem:$0x1E620] =	vst v63  }
0xcf: {  	s24 =	simm.s32 @!p1 $0x1;
	s13 =	simm.s32 @!p1 $0x9800  }
0xd0: {  	[tilespmem:s13], [sflag:$0x1] =	stream.indirect.gather @!p1 [hbm4b:s8+s14], $0x40, s9, s14, $0xb8;
	[tilespmem:$0x1E620] =	vst v63  }
0xd1: {  	_ =	swait.ge @!p1 [sflag:s24], $0x2000  }
0xd2: {  	[sflag:s24] =	ssyncset.done @!p1 $0x0  }
0xd3: {  	[sflag:s24] =	ssyncadd.s32 @!p1 $0xFFFFE000  }
0xd4: {  	_ =	swait.ge @!p1 [sflag:s24], $0x2000  }
0xd5: {  	[sflag:s24] =	ssyncset.done @!p1 $0x0  }
0xd6: {  	[sflag:s24] =	ssyncadd.s32 @!p1 $0xFFFFE000;
	s24 =	sadd.s32 @!p1 $0xFFFFFF80, s10  }
0xd7: {  	[spmem:s3] =	stream.indirect.scatter.add.f32 @!p1 [tilespmem:s21], [sflag:$0x2], $0x40, s24, s14, $0xb8;
	[tilespmem:$0x1E620] =	vst v63  }
0xd8: {  	p2 =	seq.s32 @!p1 s12, $0x0  }
0xd9: {  	[spmem:s3] =	stream.indirect.scatter.add.f32 @!p1 [tilespmem:s13], [sflag:$0x2], $0x40, s10, s14, $0xb8;
	[tilespmem:$0x1E620] =	vst v63  }
0xda: {  	p1 =	por p1, !p2  }
.Ltmp12:
0xdb: {  	_ = 	snop;
	(pc) =	sbr.rel @!p1 .LBB2_20-.Ltmp12, $1  }
0xdc: {  	_ =	sdelay $0x3  }
0xdd: {  	p1 =	slt.u32 s2, $0x2  }
0xde: {  	s12 =	simm.s32 @!p1 $0x2  }
0xdf: {  	_ =	swait.ge @!p1 [sflag:s12], $0x2000  }
0xe0: {  	[sflag:s12] =	ssyncset.done @!p1 $0x0  }
0xe1: {  	[sflag:s12] =	ssyncadd.s32 @!p1 $0xFFFFE000  }
0xe2: {  	_ =	swait.ge @!p1 [sflag:s12], $0x2000  }
0xe3: {  	[sflag:s12] =	ssyncset.done @!p1 $0x0  }
0xe4: {  	s21 =	sadd.s32 $0xFFFFFF80, s9;
	[sflag:s12] =	ssyncadd.s32 @!p1 $0xFFFFE000  }
0xe5: {  	[tilespmem:s18], [sflag:$0x1] =	stream.indirect.gather [hbm4b:s8+s17], $0x40, s21, s17, $0xb8;
	[tilespmem:$0x1E620] =	vst v63  }
0xe6: {  	_ = 	snop  }
0xe7: {  	[tilespmem:s19], [sflag:$0x1] =	stream.indirect.gather [hbm4b:s8+s17], $0x40, s9, s17, $0xb8;
	[tilespmem:$0x1E620] =	vst v63  }
0xe8: {  	_ =	swait.ge [sflag:s0], $0x2000  }
0xe9: {  	[sflag:s0] =	ssyncset.done $0x0  }
0xea: {  	[sflag:s0] =	ssyncadd.s32 $0xFFFFE000  }
0xeb: {  	_ =	swait.ge [sflag:s0], $0x2000  }
.Ltmp13:
0xec: {  	[sflag:s0] =	ssyncset.done $0x0;
	(pc) =	sbr.rel .LBB2_20-.Ltmp13, $4  }
0xed: {  	s24 =	sadd.s32 $0xFFFFFF80, s10;
	[sflag:s0] =	ssyncadd.s32 $0xFFFFE000  }
0xee: {  	[spmem:s3] =	stream.indirect.scatter.add.f32 [tilespmem:s18], [sflag:$0x2], $0x40, s24, s17, $0xb8;
	[tilespmem:$0x1E620] =	vst v63  }
0xef: {  	_ = 	snop  }
0xf0: {  	[spmem:s3] =	stream.indirect.scatter.add.f32 [tilespmem:s19], [sflag:$0x2], $0x40, s10, s17, $0xb8;
	[tilespmem:$0x1E620] =	vst v63  }
.LBB2_5:
0xf1: {  	_ =	swait.ge [sflag:s31], $0x2000  }
0xf2: {  	[sflag:s31] =	ssyncset.done $0x0  }
0xf3: {  	[sflag:s31] =	ssyncadd.s32 $0xFFFFE000  }
0xf4: {  	_ =	swait.ge [sflag:s31], $0x2000  }
0xf5: {  	[sflag:s31] =	ssyncset.done $0x0  }
0xf6: {  	[sflag:s31] =	ssyncadd.s32 $0xFFFFE000  }
0xf7: {  	_ =	swait.ge [sflag:s31], $0x2000  }
0xf8: {  	[sflag:s31] =	ssyncset.done $0x0  }
0xf9: {  	[sflag:s31] =	ssyncadd.s32 $0xFFFFE000  }
0xfa: {  	_ =	swait.ge [sflag:s31], $0x2000  }
0xfb: {  	[sflag:s31] =	ssyncset.done $0x0  }
0xfc: {  	[sflag:s31] =	ssyncadd.s32 $0xFFFFE000  }
0xfd: {  	[bflag:$0x0] =	sbarrier.arrive $0xFFFF  }
0xfe: {  	s2 =	rddreg [dreg:$0x9]  }
0xff: {  	[hbm:s2@s1], [sflag:s22] =	dma.strided [spmem:s23@s28], $0x1400, s0, $0x8   }
0x100: {  	_ =	swait.ge [sflag:s26], $0x1400  }
0x101: {  	[sflag:s26] =	ssyncset.done $0x0  }
0x102: {  	[sflag:s26] =	ssyncadd.s32 $0xFFFFEC00  }
0x103: {  	[bflag:$0x0] =	sbarrier.arrive $0xFFFF  }
0x104: {  	[spmem:s23], [sflag:s22] =	dma.local [hbm:s11], $0x1400  }
.Ltmp14:
0x105: {  	_ =	swait.ge [sflag:s26], $0x1400;
	(pc) =	sbr.rel .LBB2_6-.Ltmp14, $4  }
0x106: {  	[sflag:s26] =	ssyncset.done $0x0  }
0x107: {  	[sflag:s26] =	ssyncadd.s32 $0xFFFFEC00  }
0x108: {  	[bflag:$0x0] =	sbarrier.arrive $0xFFFF  }
0x109: {  	s9 =	simm.s32 $0x80;
	s10 =	simm.s32 $0x2880;
	s2 =	simm.s32 $0x0  }
.LBB2_8:
0x10a: {  	s2 =	sadd.s32 $0x1, s2  }
0x10b: {  	p1 =	sne.s32 s2, $0x28  }
.Ltmp15:
0x10c: {  	_ = 	snop;
	(pc) =	sbr.rel @!p1 .LBB2_9-.Ltmp15, $2  }
0x10d: {  	_ =	sdelay $0x2  }
0x10e: {  	s9 =	sadd.s32 $0x100, s9;
	s10 =	sadd.s32 $0x100, s10  }
.LBB2_6:
0x10f: {  	s12 =	sand.u32 $0x1, s2  }
0x110: {  	p1 =	seq.s32 s12, $0x1  }
0x111: {  	p2 =	slt.u32 @!p1 s2, $0x2  }
0x112: {  	p2 =	por p2, p1  }
0x113: {  	s13 =	simm.s32 @!p2 $0x2  }
0x114: {  	_ =	swait.ge @!p2 [sflag:s13], $0x2000  }
0x115: {  	[sflag:s13] =	ssyncset.done @!p2 $0x0  }
0x116: {  	[sflag:s13] =	ssyncadd.s32 @!p2 $0xFFFFE000  }
0x117: {  	_ =	swait.ge @!p2 [sflag:s13], $0x2000  }
0x118: {  	s14 =	simm.s32 @!p1 $0x80;
	[sflag:s13] =	ssyncset.done @!p2 $0x0  }
0x119: {  	s21 =	simm.s32 @!p1 $0x7800;
	[sflag:s13] =	ssyncadd.s32 @!p2 $0xFFFFE000;
	s13 =	sadd.s32 @!p1 $0xFFFFFF80, s9  }
0x11a: {  	[tilespmem:s21], [sflag:$0x1] =	stream.indirect.gather @!p1 [hbm4b:s6+s14], $0x40, s13, s14, $0xb8;
	[tilespmem:$0x1E620] =	vst v63  }
0x11b: {  	s24 =	simm.s32 @!p1 $0x1;
	s13 =	simm.s32 @!p1 $0x9800  }
0x11c: {  	[tilespmem:s13], [sflag:$0x1] =	stream.indirect.gather @!p1 [hbm4b:s6+s14], $0x40, s9, s14, $0xb8;
	[tilespmem:$0x1E620] =	vst v63  }
0x11d: {  	_ =	swait.ge @!p1 [sflag:s24], $0x2000  }
0x11e: {  	[sflag:s24] =	ssyncset.done @!p1 $0x0  }
0x11f: {  	[sflag:s24] =	ssyncadd.s32 @!p1 $0xFFFFE000  }
0x120: {  	_ =	swait.ge @!p1 [sflag:s24], $0x2000  }
0x121: {  	[sflag:s24] =	ssyncset.done @!p1 $0x0  }
0x122: {  	[sflag:s24] =	ssyncadd.s32 @!p1 $0xFFFFE000;
	s24 =	sadd.s32 @!p1 $0xFFFFFF80, s10  }
0x123: {  	[spmem:s3] =	stream.indirect.scatter.add.f32 @!p1 [tilespmem:s21], [sflag:$0x2], $0x40, s24, s14, $0xb8;
	[tilespmem:$0x1E620] =	vst v63  }
0x124: {  	p2 =	seq.s32 @!p1 s12, $0x0  }
0x125: {  	[spmem:s3] =	stream.indirect.scatter.add.f32 @!p1 [tilespmem:s13], [sflag:$0x2], $0x40, s10, s14, $0xb8;
	[tilespmem:$0x1E620] =	vst v63  }
0x126: {  	p1 =	por p1, !p2  }
.Ltmp16:
0x127: {  	_ = 	snop;
	(pc) =	sbr.rel @!p1 .LBB2_8-.Ltmp16, $1  }
0x128: {  	_ =	sdelay $0x3  }
0x129: {  	p1 =	slt.u32 s2, $0x2  }
0x12a: {  	s12 =	simm.s32 @!p1 $0x2  }
0x12b: {  	_ =	swait.ge @!p1 [sflag:s12], $0x2000  }
0x12c: {  	[sflag:s12] =	ssyncset.done @!p1 $0x0  }
0x12d: {  	[sflag:s12] =	ssyncadd.s32 @!p1 $0xFFFFE000  }
0x12e: {  	_ =	swait.ge @!p1 [sflag:s12], $0x2000  }
0x12f: {  	[sflag:s12] =	ssyncset.done @!p1 $0x0  }
0x130: {  	s21 =	sadd.s32 $0xFFFFFF80, s9;
	[sflag:s12] =	ssyncadd.s32 @!p1 $0xFFFFE000  }
0x131: {  	[tilespmem:s18], [sflag:$0x1] =	stream.indirect.gather [hbm4b:s6+s17], $0x40, s21, s17, $0xb8;
	[tilespmem:$0x1E620] =	vst v63  }
0x132: {  	_ = 	snop  }
0x133: {  	[tilespmem:s19], [sflag:$0x1] =	stream.indirect.gather [hbm4b:s6+s17], $0x40, s9, s17, $0xb8;
	[tilespmem:$0x1E620] =	vst v63  }
0x134: {  	_ =	swait.ge [sflag:s0], $0x2000  }
0x135: {  	[sflag:s0] =	ssyncset.done $0x0  }
0x136: {  	[sflag:s0] =	ssyncadd.s32 $0xFFFFE000  }
0x137: {  	_ =	swait.ge [sflag:s0], $0x2000  }
.Ltmp17:
0x138: {  	[sflag:s0] =	ssyncset.done $0x0;
	(pc) =	sbr.rel .LBB2_8-.Ltmp17, $4  }
0x139: {  	s24 =	sadd.s32 $0xFFFFFF80, s10;
	[sflag:s0] =	ssyncadd.s32 $0xFFFFE000  }
0x13a: {  	[spmem:s3] =	stream.indirect.scatter.add.f32 [tilespmem:s18], [sflag:$0x2], $0x40, s24, s17, $0xb8;
	[tilespmem:$0x1E620] =	vst v63  }
0x13b: {  	_ = 	snop  }
0x13c: {  	[spmem:s3] =	stream.indirect.scatter.add.f32 [tilespmem:s19], [sflag:$0x2], $0x40, s10, s17, $0xb8;
	[tilespmem:$0x1E620] =	vst v63  }
.LBB2_21:
0x13d: {  	_ =	swait.ge [sflag:s31], $0x2000  }
0x13e: {  	[sflag:s31] =	ssyncset.done $0x0  }
0x13f: {  	[sflag:s31] =	ssyncadd.s32 $0xFFFFE000  }
0x140: {  	_ =	swait.ge [sflag:s31], $0x2000  }
0x141: {  	[sflag:s31] =	ssyncset.done $0x0  }
0x142: {  	[sflag:s31] =	ssyncadd.s32 $0xFFFFE000  }
0x143: {  	_ =	swait.ge [sflag:s31], $0x2000  }
0x144: {  	[sflag:s31] =	ssyncset.done $0x0  }
0x145: {  	[sflag:s31] =	ssyncadd.s32 $0xFFFFE000  }
0x146: {  	_ =	swait.ge [sflag:s31], $0x2000  }
0x147: {  	[sflag:s31] =	ssyncset.done $0x0  }
0x148: {  	[sflag:s31] =	ssyncadd.s32 $0xFFFFE000  }
0x149: {  	[bflag:$0x0] =	sbarrier.arrive $0xFFFF  }
0x14a: {  	s2 =	rddreg [dreg:$0xf]  }
0x14b: {  	[hbm:s2@s1], [sflag:s22] =	dma.strided [spmem:s23@s28], $0x1400, s0, $0x8   }
0x14c: {  	_ =	swait.ge [sflag:s26], $0x1400  }
0x14d: {  	[sflag:s26] =	ssyncset.done $0x0  }
0x14e: {  	[sflag:s26] =	ssyncadd.s32 $0xFFFFEC00  }
0x14f: {  	[bflag:$0x0] =	sbarrier.arrive $0xFFFF  }
0x150: {  	s24 =	simm.s32 $0x0;
	s21 =	simm.s32 $0x5000;
	s13 =	rddreg [dreg:$0x10]  }
0x151: {  	[tilespmem:s21], [sflag:$0x3] =	stream.linear.gather [hbm4b:s13+s24], $0x1400, $0x38;
	[tilespmem:$0x1E620] =	vst v63  }
0x152: {  	_ =	swait.ge [sflag:s26], $0x1400  }
0x153: {  	[sflag:s26] =	ssyncset.done $0x0  }
0x154: {  	s2 =	simm.s32 $0x6400;
	s9 =	rddreg [dreg:$0x11];
	[sflag:s26] =	ssyncadd.s32 $0xFFFFEC00  }
0x155: {  	[tilespmem:s2], [sflag:$0x3] =	stream.linear.gather [hbm4b:s9+s24], $0x1400, $0x38;
	[tilespmem:$0x1E620] =	vst v63  }
0x156: {  	_ =	swait.ge [sflag:s26], $0x1400  }
0x157: {  	[sflag:s26] =	ssyncset.done $0x0  }
0x158: {  	s14 =	simm.s32 $0x7800;
	[sflag:s26] =	ssyncadd.s32 $0xFFFFEC00  }
0x159: {  	[tilespmem:s14], [sflag:$0x3] =	stream.linear.gather [hbm4b:s11+s24], $0x2000, $0x38;
	[tilespmem:$0x1E620] =	vst v63  }
0x15a: {  	_ =	swait.ge [sflag:s26], $0x2000  }
0x15b: {  	[sflag:s26] =	ssyncset.done $0x0  }
0x15c: {  	[sflag:s26] =	ssyncadd.s32 $0xFFFFE000  }
0x15d: {  	[tilespmem:s16], [sflag:$0x3] =	stream.linear.gather [hbm4b:s11+s24], $0x2000, $0x38;
	[tilespmem:$0x1E620] =	vst v63  }
0x15e: {  	_ =	swait.ge [sflag:s26], $0x2000  }
0x15f: {  	[sflag:s26] =	ssyncset.done $0x0  }
0x160: {  	[sflag:s26] =	ssyncadd.s32 $0xFFFFE000  }
0x161: {  	[spmem:s23], [sflag:s22] =	dma.local [hbm:s11], $0x1400  }
.Ltmp18:
0x162: {  	_ =	swait.ge [sflag:s26], $0x1400;
	(pc) =	sbr.rel .LBB2_22-.Ltmp18, $3  }
0x163: {  	[sflag:s26] =	ssyncset.done $0x0  }
0x164: {  	[sflag:s26] =	ssyncadd.s32 $0xFFFFEC00  }
0x165: {  	[bflag:$0x0] =	sbarrier.arrive $0xFFFF;
	_ =	sdelay $0x1  }
.LBB2_24:
0x166: {  	s24 =	sadd.s32 $0x1, s24  }
0x167: {  	p1 =	sne.s32 s24, $0x28  }
.Ltmp19:
0x168: {  	_ = 	snop;
	(pc) =	sbr.rel @!p1 .LBB2_25-.Ltmp19, $2  }
0x169: {  	_ =	sdelay $0x2  }
0x16a: {  	s2 =	sadd.s32 $0x80, s2;
	s21 =	sadd.s32 $0x80, s21  }
.LBB2_22:
0x16b: {  	s9 =	sand.u32 $0x1, s24  }
0x16c: {  	p1 =	seq.s32 s9, $0x1  }
0x16d: {  	p2 =	slt.u32 @!p1 s24, $0x2  }
0x16e: {  	p2 =	por p2, p1  }
0x16f: {  	s10 =	simm.s32 @!p2 $0x2  }
0x170: {  	_ =	swait.ge @!p2 [sflag:s10], $0x2000  }
0x171: {  	[sflag:s10] =	ssyncset.done @!p2 $0x0  }
0x172: {  	[sflag:s10] =	ssyncadd.s32 @!p2 $0xFFFFE000  }
0x173: {  	v8 =	vld @!p2 [tilespmem:s21+$0xFFFFFF00];
	_ =	sdelay $0x6  }
0x174: {  	s10 =	simm.s32 @!p2 $0xF800  }
0x175: {  	v8 =	vld.idx.msk @!p2 [tilespmem:v8+s10+$0x0], $0xffff;
	_ =	sdelay $0x1  }
0x176: {  	v9 =	vlaneseq.u32 @!p2  }
0x177: {  	v9 =	vmul.u32 @!p2 $0x40, v9;
	_ =	sdelay $0x1  }
0x178: {  	v8 =	vadd.s32 @!p2 v9, v8;
	_ =	sdelay $0x3  }
0x179: {  	v10 =	vimm.f32 @!p2 $0.0e+00;
	s12 =	simm.s32 @!p2 $0x7800  }
0x17a: {  	[tilespmem:v8+s12+$0x0] =	vst.idx.msk @!p2 $0xffff, v10  }
0x17b: {  	v8 =	vld @!p2 [tilespmem:s21+$0xFFFFFF10];
	_ =	sdelay $0x7  }
0x17c: {  	v8 =	vld.idx.msk @!p2 [tilespmem:v8+s10+$0x0], $0xffff;
	_ =	sdelay $0x3  }
0x17d: {  	v11 =	vor.u32 @!p2 $0x400, v9  }
0x17e: {  	v8 =	vadd.s32 @!p2 v11, v8;
	_ =	sdelay $0x4  }
0x17f: {  	[tilespmem:v8+s12+$0x0] =	vst.idx.msk @!p2 $0xffff, v10  }
0x180: {  	v8 =	vld @!p2 [tilespmem:s21+$0xFFFFFF20];
	_ =	sdelay $0x7  }
0x181: {  	v8 =	vld.idx.msk @!p2 [tilespmem:v8+s10+$0x0], $0xffff;
	_ =	sdelay $0x3  }
0x182: {  	v11 =	vor.u32 @!p2 $0x800, v9  }
0x183: {  	v8 =	vadd.s32 @!p2 v11, v8;
	_ =	sdelay $0x4  }
0x184: {  	[tilespmem:v8+s12+$0x0] =	vst.idx.msk @!p2 $0xffff, v10  }
0x185: {  	v8 =	vld @!p2 [tilespmem:s21+$0xFFFFFF30];
	_ =	sdelay $0x7  }
0x186: {  	v8 =	vld.idx.msk @!p2 [tilespmem:v8+s10+$0x0], $0xffff;
	_ =	sdelay $0x3  }
0x187: {  	v11 =	vor.u32 @!p2 $0xC00, v9  }
0x188: {  	v8 =	vadd.s32 @!p2 v11, v8;
	_ =	sdelay $0x4  }
0x189: {  	[tilespmem:v8+s12+$0x0] =	vst.idx.msk @!p2 $0xffff, v10  }
0x18a: {  	v8 =	vld @!p2 [tilespmem:s21+$0xFFFFFF40];
	_ =	sdelay $0x7  }
0x18b: {  	v8 =	vld.idx.msk @!p2 [tilespmem:v8+s10+$0x0], $0xffff;
	_ =	sdelay $0x3  }
0x18c: {  	v11 =	vor.u32 @!p2 $0x1000, v9  }
0x18d: {  	v8 =	vadd.s32 @!p2 v11, v8;
	_ =	sdelay $0x4  }
0x18e: {  	[tilespmem:v8+s12+$0x0] =	vst.idx.msk @!p2 $0xffff, v10  }
0x18f: {  	v8 =	vld @!p2 [tilespmem:s21+$0xFFFFFF50];
	_ =	sdelay $0x7  }
0x190: {  	v8 =	vld.idx.msk @!p2 [tilespmem:v8+s10+$0x0], $0xffff;
	_ =	sdelay $0x3  }
0x191: {  	v11 =	vor.u32 @!p2 $0x1400, v9  }
0x192: {  	v8 =	vadd.s32 @!p2 v11, v8;
	_ =	sdelay $0x4  }
0x193: {  	[tilespmem:v8+s12+$0x0] =	vst.idx.msk @!p2 $0xffff, v10  }
0x194: {  	v8 =	vld @!p2 [tilespmem:s21+$0xFFFFFF60];
	_ =	sdelay $0x7  }
0x195: {  	v8 =	vld.idx.msk @!p2 [tilespmem:v8+s10+$0x0], $0xffff;
	_ =	sdelay $0x3  }
0x196: {  	v11 =	vor.u32 @!p2 $0x1800, v9  }
0x197: {  	v8 =	vadd.s32 @!p2 v11, v8;
	_ =	sdelay $0x4  }
0x198: {  	[tilespmem:v8+s12+$0x0] =	vst.idx.msk @!p2 $0xffff, v10  }
0x199: {  	v8 =	vld @!p2 [tilespmem:s21+$0xFFFFFF70];
	_ =	sdelay $0x7  }
0x19a: {  	v8 =	vld.idx.msk @!p2 [tilespmem:v8+s10+$0x0], $0xffff;
	_ =	sdelay $0x3  }
0x19b: {  	v9 =	vor.u32 @!p2 $0x1C00, v9  }
0x19c: {  	v8 =	vadd.s32 @!p2 v9, v8;
	_ =	sdelay $0x4  }
0x19d: {  	[tilespmem:v8+s12+$0x0] =	vst.idx.msk @!p2 $0xffff, v10  }
0x19e: {  	v8 =	vld @!p1 [tilespmem:s21+$0x0];
	_ =	sdelay $0x6  }
0x19f: {  	s10 =	simm.s32 @!p1 $0xF800  }
0x1a0: {  	v9 =	vld.idx.msk @!p1 [tilespmem:v8+s10+$0x0], $0xffff;
	_ =	sdelay $0x1  }
0x1a1: {  	v10 =	vlaneseq.u32 @!p1  }
0x1a2: {  	v10 =	vmul.u32 @!p1 $0x40, v10  }
0x1a3: {  	s12 =	simm.s32 @!p1 $0x11F10  }
0x1a4: {  	v8 =	vld.idx.msk @!p1 [tilespmem:v8+s12+$0x0], $0xffff;
	v9 =	vadd.s32 @!p1 v10, v9;
	_ =	sdelay $0x3  }
0x1a5: {  	s13 =	simm.s32 @!p1 $0x7800  }
0x1a6: {  	[tilespmem:v9+s13+$0x0] =	vst.idx.msk @!p1 $0xffff, v8  }
0x1a7: {  	v8 =	vld @!p1 [tilespmem:s21+$0x10];
	_ =	sdelay $0x7  }
0x1a8: {  	v9 =	vld.idx.msk @!p1 [tilespmem:v8+s10+$0x0], $0xffff;
	_ =	sdelay $0x3  }
0x1a9: {  	v11 =	vor.u32 @!p1 $0x400, v10  }
0x1aa: {  	v8 =	vld.idx.msk @!p1 [tilespmem:v8+s12+$0x0], $0xffff;
	v9 =	vadd.s32 @!p1 v11, v9;
	_ =	sdelay $0x4  }
0x1ab: {  	[tilespmem:v9+s13+$0x0] =	vst.idx.msk @!p1 $0xffff, v8  }
0x1ac: {  	v8 =	vld @!p1 [tilespmem:s21+$0x20];
	_ =	sdelay $0x7  }
0x1ad: {  	v9 =	vld.idx.msk @!p1 [tilespmem:v8+s10+$0x0], $0xffff;
	_ =	sdelay $0x3  }
0x1ae: {  	v11 =	vor.u32 @!p1 $0x800, v10  }
0x1af: {  	v8 =	vld.idx.msk @!p1 [tilespmem:v8+s12+$0x0], $0xffff;
	v9 =	vadd.s32 @!p1 v11, v9;
	_ =	sdelay $0x4  }
0x1b0: {  	[tilespmem:v9+s13+$0x0] =	vst.idx.msk @!p1 $0xffff, v8  }
0x1b1: {  	v8 =	vld @!p1 [tilespmem:s21+$0x30];
	_ =	sdelay $0x7  }
0x1b2: {  	v9 =	vld.idx.msk @!p1 [tilespmem:v8+s10+$0x0], $0xffff;
	_ =	sdelay $0x3  }
0x1b3: {  	v11 =	vor.u32 @!p1 $0xC00, v10  }
0x1b4: {  	v8 =	vld.idx.msk @!p1 [tilespmem:v8+s12+$0x0], $0xffff;
	v9 =	vadd.s32 @!p1 v11, v9;
	_ =	sdelay $0x4  }
0x1b5: {  	[tilespmem:v9+s13+$0x0] =	vst.idx.msk @!p1 $0xffff, v8  }
0x1b6: {  	v8 =	vld @!p1 [tilespmem:s21+$0x40];
	_ =	sdelay $0x7  }
0x1b7: {  	v9 =	vld.idx.msk @!p1 [tilespmem:v8+s10+$0x0], $0xffff;
	_ =	sdelay $0x3  }
0x1b8: {  	v11 =	vor.u32 @!p1 $0x1000, v10  }
0x1b9: {  	v8 =	vld.idx.msk @!p1 [tilespmem:v8+s12+$0x0], $0xffff;
	v9 =	vadd.s32 @!p1 v11, v9;
	_ =	sdelay $0x4  }
0x1ba: {  	[tilespmem:v9+s13+$0x0] =	vst.idx.msk @!p1 $0xffff, v8  }
0x1bb: {  	v8 =	vld @!p1 [tilespmem:s21+$0x50];
	_ =	sdelay $0x7  }
0x1bc: {  	v9 =	vld.idx.msk @!p1 [tilespmem:v8+s10+$0x0], $0xffff;
	_ =	sdelay $0x3  }
0x1bd: {  	v11 =	vor.u32 @!p1 $0x1400, v10  }
0x1be: {  	v8 =	vld.idx.msk @!p1 [tilespmem:v8+s12+$0x0], $0xffff;
	v9 =	vadd.s32 @!p1 v11, v9;
	_ =	sdelay $0x4  }
0x1bf: {  	[tilespmem:v9+s13+$0x0] =	vst.idx.msk @!p1 $0xffff, v8  }
0x1c0: {  	v8 =	vld @!p1 [tilespmem:s21+$0x60];
	_ =	sdelay $0x7  }
0x1c1: {  	v9 =	vld.idx.msk @!p1 [tilespmem:v8+s10+$0x0], $0xffff;
	_ =	sdelay $0x3  }
0x1c2: {  	v11 =	vor.u32 @!p1 $0x1800, v10  }
0x1c3: {  	v8 =	vld.idx.msk @!p1 [tilespmem:v8+s12+$0x0], $0xffff;
	v9 =	vadd.s32 @!p1 v11, v9;
	_ =	sdelay $0x4  }
0x1c4: {  	[tilespmem:v9+s13+$0x0] =	vst.idx.msk @!p1 $0xffff, v8  }
0x1c5: {  	v8 =	vld @!p1 [tilespmem:s21+$0x70];
	_ =	sdelay $0x7  }
0x1c6: {  	v9 =	vld.idx.msk @!p1 [tilespmem:v8+s10+$0x0], $0xffff;
	_ =	sdelay $0x3  }
0x1c7: {  	v10 =	vor.u32 @!p1 $0x1C00, v10  }
0x1c8: {  	v8 =	vld.idx.msk @!p1 [tilespmem:v8+s12+$0x0], $0xffff;
	v9 =	vadd.s32 @!p1 v10, v9;
	_ =	sdelay $0x4  }
0x1c9: {  	p2 =	seq.s32 @!p1 s9, $0x0;
	s10 =	simm.s32 @!p1 $0x80;
	[tilespmem:v9+s13+$0x0] =	vst.idx.msk @!p1 $0xffff, v8  }
0x1ca: {  	[spmem:s3] =	stream.indirect.scatter.add.f32 @!p1 [tilespmem:s13], [sflag:$0x2], $0x40, s2, s10, $0xb8;
	[tilespmem:$0x1E620] =	vst v63  }
0x1cb: {  	p1 =	por p1, !p2  }
.Ltmp20:
0x1cc: {  	_ = 	snop;
	(pc) =	sbr.rel @!p1 .LBB2_24-.Ltmp20, $1  }
0x1cd: {  	_ =	sdelay $0x3  }
0x1ce: {  	p1 =	slt.u32 s24, $0x2  }
0x1cf: {  	s9 =	simm.s32 @!p1 $0x2  }
0x1d0: {  	_ =	swait.ge @!p1 [sflag:s9], $0x2000  }
0x1d1: {  	[sflag:s9] =	ssyncset.done @!p1 $0x0  }
0x1d2: {  	[sflag:s9] =	ssyncadd.s32 @!p1 $0xFFFFE000  }
0x1d3: {  	v8 =	vld @!p1 [tilespmem:s21+$0xFFFFFF00];
	_ =	sdelay $0x6  }
0x1d4: {  	s9 =	simm.s32 @!p1 $0xF800  }
0x1d5: {  	v8 =	vld.idx.msk @!p1 [tilespmem:v8+s9+$0x0], $0xffff;
	_ =	sdelay $0x1  }
0x1d6: {  	v9 =	vlaneseq.u32 @!p1  }
0x1d7: {  	v9 =	vmul.u32 @!p1 $0x40, v9;
	_ =	sdelay $0x1  }
0x1d8: {  	v8 =	vadd.s32 @!p1 v9, v8;
	_ =	sdelay $0x3  }
0x1d9: {  	v10 =	vimm.f32 @!p1 $0.0e+00;
	s10 =	simm.s32 @!p1 $0x9800  }
0x1da: {  	[tilespmem:v8+s10+$0x0] =	vst.idx.msk @!p1 $0xffff, v10  }
0x1db: {  	v8 =	vld @!p1 [tilespmem:s21+$0xFFFFFF10];
	_ =	sdelay $0x7  }
0x1dc: {  	v8 =	vld.idx.msk @!p1 [tilespmem:v8+s9+$0x0], $0xffff;
	_ =	sdelay $0x3  }
0x1dd: {  	v11 =	vor.u32 @!p1 $0x400, v9  }
0x1de: {  	v8 =	vadd.s32 @!p1 v11, v8;
	_ =	sdelay $0x4  }
0x1df: {  	[tilespmem:v8+s10+$0x0] =	vst.idx.msk @!p1 $0xffff, v10  }
0x1e0: {  	v8 =	vld @!p1 [tilespmem:s21+$0xFFFFFF20];
	_ =	sdelay $0x7  }
0x1e1: {  	v8 =	vld.idx.msk @!p1 [tilespmem:v8+s9+$0x0], $0xffff;
	_ =	sdelay $0x3  }
0x1e2: {  	v11 =	vor.u32 @!p1 $0x800, v9  }
0x1e3: {  	v8 =	vadd.s32 @!p1 v11, v8;
	_ =	sdelay $0x4  }
0x1e4: {  	[tilespmem:v8+s10+$0x0] =	vst.idx.msk @!p1 $0xffff, v10  }
0x1e5: {  	v8 =	vld @!p1 [tilespmem:s21+$0xFFFFFF30];
	_ =	sdelay $0x7  }
0x1e6: {  	v8 =	vld.idx.msk @!p1 [tilespmem:v8+s9+$0x0], $0xffff;
	_ =	sdelay $0x3  }
0x1e7: {  	v11 =	vor.u32 @!p1 $0xC00, v9  }
0x1e8: {  	v8 =	vadd.s32 @!p1 v11, v8;
	_ =	sdelay $0x4  }
0x1e9: {  	[tilespmem:v8+s10+$0x0] =	vst.idx.msk @!p1 $0xffff, v10  }
0x1ea: {  	v8 =	vld @!p1 [tilespmem:s21+$0xFFFFFF40];
	_ =	sdelay $0x7  }
0x1eb: {  	v8 =	vld.idx.msk @!p1 [tilespmem:v8+s9+$0x0], $0xffff;
	_ =	sdelay $0x3  }
0x1ec: {  	v11 =	vor.u32 @!p1 $0x1000, v9  }
0x1ed: {  	v8 =	vadd.s32 @!p1 v11, v8;
	_ =	sdelay $0x4  }
0x1ee: {  	[tilespmem:v8+s10+$0x0] =	vst.idx.msk @!p1 $0xffff, v10  }
0x1ef: {  	v8 =	vld @!p1 [tilespmem:s21+$0xFFFFFF50];
	_ =	sdelay $0x7  }
0x1f0: {  	v8 =	vld.idx.msk @!p1 [tilespmem:v8+s9+$0x0], $0xffff;
	_ =	sdelay $0x3  }
0x1f1: {  	v11 =	vor.u32 @!p1 $0x1400, v9  }
0x1f2: {  	v8 =	vadd.s32 @!p1 v11, v8;
	_ =	sdelay $0x4  }
0x1f3: {  	[tilespmem:v8+s10+$0x0] =	vst.idx.msk @!p1 $0xffff, v10  }
0x1f4: {  	v8 =	vld @!p1 [tilespmem:s21+$0xFFFFFF60];
	_ =	sdelay $0x7  }
0x1f5: {  	v8 =	vld.idx.msk @!p1 [tilespmem:v8+s9+$0x0], $0xffff;
	_ =	sdelay $0x3  }
0x1f6: {  	v11 =	vor.u32 @!p1 $0x1800, v9  }
0x1f7: {  	v8 =	vadd.s32 @!p1 v11, v8;
	_ =	sdelay $0x4  }
0x1f8: {  	[tilespmem:v8+s10+$0x0] =	vst.idx.msk @!p1 $0xffff, v10  }
0x1f9: {  	v8 =	vld @!p1 [tilespmem:s21+$0xFFFFFF70];
	_ =	sdelay $0x7  }
0x1fa: {  	v8 =	vld.idx.msk @!p1 [tilespmem:v8+s9+$0x0], $0xffff;
	_ =	sdelay $0x3  }
0x1fb: {  	v9 =	vor.u32 @!p1 $0x1C00, v9  }
0x1fc: {  	v8 =	vadd.s32 @!p1 v9, v8;
	_ =	sdelay $0x4  }
0x1fd: {  	[tilespmem:v8+s10+$0x0] =	vst.idx.msk @!p1 $0xffff, v10  }
0x1fe: {  	v8 =	vld [tilespmem:s21+$0x0];
	_ =	sdelay $0x7  }
0x1ff: {  	v63 =	vld.idx.msk [tilespmem:v8+s29+$0x0], $0xffff;
	_ =	sdelay $0x4  }
0x200: {  	v8 =	vld.idx.msk [tilespmem:v8+s30+$0x0], $0xffff;
	v9 =	vadd.s32 v0, v63;
	_ =	sdelay $0x4  }
0x201: {  	[tilespmem:v9+s16+$0x0] =	vst.idx.msk $0xffff, v8  }
0x202: {  	v8 =	vld [tilespmem:s21+$0x10];
	_ =	sdelay $0x7  }
0x203: {  	v9 =	vld.idx.msk [tilespmem:v8+s29+$0x0], $0xffff;
	_ =	sdelay $0x4  }
0x204: {  	v8 =	vld.idx.msk [tilespmem:v8+s30+$0x0], $0xffff;
	v9 =	vadd.s32 v1, v9;
	_ =	sdelay $0x4  }
0x205: {  	[tilespmem:v9+s16+$0x0] =	vst.idx.msk $0xffff, v8  }
0x206: {  	v8 =	vld [tilespmem:s21+$0x20];
	_ =	sdelay $0x7  }
0x207: {  	v9 =	vld.idx.msk [tilespmem:v8+s29+$0x0], $0xffff;
	_ =	sdelay $0x4  }
0x208: {  	v8 =	vld.idx.msk [tilespmem:v8+s30+$0x0], $0xffff;
	v9 =	vadd.s32 v2, v9;
	_ =	sdelay $0x4  }
0x209: {  	[tilespmem:v9+s16+$0x0] =	vst.idx.msk $0xffff, v8  }
0x20a: {  	v8 =	vld [tilespmem:s21+$0x30];
	_ =	sdelay $0x7  }
0x20b: {  	v9 =	vld.idx.msk [tilespmem:v8+s29+$0x0], $0xffff;
	_ =	sdelay $0x4  }
0x20c: {  	v8 =	vld.idx.msk [tilespmem:v8+s30+$0x0], $0xffff;
	v9 =	vadd.s32 v3, v9;
	_ =	sdelay $0x4  }
0x20d: {  	[tilespmem:v9+s16+$0x0] =	vst.idx.msk $0xffff, v8  }
0x20e: {  	v8 =	vld [tilespmem:s21+$0x40];
	_ =	sdelay $0x7  }
0x20f: {  	v9 =	vld.idx.msk [tilespmem:v8+s29+$0x0], $0xffff;
	_ =	sdelay $0x4  }
0x210: {  	v8 =	vld.idx.msk [tilespmem:v8+s30+$0x0], $0xffff;
	v9 =	vadd.s32 v4, v9;
	_ =	sdelay $0x4  }
0x211: {  	[tilespmem:v9+s16+$0x0] =	vst.idx.msk $0xffff, v8  }
0x212: {  	v8 =	vld [tilespmem:s21+$0x50];
	_ =	sdelay $0x7  }
0x213: {  	v9 =	vld.idx.msk [tilespmem:v8+s29+$0x0], $0xffff;
	_ =	sdelay $0x4  }
0x214: {  	v8 =	vld.idx.msk [tilespmem:v8+s30+$0x0], $0xffff;
	v9 =	vadd.s32 v5, v9;
	_ =	sdelay $0x4  }
0x215: {  	[tilespmem:v9+s16+$0x0] =	vst.idx.msk $0xffff, v8  }
0x216: {  	v8 =	vld [tilespmem:s21+$0x60];
	_ =	sdelay $0x7  }
0x217: {  	v9 =	vld.idx.msk [tilespmem:v8+s29+$0x0], $0xffff;
	_ =	sdelay $0x4  }
0x218: {  	v8 =	vld.idx.msk [tilespmem:v8+s30+$0x0], $0xffff;
	v9 =	vadd.s32 v6, v9;
	_ =	sdelay $0x4  }
0x219: {  	[tilespmem:v9+s16+$0x0] =	vst.idx.msk $0xffff, v8  }
0x21a: {  	v8 =	vld [tilespmem:s21+$0x70];
	_ =	sdelay $0x7  }
0x21b: {  	v9 =	vld.idx.msk [tilespmem:v8+s29+$0x0], $0xffff;
	_ =	sdelay $0x4  }
0x21c: {  	v8 =	vld.idx.msk [tilespmem:v8+s30+$0x0], $0xffff;
	v9 =	vadd.s32 v7, v9;
	_ =	sdelay $0x1  }
.Ltmp21:
0x21d: {  	_ = 	snop;
	(pc) =	sbr.rel .LBB2_24-.Ltmp21, $3  }
0x21e: {  	_ =	sdelay $0x1  }
0x21f: {  	[tilespmem:v9+s16+$0x0] =	vst.idx.msk $0xffff, v8  }
0x220: {  	[spmem:s3] =	stream.indirect.scatter.add.f32 [tilespmem:s16], [sflag:$0x2], $0x40, s2, s17, $0xb8;
	[tilespmem:$0x1E620] =	vst v63  }
.LBB2_9:
0x221: {  	_ =	swait.ge [sflag:s31], $0x2000  }
0x222: {  	[sflag:s31] =	ssyncset.done $0x0  }
0x223: {  	[sflag:s31] =	ssyncadd.s32 $0xFFFFE000  }
0x224: {  	_ =	swait.ge [sflag:s31], $0x2000  }
0x225: {  	[sflag:s31] =	ssyncset.done $0x0  }
0x226: {  	[sflag:s31] =	ssyncadd.s32 $0xFFFFE000  }
0x227: {  	_ =	swait.ge [sflag:s31], $0x2000  }
0x228: {  	[sflag:s31] =	ssyncset.done $0x0  }
0x229: {  	[sflag:s31] =	ssyncadd.s32 $0xFFFFE000  }
0x22a: {  	_ =	swait.ge [sflag:s31], $0x2000  }
0x22b: {  	[sflag:s31] =	ssyncset.done $0x0  }
0x22c: {  	[sflag:s31] =	ssyncadd.s32 $0xFFFFE000  }
0x22d: {  	[bflag:$0x0] =	sbarrier.arrive $0xFFFF  }
0x22e: {  	s2 =	rddreg [dreg:$0xa]  }
0x22f: {  	[hbm:s2@s1], [sflag:s22] =	dma.strided [spmem:s23@s28], $0x1400, s0, $0x8   }
0x230: {  	_ =	swait.ge [sflag:s26], $0x1400  }
0x231: {  	[sflag:s26] =	ssyncset.done $0x0  }
0x232: {  	[sflag:s26] =	ssyncadd.s32 $0xFFFFEC00  }
0x233: {  	[bflag:$0x0] =	sbarrier.arrive $0xFFFF  }
0x234: {  	s24 =	simm.s32 $0x0;
	s21 =	simm.s32 $0x5000;
	s13 =	rddreg [dreg:$0xb]  }
0x235: {  	[tilespmem:s21], [sflag:$0x3] =	stream.linear.gather [hbm4b:s13+s24], $0x1400, $0x38;
	[tilespmem:$0x1E620] =	vst v63  }
0x236: {  	_ =	swait.ge [sflag:s26], $0x1400  }
0x237: {  	[sflag:s26] =	ssyncset.done $0x0  }
0x238: {  	s2 =	simm.s32 $0x6400;
	s9 =	rddreg [dreg:$0xc];
	[sflag:s26] =	ssyncadd.s32 $0xFFFFEC00  }
0x239: {  	[tilespmem:s2], [sflag:$0x3] =	stream.linear.gather [hbm4b:s9+s24], $0x1400, $0x38;
	[tilespmem:$0x1E620] =	vst v63  }
0x23a: {  	_ =	swait.ge [sflag:s26], $0x1400  }
0x23b: {  	[sflag:s26] =	ssyncset.done $0x0  }
0x23c: {  	s14 =	simm.s32 $0x7800;
	[sflag:s26] =	ssyncadd.s32 $0xFFFFEC00  }
0x23d: {  	[tilespmem:s14], [sflag:$0x3] =	stream.linear.gather [hbm4b:s11+s24], $0x2000, $0x38;
	[tilespmem:$0x1E620] =	vst v63  }
0x23e: {  	_ =	swait.ge [sflag:s26], $0x2000  }
0x23f: {  	[sflag:s26] =	ssyncset.done $0x0  }
0x240: {  	[sflag:s26] =	ssyncadd.s32 $0xFFFFE000  }
0x241: {  	[tilespmem:s16], [sflag:$0x3] =	stream.linear.gather [hbm4b:s11+s24], $0x2000, $0x38;
	[tilespmem:$0x1E620] =	vst v63  }
0x242: {  	_ =	swait.ge [sflag:s26], $0x2000  }
0x243: {  	[sflag:s26] =	ssyncset.done $0x0  }
0x244: {  	[sflag:s26] =	ssyncadd.s32 $0xFFFFE000  }
0x245: {  	[spmem:s23], [sflag:s22] =	dma.local [hbm:s11], $0x1400  }
.Ltmp22:
0x246: {  	_ =	swait.ge [sflag:s26], $0x1400;
	(pc) =	sbr.rel .LBB2_10-.Ltmp22, $3  }
0x247: {  	[sflag:s26] =	ssyncset.done $0x0  }
0x248: {  	[sflag:s26] =	ssyncadd.s32 $0xFFFFEC00  }
0x249: {  	[bflag:$0x0] =	sbarrier.arrive $0xFFFF;
	_ =	sdelay $0x1  }
.LBB2_12:
0x24a: {  	s24 =	sadd.s32 $0x1, s24  }
0x24b: {  	p1 =	seq.s32 s24, $0x28  }
.Ltmp23:
0x24c: {  	_ = 	snop;
	(pc) =	sbr.rel @p1 .LBB2_13-.Ltmp23, $2  }
0x24d: {  	_ =	sdelay $0x2  }
0x24e: {  	s2 =	sadd.s32 $0x80, s2;
	s21 =	sadd.s32 $0x80, s21  }
.LBB2_10:
0x24f: {  	s9 =	sand.u32 $0x1, s24  }
0x250: {  	p1 =	seq.s32 s9, $0x1  }
0x251: {  	p2 =	slt.u32 @!p1 s24, $0x2  }
0x252: {  	p2 =	por p2, p1  }
0x253: {  	s10 =	simm.s32 @!p2 $0x2  }
0x254: {  	_ =	swait.ge @!p2 [sflag:s10], $0x2000  }
0x255: {  	[sflag:s10] =	ssyncset.done @!p2 $0x0  }
0x256: {  	[sflag:s10] =	ssyncadd.s32 @!p2 $0xFFFFE000  }
0x257: {  	v8 =	vld @!p2 [tilespmem:s21+$0xFFFFFF00];
	_ =	sdelay $0x6  }
0x258: {  	s10 =	simm.s32 @!p2 $0xF800  }
0x259: {  	v8 =	vld.idx.msk @!p2 [tilespmem:v8+s10+$0x0], $0xffff;
	_ =	sdelay $0x1  }
0x25a: {  	v9 =	vlaneseq.u32 @!p2  }
0x25b: {  	v9 =	vmul.u32 @!p2 $0x40, v9;
	_ =	sdelay $0x1  }
0x25c: {  	v8 =	vadd.s32 @!p2 v9, v8;
	_ =	sdelay $0x3  }
0x25d: {  	v10 =	vimm.f32 @!p2 $0.0e+00;
	s12 =	simm.s32 @!p2 $0x7800  }
0x25e: {  	[tilespmem:v8+s12+$0x0] =	vst.idx.msk @!p2 $0xffff, v10  }
0x25f: {  	v8 =	vld @!p2 [tilespmem:s21+$0xFFFFFF10];
	_ =	sdelay $0x7  }
0x260: {  	v8 =	vld.idx.msk @!p2 [tilespmem:v8+s10+$0x0], $0xffff;
	_ =	sdelay $0x3  }
0x261: {  	v11 =	vor.u32 @!p2 $0x400, v9  }
0x262: {  	v8 =	vadd.s32 @!p2 v11, v8;
	_ =	sdelay $0x4  }
0x263: {  	[tilespmem:v8+s12+$0x0] =	vst.idx.msk @!p2 $0xffff, v10  }
0x264: {  	v8 =	vld @!p2 [tilespmem:s21+$0xFFFFFF20];
	_ =	sdelay $0x7  }
0x265: {  	v8 =	vld.idx.msk @!p2 [tilespmem:v8+s10+$0x0], $0xffff;
	_ =	sdelay $0x3  }
0x266: {  	v11 =	vor.u32 @!p2 $0x800, v9  }
0x267: {  	v8 =	vadd.s32 @!p2 v11, v8;
	_ =	sdelay $0x4  }
0x268: {  	[tilespmem:v8+s12+$0x0] =	vst.idx.msk @!p2 $0xffff, v10  }
0x269: {  	v8 =	vld @!p2 [tilespmem:s21+$0xFFFFFF30];
	_ =	sdelay $0x7  }
0x26a: {  	v8 =	vld.idx.msk @!p2 [tilespmem:v8+s10+$0x0], $0xffff;
	_ =	sdelay $0x3  }
0x26b: {  	v11 =	vor.u32 @!p2 $0xC00, v9  }
0x26c: {  	v8 =	vadd.s32 @!p2 v11, v8;
	_ =	sdelay $0x4  }
0x26d: {  	[tilespmem:v8+s12+$0x0] =	vst.idx.msk @!p2 $0xffff, v10  }
0x26e: {  	v8 =	vld @!p2 [tilespmem:s21+$0xFFFFFF40];
	_ =	sdelay $0x7  }
0x26f: {  	v8 =	vld.idx.msk @!p2 [tilespmem:v8+s10+$0x0], $0xffff;
	_ =	sdelay $0x3  }
0x270: {  	v11 =	vor.u32 @!p2 $0x1000, v9  }
0x271: {  	v8 =	vadd.s32 @!p2 v11, v8;
	_ =	sdelay $0x4  }
0x272: {  	[tilespmem:v8+s12+$0x0] =	vst.idx.msk @!p2 $0xffff, v10  }
0x273: {  	v8 =	vld @!p2 [tilespmem:s21+$0xFFFFFF50];
	_ =	sdelay $0x7  }
0x274: {  	v8 =	vld.idx.msk @!p2 [tilespmem:v8+s10+$0x0], $0xffff;
	_ =	sdelay $0x3  }
0x275: {  	v11 =	vor.u32 @!p2 $0x1400, v9  }
0x276: {  	v8 =	vadd.s32 @!p2 v11, v8;
	_ =	sdelay $0x4  }
0x277: {  	[tilespmem:v8+s12+$0x0] =	vst.idx.msk @!p2 $0xffff, v10  }
0x278: {  	v8 =	vld @!p2 [tilespmem:s21+$0xFFFFFF60];
	_ =	sdelay $0x7  }
0x279: {  	v8 =	vld.idx.msk @!p2 [tilespmem:v8+s10+$0x0], $0xffff;
	_ =	sdelay $0x3  }
0x27a: {  	v11 =	vor.u32 @!p2 $0x1800, v9  }
0x27b: {  	v8 =	vadd.s32 @!p2 v11, v8;
	_ =	sdelay $0x4  }
0x27c: {  	[tilespmem:v8+s12+$0x0] =	vst.idx.msk @!p2 $0xffff, v10  }
0x27d: {  	v8 =	vld @!p2 [tilespmem:s21+$0xFFFFFF70];
	_ =	sdelay $0x7  }
0x27e: {  	v8 =	vld.idx.msk @!p2 [tilespmem:v8+s10+$0x0], $0xffff;
	_ =	sdelay $0x3  }
0x27f: {  	v9 =	vor.u32 @!p2 $0x1C00, v9  }
0x280: {  	v8 =	vadd.s32 @!p2 v9, v8;
	_ =	sdelay $0x4  }
0x281: {  	[tilespmem:v8+s12+$0x0] =	vst.idx.msk @!p2 $0xffff, v10  }
0x282: {  	v8 =	vld @!p1 [tilespmem:s21+$0x0];
	_ =	sdelay $0x6  }
0x283: {  	s10 =	simm.s32 @!p1 $0xF800  }
0x284: {  	v9 =	vld.idx.msk @!p1 [tilespmem:v8+s10+$0x0], $0xffff;
	_ =	sdelay $0x1  }
0x285: {  	v10 =	vlaneseq.u32 @!p1  }
0x286: {  	v10 =	vmul.u32 @!p1 $0x40, v10  }
0x287: {  	s12 =	simm.s32 @!p1 $0x11F10  }
0x288: {  	v8 =	vld.idx.msk @!p1 [tilespmem:v8+s12+$0x0], $0xffff;
	v9 =	vadd.s32 @!p1 v10, v9;
	_ =	sdelay $0x3  }
0x289: {  	s13 =	simm.s32 @!p1 $0x7800  }
0x28a: {  	[tilespmem:v9+s13+$0x0] =	vst.idx.msk @!p1 $0xffff, v8  }
0x28b: {  	v8 =	vld @!p1 [tilespmem:s21+$0x10];
	_ =	sdelay $0x7  }
0x28c: {  	v9 =	vld.idx.msk @!p1 [tilespmem:v8+s10+$0x0], $0xffff;
	_ =	sdelay $0x3  }
0x28d: {  	v11 =	vor.u32 @!p1 $0x400, v10  }
0x28e: {  	v8 =	vld.idx.msk @!p1 [tilespmem:v8+s12+$0x0], $0xffff;
	v9 =	vadd.s32 @!p1 v11, v9;
	_ =	sdelay $0x4  }
0x28f: {  	[tilespmem:v9+s13+$0x0] =	vst.idx.msk @!p1 $0xffff, v8  }
0x290: {  	v8 =	vld @!p1 [tilespmem:s21+$0x20];
	_ =	sdelay $0x7  }
0x291: {  	v9 =	vld.idx.msk @!p1 [tilespmem:v8+s10+$0x0], $0xffff;
	_ =	sdelay $0x3  }
0x292: {  	v11 =	vor.u32 @!p1 $0x800, v10  }
0x293: {  	v8 =	vld.idx.msk @!p1 [tilespmem:v8+s12+$0x0], $0xffff;
	v9 =	vadd.s32 @!p1 v11, v9;
	_ =	sdelay $0x4  }
0x294: {  	[tilespmem:v9+s13+$0x0] =	vst.idx.msk @!p1 $0xffff, v8  }
0x295: {  	v8 =	vld @!p1 [tilespmem:s21+$0x30];
	_ =	sdelay $0x7  }
0x296: {  	v9 =	vld.idx.msk @!p1 [tilespmem:v8+s10+$0x0], $0xffff;
	_ =	sdelay $0x3  }
0x297: {  	v11 =	vor.u32 @!p1 $0xC00, v10  }
0x298: {  	v8 =	vld.idx.msk @!p1 [tilespmem:v8+s12+$0x0], $0xffff;
	v9 =	vadd.s32 @!p1 v11, v9;
	_ =	sdelay $0x4  }
0x299: {  	[tilespmem:v9+s13+$0x0] =	vst.idx.msk @!p1 $0xffff, v8  }
0x29a: {  	v8 =	vld @!p1 [tilespmem:s21+$0x40];
	_ =	sdelay $0x7  }
0x29b: {  	v9 =	vld.idx.msk @!p1 [tilespmem:v8+s10+$0x0], $0xffff;
	_ =	sdelay $0x3  }
0x29c: {  	v11 =	vor.u32 @!p1 $0x1000, v10  }
0x29d: {  	v8 =	vld.idx.msk @!p1 [tilespmem:v8+s12+$0x0], $0xffff;
	v9 =	vadd.s32 @!p1 v11, v9;
	_ =	sdelay $0x4  }
0x29e: {  	[tilespmem:v9+s13+$0x0] =	vst.idx.msk @!p1 $0xffff, v8  }
0x29f: {  	v8 =	vld @!p1 [tilespmem:s21+$0x50];
	_ =	sdelay $0x7  }
0x2a0: {  	v9 =	vld.idx.msk @!p1 [tilespmem:v8+s10+$0x0], $0xffff;
	_ =	sdelay $0x3  }
0x2a1: {  	v11 =	vor.u32 @!p1 $0x1400, v10  }
0x2a2: {  	v8 =	vld.idx.msk @!p1 [tilespmem:v8+s12+$0x0], $0xffff;
	v9 =	vadd.s32 @!p1 v11, v9;
	_ =	sdelay $0x4  }
0x2a3: {  	[tilespmem:v9+s13+$0x0] =	vst.idx.msk @!p1 $0xffff, v8  }
0x2a4: {  	v8 =	vld @!p1 [tilespmem:s21+$0x60];
	_ =	sdelay $0x7  }
0x2a5: {  	v9 =	vld.idx.msk @!p1 [tilespmem:v8+s10+$0x0], $0xffff;
	_ =	sdelay $0x3  }
0x2a6: {  	v11 =	vor.u32 @!p1 $0x1800, v10  }
0x2a7: {  	v8 =	vld.idx.msk @!p1 [tilespmem:v8+s12+$0x0], $0xffff;
	v9 =	vadd.s32 @!p1 v11, v9;
	_ =	sdelay $0x4  }
0x2a8: {  	[tilespmem:v9+s13+$0x0] =	vst.idx.msk @!p1 $0xffff, v8  }
0x2a9: {  	v8 =	vld @!p1 [tilespmem:s21+$0x70];
	_ =	sdelay $0x7  }
0x2aa: {  	v9 =	vld.idx.msk @!p1 [tilespmem:v8+s10+$0x0], $0xffff;
	_ =	sdelay $0x3  }
0x2ab: {  	v10 =	vor.u32 @!p1 $0x1C00, v10  }
0x2ac: {  	v8 =	vld.idx.msk @!p1 [tilespmem:v8+s12+$0x0], $0xffff;
	v9 =	vadd.s32 @!p1 v10, v9;
	_ =	sdelay $0x4  }
0x2ad: {  	p2 =	seq.s32 @!p1 s9, $0x0;
	s10 =	simm.s32 @!p1 $0x80;
	[tilespmem:v9+s13+$0x0] =	vst.idx.msk @!p1 $0xffff, v8  }
0x2ae: {  	[spmem:s3] =	stream.indirect.scatter.add.f32 @!p1 [tilespmem:s13], [sflag:$0x2], $0x40, s2, s10, $0xb8;
	[tilespmem:$0x1E620] =	vst v63  }
0x2af: {  	p1 =	por p1, !p2  }
.Ltmp24:
0x2b0: {  	_ = 	snop;
	(pc) =	sbr.rel @!p1 .LBB2_12-.Ltmp24, $1  }
0x2b1: {  	_ =	sdelay $0x3  }
0x2b2: {  	p1 =	slt.u32 s24, $0x2  }
0x2b3: {  	s9 =	simm.s32 @!p1 $0x2  }
0x2b4: {  	_ =	swait.ge @!p1 [sflag:s9], $0x2000  }
0x2b5: {  	[sflag:s9] =	ssyncset.done @!p1 $0x0  }
0x2b6: {  	[sflag:s9] =	ssyncadd.s32 @!p1 $0xFFFFE000  }
0x2b7: {  	v8 =	vld @!p1 [tilespmem:s21+$0xFFFFFF00];
	_ =	sdelay $0x6  }
0x2b8: {  	s9 =	simm.s32 @!p1 $0xF800  }
0x2b9: {  	v8 =	vld.idx.msk @!p1 [tilespmem:v8+s9+$0x0], $0xffff;
	_ =	sdelay $0x1  }
0x2ba: {  	v9 =	vlaneseq.u32 @!p1  }
0x2bb: {  	v9 =	vmul.u32 @!p1 $0x40, v9;
	_ =	sdelay $0x1  }
0x2bc: {  	v8 =	vadd.s32 @!p1 v9, v8;
	_ =	sdelay $0x3  }
0x2bd: {  	v10 =	vimm.f32 @!p1 $0.0e+00;
	s10 =	simm.s32 @!p1 $0x9800  }
0x2be: {  	[tilespmem:v8+s10+$0x0] =	vst.idx.msk @!p1 $0xffff, v10  }
0x2bf: {  	v8 =	vld @!p1 [tilespmem:s21+$0xFFFFFF10];
	_ =	sdelay $0x7  }
0x2c0: {  	v8 =	vld.idx.msk @!p1 [tilespmem:v8+s9+$0x0], $0xffff;
	_ =	sdelay $0x3  }
0x2c1: {  	v11 =	vor.u32 @!p1 $0x400, v9  }
0x2c2: {  	v8 =	vadd.s32 @!p1 v11, v8;
	_ =	sdelay $0x4  }
0x2c3: {  	[tilespmem:v8+s10+$0x0] =	vst.idx.msk @!p1 $0xffff, v10  }
0x2c4: {  	v8 =	vld @!p1 [tilespmem:s21+$0xFFFFFF20];
	_ =	sdelay $0x7  }
0x2c5: {  	v8 =	vld.idx.msk @!p1 [tilespmem:v8+s9+$0x0], $0xffff;
	_ =	sdelay $0x3  }
0x2c6: {  	v11 =	vor.u32 @!p1 $0x800, v9  }
0x2c7: {  	v8 =	vadd.s32 @!p1 v11, v8;
	_ =	sdelay $0x4  }
0x2c8: {  	[tilespmem:v8+s10+$0x0] =	vst.idx.msk @!p1 $0xffff, v10  }
0x2c9: {  	v8 =	vld @!p1 [tilespmem:s21+$0xFFFFFF30];
	_ =	sdelay $0x7  }
0x2ca: {  	v8 =	vld.idx.msk @!p1 [tilespmem:v8+s9+$0x0], $0xffff;
	_ =	sdelay $0x3  }
0x2cb: {  	v11 =	vor.u32 @!p1 $0xC00, v9  }
0x2cc: {  	v8 =	vadd.s32 @!p1 v11, v8;
	_ =	sdelay $0x4  }
0x2cd: {  	[tilespmem:v8+s10+$0x0] =	vst.idx.msk @!p1 $0xffff, v10  }
0x2ce: {  	v8 =	vld @!p1 [tilespmem:s21+$0xFFFFFF40];
	_ =	sdelay $0x7  }
0x2cf: {  	v8 =	vld.idx.msk @!p1 [tilespmem:v8+s9+$0x0], $0xffff;
	_ =	sdelay $0x3  }
0x2d0: {  	v11 =	vor.u32 @!p1 $0x1000, v9  }
0x2d1: {  	v8 =	vadd.s32 @!p1 v11, v8;
	_ =	sdelay $0x4  }
0x2d2: {  	[tilespmem:v8+s10+$0x0] =	vst.idx.msk @!p1 $0xffff, v10  }
0x2d3: {  	v8 =	vld @!p1 [tilespmem:s21+$0xFFFFFF50];
	_ =	sdelay $0x7  }
0x2d4: {  	v8 =	vld.idx.msk @!p1 [tilespmem:v8+s9+$0x0], $0xffff;
	_ =	sdelay $0x3  }
0x2d5: {  	v11 =	vor.u32 @!p1 $0x1400, v9  }
0x2d6: {  	v8 =	vadd.s32 @!p1 v11, v8;
	_ =	sdelay $0x4  }
0x2d7: {  	[tilespmem:v8+s10+$0x0] =	vst.idx.msk @!p1 $0xffff, v10  }
0x2d8: {  	v8 =	vld @!p1 [tilespmem:s21+$0xFFFFFF60];
	_ =	sdelay $0x7  }
0x2d9: {  	v8 =	vld.idx.msk @!p1 [tilespmem:v8+s9+$0x0], $0xffff;
	_ =	sdelay $0x3  }
0x2da: {  	v11 =	vor.u32 @!p1 $0x1800, v9  }
0x2db: {  	v8 =	vadd.s32 @!p1 v11, v8;
	_ =	sdelay $0x4  }
0x2dc: {  	[tilespmem:v8+s10+$0x0] =	vst.idx.msk @!p1 $0xffff, v10  }
0x2dd: {  	v8 =	vld @!p1 [tilespmem:s21+$0xFFFFFF70];
	_ =	sdelay $0x7  }
0x2de: {  	v8 =	vld.idx.msk @!p1 [tilespmem:v8+s9+$0x0], $0xffff;
	_ =	sdelay $0x3  }
0x2df: {  	v9 =	vor.u32 @!p1 $0x1C00, v9  }
0x2e0: {  	v8 =	vadd.s32 @!p1 v9, v8;
	_ =	sdelay $0x4  }
0x2e1: {  	[tilespmem:v8+s10+$0x0] =	vst.idx.msk @!p1 $0xffff, v10  }
0x2e2: {  	v8 =	vld [tilespmem:s21+$0x0];
	_ =	sdelay $0x7  }
0x2e3: {  	v63 =	vld.idx.msk [tilespmem:v8+s29+$0x0], $0xffff;
	_ =	sdelay $0x4  }
0x2e4: {  	v8 =	vld.idx.msk [tilespmem:v8+s30+$0x0], $0xffff;
	v9 =	vadd.s32 v0, v63;
	_ =	sdelay $0x4  }
0x2e5: {  	[tilespmem:v9+s16+$0x0] =	vst.idx.msk $0xffff, v8  }
0x2e6: {  	v8 =	vld [tilespmem:s21+$0x10];
	_ =	sdelay $0x7  }
0x2e7: {  	v9 =	vld.idx.msk [tilespmem:v8+s29+$0x0], $0xffff;
	_ =	sdelay $0x4  }
0x2e8: {  	v8 =	vld.idx.msk [tilespmem:v8+s30+$0x0], $0xffff;
	v9 =	vadd.s32 v1, v9;
	_ =	sdelay $0x4  }
0x2e9: {  	[tilespmem:v9+s16+$0x0] =	vst.idx.msk $0xffff, v8  }
0x2ea: {  	v8 =	vld [tilespmem:s21+$0x20];
	_ =	sdelay $0x7  }
0x2eb: {  	v9 =	vld.idx.msk [tilespmem:v8+s29+$0x0], $0xffff;
	_ =	sdelay $0x4  }
0x2ec: {  	v8 =	vld.idx.msk [tilespmem:v8+s30+$0x0], $0xffff;
	v9 =	vadd.s32 v2, v9;
	_ =	sdelay $0x4  }
0x2ed: {  	[tilespmem:v9+s16+$0x0] =	vst.idx.msk $0xffff, v8  }
0x2ee: {  	v8 =	vld [tilespmem:s21+$0x30];
	_ =	sdelay $0x7  }
0x2ef: {  	v9 =	vld.idx.msk [tilespmem:v8+s29+$0x0], $0xffff;
	_ =	sdelay $0x4  }
0x2f0: {  	v8 =	vld.idx.msk [tilespmem:v8+s30+$0x0], $0xffff;
	v9 =	vadd.s32 v3, v9;
	_ =	sdelay $0x4  }
0x2f1: {  	[tilespmem:v9+s16+$0x0] =	vst.idx.msk $0xffff, v8  }
0x2f2: {  	v8 =	vld [tilespmem:s21+$0x40];
	_ =	sdelay $0x7  }
0x2f3: {  	v9 =	vld.idx.msk [tilespmem:v8+s29+$0x0], $0xffff;
	_ =	sdelay $0x4  }
0x2f4: {  	v8 =	vld.idx.msk [tilespmem:v8+s30+$0x0], $0xffff;
	v9 =	vadd.s32 v4, v9;
	_ =	sdelay $0x4  }
0x2f5: {  	[tilespmem:v9+s16+$0x0] =	vst.idx.msk $0xffff, v8  }
0x2f6: {  	v8 =	vld [tilespmem:s21+$0x50];
	_ =	sdelay $0x7  }
0x2f7: {  	v9 =	vld.idx.msk [tilespmem:v8+s29+$0x0], $0xffff;
	_ =	sdelay $0x4  }
0x2f8: {  	v8 =	vld.idx.msk [tilespmem:v8+s30+$0x0], $0xffff;
	v9 =	vadd.s32 v5, v9;
	_ =	sdelay $0x4  }
0x2f9: {  	[tilespmem:v9+s16+$0x0] =	vst.idx.msk $0xffff, v8  }
0x2fa: {  	v8 =	vld [tilespmem:s21+$0x60];
	_ =	sdelay $0x7  }
0x2fb: {  	v9 =	vld.idx.msk [tilespmem:v8+s29+$0x0], $0xffff;
	_ =	sdelay $0x4  }
0x2fc: {  	v8 =	vld.idx.msk [tilespmem:v8+s30+$0x0], $0xffff;
	v9 =	vadd.s32 v6, v9;
	_ =	sdelay $0x4  }
0x2fd: {  	[tilespmem:v9+s16+$0x0] =	vst.idx.msk $0xffff, v8  }
0x2fe: {  	v8 =	vld [tilespmem:s21+$0x70];
	_ =	sdelay $0x7  }
0x2ff: {  	v9 =	vld.idx.msk [tilespmem:v8+s29+$0x0], $0xffff;
	_ =	sdelay $0x4  }
0x300: {  	v8 =	vld.idx.msk [tilespmem:v8+s30+$0x0], $0xffff;
	v9 =	vadd.s32 v7, v9;
	_ =	sdelay $0x1  }
.Ltmp25:
0x301: {  	_ = 	snop;
	(pc) =	sbr.rel .LBB2_12-.Ltmp25, $3  }
0x302: {  	_ =	sdelay $0x1  }
0x303: {  	[tilespmem:v9+s16+$0x0] =	vst.idx.msk $0xffff, v8  }
0x304: {  	[spmem:s3] =	stream.indirect.scatter.add.f32 [tilespmem:s16], [sflag:$0x2], $0x40, s2, s17, $0xb8;
	[tilespmem:$0x1E620] =	vst v63  }
.LBB2_13:
.Ltmp26:
0x305: {  	(pc) =	sbr.rel .LBB2_26-.Ltmp26, $2  }
0x306: {  	_ =	sdelay $0x2  }
0x307: {  	s2 =	rddreg [dreg:$0x4]  }
.LBB2_27:
0x308: {  	_ =	sfence.sel $0x180000  }
0x309: {  	[bflag:$0x0] =	sbarrier.arrive $0xFFFF  }
0x30a: {  	_ =	strace $0x9000004A  }
0x30b: {  	s0 =	stileid.u32;
	[bflag:$0x2] =	sbarrier.arrive $0xFFFF  }
0x30c: {  	p0 =	sne.s32 s0, $0x0;
	s0 =	rddreg [dreg:$0x3]  }
0x30d: {  	s0 =	sadd.s32 @!p0 $0x100000, s0  }
0x30e: {  	[sflag:s0] =	ssyncadd.tile.s32 @!p0 $0x1;
	_ =	shalt  }
.Lfunc_end2:
_tile_overlayer_lowered:
.L_overlay_start_2:
0x30f: {  	(tag) =	ssettag $0x2  }
0x310: {  	s0 =	rddreg [dreg:$0x0];
	s2 =	stileid.u32  }
0x311: {  	s1 =	rddreg [dreg:$0x1];
	p0 =	sne.s32 s2, $0x0  }
0x312: {  	s3 =	rddreg [dreg:$0x2];
	[bflag:$0x3] =	sbarrier.arrive $0xFFFF;
	s2 =	simm.s32 @!p0 $0x1C03  }
0x313: {  	[timem:s3], [sflag:s2] =	dma.local @!p0 [hbm:s0], s1  }
0x314: {  	s0 =	simm.s32 @!p0 $0x3  }
0x315: {  	_ =	swait.ge @!p0 [sflag:s0], s1  }
0x316: {  	s1 =	ssub.s32 @!p0 $0x0, s1;
	[sflag:s0] =	ssyncset.done @!p0 $0x0  }
0x317: {  	[sflag:s0] =	ssyncadd.s32 @!p0 s1  }
0x318: {  	[bflag:$0x3] =	sbarrier.arrive $0xFFFF  }
0x319: {  	_ =	shalt  }

</sc_bundles>
